<compile_context>
chip_gen: v7x
topology: tpu7x:2x2x1
jax: 0.10.2.dev20260603
libtpu: 0.0.44.dev20260713+nightly
codegen_flags: <defaults>
</compile_context>

<pallas_src>
import jax
import jax.numpy as jnp
import numpy as np
from jax import lax
from jax.experimental import pallas as pl
from jax.experimental.pallas import tpu as pltpu
from jax.experimental.pallas import tpu_sc as plsc

ROWS = 2048
COLS = 2048
N = ROWS * COLS
NHEAD = 16
MAX_LEN = 1001
PLANE = 1008
GRID = np.float32(0.001)
NC, NS, L = 2, 16, 16
NW = NC * NS
PER_W = N // NW
ROWS_W = PER_W // COLS
CHUNK = 128
GROUPS = CHUNK // L
STEP_EL = 2 * CHUNK
STEPS = PER_W // STEP_EL
SPR = COLS // STEP_EL
HIMASK = np.int32(-65536)


def _body(rel0_hbm, rel1_hbm, t1_hbm, t2_hbm, out_hbm,
          t1v, t2v, r0v, r1v, outA, outB, semA, semB, semI):
    wid = lax.axis_index("s") * NC + lax.axis_index("c")
    iota = lax.iota(jnp.int32, L)
    pltpu.sync_copy(t1_hbm, t1v)
    pltpu.sync_copy(t2_hbm, t2v)
    row0 = wid * ROWS_W
    pltpu.async_copy(rel0_hbm.at[row0], r0v.at[0], semI)
    pltpu.async_copy(rel1_hbm.at[row0], r1v.at[0], semI)

    def step(s, carry):
        rloc = lax.div(s, SPR)
        row = row0 + rloc
        par = lax.rem(rloc, 2)
        c_base = lax.rem(s, SPR) * STEP_EL
        par_v = jnp.full((L,), 0, jnp.int32) + par

        @pl.when(c_base == 0)
        def _():
            pltpu.make_async_copy(rel0_hbm.at[row0], r0v.at[0], semI).wait()
            pltpu.make_async_copy(rel1_hbm.at[row0], r1v.at[0], semI).wait()

        @pl.when((lax.rem(s, SPR) == SPR - 1) & (s < STEPS - 1))
        def _():
            pltpu.async_copy(rel0_hbm.at[row + 1], r0v.at[1 - par], semI)
            pltpu.async_copy(rel1_hbm.at[row + 1], r1v.at[1 - par], semI)

        for half, outv, sem in ((0, outA, semA), (1, outB, semB)):
            cb = c_base + half * CHUNK
            cb_v = iota + cb

            @pl.when(s > 0)
            def _():
                pltpu.make_async_copy(
                    outv, out_hbm.at[0, :, pl.ds(0, CHUNK)], sem).wait()

            @plsc.parallel_loop(0, GROUPS, 1, unroll=2)
            def grp(g):
                e_idx = cb_v + g * L
                c0 = plsc.load_gather(r0v, [par_v, e_idx])
                c1 = plsc.load_gather(r1v, [par_v, e_idx])
                dist = c0 / GRID
                i1 = dist.astype(jnp.int32)
                frac = dist - i1.astype(jnp.float32)
                dist_t = c1 / GRID
                j1 = dist_t.astype(jnp.int32)
                w2t = dist - j1.astype(jnp.float32)
                ia = jnp.minimum(i1, MAX_LEN - 1)
                jb = jnp.minimum(j1, MAX_LEN - 1)
                for d in range(NHEAD):
                    wa = plsc.load_gather(t1v, [ia + d * PLANE])
                    wb = plsc.load_gather(t2v, [jb + d * PLANE])
                    a1 = plsc.bitcast(jnp.left_shift(wa, 16), jnp.float32)
                    da = plsc.bitcast(jnp.bitwise_and(wa, HIMASK), jnp.float32)
                    b1 = plsc.bitcast(jnp.left_shift(wb, 16), jnp.float32)
                    db = plsc.bitcast(jnp.bitwise_and(wb, HIMASK), jnp.float32)
                    es = a1 + frac * da
                    et = b1 + w2t * db
                    outv[d, pl.ds(g * L, L)] = es * et
                return None

            pltpu.async_copy(
                outv, out_hbm.at[row, :, pl.ds(cb, CHUNK)], sem)
        return carry

    lax.fori_loop(0, STEPS, step, 0)
    pltpu.make_async_copy(
        outA, out_hbm.at[0, :, pl.ds(0, CHUNK)], semA).wait()
    pltpu.make_async_copy(
        outB, out_hbm.at[0, :, pl.ds(0, CHUNK)], semB).wait()


def _pack(table):
    diff = jnp.concatenate([table[1:], table[-1:]], axis=0) - table
    lo = lax.bitcast_convert_type(
        table.astype(jnp.bfloat16), jnp.uint16).astype(jnp.uint32)
    hi = lax.bitcast_convert_type(
        diff.astype(jnp.bfloat16), jnp.uint16).astype(jnp.uint32)
    packed = jnp.bitwise_or(lo, jnp.left_shift(hi, 16))
    packed = jnp.transpose(packed, (1, 0))
    packed = jnp.pad(packed, ((0, 0), (0, PLANE - MAX_LEN)))
    return lax.bitcast_convert_type(packed, jnp.int32).reshape(-1)


def kernel(rel_pos, pos_embed, pos_embed_t):
    rel0 = rel_pos[0, :, :, 0]
    rel1 = rel_pos[0, :, :, 1]
    t1 = _pack(pos_embed)
    t2 = _pack(pos_embed_t)
    mesh = plsc.VectorSubcoreMesh(core_axis_name="c", subcore_axis_name="s")
    out = pl.kernel(
        _body,
        mesh=mesh,
        compiler_params=pltpu.CompilerParams(needs_layout_passes=False),
        out_type=jax.ShapeDtypeStruct((ROWS, NHEAD, COLS), jnp.float32),
        scratch_types=[
            pltpu.VMEM((NHEAD * PLANE,), jnp.int32),
            pltpu.VMEM((NHEAD * PLANE,), jnp.int32),
            pltpu.VMEM((2, COLS), jnp.float32),
            pltpu.VMEM((2, COLS), jnp.float32),
            pltpu.VMEM((NHEAD, CHUNK), jnp.float32),
            pltpu.VMEM((NHEAD, CHUNK), jnp.float32),
            pltpu.SemaphoreType.DMA,
            pltpu.SemaphoreType.DMA,
            pltpu.SemaphoreType.DMA,
        ],
    )(rel0, rel1, t1, t2)
    return jnp.transpose(out, (0, 2, 1)).reshape(1, ROWS, COLS, NHEAD)

# --- scband reference (transcript-rebuilt; emitter-appended) ---
"""Pipeline reference for scband-patch-relative-attention-51342039056746 (READ-ONLY COPY).

The authoritative reference and input builder live on the scoring server;
editing this copy changes nothing except your own understanding.
"""

import jax, jax.numpy as jnp
import numpy as np

MAX_LEN = 1001  # ceil(1 / 0.001) + 1
GRID_SIZE = 0.001
NHEAD = 16


def setup_inputs(seed: int = 0) -> dict:
    key = jax.random.key(seed)
    k1, k2, k3 = jax.random.split(key, 3)
    rel_pos = jax.random.uniform(k1, (1, 2048, 2048, 3), dtype=jnp.float32)
    pos_embed = jax.random.uniform(k2, (MAX_LEN, NHEAD), dtype=jnp.float32)
    pos_embed_t = jax.random.uniform(k3, (MAX_LEN, NHEAD), dtype=jnp.float32)
    return {"rel_pos": rel_pos, "pos_embed": pos_embed, "pos_embed_t": pos_embed_t}


def reference(rel_pos, pos_embed, pos_embed_t):
    # spatial distance channel
    dist = rel_pos[..., 0] / GRID_SIZE
    idx1 = dist.astype(jnp.int32)  # torch .long() truncation (values are non-negative)
    idx2 = idx1 + 1
    w1 = idx2.astype(dist.dtype) - dist
    w2 = dist - idx1.astype(dist.dtype)
    idx1 = jnp.where(idx1 >= MAX_LEN, MAX_LEN - 1, idx1)
    idx2 = jnp.where(idx2 >= MAX_LEN, MAX_LEN - 1, idx2)
    embed1 = jnp.take(pos_embed, idx1, axis=0)
    embed2 = jnp.take(pos_embed, idx2, axis=0)
    embed = embed1 * w1[..., None] + embed2 * w2[..., None]
    # temporal distance channel (NOTE: original torch code reuses `dist` for the
    # interpolation weights here -- we reproduce that faithfully)
    dist_t = rel_pos[..., 1] / GRID_SIZE
    idx1_t = dist_t.astype(jnp.int32)
    idx2_t = idx1_t + 1
    w1_t = idx2_t.astype(dist.dtype) - dist
    w2_t = dist - idx1_t.astype(dist.dtype)
    idx1_t = jnp.where(idx1_t >= MAX_LEN, MAX_LEN - 1, idx1_t)
    idx2_t = jnp.where(idx2_t >= MAX_LEN, MAX_LEN - 1, idx2_t)
    embed1_t = jnp.take(pos_embed_t, idx1_t, axis=0)
    embed2_t = jnp.take(pos_embed_t, idx2_t, axis=0)
    embed_t = embed1_t * w1_t[..., None] + embed2_t * w2_t[..., None]
    return embed * embed_t

if __name__ == "__main__":
    import jax
    _d = setup_inputs()
    print(jax.jit(kernel)(*tuple(_d.values())))

</pallas_src>

<mosaic_0001>
#map = affine_map<(d0, d1) -> (0, 0)>
#map1 = affine_map<(d0, d1) -> (0)>
#map2 = affine_map<(d0, d1) -> (0, 0, 0)>
module attributes {stable_mosaic.version = 14 : i64} {
  func.func @_body(%arg0: i32, %arg1: i32, %arg2: memref<2048x2048xf32, #tpu.memory_space<hbm>>, %arg3: memref<2048x2048xf32, #tpu.memory_space<hbm>>, %arg4: memref<16128xi32, #tpu.memory_space<hbm>>, %arg5: memref<16128xi32, #tpu.memory_space<hbm>>, %arg6: memref<2048x16x2048xf32, #tpu.memory_space<hbm>>, %arg7: memref<16128xi32, #tpu.memory_space<vmem>>, %arg8: memref<16128xi32, #tpu.memory_space<vmem>>, %arg9: memref<2x2048xf32, #tpu.memory_space<vmem>>, %arg10: memref<2x2048xf32, #tpu.memory_space<vmem>>, %arg11: memref<16x128xf32, #tpu.memory_space<vmem>>, %arg12: memref<16x128xf32, #tpu.memory_space<vmem>>, %arg13: memref<!tpu.dma_semaphore, #tpu.memory_space<semaphore_mem>>, %arg14: memref<!tpu.dma_semaphore, #tpu.memory_space<semaphore_mem>>, %arg15: memref<!tpu.dma_semaphore, #tpu.memory_space<semaphore_mem>>) attributes {dimension_semantics = [#tpu.dimension_semantics<core_parallel>, #tpu.dimension_semantics<subcore_parallel>], iteration_bounds = array<i64: 2, 16>, scalar_prefetch = 0 : i64, scratch_operands = 9 : i64, tpu.core_type = #tpu.core_type<sc_vector_subcore>, window_params = [{transform_indices = #map}, {transform_indices = #map}, {transform_indices = #map1}, {transform_indices = #map1}, {transform_indices = #map2}]} {
    %mul3A = arith.constant 2 : i32
    %mul3A_0 = arith.muli %arg1, %mul3A : i32
    %add3A = arith.addi %mul3A_0, %arg0 : i32
    %iota3A = tpu.iota {dimensions = array<i32: 0>} : vector<16xi32>
    "tpu.region"() ({
      %run_scoped3A = tpu.sem_alloc : memref<!tpu.dma_semaphore, #tpu.memory_space<semaphore_mem>>
      tpu.enqueue_dma source(%arg4 : memref<16128xi32, #tpu.memory_space<hbm>>) target(%arg7 : memref<16128xi32, #tpu.memory_space<vmem>>) target_semaphore(%run_scoped3A : memref<!tpu.dma_semaphore, #tpu.memory_space<semaphore_mem>>)
      tpu.wait_dma2 semaphore(%run_scoped3A : memref<!tpu.dma_semaphore, #tpu.memory_space<semaphore_mem>>) src(%arg4 : memref<16128xi32, #tpu.memory_space<hbm>>) dst(%arg7 : memref<16128xi32, #tpu.memory_space<vmem>>)
      tpu.yield
    }) : () -> ()
    "tpu.region"() ({
      %run_scoped3A = tpu.sem_alloc : memref<!tpu.dma_semaphore, #tpu.memory_space<semaphore_mem>>
      tpu.enqueue_dma source(%arg5 : memref<16128xi32, #tpu.memory_space<hbm>>) target(%arg8 : memref<16128xi32, #tpu.memory_space<vmem>>) target_semaphore(%run_scoped3A : memref<!tpu.dma_semaphore, #tpu.memory_space<semaphore_mem>>)
      tpu.wait_dma2 semaphore(%run_scoped3A : memref<!tpu.dma_semaphore, #tpu.memory_space<semaphore_mem>>) src(%arg5 : memref<16128xi32, #tpu.memory_space<hbm>>) dst(%arg8 : memref<16128xi32, #tpu.memory_space<vmem>>)
      tpu.yield
    }) : () -> ()
    %mul3A_1 = arith.constant 64 : i32
    %mul3A_2 = arith.muli %add3A, %mul3A_1 : i32
    %dma_start3A = arith.constant 0 : i32
    %dma_start3A_3 = arith.constant 0 : i32
    %dma_start3A_4 = tpu.memref_slice %arg9[%dma_start3A, %dma_start3A_3] : memref<2x2048xf32, #tpu.memory_space<vmem>> -> memref<1x2048xf32, #tpu.memory_space<vmem>>
    %dma_start3A_5 = tpu.memref_squeeze %dma_start3A_4 : memref<1x2048xf32, #tpu.memory_space<vmem>> -> memref<2048xf32, #tpu.memory_space<vmem>>
    %dma_start3A_6 = arith.constant 0 : i32
    %dma_start3A_7 = tpu.memref_slice %arg2[%mul3A_2, %dma_start3A_6] : memref<2048x2048xf32, #tpu.memory_space<hbm>> -> memref<1x2048xf32, #tpu.memory_space<hbm>>
    %dma_start3A_8 = tpu.memref_squeeze %dma_start3A_7 : memref<1x2048xf32, #tpu.memory_space<hbm>> -> memref<2048xf32, #tpu.memory_space<hbm>>
    %dma_start3A_9 = arith.constant 0 : i32
    %dma_start3A_10 = tpu.memref_slice %arg9[%dma_start3A, %dma_start3A_9] : memref<2x2048xf32, #tpu.memory_space<vmem>> -> memref<1x2048xf32, #tpu.memory_space<vmem>>
    %dma_start3A_11 = tpu.memref_squeeze %dma_start3A_10 : memref<1x2048xf32, #tpu.memory_space<vmem>> -> memref<2048xf32, #tpu.memory_space<vmem>>
    %dma_start3A_12 = arith.constant 0 : i32
    %dma_start3A_13 = tpu.memref_slice %arg2[%mul3A_2, %dma_start3A_12] : memref<2048x2048xf32, #tpu.memory_space<hbm>> -> memref<1x2048xf32, #tpu.memory_space<hbm>>
    %dma_start3A_14 = tpu.memref_squeeze %dma_start3A_13 : memref<1x2048xf32, #tpu.memory_space<hbm>> -> memref<2048xf32, #tpu.memory_space<hbm>>
    tpu.enqueue_dma source(%dma_start3A_14 : memref<2048xf32, #tpu.memory_space<hbm>>) target(%dma_start3A_11 : memref<2048xf32, #tpu.memory_space<vmem>>) target_semaphore(%arg15 : memref<!tpu.dma_semaphore, #tpu.memory_space<semaphore_mem>>)
    %dma_start3A_15 = arith.constant 0 : i32
    %dma_start3A_16 = arith.constant 0 : i32
    %dma_start3A_17 = tpu.memref_slice %arg10[%dma_start3A_15, %dma_start3A_16] : memref<2x2048xf32, #tpu.memory_space<vmem>> -> memref<1x2048xf32, #tpu.memory_space<vmem>>
    %dma_start3A_18 = tpu.memref_squeeze %dma_start3A_17 : memref<1x2048xf32, #tpu.memory_space<vmem>> -> memref<2048xf32, #tpu.memory_space<vmem>>
    %dma_start3A_19 = arith.constant 0 : i32
    %dma_start3A_20 = tpu.memref_slice %arg3[%mul3A_2, %dma_start3A_19] : memref<2048x2048xf32, #tpu.memory_space<hbm>> -> memref<1x2048xf32, #tpu.memory_space<hbm>>
    %dma_start3A_21 = tpu.memref_squeeze %dma_start3A_20 : memref<1x2048xf32, #tpu.memory_space<hbm>> -> memref<2048xf32, #tpu.memory_space<hbm>>
    %dma_start3A_22 = arith.constant 0 : i32
    %dma_start3A_23 = tpu.memref_slice %arg10[%dma_start3A_15, %dma_start3A_22] : memref<2x2048xf32, #tpu.memory_space<vmem>> -> memref<1x2048xf32, #tpu.memory_space<vmem>>
    %dma_start3A_24 = tpu.memref_squeeze %dma_start3A_23 : memref<1x2048xf32, #tpu.memory_space<vmem>> -> memref<2048xf32, #tpu.memory_space<vmem>>
    %dma_start3A_25 = arith.constant 0 : i32
    %dma_start3A_26 = tpu.memref_slice %arg3[%mul3A_2, %dma_start3A_25] : memref<2048x2048xf32, #tpu.memory_space<hbm>> -> memref<1x2048xf32, #tpu.memory_space<hbm>>
    %dma_start3A_27 = tpu.memref_squeeze %dma_start3A_26 : memref<1x2048xf32, #tpu.memory_space<hbm>> -> memref<2048xf32, #tpu.memory_space<hbm>>
    tpu.enqueue_dma source(%dma_start3A_27 : memref<2048xf32, #tpu.memory_space<hbm>>) target(%dma_start3A_24 : memref<2048xf32, #tpu.memory_space<vmem>>) target_semaphore(%arg15 : memref<!tpu.dma_semaphore, #tpu.memory_space<semaphore_mem>>)
    %scan3A = arith.constant 0 : i32
    %scan3A_28 = arith.constant 0 : i32
    %scan3A_29 = arith.constant 512 : i32
    %scan3A_30 = arith.addi %scan3A_28, %scan3A_29 : i32
    %scan3A_31 = arith.constant 1 : i32
    scf.for %scan3A_50 = %scan3A_28 to %scan3A_30 step %scan3A_31  : i32 {
      %div3A = arith.constant 8 : i32
      %div3A_51 = arith.divsi %scan3A_50, %div3A : i32
      %add3A_52 = arith.addi %mul3A_2, %div3A_51 : i32
      %rem3A = arith.constant 2 : i32
      %rem3A_53 = arith.remsi %div3A_51, %rem3A : i32
      %rem3A_54 = arith.constant 8 : i32
      %rem3A_55 = arith.remsi %scan3A_50, %rem3A_54 : i32
      %mul3A_56 = arith.constant 256 : i32
      %mul3A_57 = arith.muli %rem3A_55, %mul3A_56 : i32
      %broadcast_in_dim3A = arith.constant 0 : i32
      %broadcast_in_dim3A_58 = vector.broadcast %broadcast_in_dim3A : i32 to vector<16xi32>
      %add3A_59 = vector.broadcast %rem3A_53 : i32 to vector<16xi32>
      %add3A_60 = arith.addi %broadcast_in_dim3A_58, %add3A_59 : vector<16xi32>
      %eq3A = arith.constant 0 : i32
      %eq3A_61 = arith.cmpi eq, %mul3A_57, %eq3A : i32
      %convert_element_type3A = arith.extui %eq3A_61 : i1 to i32
      %cond3A = arith.constant 0 : i32
      %cond3A_62 = arith.cmpi ne, %convert_element_type3A, %cond3A : i32
      scf.if %cond3A_62 {
        %dma_wait3A_105 = arith.constant 0 : i32
        %dma_wait3A_106 = arith.constant 0 : i32
        %dma_wait3A_107 = tpu.memref_slice %arg9[%dma_wait3A_105, %dma_wait3A_106] : memref<2x2048xf32, #tpu.memory_space<vmem>> -> memref<1x2048xf32, #tpu.memory_space<vmem>>
        %dma_wait3A_108 = tpu.memref_squeeze %dma_wait3A_107 : memref<1x2048xf32, #tpu.memory_space<vmem>> -> memref<2048xf32, #tpu.memory_space<vmem>>
        %dma_wait3A_109 = arith.constant 0 : i32
        %dma_wait3A_110 = tpu.memref_slice %arg2[%mul3A_2, %dma_wait3A_109] : memref<2048x2048xf32, #tpu.memory_space<hbm>> -> memref<1x2048xf32, #tpu.memory_space<hbm>>
        %dma_wait3A_111 = tpu.memref_squeeze %dma_wait3A_110 : memref<1x2048xf32, #tpu.memory_space<hbm>> -> memref<2048xf32, #tpu.memory_space<hbm>>
        %dma_wait3A_112 = arith.constant 0 : i32
        %dma_wait3A_113 = tpu.memref_slice %arg9[%dma_wait3A_105, %dma_wait3A_112] : memref<2x2048xf32, #tpu.memory_space<vmem>> -> memref<1x2048xf32, #tpu.memory_space<vmem>>
        %dma_wait3A_114 = tpu.memref_squeeze %dma_wait3A_113 : memref<1x2048xf32, #tpu.memory_space<vmem>> -> memref<2048xf32, #tpu.memory_space<vmem>>
        %dma_wait3A_115 = arith.constant 0 : i32
        %dma_wait3A_116 = tpu.memref_slice %arg2[%mul3A_2, %dma_wait3A_115] : memref<2048x2048xf32, #tpu.memory_space<hbm>> -> memref<1x2048xf32, #tpu.memory_space<hbm>>
        %dma_wait3A_117 = tpu.memref_squeeze %dma_wait3A_116 : memref<1x2048xf32, #tpu.memory_space<hbm>> -> memref<2048xf32, #tpu.memory_space<hbm>>
        tpu.wait_dma2 semaphore(%arg15 : memref<!tpu.dma_semaphore, #tpu.memory_space<semaphore_mem>>) src(%dma_wait3A_117 : memref<2048xf32, #tpu.memory_space<hbm>>) dst(%dma_wait3A_114 : memref<2048xf32, #tpu.memory_space<vmem>>)
        %dma_wait3A_118 = arith.constant 0 : i32
        %dma_wait3A_119 = arith.constant 0 : i32
        %dma_wait3A_120 = tpu.memref_slice %arg10[%dma_wait3A_118, %dma_wait3A_119] : memref<2x2048xf32, #tpu.memory_space<vmem>> -> memref<1x2048xf32, #tpu.memory_space<vmem>>
        %dma_wait3A_121 = tpu.memref_squeeze %dma_wait3A_120 : memref<1x2048xf32, #tpu.memory_space<vmem>> -> memref<2048xf32, #tpu.memory_space<vmem>>
        %dma_wait3A_122 = arith.constant 0 : i32
        %dma_wait3A_123 = tpu.memref_slice %arg3[%mul3A_2, %dma_wait3A_122] : memref<2048x2048xf32, #tpu.memory_space<hbm>> -> memref<1x2048xf32, #tpu.memory_space<hbm>>
        %dma_wait3A_124 = tpu.memref_squeeze %dma_wait3A_123 : memref<1x2048xf32, #tpu.memory_space<hbm>> -> memref<2048xf32, #tpu.memory_space<hbm>>
        %dma_wait3A_125 = arith.constant 0 : i32
        %dma_wait3A_126 = tpu.memref_slice %arg10[%dma_wait3A_118, %dma_wait3A_125] : memref<2x2048xf32, #tpu.memory_space<vmem>> -> memref<1x2048xf32, #tpu.memory_space<vmem>>
        %dma_wait3A_127 = tpu.memref_squeeze %dma_wait3A_126 : memref<1x2048xf32, #tpu.memory_space<vmem>> -> memref<2048xf32, #tpu.memory_space<vmem>>
        %dma_wait3A_128 = arith.constant 0 : i32
        %dma_wait3A_129 = tpu.memref_slice %arg3[%mul3A_2, %dma_wait3A_128] : memref<2048x2048xf32, #tpu.memory_space<hbm>> -> memref<1x2048xf32, #tpu.memory_space<hbm>>
        %dma_wait3A_130 = tpu.memref_squeeze %dma_wait3A_129 : memref<1x2048xf32, #tpu.memory_space<hbm>> -> memref<2048xf32, #tpu.memory_space<hbm>>
        tpu.wait_dma2 semaphore(%arg15 : memref<!tpu.dma_semaphore, #tpu.memory_space<semaphore_mem>>) src(%dma_wait3A_130 : memref<2048xf32, #tpu.memory_space<hbm>>) dst(%dma_wait3A_127 : memref<2048xf32, #tpu.memory_space<vmem>>)
      } else {
      }
      %rem3A_63 = arith.constant 8 : i32
      %rem3A_64 = arith.remsi %scan3A_50, %rem3A_63 : i32
      %eq3A_65 = arith.constant 7 : i32
      %eq3A_66 = arith.cmpi eq, %rem3A_64, %eq3A_65 : i32
      %lt3A = arith.constant 511 : i32
      %lt3A_67 = arith.cmpi slt, %scan3A_50, %lt3A : i32
      %and3A = arith.andi %eq3A_66, %lt3A_67 : i1
      %convert_element_type3A_68 = arith.extui %and3A : i1 to i32
      %cond3A_69 = arith.constant 0 : i32
      %cond3A_70 = arith.cmpi ne, %convert_element_type3A_68, %cond3A_69 : i32
      scf.if %cond3A_70 {
        %add3A_105 = arith.constant 1 : i32
        %add3A_106 = arith.addi %add3A_52, %add3A_105 : i32
        %sub3A = arith.constant 1 : i32
        %sub3A_107 = arith.subi %sub3A, %rem3A_53 : i32
        %dma_start3A_108 = arith.constant 0 : i32
        %dma_start3A_109 = tpu.memref_slice %arg9[%sub3A_107, %dma_start3A_108] : memref<2x2048xf32, #tpu.memory_space<vmem>> -> memref<1x2048xf32, #tpu.memory_space<vmem>>
        %dma_start3A_110 = tpu.memref_squeeze %dma_start3A_109 : memref<1x2048xf32, #tpu.memory_space<vmem>> -> memref<2048xf32, #tpu.memory_space<vmem>>
        %dma_start3A_111 = arith.constant 0 : i32
        %dma_start3A_112 = tpu.memref_slice %arg2[%add3A_106, %dma_start3A_111] : memref<2048x2048xf32, #tpu.memory_space<hbm>> -> memref<1x2048xf32, #tpu.memory_space<hbm>>
        %dma_start3A_113 = tpu.memref_squeeze %dma_start3A_112 : memref<1x2048xf32, #tpu.memory_space<hbm>> -> memref<2048xf32, #tpu.memory_space<hbm>>
        %dma_start3A_114 = arith.constant 0 : i32
        %dma_start3A_115 = tpu.memref_slice %arg9[%sub3A_107, %dma_start3A_114] : memref<2x2048xf32, #tpu.memory_space<vmem>> -> memref<1x2048xf32, #tpu.memory_space<vmem>>
        %dma_start3A_116 = tpu.memref_squeeze %dma_start3A_115 : memref<1x2048xf32, #tpu.memory_space<vmem>> -> memref<2048xf32, #tpu.memory_space<vmem>>
        %dma_start3A_117 = arith.constant 0 : i32
        %dma_start3A_118 = tpu.memref_slice %arg2[%add3A_106, %dma_start3A_117] : memref<2048x2048xf32, #tpu.memory_space<hbm>> -> memref<1x2048xf32, #tpu.memory_space<hbm>>
        %dma_start3A_119 = tpu.memref_squeeze %dma_start3A_118 : memref<1x2048xf32, #tpu.memory_space<hbm>> -> memref<2048xf32, #tpu.memory_space<hbm>>
        tpu.enqueue_dma source(%dma_start3A_119 : memref<2048xf32, #tpu.memory_space<hbm>>) target(%dma_start3A_116 : memref<2048xf32, #tpu.memory_space<vmem>>) target_semaphore(%arg15 : memref<!tpu.dma_semaphore, #tpu.memory_space<semaphore_mem>>)
        %add3A_120 = arith.constant 1 : i32
        %add3A_121 = arith.addi %add3A_52, %add3A_120 : i32
        %sub3A_122 = arith.constant 1 : i32
        %sub3A_123 = arith.subi %sub3A_122, %rem3A_53 : i32
        %dma_start3A_124 = arith.constant 0 : i32
        %dma_start3A_125 = tpu.memref_slice %arg10[%sub3A_123, %dma_start3A_124] : memref<2x2048xf32, #tpu.memory_space<vmem>> -> memref<1x2048xf32, #tpu.memory_space<vmem>>
        %dma_start3A_126 = tpu.memref_squeeze %dma_start3A_125 : memref<1x2048xf32, #tpu.memory_space<vmem>> -> memref<2048xf32, #tpu.memory_space<vmem>>
        %dma_start3A_127 = arith.constant 0 : i32
        %dma_start3A_128 = tpu.memref_slice %arg3[%add3A_121, %dma_start3A_127] : memref<2048x2048xf32, #tpu.memory_space<hbm>> -> memref<1x2048xf32, #tpu.memory_space<hbm>>
        %dma_start3A_129 = tpu.memref_squeeze %dma_start3A_128 : memref<1x2048xf32, #tpu.memory_space<hbm>> -> memref<2048xf32, #tpu.memory_space<hbm>>
        %dma_start3A_130 = arith.constant 0 : i32
        %dma_start3A_131 = tpu.memref_slice %arg10[%sub3A_123, %dma_start3A_130] : memref<2x2048xf32, #tpu.memory_space<vmem>> -> memref<1x2048xf32, #tpu.memory_space<vmem>>
        %dma_start3A_132 = tpu.memref_squeeze %dma_start3A_131 : memref<1x2048xf32, #tpu.memory_space<vmem>> -> memref<2048xf32, #tpu.memory_space<vmem>>
        %dma_start3A_133 = arith.constant 0 : i32
        %dma_start3A_134 = tpu.memref_slice %arg3[%add3A_121, %dma_start3A_133] : memref<2048x2048xf32, #tpu.memory_space<hbm>> -> memref<1x2048xf32, #tpu.memory_space<hbm>>
        %dma_start3A_135 = tpu.memref_squeeze %dma_start3A_134 : memref<1x2048xf32, #tpu.memory_space<hbm>> -> memref<2048xf32, #tpu.memory_space<hbm>>
        tpu.enqueue_dma source(%dma_start3A_135 : memref<2048xf32, #tpu.memory_space<hbm>>) target(%dma_start3A_132 : memref<2048xf32, #tpu.memory_space<vmem>>) target_semaphore(%arg15 : memref<!tpu.dma_semaphore, #tpu.memory_space<semaphore_mem>>)
      } else {
      }
      %add3A_71 = arith.constant 0 : i32
      %add3A_72 = arith.addi %mul3A_57, %add3A_71 : i32
      %add3A_73 = vector.broadcast %add3A_72 : i32 to vector<16xi32>
      %add3A_74 = arith.addi %iota3A, %add3A_73 : vector<16xi32>
      %gt3A = arith.constant 0 : i32
      %gt3A_75 = arith.cmpi sgt, %scan3A_50, %gt3A : i32
      %convert_element_type3A_76 = arith.extui %gt3A_75 : i1 to i32
      %cond3A_77 = arith.constant 0 : i32
      %cond3A_78 = arith.cmpi ne, %convert_element_type3A_76, %cond3A_77 : i32
      scf.if %cond3A_78 {
        %dma_wait3A_105 = arith.constant 0 : i32
        %dma_wait3A_106 = arith.constant 0 : i32
        %dma_wait3A_107 = arith.constant 0 : i32
        %dma_wait3A_108 = tpu.memref_slice %arg6[%dma_wait3A_105, %dma_wait3A_106, %dma_wait3A_107] : memref<2048x16x2048xf32, #tpu.memory_space<hbm>> -> memref<1x16x128xf32, #tpu.memory_space<hbm>>
        %dma_wait3A_109 = tpu.memref_squeeze %dma_wait3A_108 : memref<1x16x128xf32, #tpu.memory_space<hbm>> -> memref<16x128xf32, #tpu.memory_space<hbm>>
        %dma_wait3A_110 = arith.constant 0 : i32
        %dma_wait3A_111 = arith.constant 0 : i32
        %dma_wait3A_112 = tpu.memref_slice %arg6[%dma_wait3A_105, %dma_wait3A_110, %dma_wait3A_111] : memref<2048x16x2048xf32, #tpu.memory_space<hbm>> -> memref<1x16x128xf32, #tpu.memory_space<hbm>>
        %dma_wait3A_113 = tpu.memref_squeeze %dma_wait3A_112 : memref<1x16x128xf32, #tpu.memory_space<hbm>> -> memref<16x128xf32, #tpu.memory_space<hbm>>
        tpu.wait_dma2 semaphore(%arg13 : memref<!tpu.dma_semaphore, #tpu.memory_space<semaphore_mem>>) src(%arg11 : memref<16x128xf32, #tpu.memory_space<vmem>>) dst(%dma_wait3A_113 : memref<16x128xf32, #tpu.memory_space<hbm>>)
      } else {
      }
      %parallel_loop3A = arith.constant 0 : i32
      %parallel_loop3A_79 = arith.constant 8 : i32
      %parallel_loop3A_80 = arith.constant 1 : i32
      scf.for %parallel_loop3A_105 = %parallel_loop3A to %parallel_loop3A_79 step %parallel_loop3A_80  : i32 {
        %parallel_loop3A_106 = arith.constant 16 : i32
        %parallel_loop3A_107 = arith.muli %parallel_loop3A_105, %parallel_loop3A_106 : i32
        %parallel_loop3A_108 = vector.broadcast %parallel_loop3A_107 : i32 to vector<16xi32>
        %parallel_loop3A_109 = arith.addi %add3A_74, %parallel_loop3A_108 : vector<16xi32>
        %parallel_loop3A_110 = tpu.vector_load_idx %arg9[%add3A_60, %parallel_loop3A_109] : memref<2x2048xf32, #tpu.memory_space<vmem>>[vector<16xi32>, vector<16xi32>], vector<16xf32>,
        %parallel_loop3A_111 = tpu.vector_load_idx %arg10[%add3A_60, %parallel_loop3A_109] : memref<2x2048xf32, #tpu.memory_space<vmem>>[vector<16xi32>, vector<16xi32>], vector<16xf32>,
        %parallel_loop3A_112 = arith.constant 1.000000e-03 : f32
        %parallel_loop3A_113 = vector.broadcast %parallel_loop3A_112 : f32 to vector<16xf32>
        %parallel_loop3A_114 = arith.divf %parallel_loop3A_110, %parallel_loop3A_113 : vector<16xf32>
        %parallel_loop3A_115 = arith.fptosi %parallel_loop3A_114 : vector<16xf32> to vector<16xi32>
        %parallel_loop3A_116 = arith.sitofp %parallel_loop3A_115 : vector<16xi32> to vector<16xf32>
        %parallel_loop3A_117 = arith.subf %parallel_loop3A_114, %parallel_loop3A_116 : vector<16xf32>
        %parallel_loop3A_118 = arith.constant 1.000000e-03 : f32
        %parallel_loop3A_119 = vector.broadcast %parallel_loop3A_118 : f32 to vector<16xf32>
        %parallel_loop3A_120 = arith.divf %parallel_loop3A_111, %parallel_loop3A_119 : vector<16xf32>
        %parallel_loop3A_121 = arith.fptosi %parallel_loop3A_120 : vector<16xf32> to vector<16xi32>
        %parallel_loop3A_122 = arith.sitofp %parallel_loop3A_121 : vector<16xi32> to vector<16xf32>
        %parallel_loop3A_123 = arith.subf %parallel_loop3A_114, %parallel_loop3A_122 : vector<16xf32>
        %parallel_loop3A_124 = arith.constant 1000 : i32
        %parallel_loop3A_125 = vector.broadcast %parallel_loop3A_124 : i32 to vector<16xi32>
        %parallel_loop3A_126 = arith.minsi %parallel_loop3A_115, %parallel_loop3A_125 : vector<16xi32>
        %parallel_loop3A_127 = arith.constant 1000 : i32
        %parallel_loop3A_128 = vector.broadcast %parallel_loop3A_127 : i32 to vector<16xi32>
        %parallel_loop3A_129 = arith.minsi %parallel_loop3A_121, %parallel_loop3A_128 : vector<16xi32>
        %parallel_loop3A_130 = arith.constant 0 : i32
        %parallel_loop3A_131 = vector.broadcast %parallel_loop3A_130 : i32 to vector<16xi32>
        %parallel_loop3A_132 = arith.addi %parallel_loop3A_126, %parallel_loop3A_131 : vector<16xi32>
        %parallel_loop3A_133 = tpu.vector_load_idx %arg7[%parallel_loop3A_132] : memref<16128xi32, #tpu.memory_space<vmem>>[vector<16xi32>], vector<16xi32>,
        %parallel_loop3A_134 = arith.constant 0 : i32
        %parallel_loop3A_135 = vector.broadcast %parallel_loop3A_134 : i32 to vector<16xi32>
        %parallel_loop3A_136 = arith.addi %parallel_loop3A_129, %parallel_loop3A_135 : vector<16xi32>
        %parallel_loop3A_137 = tpu.vector_load_idx %arg8[%parallel_loop3A_136] : memref<16128xi32, #tpu.memory_space<vmem>>[vector<16xi32>], vector<16xi32>,
        %parallel_loop3A_138 = arith.constant 16 : i32
        %parallel_loop3A_139 = vector.broadcast %parallel_loop3A_138 : i32 to vector<16xi32>
        %parallel_loop3A_140 = arith.shli %parallel_loop3A_133, %parallel_loop3A_139 : vector<16xi32>
        %parallel_loop3A_141 = vector.bitcast %parallel_loop3A_140 : vector<16xi32> to vector<16xf32>
        %parallel_loop3A_142 = arith.constant -65536 : i32
        %parallel_loop3A_143 = vector.broadcast %parallel_loop3A_142 : i32 to vector<16xi32>
        %parallel_loop3A_144 = arith.andi %parallel_loop3A_133, %parallel_loop3A_143 : vector<16xi32>
        %parallel_loop3A_145 = vector.bitcast %parallel_loop3A_144 : vector<16xi32> to vector<16xf32>
        %parallel_loop3A_146 = arith.constant 16 : i32
        %parallel_loop3A_147 = vector.broadcast %parallel_loop3A_146 : i32 to vector<16xi32>
        %parallel_loop3A_148 = arith.shli %parallel_loop3A_137, %parallel_loop3A_147 : vector<16xi32>
        %parallel_loop3A_149 = vector.bitcast %parallel_loop3A_148 : vector<16xi32> to vector<16xf32>
        %parallel_loop3A_150 = arith.constant -65536 : i32
        %parallel_loop3A_151 = vector.broadcast %parallel_loop3A_150 : i32 to vector<16xi32>
        %parallel_loop3A_152 = arith.andi %parallel_loop3A_137, %parallel_loop3A_151 : vector<16xi32>
        %parallel_loop3A_153 = vector.bitcast %parallel_loop3A_152 : vector<16xi32> to vector<16xf32>
        %parallel_loop3A_154 = arith.mulf %parallel_loop3A_117, %parallel_loop3A_145 : vector<16xf32>
        %parallel_loop3A_155 = arith.addf %parallel_loop3A_141, %parallel_loop3A_154 : vector<16xf32>
        %parallel_loop3A_156 = arith.mulf %parallel_loop3A_123, %parallel_loop3A_153 : vector<16xf32>
        %parallel_loop3A_157 = arith.addf %parallel_loop3A_149, %parallel_loop3A_156 : vector<16xf32>
        %parallel_loop3A_158 = arith.mulf %parallel_loop3A_155, %parallel_loop3A_157 : vector<16xf32>
        %parallel_loop3A_159 = arith.constant 16 : i32
        %parallel_loop3A_160 = arith.muli %parallel_loop3A_105, %parallel_loop3A_159 : i32
        %parallel_loop3A_161 = arith.constant 0 : i32
        %parallel_loop3A_162 = arith.index_cast %parallel_loop3A_161 : i32 to index
        %parallel_loop3A_163 = arith.index_cast %parallel_loop3A_160 : i32 to index
        %parallel_loop3A_164 = tpu.vector_load %arg11[%parallel_loop3A_162, %parallel_loop3A_163] {strides = array<i32>} : memref<16x128xf32, #tpu.memory_space<vmem>>, vector<16xf32>,
        tpu.vector_store %arg11[%parallel_loop3A_162, %parallel_loop3A_163], %parallel_loop3A_158 {strides = array<i32>} : memref<16x128xf32, #tpu.memory_space<vmem>>, vector<16xf32>,
        %parallel_loop3A_165 = arith.constant 1008 : i32
        %parallel_loop3A_166 = vector.broadcast %parallel_loop3A_165 : i32 to vector<16xi32>
        %parallel_loop3A_167 = arith.addi %parallel_loop3A_126, %parallel_loop3A_166 : vector<16xi32>
        %parallel_loop3A_168 = tpu.vector_load_idx %arg7[%parallel_loop3A_167] : memref<16128xi32, #tpu.memory_space<vmem>>[vector<16xi32>], vector<16xi32>,
        %parallel_loop3A_169 = arith.constant 1008 : i32
        %parallel_loop3A_170 = vector.broadcast %parallel_loop3A_169 : i32 to vector<16xi32>
        %parallel_loop3A_171 = arith.addi %parallel_loop3A_129, %parallel_loop3A_170 : vector<16xi32>
        %parallel_loop3A_172 = tpu.vector_load_idx %arg8[%parallel_loop3A_171] : memref<16128xi32, #tpu.memory_space<vmem>>[vector<16xi32>], vector<16xi32>,
        %parallel_loop3A_173 = arith.constant 16 : i32
        %parallel_loop3A_174 = vector.broadcast %parallel_loop3A_173 : i32 to vector<16xi32>
        %parallel_loop3A_175 = arith.shli %parallel_loop3A_168, %parallel_loop3A_174 : vector<16xi32>
        %parallel_loop3A_176 = vector.bitcast %parallel_loop3A_175 : vector<16xi32> to vector<16xf32>
        %parallel_loop3A_177 = arith.constant -65536 : i32
        %parallel_loop3A_178 = vector.broadcast %parallel_loop3A_177 : i32 to vector<16xi32>
        %parallel_loop3A_179 = arith.andi %parallel_loop3A_168, %parallel_loop3A_178 : vector<16xi32>
        %parallel_loop3A_180 = vector.bitcast %parallel_loop3A_179 : vector<16xi32> to vector<16xf32>
        %parallel_loop3A_181 = arith.constant 16 : i32
        %parallel_loop3A_182 = vector.broadcast %parallel_loop3A_181 : i32 to vector<16xi32>
        %parallel_loop3A_183 = arith.shli %parallel_loop3A_172, %parallel_loop3A_182 : vector<16xi32>
        %parallel_loop3A_184 = vector.bitcast %parallel_loop3A_183 : vector<16xi32> to vector<16xf32>
        %parallel_loop3A_185 = arith.constant -65536 : i32
        %parallel_loop3A_186 = vector.broadcast %parallel_loop3A_185 : i32 to vector<16xi32>
        %parallel_loop3A_187 = arith.andi %parallel_loop3A_172, %parallel_loop3A_186 : vector<16xi32>
        %parallel_loop3A_188 = vector.bitcast %parallel_loop3A_187 : vector<16xi32> to vector<16xf32>
        %parallel_loop3A_189 = arith.mulf %parallel_loop3A_117, %parallel_loop3A_180 : vector<16xf32>
        %parallel_loop3A_190 = arith.addf %parallel_loop3A_176, %parallel_loop3A_189 : vector<16xf32>
        %parallel_loop3A_191 = arith.mulf %parallel_loop3A_123, %parallel_loop3A_188 : vector<16xf32>
        %parallel_loop3A_192 = arith.addf %parallel_loop3A_184, %parallel_loop3A_191 : vector<16xf32>
        %parallel_loop3A_193 = arith.mulf %parallel_loop3A_190, %parallel_loop3A_192 : vector<16xf32>
        %parallel_loop3A_194 = arith.constant 16 : i32
        %parallel_loop3A_195 = arith.muli %parallel_loop3A_105, %parallel_loop3A_194 : i32
        %parallel_loop3A_196 = arith.constant 1 : i32
        %parallel_loop3A_197 = arith.index_cast %parallel_loop3A_196 : i32 to index
        %parallel_loop3A_198 = arith.index_cast %parallel_loop3A_195 : i32 to index
        %parallel_loop3A_199 = tpu.vector_load %arg11[%parallel_loop3A_197, %parallel_loop3A_198] {strides = array<i32>} : memref<16x128xf32, #tpu.memory_space<vmem>>, vector<16xf32>,
        tpu.vector_store %arg11[%parallel_loop3A_197, %parallel_loop3A_198], %parallel_loop3A_193 {strides = array<i32>} : memref<16x128xf32, #tpu.memory_space<vmem>>, vector<16xf32>,
        %parallel_loop3A_200 = arith.constant 2016 : i32
        %parallel_loop3A_201 = vector.broadcast %parallel_loop3A_200 : i32 to vector<16xi32>
        %parallel_loop3A_202 = arith.addi %parallel_loop3A_126, %parallel_loop3A_201 : vector<16xi32>
        %parallel_loop3A_203 = tpu.vector_load_idx %arg7[%parallel_loop3A_202] : memref<16128xi32, #tpu.memory_space<vmem>>[vector<16xi32>], vector<16xi32>,
        %parallel_loop3A_204 = arith.constant 2016 : i32
        %parallel_loop3A_205 = vector.broadcast %parallel_loop3A_204 : i32 to vector<16xi32>
        %parallel_loop3A_206 = arith.addi %parallel_loop3A_129, %parallel_loop3A_205 : vector<16xi32>
        %parallel_loop3A_207 = tpu.vector_load_idx %arg8[%parallel_loop3A_206] : memref<16128xi32, #tpu.memory_space<vmem>>[vector<16xi32>], vector<16xi32>,
        %parallel_loop3A_208 = arith.constant 16 : i32
        %parallel_loop3A_209 = vector.broadcast %parallel_loop3A_208 : i32 to vector<16xi32>
        %parallel_loop3A_210 = arith.shli %parallel_loop3A_203, %parallel_loop3A_209 : vector<16xi32>
        %parallel_loop3A_211 = vector.bitcast %parallel_loop3A_210 : vector<16xi32> to vector<16xf32>
        %parallel_loop3A_212 = arith.constant -65536 : i32
        %parallel_loop3A_213 = vector.broadcast %parallel_loop3A_212 : i32 to vector<16xi32>
        %parallel_loop3A_214 = arith.andi %parallel_loop3A_203, %parallel_loop3A_213 : vector<16xi32>
        %parallel_loop3A_215 = vector.bitcast %parallel_loop3A_214 : vector<16xi32> to vector<16xf32>
        %parallel_loop3A_216 = arith.constant 16 : i32
        %parallel_loop3A_217 = vector.broadcast %parallel_loop3A_216 : i32 to vector<16xi32>
        %parallel_loop3A_218 = arith.shli %parallel_loop3A_207, %parallel_loop3A_217 : vector<16xi32>
        %parallel_loop3A_219 = vector.bitcast %parallel_loop3A_218 : vector<16xi32> to vector<16xf32>
        %parallel_loop3A_220 = arith.constant -65536 : i32
        %parallel_loop3A_221 = vector.broadcast %parallel_loop3A_220 : i32 to vector<16xi32>
        %parallel_loop3A_222 = arith.andi %parallel_loop3A_207, %parallel_loop3A_221 : vector<16xi32>
        %parallel_loop3A_223 = vector.bitcast %parallel_loop3A_222 : vector<16xi32> to vector<16xf32>
        %parallel_loop3A_224 = arith.mulf %parallel_loop3A_117, %parallel_loop3A_215 : vector<16xf32>
        %parallel_loop3A_225 = arith.addf %parallel_loop3A_211, %parallel_loop3A_224 : vector<16xf32>
        %parallel_loop3A_226 = arith.mulf %parallel_loop3A_123, %parallel_loop3A_223 : vector<16xf32>
        %parallel_loop3A_227 = arith.addf %parallel_loop3A_219, %parallel_loop3A_226 : vector<16xf32>
        %parallel_loop3A_228 = arith.mulf %parallel_loop3A_225, %parallel_loop3A_227 : vector<16xf32>
        %parallel_loop3A_229 = arith.constant 16 : i32
        %parallel_loop3A_230 = arith.muli %parallel_loop3A_105, %parallel_loop3A_229 : i32
        %parallel_loop3A_231 = arith.constant 2 : i32
        %parallel_loop3A_232 = arith.index_cast %parallel_loop3A_231 : i32 to index
        %parallel_loop3A_233 = arith.index_cast %parallel_loop3A_230 : i32 to index
        %parallel_loop3A_234 = tpu.vector_load %arg11[%parallel_loop3A_232, %parallel_loop3A_233] {strides = array<i32>} : memref<16x128xf32, #tpu.memory_space<vmem>>, vector<16xf32>,
        tpu.vector_store %arg11[%parallel_loop3A_232, %parallel_loop3A_233], %parallel_loop3A_228 {strides = array<i32>} : memref<16x128xf32, #tpu.memory_space<vmem>>, vector<16xf32>,
        %parallel_loop3A_235 = arith.constant 3024 : i32
        %parallel_loop3A_236 = vector.broadcast %parallel_loop3A_235 : i32 to vector<16xi32>
        %parallel_loop3A_237 = arith.addi %parallel_loop3A_126, %parallel_loop3A_236 : vector<16xi32>
        %parallel_loop3A_238 = tpu.vector_load_idx %arg7[%parallel_loop3A_237] : memref<16128xi32, #tpu.memory_space<vmem>>[vector<16xi32>], vector<16xi32>,
        %parallel_loop3A_239 = arith.constant 3024 : i32
        %parallel_loop3A_240 = vector.broadcast %parallel_loop3A_239 : i32 to vector<16xi32>
        %parallel_loop3A_241 = arith.addi %parallel_loop3A_129, %parallel_loop3A_240 : vector<16xi32>
        %parallel_loop3A_242 = tpu.vector_load_idx %arg8[%parallel_loop3A_241] : memref<16128xi32, #tpu.memory_space<vmem>>[vector<16xi32>], vector<16xi32>,
        %parallel_loop3A_243 = arith.constant 16 : i32
        %parallel_loop3A_244 = vector.broadcast %parallel_loop3A_243 : i32 to vector<16xi32>
        %parallel_loop3A_245 = arith.shli %parallel_loop3A_238, %parallel_loop3A_244 : vector<16xi32>
        %parallel_loop3A_246 = vector.bitcast %parallel_loop3A_245 : vector<16xi32> to vector<16xf32>
        %parallel_loop3A_247 = arith.constant -65536 : i32
        %parallel_loop3A_248 = vector.broadcast %parallel_loop3A_247 : i32 to vector<16xi32>
        %parallel_loop3A_249 = arith.andi %parallel_loop3A_238, %parallel_loop3A_248 : vector<16xi32>
        %parallel_loop3A_250 = vector.bitcast %parallel_loop3A_249 : vector<16xi32> to vector<16xf32>
        %parallel_loop3A_251 = arith.constant 16 : i32
        %parallel_loop3A_252 = vector.broadcast %parallel_loop3A_251 : i32 to vector<16xi32>
        %parallel_loop3A_253 = arith.shli %parallel_loop3A_242, %parallel_loop3A_252 : vector<16xi32>
        %parallel_loop3A_254 = vector.bitcast %parallel_loop3A_253 : vector<16xi32> to vector<16xf32>
        %parallel_loop3A_255 = arith.constant -65536 : i32
        %parallel_loop3A_256 = vector.broadcast %parallel_loop3A_255 : i32 to vector<16xi32>
        %parallel_loop3A_257 = arith.andi %parallel_loop3A_242, %parallel_loop3A_256 : vector<16xi32>
        %parallel_loop3A_258 = vector.bitcast %parallel_loop3A_257 : vector<16xi32> to vector<16xf32>
        %parallel_loop3A_259 = arith.mulf %parallel_loop3A_117, %parallel_loop3A_250 : vector<16xf32>
        %parallel_loop3A_260 = arith.addf %parallel_loop3A_246, %parallel_loop3A_259 : vector<16xf32>
        %parallel_loop3A_261 = arith.mulf %parallel_loop3A_123, %parallel_loop3A_258 : vector<16xf32>
        %parallel_loop3A_262 = arith.addf %parallel_loop3A_254, %parallel_loop3A_261 : vector<16xf32>
        %parallel_loop3A_263 = arith.mulf %parallel_loop3A_260, %parallel_loop3A_262 : vector<16xf32>
        %parallel_loop3A_264 = arith.constant 16 : i32
        %parallel_loop3A_265 = arith.muli %parallel_loop3A_105, %parallel_loop3A_264 : i32
        %parallel_loop3A_266 = arith.constant 3 : i32
        %parallel_loop3A_267 = arith.index_cast %parallel_loop3A_266 : i32 to index
        %parallel_loop3A_268 = arith.index_cast %parallel_loop3A_265 : i32 to index
        %parallel_loop3A_269 = tpu.vector_load %arg11[%parallel_loop3A_267, %parallel_loop3A_268] {strides = array<i32>} : memref<16x128xf32, #tpu.memory_space<vmem>>, vector<16xf32>,
        tpu.vector_store %arg11[%parallel_loop3A_267, %parallel_loop3A_268], %parallel_loop3A_263 {strides = array<i32>} : memref<16x128xf32, #tpu.memory_space<vmem>>, vector<16xf32>,
        %parallel_loop3A_270 = arith.constant 4032 : i32
        %parallel_loop3A_271 = vector.broadcast %parallel_loop3A_270 : i32 to vector<16xi32>
        %parallel_loop3A_272 = arith.addi %parallel_loop3A_126, %parallel_loop3A_271 : vector<16xi32>
        %parallel_loop3A_273 = tpu.vector_load_idx %arg7[%parallel_loop3A_272] : memref<16128xi32, #tpu.memory_space<vmem>>[vector<16xi32>], vector<16xi32>,
        %parallel_loop3A_274 = arith.constant 4032 : i32
        %parallel_loop3A_275 = vector.broadcast %parallel_loop3A_274 : i32 to vector<16xi32>
        %parallel_loop3A_276 = arith.addi %parallel_loop3A_129, %parallel_loop3A_275 : vector<16xi32>
        %parallel_loop3A_277 = tpu.vector_load_idx %arg8[%parallel_loop3A_276] : memref<16128xi32, #tpu.memory_space<vmem>>[vector<16xi32>], vector<16xi32>,
        %parallel_loop3A_278 = arith.constant 16 : i32
        %parallel_loop3A_279 = vector.broadcast %parallel_loop3A_278 : i32 to vector<16xi32>
        %parallel_loop3A_280 = arith.shli %parallel_loop3A_273, %parallel_loop3A_279 : vector<16xi32>
        %parallel_loop3A_281 = vector.bitcast %parallel_loop3A_280 : vector<16xi32> to vector<16xf32>
        %parallel_loop3A_282 = arith.constant -65536 : i32
        %parallel_loop3A_283 = vector.broadcast %parallel_loop3A_282 : i32 to vector<16xi32>
        %parallel_loop3A_284 = arith.andi %parallel_loop3A_273, %parallel_loop3A_283 : vector<16xi32>
        %parallel_loop3A_285 = vector.bitcast %parallel_loop3A_284 : vector<16xi32> to vector<16xf32>
        %parallel_loop3A_286 = arith.constant 16 : i32
        %parallel_loop3A_287 = vector.broadcast %parallel_loop3A_286 : i32 to vector<16xi32>
        %parallel_loop3A_288 = arith.shli %parallel_loop3A_277, %parallel_loop3A_287 : vector<16xi32>
        %parallel_loop3A_289 = vector.bitcast %parallel_loop3A_288 : vector<16xi32> to vector<16xf32>
        %parallel_loop3A_290 = arith.constant -65536 : i32
        %parallel_loop3A_291 = vector.broadcast %parallel_loop3A_290 : i32 to vector<16xi32>
        %parallel_loop3A_292 = arith.andi %parallel_loop3A_277, %parallel_loop3A_291 : vector<16xi32>
        %parallel_loop3A_293 = vector.bitcast %parallel_loop3A_292 : vector<16xi32> to vector<16xf32>
        %parallel_loop3A_294 = arith.mulf %parallel_loop3A_117, %parallel_loop3A_285 : vector<16xf32>
        %parallel_loop3A_295 = arith.addf %parallel_loop3A_281, %parallel_loop3A_294 : vector<16xf32>
        %parallel_loop3A_296 = arith.mulf %parallel_loop3A_123, %parallel_loop3A_293 : vector<16xf32>
        %parallel_loop3A_297 = arith.addf %parallel_loop3A_289, %parallel_loop3A_296 : vector<16xf32>
        %parallel_loop3A_298 = arith.mulf %parallel_loop3A_295, %parallel_loop3A_297 : vector<16xf32>
        %parallel_loop3A_299 = arith.constant 16 : i32
        %parallel_loop3A_300 = arith.muli %parallel_loop3A_105, %parallel_loop3A_299 : i32
        %parallel_loop3A_301 = arith.constant 4 : i32
        %parallel_loop3A_302 = arith.index_cast %parallel_loop3A_301 : i32 to index
        %parallel_loop3A_303 = arith.index_cast %parallel_loop3A_300 : i32 to index
        %parallel_loop3A_304 = tpu.vector_load %arg11[%parallel_loop3A_302, %parallel_loop3A_303] {strides = array<i32>} : memref<16x128xf32, #tpu.memory_space<vmem>>, vector<16xf32>,
        tpu.vector_store %arg11[%parallel_loop3A_302, %parallel_loop3A_303], %parallel_loop3A_298 {strides = array<i32>} : memref<16x128xf32, #tpu.memory_space<vmem>>, vector<16xf32>,
        %parallel_loop3A_305 = arith.constant 5040 : i32
        %parallel_loop3A_306 = vector.broadcast %parallel_loop3A_305 : i32 to vector<16xi32>
        %parallel_loop3A_307 = arith.addi %parallel_loop3A_126, %parallel_loop3A_306 : vector<16xi32>
        %parallel_loop3A_308 = tpu.vector_load_idx %arg7[%parallel_loop3A_307] : memref<16128xi32, #tpu.memory_space<vmem>>[vector<16xi32>], vector<16xi32>,
        %parallel_loop3A_309 = arith.constant 5040 : i32
        %parallel_loop3A_310 = vector.broadcast %parallel_loop3A_309 : i32 to vector<16xi32>
        %parallel_loop3A_311 = arith.addi %parallel_loop3A_129, %parallel_loop3A_310 : vector<16xi32>
        %parallel_loop3A_312 = tpu.vector_load_idx %arg8[%parallel_loop3A_311] : memref<16128xi32, #tpu.memory_space<vmem>>[vector<16xi32>], vector<16xi32>,
        %parallel_loop3A_313 = arith.constant 16 : i32
        %parallel_loop3A_314 = vector.broadcast %parallel_loop3A_313 : i32 to vector<16xi32>
        %parallel_loop3A_315 = arith.shli %parallel_loop3A_308, %parallel_loop3A_314 : vector<16xi32>
        %parallel_loop3A_316 = vector.bitcast %parallel_loop3A_315 : vector<16xi32> to vector<16xf32>
        %parallel_loop3A_317 = arith.constant -65536 : i32
        %parallel_loop3A_318 = vector.broadcast %parallel_loop3A_317 : i32 to vector<16xi32>
        %parallel_loop3A_319 = arith.andi %parallel_loop3A_308, %parallel_loop3A_318 : vector<16xi32>
        %parallel_loop3A_320 = vector.bitcast %parallel_loop3A_319 : vector<16xi32> to vector<16xf32>
        %parallel_loop3A_321 = arith.constant 16 : i32
        %parallel_loop3A_322 = vector.broadcast %parallel_loop3A_321 : i32 to vector<16xi32>
        %parallel_loop3A_323 = arith.shli %parallel_loop3A_312, %parallel_loop3A_322 : vector<16xi32>
        %parallel_loop3A_324 = vector.bitcast %parallel_loop3A_323 : vector<16xi32> to vector<16xf32>
        %parallel_loop3A_325 = arith.constant -65536 : i32
        %parallel_loop3A_326 = vector.broadcast %parallel_loop3A_325 : i32 to vector<16xi32>
        %parallel_loop3A_327 = arith.andi %parallel_loop3A_312, %parallel_loop3A_326 : vector<16xi32>
        %parallel_loop3A_328 = vector.bitcast %parallel_loop3A_327 : vector<16xi32> to vector<16xf32>
        %parallel_loop3A_329 = arith.mulf %parallel_loop3A_117, %parallel_loop3A_320 : vector<16xf32>
        %parallel_loop3A_330 = arith.addf %parallel_loop3A_316, %parallel_loop3A_329 : vector<16xf32>
        %parallel_loop3A_331 = arith.mulf %parallel_loop3A_123, %parallel_loop3A_328 : vector<16xf32>
        %parallel_loop3A_332 = arith.addf %parallel_loop3A_324, %parallel_loop3A_331 : vector<16xf32>
        %parallel_loop3A_333 = arith.mulf %parallel_loop3A_330, %parallel_loop3A_332 : vector<16xf32>
        %parallel_loop3A_334 = arith.constant 16 : i32
        %parallel_loop3A_335 = arith.muli %parallel_loop3A_105, %parallel_loop3A_334 : i32
        %parallel_loop3A_336 = arith.constant 5 : i32
        %parallel_loop3A_337 = arith.index_cast %parallel_loop3A_336 : i32 to index
        %parallel_loop3A_338 = arith.index_cast %parallel_loop3A_335 : i32 to index
        %parallel_loop3A_339 = tpu.vector_load %arg11[%parallel_loop3A_337, %parallel_loop3A_338] {strides = array<i32>} : memref<16x128xf32, #tpu.memory_space<vmem>>, vector<16xf32>,
        tpu.vector_store %arg11[%parallel_loop3A_337, %parallel_loop3A_338], %parallel_loop3A_333 {strides = array<i32>} : memref<16x128xf32, #tpu.memory_space<vmem>>, vector<16xf32>,
        %parallel_loop3A_340 = arith.constant 6048 : i32
        %parallel_loop3A_341 = vector.broadcast %parallel_loop3A_340 : i32 to vector<16xi32>
        %parallel_loop3A_342 = arith.addi %parallel_loop3A_126, %parallel_loop3A_341 : vector<16xi32>
        %parallel_loop3A_343 = tpu.vector_load_idx %arg7[%parallel_loop3A_342] : memref<16128xi32, #tpu.memory_space<vmem>>[vector<16xi32>], vector<16xi32>,
        %parallel_loop3A_344 = arith.constant 6048 : i32
        %parallel_loop3A_345 = vector.broadcast %parallel_loop3A_344 : i32 to vector<16xi32>
        %parallel_loop3A_346 = arith.addi %parallel_loop3A_129, %parallel_loop3A_345 : vector<16xi32>
        %parallel_loop3A_347 = tpu.vector_load_idx %arg8[%parallel_loop3A_346] : memref<16128xi32, #tpu.memory_space<vmem>>[vector<16xi32>], vector<16xi32>,
        %parallel_loop3A_348 = arith.constant 16 : i32
        %parallel_loop3A_349 = vector.broadcast %parallel_loop3A_348 : i32 to vector<16xi32>
        %parallel_loop3A_350 = arith.shli %parallel_loop3A_343, %parallel_loop3A_349 : vector<16xi32>
        %parallel_loop3A_351 = vector.bitcast %parallel_loop3A_350 : vector<16xi32> to vector<16xf32>
        %parallel_loop3A_352 = arith.constant -65536 : i32
        %parallel_loop3A_353 = vector.broadcast %parallel_loop3A_352 : i32 to vector<16xi32>
        %parallel_loop3A_354 = arith.andi %parallel_loop3A_343, %parallel_loop3A_353 : vector<16xi32>
        %parallel_loop3A_355 = vector.bitcast %parallel_loop3A_354 : vector<16xi32> to vector<16xf32>
        %parallel_loop3A_356 = arith.constant 16 : i32
        %parallel_loop3A_357 = vector.broadcast %parallel_loop3A_356 : i32 to vector<16xi32>
        %parallel_loop3A_358 = arith.shli %parallel_loop3A_347, %parallel_loop3A_357 : vector<16xi32>
        %parallel_loop3A_359 = vector.bitcast %parallel_loop3A_358 : vector<16xi32> to vector<16xf32>
        %parallel_loop3A_360 = arith.constant -65536 : i32
        %parallel_loop3A_361 = vector.broadcast %parallel_loop3A_360 : i32 to vector<16xi32>
        %parallel_loop3A_362 = arith.andi %parallel_loop3A_347, %parallel_loop3A_361 : vector<16xi32>
        %parallel_loop3A_363 = vector.bitcast %parallel_loop3A_362 : vector<16xi32> to vector<16xf32>
        %parallel_loop3A_364 = arith.mulf %parallel_loop3A_117, %parallel_loop3A_355 : vector<16xf32>
        %parallel_loop3A_365 = arith.addf %parallel_loop3A_351, %parallel_loop3A_364 : vector<16xf32>
        %parallel_loop3A_366 = arith.mulf %parallel_loop3A_123, %parallel_loop3A_363 : vector<16xf32>
        %parallel_loop3A_367 = arith.addf %parallel_loop3A_359, %parallel_loop3A_366 : vector<16xf32>
        %parallel_loop3A_368 = arith.mulf %parallel_loop3A_365, %parallel_loop3A_367 : vector<16xf32>
        %parallel_loop3A_369 = arith.constant 16 : i32
        %parallel_loop3A_370 = arith.muli %parallel_loop3A_105, %parallel_loop3A_369 : i32
        %parallel_loop3A_371 = arith.constant 6 : i32
        %parallel_loop3A_372 = arith.index_cast %parallel_loop3A_371 : i32 to index
        %parallel_loop3A_373 = arith.index_cast %parallel_loop3A_370 : i32 to index
        %parallel_loop3A_374 = tpu.vector_load %arg11[%parallel_loop3A_372, %parallel_loop3A_373] {strides = array<i32>} : memref<16x128xf32, #tpu.memory_space<vmem>>, vector<16xf32>,
        tpu.vector_store %arg11[%parallel_loop3A_372, %parallel_loop3A_373], %parallel_loop3A_368 {strides = array<i32>} : memref<16x128xf32, #tpu.memory_space<vmem>>, vector<16xf32>,
        %parallel_loop3A_375 = arith.constant 7056 : i32
        %parallel_loop3A_376 = vector.broadcast %parallel_loop3A_375 : i32 to vector<16xi32>
        %parallel_loop3A_377 = arith.addi %parallel_loop3A_126, %parallel_loop3A_376 : vector<16xi32>
        %parallel_loop3A_378 = tpu.vector_load_idx %arg7[%parallel_loop3A_377] : memref<16128xi32, #tpu.memory_space<vmem>>[vector<16xi32>], vector<16xi32>,
        %parallel_loop3A_379 = arith.constant 7056 : i32
        %parallel_loop3A_380 = vector.broadcast %parallel_loop3A_379 : i32 to vector<16xi32>
        %parallel_loop3A_381 = arith.addi %parallel_loop3A_129, %parallel_loop3A_380 : vector<16xi32>
        %parallel_loop3A_382 = tpu.vector_load_idx %arg8[%parallel_loop3A_381] : memref<16128xi32, #tpu.memory_space<vmem>>[vector<16xi32>], vector<16xi32>,
        %parallel_loop3A_383 = arith.constant 16 : i32
        %parallel_loop3A_384 = vector.broadcast %parallel_loop3A_383 : i32 to vector<16xi32>
        %parallel_loop3A_385 = arith.shli %parallel_loop3A_378, %parallel_loop3A_384 : vector<16xi32>
        %parallel_loop3A_386 = vector.bitcast %parallel_loop3A_385 : vector<16xi32> to vector<16xf32>
        %parallel_loop3A_387 = arith.constant -65536 : i32
        %parallel_loop3A_388 = vector.broadcast %parallel_loop3A_387 : i32 to vector<16xi32>
        %parallel_loop3A_389 = arith.andi %parallel_loop3A_378, %parallel_loop3A_388 : vector<16xi32>
        %parallel_loop3A_390 = vector.bitcast %parallel_loop3A_389 : vector<16xi32> to vector<16xf32>
        %parallel_loop3A_391 = arith.constant 16 : i32
        %parallel_loop3A_392 = vector.broadcast %parallel_loop3A_391 : i32 to vector<16xi32>
        %parallel_loop3A_393 = arith.shli %parallel_loop3A_382, %parallel_loop3A_392 : vector<16xi32>
        %parallel_loop3A_394 = vector.bitcast %parallel_loop3A_393 : vector<16xi32> to vector<16xf32>
        %parallel_loop3A_395 = arith.constant -65536 : i32
        %parallel_loop3A_396 = vector.broadcast %parallel_loop3A_395 : i32 to vector<16xi32>
        %parallel_loop3A_397 = arith.andi %parallel_loop3A_382, %parallel_loop3A_396 : vector<16xi32>
        %parallel_loop3A_398 = vector.bitcast %parallel_loop3A_397 : vector<16xi32> to vector<16xf32>
        %parallel_loop3A_399 = arith.mulf %parallel_loop3A_117, %parallel_loop3A_390 : vector<16xf32>
        %parallel_loop3A_400 = arith.addf %parallel_loop3A_386, %parallel_loop3A_399 : vector<16xf32>
        %parallel_loop3A_401 = arith.mulf %parallel_loop3A_123, %parallel_loop3A_398 : vector<16xf32>
        %parallel_loop3A_402 = arith.addf %parallel_loop3A_394, %parallel_loop3A_401 : vector<16xf32>
        %parallel_loop3A_403 = arith.mulf %parallel_loop3A_400, %parallel_loop3A_402 : vector<16xf32>
        %parallel_loop3A_404 = arith.constant 16 : i32
        %parallel_loop3A_405 = arith.muli %parallel_loop3A_105, %parallel_loop3A_404 : i32
        %parallel_loop3A_406 = arith.constant 7 : i32
        %parallel_loop3A_407 = arith.index_cast %parallel_loop3A_406 : i32 to index
        %parallel_loop3A_408 = arith.index_cast %parallel_loop3A_405 : i32 to index
        %parallel_loop3A_409 = tpu.vector_load %arg11[%parallel_loop3A_407, %parallel_loop3A_408] {strides = array<i32>} : memref<16x128xf32, #tpu.memory_space<vmem>>, vector<16xf32>,
        tpu.vector_store %arg11[%parallel_loop3A_407, %parallel_loop3A_408], %parallel_loop3A_403 {strides = array<i32>} : memref<16x128xf32, #tpu.memory_space<vmem>>, vector<16xf32>,
        %parallel_loop3A_410 = arith.constant 8064 : i32
        %parallel_loop3A_411 = vector.broadcast %parallel_loop3A_410 : i32 to vector<16xi32>
        %parallel_loop3A_412 = arith.addi %parallel_loop3A_126, %parallel_loop3A_411 : vector<16xi32>
        %parallel_loop3A_413 = tpu.vector_load_idx %arg7[%parallel_loop3A_412] : memref<16128xi32, #tpu.memory_space<vmem>>[vector<16xi32>], vector<16xi32>,
        %parallel_loop3A_414 = arith.constant 8064 : i32
        %parallel_loop3A_415 = vector.broadcast %parallel_loop3A_414 : i32 to vector<16xi32>
        %parallel_loop3A_416 = arith.addi %parallel_loop3A_129, %parallel_loop3A_415 : vector<16xi32>
        %parallel_loop3A_417 = tpu.vector_load_idx %arg8[%parallel_loop3A_416] : memref<16128xi32, #tpu.memory_space<vmem>>[vector<16xi32>], vector<16xi32>,
        %parallel_loop3A_418 = arith.constant 16 : i32
        %parallel_loop3A_419 = vector.broadcast %parallel_loop3A_418 : i32 to vector<16xi32>
        %parallel_loop3A_420 = arith.shli %parallel_loop3A_413, %parallel_loop3A_419 : vector<16xi32>
        %parallel_loop3A_421 = vector.bitcast %parallel_loop3A_420 : vector<16xi32> to vector<16xf32>
        %parallel_loop3A_422 = arith.constant -65536 : i32
        %parallel_loop3A_423 = vector.broadcast %parallel_loop3A_422 : i32 to vector<16xi32>
        %parallel_loop3A_424 = arith.andi %parallel_loop3A_413, %parallel_loop3A_423 : vector<16xi32>
        %parallel_loop3A_425 = vector.bitcast %parallel_loop3A_424 : vector<16xi32> to vector<16xf32>
        %parallel_loop3A_426 = arith.constant 16 : i32
        %parallel_loop3A_427 = vector.broadcast %parallel_loop3A_426 : i32 to vector<16xi32>
        %parallel_loop3A_428 = arith.shli %parallel_loop3A_417, %parallel_loop3A_427 : vector<16xi32>
        %parallel_loop3A_429 = vector.bitcast %parallel_loop3A_428 : vector<16xi32> to vector<16xf32>
        %parallel_loop3A_430 = arith.constant -65536 : i32
        %parallel_loop3A_431 = vector.broadcast %parallel_loop3A_430 : i32 to vector<16xi32>
        %parallel_loop3A_432 = arith.andi %parallel_loop3A_417, %parallel_loop3A_431 : vector<16xi32>
        %parallel_loop3A_433 = vector.bitcast %parallel_loop3A_432 : vector<16xi32> to vector<16xf32>
        %parallel_loop3A_434 = arith.mulf %parallel_loop3A_117, %parallel_loop3A_425 : vector<16xf32>
        %parallel_loop3A_435 = arith.addf %parallel_loop3A_421, %parallel_loop3A_434 : vector<16xf32>
        %parallel_loop3A_436 = arith.mulf %parallel_loop3A_123, %parallel_loop3A_433 : vector<16xf32>
        %parallel_loop3A_437 = arith.addf %parallel_loop3A_429, %parallel_loop3A_436 : vector<16xf32>
        %parallel_loop3A_438 = arith.mulf %parallel_loop3A_435, %parallel_loop3A_437 : vector<16xf32>
        %parallel_loop3A_439 = arith.constant 16 : i32
        %parallel_loop3A_440 = arith.muli %parallel_loop3A_105, %parallel_loop3A_439 : i32
        %parallel_loop3A_441 = arith.constant 8 : i32
        %parallel_loop3A_442 = arith.index_cast %parallel_loop3A_441 : i32 to index
        %parallel_loop3A_443 = arith.index_cast %parallel_loop3A_440 : i32 to index
        %parallel_loop3A_444 = tpu.vector_load %arg11[%parallel_loop3A_442, %parallel_loop3A_443] {strides = array<i32>} : memref<16x128xf32, #tpu.memory_space<vmem>>, vector<16xf32>,
        tpu.vector_store %arg11[%parallel_loop3A_442, %parallel_loop3A_443], %parallel_loop3A_438 {strides = array<i32>} : memref<16x128xf32, #tpu.memory_space<vmem>>, vector<16xf32>,
        %parallel_loop3A_445 = arith.constant 9072 : i32
        %parallel_loop3A_446 = vector.broadcast %parallel_loop3A_445 : i32 to vector<16xi32>
        %parallel_loop3A_447 = arith.addi %parallel_loop3A_126, %parallel_loop3A_446 : vector<16xi32>
        %parallel_loop3A_448 = tpu.vector_load_idx %arg7[%parallel_loop3A_447] : memref<16128xi32, #tpu.memory_space<vmem>>[vector<16xi32>], vector<16xi32>,
        %parallel_loop3A_449 = arith.constant 9072 : i32
        %parallel_loop3A_450 = vector.broadcast %parallel_loop3A_449 : i32 to vector<16xi32>
        %parallel_loop3A_451 = arith.addi %parallel_loop3A_129, %parallel_loop3A_450 : vector<16xi32>
        %parallel_loop3A_452 = tpu.vector_load_idx %arg8[%parallel_loop3A_451] : memref<16128xi32, #tpu.memory_space<vmem>>[vector<16xi32>], vector<16xi32>,
        %parallel_loop3A_453 = arith.constant 16 : i32
        %parallel_loop3A_454 = vector.broadcast %parallel_loop3A_453 : i32 to vector<16xi32>
        %parallel_loop3A_455 = arith.shli %parallel_loop3A_448, %parallel_loop3A_454 : vector<16xi32>
        %parallel_loop3A_456 = vector.bitcast %parallel_loop3A_455 : vector<16xi32> to vector<16xf32>
        %parallel_loop3A_457 = arith.constant -65536 : i32
        %parallel_loop3A_458 = vector.broadcast %parallel_loop3A_457 : i32 to vector<16xi32>
        %parallel_loop3A_459 = arith.andi %parallel_loop3A_448, %parallel_loop3A_458 : vector<16xi32>
        %parallel_loop3A_460 = vector.bitcast %parallel_loop3A_459 : vector<16xi32> to vector<16xf32>
        %parallel_loop3A_461 = arith.constant 16 : i32
        %parallel_loop3A_462 = vector.broadcast %parallel_loop3A_461 : i32 to vector<16xi32>
        %parallel_loop3A_463 = arith.shli %parallel_loop3A_452, %parallel_loop3A_462 : vector<16xi32>
        %parallel_loop3A_464 = vector.bitcast %parallel_loop3A_463 : vector<16xi32> to vector<16xf32>
        %parallel_loop3A_465 = arith.constant -65536 : i32
        %parallel_loop3A_466 = vector.broadcast %parallel_loop3A_465 : i32 to vector<16xi32>
        %parallel_loop3A_467 = arith.andi %parallel_loop3A_452, %parallel_loop3A_466 : vector<16xi32>
        %parallel_loop3A_468 = vector.bitcast %parallel_loop3A_467 : vector<16xi32> to vector<16xf32>
        %parallel_loop3A_469 = arith.mulf %parallel_loop3A_117, %parallel_loop3A_460 : vector<16xf32>
        %parallel_loop3A_470 = arith.addf %parallel_loop3A_456, %parallel_loop3A_469 : vector<16xf32>
        %parallel_loop3A_471 = arith.mulf %parallel_loop3A_123, %parallel_loop3A_468 : vector<16xf32>
        %parallel_loop3A_472 = arith.addf %parallel_loop3A_464, %parallel_loop3A_471 : vector<16xf32>
        %parallel_loop3A_473 = arith.mulf %parallel_loop3A_470, %parallel_loop3A_472 : vector<16xf32>
        %parallel_loop3A_474 = arith.constant 16 : i32
        %parallel_loop3A_475 = arith.muli %parallel_loop3A_105, %parallel_loop3A_474 : i32
        %parallel_loop3A_476 = arith.constant 9 : i32
        %parallel_loop3A_477 = arith.index_cast %parallel_loop3A_476 : i32 to index
        %parallel_loop3A_478 = arith.index_cast %parallel_loop3A_475 : i32 to index
        %parallel_loop3A_479 = tpu.vector_load %arg11[%parallel_loop3A_477, %parallel_loop3A_478] {strides = array<i32>} : memref<16x128xf32, #tpu.memory_space<vmem>>, vector<16xf32>,
        tpu.vector_store %arg11[%parallel_loop3A_477, %parallel_loop3A_478], %parallel_loop3A_473 {strides = array<i32>} : memref<16x128xf32, #tpu.memory_space<vmem>>, vector<16xf32>,
        %parallel_loop3A_480 = arith.constant 10080 : i32
        %parallel_loop3A_481 = vector.broadcast %parallel_loop3A_480 : i32 to vector<16xi32>
        %parallel_loop3A_482 = arith.addi %parallel_loop3A_126, %parallel_loop3A_481 : vector<16xi32>
        %parallel_loop3A_483 = tpu.vector_load_idx %arg7[%parallel_loop3A_482] : memref<16128xi32, #tpu.memory_space<vmem>>[vector<16xi32>], vector<16xi32>,
        %parallel_loop3A_484 = arith.constant 10080 : i32
        %parallel_loop3A_485 = vector.broadcast %parallel_loop3A_484 : i32 to vector<16xi32>
        %parallel_loop3A_486 = arith.addi %parallel_loop3A_129, %parallel_loop3A_485 : vector<16xi32>
        %parallel_loop3A_487 = tpu.vector_load_idx %arg8[%parallel_loop3A_486] : memref<16128xi32, #tpu.memory_space<vmem>>[vector<16xi32>], vector<16xi32>,
        %parallel_loop3A_488 = arith.constant 16 : i32
        %parallel_loop3A_489 = vector.broadcast %parallel_loop3A_488 : i32 to vector<16xi32>
        %parallel_loop3A_490 = arith.shli %parallel_loop3A_483, %parallel_loop3A_489 : vector<16xi32>
        %parallel_loop3A_491 = vector.bitcast %parallel_loop3A_490 : vector<16xi32> to vector<16xf32>
        %parallel_loop3A_492 = arith.constant -65536 : i32
        %parallel_loop3A_493 = vector.broadcast %parallel_loop3A_492 : i32 to vector<16xi32>
        %parallel_loop3A_494 = arith.andi %parallel_loop3A_483, %parallel_loop3A_493 : vector<16xi32>
        %parallel_loop3A_495 = vector.bitcast %parallel_loop3A_494 : vector<16xi32> to vector<16xf32>
        %parallel_loop3A_496 = arith.constant 16 : i32
        %parallel_loop3A_497 = vector.broadcast %parallel_loop3A_496 : i32 to vector<16xi32>
        %parallel_loop3A_498 = arith.shli %parallel_loop3A_487, %parallel_loop3A_497 : vector<16xi32>
        %parallel_loop3A_499 = vector.bitcast %parallel_loop3A_498 : vector<16xi32> to vector<16xf32>
        %parallel_loop3A_500 = arith.constant -65536 : i32
        %parallel_loop3A_501 = vector.broadcast %parallel_loop3A_500 : i32 to vector<16xi32>
        %parallel_loop3A_502 = arith.andi %parallel_loop3A_487, %parallel_loop3A_501 : vector<16xi32>
        %parallel_loop3A_503 = vector.bitcast %parallel_loop3A_502 : vector<16xi32> to vector<16xf32>
        %parallel_loop3A_504 = arith.mulf %parallel_loop3A_117, %parallel_loop3A_495 : vector<16xf32>
        %parallel_loop3A_505 = arith.addf %parallel_loop3A_491, %parallel_loop3A_504 : vector<16xf32>
        %parallel_loop3A_506 = arith.mulf %parallel_loop3A_123, %parallel_loop3A_503 : vector<16xf32>
        %parallel_loop3A_507 = arith.addf %parallel_loop3A_499, %parallel_loop3A_506 : vector<16xf32>
        %parallel_loop3A_508 = arith.mulf %parallel_loop3A_505, %parallel_loop3A_507 : vector<16xf32>
        %parallel_loop3A_509 = arith.constant 16 : i32
        %parallel_loop3A_510 = arith.muli %parallel_loop3A_105, %parallel_loop3A_509 : i32
        %parallel_loop3A_511 = arith.constant 10 : i32
        %parallel_loop3A_512 = arith.index_cast %parallel_loop3A_511 : i32 to index
        %parallel_loop3A_513 = arith.index_cast %parallel_loop3A_510 : i32 to index
        %parallel_loop3A_514 = tpu.vector_load %arg11[%parallel_loop3A_512, %parallel_loop3A_513] {strides = array<i32>} : memref<16x128xf32, #tpu.memory_space<vmem>>, vector<16xf32>,
        tpu.vector_store %arg11[%parallel_loop3A_512, %parallel_loop3A_513], %parallel_loop3A_508 {strides = array<i32>} : memref<16x128xf32, #tpu.memory_space<vmem>>, vector<16xf32>,
        %parallel_loop3A_515 = arith.constant 11088 : i32
        %parallel_loop3A_516 = vector.broadcast %parallel_loop3A_515 : i32 to vector<16xi32>
        %parallel_loop3A_517 = arith.addi %parallel_loop3A_126, %parallel_loop3A_516 : vector<16xi32>
        %parallel_loop3A_518 = tpu.vector_load_idx %arg7[%parallel_loop3A_517] : memref<16128xi32, #tpu.memory_space<vmem>>[vector<16xi32>], vector<16xi32>,
        %parallel_loop3A_519 = arith.constant 11088 : i32
        %parallel_loop3A_520 = vector.broadcast %parallel_loop3A_519 : i32 to vector<16xi32>
        %parallel_loop3A_521 = arith.addi %parallel_loop3A_129, %parallel_loop3A_520 : vector<16xi32>
        %parallel_loop3A_522 = tpu.vector_load_idx %arg8[%parallel_loop3A_521] : memref<16128xi32, #tpu.memory_space<vmem>>[vector<16xi32>], vector<16xi32>,
        %parallel_loop3A_523 = arith.constant 16 : i32
        %parallel_loop3A_524 = vector.broadcast %parallel_loop3A_523 : i32 to vector<16xi32>
        %parallel_loop3A_525 = arith.shli %parallel_loop3A_518, %parallel_loop3A_524 : vector<16xi32>
        %parallel_loop3A_526 = vector.bitcast %parallel_loop3A_525 : vector<16xi32> to vector<16xf32>
        %parallel_loop3A_527 = arith.constant -65536 : i32
        %parallel_loop3A_528 = vector.broadcast %parallel_loop3A_527 : i32 to vector<16xi32>
        %parallel_loop3A_529 = arith.andi %parallel_loop3A_518, %parallel_loop3A_528 : vector<16xi32>
        %parallel_loop3A_530 = vector.bitcast %parallel_loop3A_529 : vector<16xi32> to vector<16xf32>
        %parallel_loop3A_531 = arith.constant 16 : i32
        %parallel_loop3A_532 = vector.broadcast %parallel_loop3A_531 : i32 to vector<16xi32>
        %parallel_loop3A_533 = arith.shli %parallel_loop3A_522, %parallel_loop3A_532 : vector<16xi32>
        %parallel_loop3A_534 = vector.bitcast %parallel_loop3A_533 : vector<16xi32> to vector<16xf32>
        %parallel_loop3A_535 = arith.constant -65536 : i32
        %parallel_loop3A_536 = vector.broadcast %parallel_loop3A_535 : i32 to vector<16xi32>
        %parallel_loop3A_537 = arith.andi %parallel_loop3A_522, %parallel_loop3A_536 : vector<16xi32>
        %parallel_loop3A_538 = vector.bitcast %parallel_loop3A_537 : vector<16xi32> to vector<16xf32>
        %parallel_loop3A_539 = arith.mulf %parallel_loop3A_117, %parallel_loop3A_530 : vector<16xf32>
        %parallel_loop3A_540 = arith.addf %parallel_loop3A_526, %parallel_loop3A_539 : vector<16xf32>
        %parallel_loop3A_541 = arith.mulf %parallel_loop3A_123, %parallel_loop3A_538 : vector<16xf32>
        %parallel_loop3A_542 = arith.addf %parallel_loop3A_534, %parallel_loop3A_541 : vector<16xf32>
        %parallel_loop3A_543 = arith.mulf %parallel_loop3A_540, %parallel_loop3A_542 : vector<16xf32>
        %parallel_loop3A_544 = arith.constant 16 : i32
        %parallel_loop3A_545 = arith.muli %parallel_loop3A_105, %parallel_loop3A_544 : i32
        %parallel_loop3A_546 = arith.constant 11 : i32
        %parallel_loop3A_547 = arith.index_cast %parallel_loop3A_546 : i32 to index
        %parallel_loop3A_548 = arith.index_cast %parallel_loop3A_545 : i32 to index
        %parallel_loop3A_549 = tpu.vector_load %arg11[%parallel_loop3A_547, %parallel_loop3A_548] {strides = array<i32>} : memref<16x128xf32, #tpu.memory_space<vmem>>, vector<16xf32>,
        tpu.vector_store %arg11[%parallel_loop3A_547, %parallel_loop3A_548], %parallel_loop3A_543 {strides = array<i32>} : memref<16x128xf32, #tpu.memory_space<vmem>>, vector<16xf32>,
        %parallel_loop3A_550 = arith.constant 12096 : i32
        %parallel_loop3A_551 = vector.broadcast %parallel_loop3A_550 : i32 to vector<16xi32>
        %parallel_loop3A_552 = arith.addi %parallel_loop3A_126, %parallel_loop3A_551 : vector<16xi32>
        %parallel_loop3A_553 = tpu.vector_load_idx %arg7[%parallel_loop3A_552] : memref<16128xi32, #tpu.memory_space<vmem>>[vector<16xi32>], vector<16xi32>,
        %parallel_loop3A_554 = arith.constant 12096 : i32
        %parallel_loop3A_555 = vector.broadcast %parallel_loop3A_554 : i32 to vector<16xi32>
        %parallel_loop3A_556 = arith.addi %parallel_loop3A_129, %parallel_loop3A_555 : vector<16xi32>
        %parallel_loop3A_557 = tpu.vector_load_idx %arg8[%parallel_loop3A_556] : memref<16128xi32, #tpu.memory_space<vmem>>[vector<16xi32>], vector<16xi32>,
        %parallel_loop3A_558 = arith.constant 16 : i32
        %parallel_loop3A_559 = vector.broadcast %parallel_loop3A_558 : i32 to vector<16xi32>
        %parallel_loop3A_560 = arith.shli %parallel_loop3A_553, %parallel_loop3A_559 : vector<16xi32>
        %parallel_loop3A_561 = vector.bitcast %parallel_loop3A_560 : vector<16xi32> to vector<16xf32>
        %parallel_loop3A_562 = arith.constant -65536 : i32
        %parallel_loop3A_563 = vector.broadcast %parallel_loop3A_562 : i32 to vector<16xi32>
        %parallel_loop3A_564 = arith.andi %parallel_loop3A_553, %parallel_loop3A_563 : vector<16xi32>
        %parallel_loop3A_565 = vector.bitcast %parallel_loop3A_564 : vector<16xi32> to vector<16xf32>
        %parallel_loop3A_566 = arith.constant 16 : i32
        %parallel_loop3A_567 = vector.broadcast %parallel_loop3A_566 : i32 to vector<16xi32>
        %parallel_loop3A_568 = arith.shli %parallel_loop3A_557, %parallel_loop3A_567 : vector<16xi32>
        %parallel_loop3A_569 = vector.bitcast %parallel_loop3A_568 : vector<16xi32> to vector<16xf32>
        %parallel_loop3A_570 = arith.constant -65536 : i32
        %parallel_loop3A_571 = vector.broadcast %parallel_loop3A_570 : i32 to vector<16xi32>
        %parallel_loop3A_572 = arith.andi %parallel_loop3A_557, %parallel_loop3A_571 : vector<16xi32>
        %parallel_loop3A_573 = vector.bitcast %parallel_loop3A_572 : vector<16xi32> to vector<16xf32>
        %parallel_loop3A_574 = arith.mulf %parallel_loop3A_117, %parallel_loop3A_565 : vector<16xf32>
        %parallel_loop3A_575 = arith.addf %parallel_loop3A_561, %parallel_loop3A_574 : vector<16xf32>
        %parallel_loop3A_576 = arith.mulf %parallel_loop3A_123, %parallel_loop3A_573 : vector<16xf32>
        %parallel_loop3A_577 = arith.addf %parallel_loop3A_569, %parallel_loop3A_576 : vector<16xf32>
        %parallel_loop3A_578 = arith.mulf %parallel_loop3A_575, %parallel_loop3A_577 : vector<16xf32>
        %parallel_loop3A_579 = arith.constant 16 : i32
        %parallel_loop3A_580 = arith.muli %parallel_loop3A_105, %parallel_loop3A_579 : i32
        %parallel_loop3A_581 = arith.constant 12 : i32
        %parallel_loop3A_582 = arith.index_cast %parallel_loop3A_581 : i32 to index
        %parallel_loop3A_583 = arith.index_cast %parallel_loop3A_580 : i32 to index
        %parallel_loop3A_584 = tpu.vector_load %arg11[%parallel_loop3A_582, %parallel_loop3A_583] {strides = array<i32>} : memref<16x128xf32, #tpu.memory_space<vmem>>, vector<16xf32>,
        tpu.vector_store %arg11[%parallel_loop3A_582, %parallel_loop3A_583], %parallel_loop3A_578 {strides = array<i32>} : memref<16x128xf32, #tpu.memory_space<vmem>>, vector<16xf32>,
        %parallel_loop3A_585 = arith.constant 13104 : i32
        %parallel_loop3A_586 = vector.broadcast %parallel_loop3A_585 : i32 to vector<16xi32>
        %parallel_loop3A_587 = arith.addi %parallel_loop3A_126, %parallel_loop3A_586 : vector<16xi32>
        %parallel_loop3A_588 = tpu.vector_load_idx %arg7[%parallel_loop3A_587] : memref<16128xi32, #tpu.memory_space<vmem>>[vector<16xi32>], vector<16xi32>,
        %parallel_loop3A_589 = arith.constant 13104 : i32
        %parallel_loop3A_590 = vector.broadcast %parallel_loop3A_589 : i32 to vector<16xi32>
        %parallel_loop3A_591 = arith.addi %parallel_loop3A_129, %parallel_loop3A_590 : vector<16xi32>
        %parallel_loop3A_592 = tpu.vector_load_idx %arg8[%parallel_loop3A_591] : memref<16128xi32, #tpu.memory_space<vmem>>[vector<16xi32>], vector<16xi32>,
        %parallel_loop3A_593 = arith.constant 16 : i32
        %parallel_loop3A_594 = vector.broadcast %parallel_loop3A_593 : i32 to vector<16xi32>
        %parallel_loop3A_595 = arith.shli %parallel_loop3A_588, %parallel_loop3A_594 : vector<16xi32>
        %parallel_loop3A_596 = vector.bitcast %parallel_loop3A_595 : vector<16xi32> to vector<16xf32>
        %parallel_loop3A_597 = arith.constant -65536 : i32
        %parallel_loop3A_598 = vector.broadcast %parallel_loop3A_597 : i32 to vector<16xi32>
        %parallel_loop3A_599 = arith.andi %parallel_loop3A_588, %parallel_loop3A_598 : vector<16xi32>
        %parallel_loop3A_600 = vector.bitcast %parallel_loop3A_599 : vector<16xi32> to vector<16xf32>
        %parallel_loop3A_601 = arith.constant 16 : i32
        %parallel_loop3A_602 = vector.broadcast %parallel_loop3A_601 : i32 to vector<16xi32>
        %parallel_loop3A_603 = arith.shli %parallel_loop3A_592, %parallel_loop3A_602 : vector<16xi32>
        %parallel_loop3A_604 = vector.bitcast %parallel_loop3A_603 : vector<16xi32> to vector<16xf32>
        %parallel_loop3A_605 = arith.constant -65536 : i32
        %parallel_loop3A_606 = vector.broadcast %parallel_loop3A_605 : i32 to vector<16xi32>
        %parallel_loop3A_607 = arith.andi %parallel_loop3A_592, %parallel_loop3A_606 : vector<16xi32>
        %parallel_loop3A_608 = vector.bitcast %parallel_loop3A_607 : vector<16xi32> to vector<16xf32>
        %parallel_loop3A_609 = arith.mulf %parallel_loop3A_117, %parallel_loop3A_600 : vector<16xf32>
        %parallel_loop3A_610 = arith.addf %parallel_loop3A_596, %parallel_loop3A_609 : vector<16xf32>
        %parallel_loop3A_611 = arith.mulf %parallel_loop3A_123, %parallel_loop3A_608 : vector<16xf32>
        %parallel_loop3A_612 = arith.addf %parallel_loop3A_604, %parallel_loop3A_611 : vector<16xf32>
        %parallel_loop3A_613 = arith.mulf %parallel_loop3A_610, %parallel_loop3A_612 : vector<16xf32>
        %parallel_loop3A_614 = arith.constant 16 : i32
        %parallel_loop3A_615 = arith.muli %parallel_loop3A_105, %parallel_loop3A_614 : i32
        %parallel_loop3A_616 = arith.constant 13 : i32
        %parallel_loop3A_617 = arith.index_cast %parallel_loop3A_616 : i32 to index
        %parallel_loop3A_618 = arith.index_cast %parallel_loop3A_615 : i32 to index
        %parallel_loop3A_619 = tpu.vector_load %arg11[%parallel_loop3A_617, %parallel_loop3A_618] {strides = array<i32>} : memref<16x128xf32, #tpu.memory_space<vmem>>, vector<16xf32>,
        tpu.vector_store %arg11[%parallel_loop3A_617, %parallel_loop3A_618], %parallel_loop3A_613 {strides = array<i32>} : memref<16x128xf32, #tpu.memory_space<vmem>>, vector<16xf32>,
        %parallel_loop3A_620 = arith.constant 14112 : i32
        %parallel_loop3A_621 = vector.broadcast %parallel_loop3A_620 : i32 to vector<16xi32>
        %parallel_loop3A_622 = arith.addi %parallel_loop3A_126, %parallel_loop3A_621 : vector<16xi32>
        %parallel_loop3A_623 = tpu.vector_load_idx %arg7[%parallel_loop3A_622] : memref<16128xi32, #tpu.memory_space<vmem>>[vector<16xi32>], vector<16xi32>,
        %parallel_loop3A_624 = arith.constant 14112 : i32
        %parallel_loop3A_625 = vector.broadcast %parallel_loop3A_624 : i32 to vector<16xi32>
        %parallel_loop3A_626 = arith.addi %parallel_loop3A_129, %parallel_loop3A_625 : vector<16xi32>
        %parallel_loop3A_627 = tpu.vector_load_idx %arg8[%parallel_loop3A_626] : memref<16128xi32, #tpu.memory_space<vmem>>[vector<16xi32>], vector<16xi32>,
        %parallel_loop3A_628 = arith.constant 16 : i32
        %parallel_loop3A_629 = vector.broadcast %parallel_loop3A_628 : i32 to vector<16xi32>
        %parallel_loop3A_630 = arith.shli %parallel_loop3A_623, %parallel_loop3A_629 : vector<16xi32>
        %parallel_loop3A_631 = vector.bitcast %parallel_loop3A_630 : vector<16xi32> to vector<16xf32>
        %parallel_loop3A_632 = arith.constant -65536 : i32
        %parallel_loop3A_633 = vector.broadcast %parallel_loop3A_632 : i32 to vector<16xi32>
        %parallel_loop3A_634 = arith.andi %parallel_loop3A_623, %parallel_loop3A_633 : vector<16xi32>
        %parallel_loop3A_635 = vector.bitcast %parallel_loop3A_634 : vector<16xi32> to vector<16xf32>
        %parallel_loop3A_636 = arith.constant 16 : i32
        %parallel_loop3A_637 = vector.broadcast %parallel_loop3A_636 : i32 to vector<16xi32>
        %parallel_loop3A_638 = arith.shli %parallel_loop3A_627, %parallel_loop3A_637 : vector<16xi32>
        %parallel_loop3A_639 = vector.bitcast %parallel_loop3A_638 : vector<16xi32> to vector<16xf32>
        %parallel_loop3A_640 = arith.constant -65536 : i32
        %parallel_loop3A_641 = vector.broadcast %parallel_loop3A_640 : i32 to vector<16xi32>
        %parallel_loop3A_642 = arith.andi %parallel_loop3A_627, %parallel_loop3A_641 : vector<16xi32>
        %parallel_loop3A_643 = vector.bitcast %parallel_loop3A_642 : vector<16xi32> to vector<16xf32>
        %parallel_loop3A_644 = arith.mulf %parallel_loop3A_117, %parallel_loop3A_635 : vector<16xf32>
        %parallel_loop3A_645 = arith.addf %parallel_loop3A_631, %parallel_loop3A_644 : vector<16xf32>
        %parallel_loop3A_646 = arith.mulf %parallel_loop3A_123, %parallel_loop3A_643 : vector<16xf32>
        %parallel_loop3A_647 = arith.addf %parallel_loop3A_639, %parallel_loop3A_646 : vector<16xf32>
        %parallel_loop3A_648 = arith.mulf %parallel_loop3A_645, %parallel_loop3A_647 : vector<16xf32>
        %parallel_loop3A_649 = arith.constant 16 : i32
        %parallel_loop3A_650 = arith.muli %parallel_loop3A_105, %parallel_loop3A_649 : i32
        %parallel_loop3A_651 = arith.constant 14 : i32
        %parallel_loop3A_652 = arith.index_cast %parallel_loop3A_651 : i32 to index
        %parallel_loop3A_653 = arith.index_cast %parallel_loop3A_650 : i32 to index
        %parallel_loop3A_654 = tpu.vector_load %arg11[%parallel_loop3A_652, %parallel_loop3A_653] {strides = array<i32>} : memref<16x128xf32, #tpu.memory_space<vmem>>, vector<16xf32>,
        tpu.vector_store %arg11[%parallel_loop3A_652, %parallel_loop3A_653], %parallel_loop3A_648 {strides = array<i32>} : memref<16x128xf32, #tpu.memory_space<vmem>>, vector<16xf32>,
        %parallel_loop3A_655 = arith.constant 15120 : i32
        %parallel_loop3A_656 = vector.broadcast %parallel_loop3A_655 : i32 to vector<16xi32>
        %parallel_loop3A_657 = arith.addi %parallel_loop3A_126, %parallel_loop3A_656 : vector<16xi32>
        %parallel_loop3A_658 = tpu.vector_load_idx %arg7[%parallel_loop3A_657] : memref<16128xi32, #tpu.memory_space<vmem>>[vector<16xi32>], vector<16xi32>,
        %parallel_loop3A_659 = arith.constant 15120 : i32
        %parallel_loop3A_660 = vector.broadcast %parallel_loop3A_659 : i32 to vector<16xi32>
        %parallel_loop3A_661 = arith.addi %parallel_loop3A_129, %parallel_loop3A_660 : vector<16xi32>
        %parallel_loop3A_662 = tpu.vector_load_idx %arg8[%parallel_loop3A_661] : memref<16128xi32, #tpu.memory_space<vmem>>[vector<16xi32>], vector<16xi32>,
        %parallel_loop3A_663 = arith.constant 16 : i32
        %parallel_loop3A_664 = vector.broadcast %parallel_loop3A_663 : i32 to vector<16xi32>
        %parallel_loop3A_665 = arith.shli %parallel_loop3A_658, %parallel_loop3A_664 : vector<16xi32>
        %parallel_loop3A_666 = vector.bitcast %parallel_loop3A_665 : vector<16xi32> to vector<16xf32>
        %parallel_loop3A_667 = arith.constant -65536 : i32
        %parallel_loop3A_668 = vector.broadcast %parallel_loop3A_667 : i32 to vector<16xi32>
        %parallel_loop3A_669 = arith.andi %parallel_loop3A_658, %parallel_loop3A_668 : vector<16xi32>
        %parallel_loop3A_670 = vector.bitcast %parallel_loop3A_669 : vector<16xi32> to vector<16xf32>
        %parallel_loop3A_671 = arith.constant 16 : i32
        %parallel_loop3A_672 = vector.broadcast %parallel_loop3A_671 : i32 to vector<16xi32>
        %parallel_loop3A_673 = arith.shli %parallel_loop3A_662, %parallel_loop3A_672 : vector<16xi32>
        %parallel_loop3A_674 = vector.bitcast %parallel_loop3A_673 : vector<16xi32> to vector<16xf32>
        %parallel_loop3A_675 = arith.constant -65536 : i32
        %parallel_loop3A_676 = vector.broadcast %parallel_loop3A_675 : i32 to vector<16xi32>
        %parallel_loop3A_677 = arith.andi %parallel_loop3A_662, %parallel_loop3A_676 : vector<16xi32>
        %parallel_loop3A_678 = vector.bitcast %parallel_loop3A_677 : vector<16xi32> to vector<16xf32>
        %parallel_loop3A_679 = arith.mulf %parallel_loop3A_117, %parallel_loop3A_670 : vector<16xf32>
        %parallel_loop3A_680 = arith.addf %parallel_loop3A_666, %parallel_loop3A_679 : vector<16xf32>
        %parallel_loop3A_681 = arith.mulf %parallel_loop3A_123, %parallel_loop3A_678 : vector<16xf32>
        %parallel_loop3A_682 = arith.addf %parallel_loop3A_674, %parallel_loop3A_681 : vector<16xf32>
        %parallel_loop3A_683 = arith.mulf %parallel_loop3A_680, %parallel_loop3A_682 : vector<16xf32>
        %parallel_loop3A_684 = arith.constant 16 : i32
        %parallel_loop3A_685 = arith.muli %parallel_loop3A_105, %parallel_loop3A_684 : i32
        %parallel_loop3A_686 = arith.constant 15 : i32
        %parallel_loop3A_687 = arith.index_cast %parallel_loop3A_686 : i32 to index
        %parallel_loop3A_688 = arith.index_cast %parallel_loop3A_685 : i32 to index
        %parallel_loop3A_689 = tpu.vector_load %arg11[%parallel_loop3A_687, %parallel_loop3A_688] {strides = array<i32>} : memref<16x128xf32, #tpu.memory_space<vmem>>, vector<16xf32>,
        tpu.vector_store %arg11[%parallel_loop3A_687, %parallel_loop3A_688], %parallel_loop3A_683 {strides = array<i32>} : memref<16x128xf32, #tpu.memory_space<vmem>>, vector<16xf32>,
      } {sc.loop_unroll_factor = 2 : i64, sc.parallel_access}
      %dma_start3A_81 = arith.constant 0 : i32
      %dma_start3A_82 = tpu.memref_slice %arg6[%add3A_52, %dma_start3A_81, %add3A_72] : memref<2048x16x2048xf32, #tpu.memory_space<hbm>> -> memref<1x16x128xf32, #tpu.memory_space<hbm>>
      %dma_start3A_83 = tpu.memref_squeeze %dma_start3A_82 : memref<1x16x128xf32, #tpu.memory_space<hbm>> -> memref<16x128xf32, #tpu.memory_space<hbm>>
      %dma_start3A_84 = arith.constant 0 : i32
      %dma_start3A_85 = tpu.memref_slice %arg6[%add3A_52, %dma_start3A_84, %add3A_72] : memref<2048x16x2048xf32, #tpu.memory_space<hbm>> -> memref<1x16x128xf32, #tpu.memory_space<hbm>>
      %dma_start3A_86 = tpu.memref_squeeze %dma_start3A_85 : memref<1x16x128xf32, #tpu.memory_space<hbm>> -> memref<16x128xf32, #tpu.memory_space<hbm>>
      tpu.enqueue_dma source(%arg11 : memref<16x128xf32, #tpu.memory_space<vmem>>) target(%dma_start3A_86 : memref<16x128xf32, #tpu.memory_space<hbm>>) target_semaphore(%arg13 : memref<!tpu.dma_semaphore, #tpu.memory_space<semaphore_mem>>)
      %add3A_87 = arith.constant 128 : i32
      %add3A_88 = arith.addi %mul3A_57, %add3A_87 : i32
      %add3A_89 = vector.broadcast %add3A_88 : i32 to vector<16xi32>
      %add3A_90 = arith.addi %iota3A, %add3A_89 : vector<16xi32>
      %gt3A_91 = arith.constant 0 : i32
      %gt3A_92 = arith.cmpi sgt, %scan3A_50, %gt3A_91 : i32
      %convert_element_type3A_93 = arith.extui %gt3A_92 : i1 to i32
      %cond3A_94 = arith.constant 0 : i32
      %cond3A_95 = arith.cmpi ne, %convert_element_type3A_93, %cond3A_94 : i32
      scf.if %cond3A_95 {
        %dma_wait3A_105 = arith.constant 0 : i32
        %dma_wait3A_106 = arith.constant 0 : i32
        %dma_wait3A_107 = arith.constant 0 : i32
        %dma_wait3A_108 = tpu.memref_slice %arg6[%dma_wait3A_105, %dma_wait3A_106, %dma_wait3A_107] : memref<2048x16x2048xf32, #tpu.memory_space<hbm>> -> memref<1x16x128xf32, #tpu.memory_space<hbm>>
        %dma_wait3A_109 = tpu.memref_squeeze %dma_wait3A_108 : memref<1x16x128xf32, #tpu.memory_space<hbm>> -> memref<16x128xf32, #tpu.memory_space<hbm>>
        %dma_wait3A_110 = arith.constant 0 : i32
        %dma_wait3A_111 = arith.constant 0 : i32
        %dma_wait3A_112 = tpu.memref_slice %arg6[%dma_wait3A_105, %dma_wait3A_110, %dma_wait3A_111] : memref<2048x16x2048xf32, #tpu.memory_space<hbm>> -> memref<1x16x128xf32, #tpu.memory_space<hbm>>
        %dma_wait3A_113 = tpu.memref_squeeze %dma_wait3A_112 : memref<1x16x128xf32, #tpu.memory_space<hbm>> -> memref<16x128xf32, #tpu.memory_space<hbm>>
        tpu.wait_dma2 semaphore(%arg14 : memref<!tpu.dma_semaphore, #tpu.memory_space<semaphore_mem>>) src(%arg12 : memref<16x128xf32, #tpu.memory_space<vmem>>) dst(%dma_wait3A_113 : memref<16x128xf32, #tpu.memory_space<hbm>>)
      } else {
      }
      %parallel_loop3A_96 = arith.constant 0 : i32
      %parallel_loop3A_97 = arith.constant 8 : i32
      %parallel_loop3A_98 = arith.constant 1 : i32
      scf.for %parallel_loop3A_105 = %parallel_loop3A_96 to %parallel_loop3A_97 step %parallel_loop3A_98  : i32 {
        %parallel_loop3A_106 = arith.constant 16 : i32
        %parallel_loop3A_107 = arith.muli %parallel_loop3A_105, %parallel_loop3A_106 : i32
        %parallel_loop3A_108 = vector.broadcast %parallel_loop3A_107 : i32 to vector<16xi32>
        %parallel_loop3A_109 = arith.addi %add3A_90, %parallel_loop3A_108 : vector<16xi32>
        %parallel_loop3A_110 = tpu.vector_load_idx %arg9[%add3A_60, %parallel_loop3A_109] : memref<2x2048xf32, #tpu.memory_space<vmem>>[vector<16xi32>, vector<16xi32>], vector<16xf32>,
        %parallel_loop3A_111 = tpu.vector_load_idx %arg10[%add3A_60, %parallel_loop3A_109] : memref<2x2048xf32, #tpu.memory_space<vmem>>[vector<16xi32>, vector<16xi32>], vector<16xf32>,
        %parallel_loop3A_112 = arith.constant 1.000000e-03 : f32
        %parallel_loop3A_113 = vector.broadcast %parallel_loop3A_112 : f32 to vector<16xf32>
        %parallel_loop3A_114 = arith.divf %parallel_loop3A_110, %parallel_loop3A_113 : vector<16xf32>
        %parallel_loop3A_115 = arith.fptosi %parallel_loop3A_114 : vector<16xf32> to vector<16xi32>
        %parallel_loop3A_116 = arith.sitofp %parallel_loop3A_115 : vector<16xi32> to vector<16xf32>
        %parallel_loop3A_117 = arith.subf %parallel_loop3A_114, %parallel_loop3A_116 : vector<16xf32>
        %parallel_loop3A_118 = arith.constant 1.000000e-03 : f32
        %parallel_loop3A_119 = vector.broadcast %parallel_loop3A_118 : f32 to vector<16xf32>
        %parallel_loop3A_120 = arith.divf %parallel_loop3A_111, %parallel_loop3A_119 : vector<16xf32>
        %parallel_loop3A_121 = arith.fptosi %parallel_loop3A_120 : vector<16xf32> to vector<16xi32>
        %parallel_loop3A_122 = arith.sitofp %parallel_loop3A_121 : vector<16xi32> to vector<16xf32>
        %parallel_loop3A_123 = arith.subf %parallel_loop3A_114, %parallel_loop3A_122 : vector<16xf32>
        %parallel_loop3A_124 = arith.constant 1000 : i32
        %parallel_loop3A_125 = vector.broadcast %parallel_loop3A_124 : i32 to vector<16xi32>
        %parallel_loop3A_126 = arith.minsi %parallel_loop3A_115, %parallel_loop3A_125 : vector<16xi32>
        %parallel_loop3A_127 = arith.constant 1000 : i32
        %parallel_loop3A_128 = vector.broadcast %parallel_loop3A_127 : i32 to vector<16xi32>
        %parallel_loop3A_129 = arith.minsi %parallel_loop3A_121, %parallel_loop3A_128 : vector<16xi32>
        %parallel_loop3A_130 = arith.constant 0 : i32
        %parallel_loop3A_131 = vector.broadcast %parallel_loop3A_130 : i32 to vector<16xi32>
        %parallel_loop3A_132 = arith.addi %parallel_loop3A_126, %parallel_loop3A_131 : vector<16xi32>
        %parallel_loop3A_133 = tpu.vector_load_idx %arg7[%parallel_loop3A_132] : memref<16128xi32, #tpu.memory_space<vmem>>[vector<16xi32>], vector<16xi32>,
        %parallel_loop3A_134 = arith.constant 0 : i32
        %parallel_loop3A_135 = vector.broadcast %parallel_loop3A_134 : i32 to vector<16xi32>
        %parallel_loop3A_136 = arith.addi %parallel_loop3A_129, %parallel_loop3A_135 : vector<16xi32>
        %parallel_loop3A_137 = tpu.vector_load_idx %arg8[%parallel_loop3A_136] : memref<16128xi32, #tpu.memory_space<vmem>>[vector<16xi32>], vector<16xi32>,
        %parallel_loop3A_138 = arith.constant 16 : i32
        %parallel_loop3A_139 = vector.broadcast %parallel_loop3A_138 : i32 to vector<16xi32>
        %parallel_loop3A_140 = arith.shli %parallel_loop3A_133, %parallel_loop3A_139 : vector<16xi32>
        %parallel_loop3A_141 = vector.bitcast %parallel_loop3A_140 : vector<16xi32> to vector<16xf32>
        %parallel_loop3A_142 = arith.constant -65536 : i32
        %parallel_loop3A_143 = vector.broadcast %parallel_loop3A_142 : i32 to vector<16xi32>
        %parallel_loop3A_144 = arith.andi %parallel_loop3A_133, %parallel_loop3A_143 : vector<16xi32>
        %parallel_loop3A_145 = vector.bitcast %parallel_loop3A_144 : vector<16xi32> to vector<16xf32>
        %parallel_loop3A_146 = arith.constant 16 : i32
        %parallel_loop3A_147 = vector.broadcast %parallel_loop3A_146 : i32 to vector<16xi32>
        %parallel_loop3A_148 = arith.shli %parallel_loop3A_137, %parallel_loop3A_147 : vector<16xi32>
        %parallel_loop3A_149 = vector.bitcast %parallel_loop3A_148 : vector<16xi32> to vector<16xf32>
        %parallel_loop3A_150 = arith.constant -65536 : i32
        %parallel_loop3A_151 = vector.broadcast %parallel_loop3A_150 : i32 to vector<16xi32>
        %parallel_loop3A_152 = arith.andi %parallel_loop3A_137, %parallel_loop3A_151 : vector<16xi32>
        %parallel_loop3A_153 = vector.bitcast %parallel_loop3A_152 : vector<16xi32> to vector<16xf32>
        %parallel_loop3A_154 = arith.mulf %parallel_loop3A_117, %parallel_loop3A_145 : vector<16xf32>
        %parallel_loop3A_155 = arith.addf %parallel_loop3A_141, %parallel_loop3A_154 : vector<16xf32>
        %parallel_loop3A_156 = arith.mulf %parallel_loop3A_123, %parallel_loop3A_153 : vector<16xf32>
        %parallel_loop3A_157 = arith.addf %parallel_loop3A_149, %parallel_loop3A_156 : vector<16xf32>
        %parallel_loop3A_158 = arith.mulf %parallel_loop3A_155, %parallel_loop3A_157 : vector<16xf32>
        %parallel_loop3A_159 = arith.constant 16 : i32
        %parallel_loop3A_160 = arith.muli %parallel_loop3A_105, %parallel_loop3A_159 : i32
        %parallel_loop3A_161 = arith.constant 0 : i32
        %parallel_loop3A_162 = arith.index_cast %parallel_loop3A_161 : i32 to index
        %parallel_loop3A_163 = arith.index_cast %parallel_loop3A_160 : i32 to index
        %parallel_loop3A_164 = tpu.vector_load %arg12[%parallel_loop3A_162, %parallel_loop3A_163] {strides = array<i32>} : memref<16x128xf32, #tpu.memory_space<vmem>>, vector<16xf32>,
        tpu.vector_store %arg12[%parallel_loop3A_162, %parallel_loop3A_163], %parallel_loop3A_158 {strides = array<i32>} : memref<16x128xf32, #tpu.memory_space<vmem>>, vector<16xf32>,
        %parallel_loop3A_165 = arith.constant 1008 : i32
        %parallel_loop3A_166 = vector.broadcast %parallel_loop3A_165 : i32 to vector<16xi32>
        %parallel_loop3A_167 = arith.addi %parallel_loop3A_126, %parallel_loop3A_166 : vector<16xi32>
        %parallel_loop3A_168 = tpu.vector_load_idx %arg7[%parallel_loop3A_167] : memref<16128xi32, #tpu.memory_space<vmem>>[vector<16xi32>], vector<16xi32>,
        %parallel_loop3A_169 = arith.constant 1008 : i32
        %parallel_loop3A_170 = vector.broadcast %parallel_loop3A_169 : i32 to vector<16xi32>
        %parallel_loop3A_171 = arith.addi %parallel_loop3A_129, %parallel_loop3A_170 : vector<16xi32>
        %parallel_loop3A_172 = tpu.vector_load_idx %arg8[%parallel_loop3A_171] : memref<16128xi32, #tpu.memory_space<vmem>>[vector<16xi32>], vector<16xi32>,
        %parallel_loop3A_173 = arith.constant 16 : i32
        %parallel_loop3A_174 = vector.broadcast %parallel_loop3A_173 : i32 to vector<16xi32>
        %parallel_loop3A_175 = arith.shli %parallel_loop3A_168, %parallel_loop3A_174 : vector<16xi32>
        %parallel_loop3A_176 = vector.bitcast %parallel_loop3A_175 : vector<16xi32> to vector<16xf32>
        %parallel_loop3A_177 = arith.constant -65536 : i32
        %parallel_loop3A_178 = vector.broadcast %parallel_loop3A_177 : i32 to vector<16xi32>
        %parallel_loop3A_179 = arith.andi %parallel_loop3A_168, %parallel_loop3A_178 : vector<16xi32>
        %parallel_loop3A_180 = vector.bitcast %parallel_loop3A_179 : vector<16xi32> to vector<16xf32>
        %parallel_loop3A_181 = arith.constant 16 : i32
        %parallel_loop3A_182 = vector.broadcast %parallel_loop3A_181 : i32 to vector<16xi32>
        %parallel_loop3A_183 = arith.shli %parallel_loop3A_172, %parallel_loop3A_182 : vector<16xi32>
        %parallel_loop3A_184 = vector.bitcast %parallel_loop3A_183 : vector<16xi32> to vector<16xf32>
        %parallel_loop3A_185 = arith.constant -65536 : i32
        %parallel_loop3A_186 = vector.broadcast %parallel_loop3A_185 : i32 to vector<16xi32>
        %parallel_loop3A_187 = arith.andi %parallel_loop3A_172, %parallel_loop3A_186 : vector<16xi32>
        %parallel_loop3A_188 = vector.bitcast %parallel_loop3A_187 : vector<16xi32> to vector<16xf32>
        %parallel_loop3A_189 = arith.mulf %parallel_loop3A_117, %parallel_loop3A_180 : vector<16xf32>
        %parallel_loop3A_190 = arith.addf %parallel_loop3A_176, %parallel_loop3A_189 : vector<16xf32>
        %parallel_loop3A_191 = arith.mulf %parallel_loop3A_123, %parallel_loop3A_188 : vector<16xf32>
        %parallel_loop3A_192 = arith.addf %parallel_loop3A_184, %parallel_loop3A_191 : vector<16xf32>
        %parallel_loop3A_193 = arith.mulf %parallel_loop3A_190, %parallel_loop3A_192 : vector<16xf32>
        %parallel_loop3A_194 = arith.constant 16 : i32
        %parallel_loop3A_195 = arith.muli %parallel_loop3A_105, %parallel_loop3A_194 : i32
        %parallel_loop3A_196 = arith.constant 1 : i32
        %parallel_loop3A_197 = arith.index_cast %parallel_loop3A_196 : i32 to index
        %parallel_loop3A_198 = arith.index_cast %parallel_loop3A_195 : i32 to index
        %parallel_loop3A_199 = tpu.vector_load %arg12[%parallel_loop3A_197, %parallel_loop3A_198] {strides = array<i32>} : memref<16x128xf32, #tpu.memory_space<vmem>>, vector<16xf32>,
        tpu.vector_store %arg12[%parallel_loop3A_197, %parallel_loop3A_198], %parallel_loop3A_193 {strides = array<i32>} : memref<16x128xf32, #tpu.memory_space<vmem>>, vector<16xf32>,
        %parallel_loop3A_200 = arith.constant 2016 : i32
        %parallel_loop3A_201 = vector.broadcast %parallel_loop3A_200 : i32 to vector<16xi32>
        %parallel_loop3A_202 = arith.addi %parallel_loop3A_126, %parallel_loop3A_201 : vector<16xi32>
        %parallel_loop3A_203 = tpu.vector_load_idx %arg7[%parallel_loop3A_202] : memref<16128xi32, #tpu.memory_space<vmem>>[vector<16xi32>], vector<16xi32>,
        %parallel_loop3A_204 = arith.constant 2016 : i32
        %parallel_loop3A_205 = vector.broadcast %parallel_loop3A_204 : i32 to vector<16xi32>
        %parallel_loop3A_206 = arith.addi %parallel_loop3A_129, %parallel_loop3A_205 : vector<16xi32>
        %parallel_loop3A_207 = tpu.vector_load_idx %arg8[%parallel_loop3A_206] : memref<16128xi32, #tpu.memory_space<vmem>>[vector<16xi32>], vector<16xi32>,
        %parallel_loop3A_208 = arith.constant 16 : i32
        %parallel_loop3A_209 = vector.broadcast %parallel_loop3A_208 : i32 to vector<16xi32>
        %parallel_loop3A_210 = arith.shli %parallel_loop3A_203, %parallel_loop3A_209 : vector<16xi32>
        %parallel_loop3A_211 = vector.bitcast %parallel_loop3A_210 : vector<16xi32> to vector<16xf32>
        %parallel_loop3A_212 = arith.constant -65536 : i32
        %parallel_loop3A_213 = vector.broadcast %parallel_loop3A_212 : i32 to vector<16xi32>
        %parallel_loop3A_214 = arith.andi %parallel_loop3A_203, %parallel_loop3A_213 : vector<16xi32>
        %parallel_loop3A_215 = vector.bitcast %parallel_loop3A_214 : vector<16xi32> to vector<16xf32>
        %parallel_loop3A_216 = arith.constant 16 : i32
        %parallel_loop3A_217 = vector.broadcast %parallel_loop3A_216 : i32 to vector<16xi32>
        %parallel_loop3A_218 = arith.shli %parallel_loop3A_207, %parallel_loop3A_217 : vector<16xi32>
        %parallel_loop3A_219 = vector.bitcast %parallel_loop3A_218 : vector<16xi32> to vector<16xf32>
        %parallel_loop3A_220 = arith.constant -65536 : i32
        %parallel_loop3A_221 = vector.broadcast %parallel_loop3A_220 : i32 to vector<16xi32>
        %parallel_loop3A_222 = arith.andi %parallel_loop3A_207, %parallel_loop3A_221 : vector<16xi32>
        %parallel_loop3A_223 = vector.bitcast %parallel_loop3A_222 : vector<16xi32> to vector<16xf32>
        %parallel_loop3A_224 = arith.mulf %parallel_loop3A_117, %parallel_loop3A_215 : vector<16xf32>
        %parallel_loop3A_225 = arith.addf %parallel_loop3A_211, %parallel_loop3A_224 : vector<16xf32>
        %parallel_loop3A_226 = arith.mulf %parallel_loop3A_123, %parallel_loop3A_223 : vector<16xf32>
        %parallel_loop3A_227 = arith.addf %parallel_loop3A_219, %parallel_loop3A_226 : vector<16xf32>
        %parallel_loop3A_228 = arith.mulf %parallel_loop3A_225, %parallel_loop3A_227 : vector<16xf32>
        %parallel_loop3A_229 = arith.constant 16 : i32
        %parallel_loop3A_230 = arith.muli %parallel_loop3A_105, %parallel_loop3A_229 : i32
        %parallel_loop3A_231 = arith.constant 2 : i32
        %parallel_loop3A_232 = arith.index_cast %parallel_loop3A_231 : i32 to index
        %parallel_loop3A_233 = arith.index_cast %parallel_loop3A_230 : i32 to index
        %parallel_loop3A_234 = tpu.vector_load %arg12[%parallel_loop3A_232, %parallel_loop3A_233] {strides = array<i32>} : memref<16x128xf32, #tpu.memory_space<vmem>>, vector<16xf32>,
        tpu.vector_store %arg12[%parallel_loop3A_232, %parallel_loop3A_233], %parallel_loop3A_228 {strides = array<i32>} : memref<16x128xf32, #tpu.memory_space<vmem>>, vector<16xf32>,
        %parallel_loop3A_235 = arith.constant 3024 : i32
        %parallel_loop3A_236 = vector.broadcast %parallel_loop3A_235 : i32 to vector<16xi32>
        %parallel_loop3A_237 = arith.addi %parallel_loop3A_126, %parallel_loop3A_236 : vector<16xi32>
        %parallel_loop3A_238 = tpu.vector_load_idx %arg7[%parallel_loop3A_237] : memref<16128xi32, #tpu.memory_space<vmem>>[vector<16xi32>], vector<16xi32>,
        %parallel_loop3A_239 = arith.constant 3024 : i32
        %parallel_loop3A_240 = vector.broadcast %parallel_loop3A_239 : i32 to vector<16xi32>
        %parallel_loop3A_241 = arith.addi %parallel_loop3A_129, %parallel_loop3A_240 : vector<16xi32>
        %parallel_loop3A_242 = tpu.vector_load_idx %arg8[%parallel_loop3A_241] : memref<16128xi32, #tpu.memory_space<vmem>>[vector<16xi32>], vector<16xi32>,
        %parallel_loop3A_243 = arith.constant 16 : i32
        %parallel_loop3A_244 = vector.broadcast %parallel_loop3A_243 : i32 to vector<16xi32>
        %parallel_loop3A_245 = arith.shli %parallel_loop3A_238, %parallel_loop3A_244 : vector<16xi32>
        %parallel_loop3A_246 = vector.bitcast %parallel_loop3A_245 : vector<16xi32> to vector<16xf32>
        %parallel_loop3A_247 = arith.constant -65536 : i32
        %parallel_loop3A_248 = vector.broadcast %parallel_loop3A_247 : i32 to vector<16xi32>
        %parallel_loop3A_249 = arith.andi %parallel_loop3A_238, %parallel_loop3A_248 : vector<16xi32>
        %parallel_loop3A_250 = vector.bitcast %parallel_loop3A_249 : vector<16xi32> to vector<16xf32>
        %parallel_loop3A_251 = arith.constant 16 : i32
        %parallel_loop3A_252 = vector.broadcast %parallel_loop3A_251 : i32 to vector<16xi32>
        %parallel_loop3A_253 = arith.shli %parallel_loop3A_242, %parallel_loop3A_252 : vector<16xi32>
        %parallel_loop3A_254 = vector.bitcast %parallel_loop3A_253 : vector<16xi32> to vector<16xf32>
        %parallel_loop3A_255 = arith.constant -65536 : i32
        %parallel_loop3A_256 = vector.broadcast %parallel_loop3A_255 : i32 to vector<16xi32>
        %parallel_loop3A_257 = arith.andi %parallel_loop3A_242, %parallel_loop3A_256 : vector<16xi32>
        %parallel_loop3A_258 = vector.bitcast %parallel_loop3A_257 : vector<16xi32> to vector<16xf32>
        %parallel_loop3A_259 = arith.mulf %parallel_loop3A_117, %parallel_loop3A_250 : vector<16xf32>
        %parallel_loop3A_260 = arith.addf %parallel_loop3A_246, %parallel_loop3A_259 : vector<16xf32>
        %parallel_loop3A_261 = arith.mulf %parallel_loop3A_123, %parallel_loop3A_258 : vector<16xf32>
        %parallel_loop3A_262 = arith.addf %parallel_loop3A_254, %parallel_loop3A_261 : vector<16xf32>
        %parallel_loop3A_263 = arith.mulf %parallel_loop3A_260, %parallel_loop3A_262 : vector<16xf32>
        %parallel_loop3A_264 = arith.constant 16 : i32
        %parallel_loop3A_265 = arith.muli %parallel_loop3A_105, %parallel_loop3A_264 : i32
        %parallel_loop3A_266 = arith.constant 3 : i32
        %parallel_loop3A_267 = arith.index_cast %parallel_loop3A_266 : i32 to index
        %parallel_loop3A_268 = arith.index_cast %parallel_loop3A_265 : i32 to index
        %parallel_loop3A_269 = tpu.vector_load %arg12[%parallel_loop3A_267, %parallel_loop3A_268] {strides = array<i32>} : memref<16x128xf32, #tpu.memory_space<vmem>>, vector<16xf32>,
        tpu.vector_store %arg12[%parallel_loop3A_267, %parallel_loop3A_268], %parallel_loop3A_263 {strides = array<i32>} : memref<16x128xf32, #tpu.memory_space<vmem>>, vector<16xf32>,
        %parallel_loop3A_270 = arith.constant 4032 : i32
        %parallel_loop3A_271 = vector.broadcast %parallel_loop3A_270 : i32 to vector<16xi32>
        %parallel_loop3A_272 = arith.addi %parallel_loop3A_126, %parallel_loop3A_271 : vector<16xi32>
        %parallel_loop3A_273 = tpu.vector_load_idx %arg7[%parallel_loop3A_272] : memref<16128xi32, #tpu.memory_space<vmem>>[vector<16xi32>], vector<16xi32>,
        %parallel_loop3A_274 = arith.constant 4032 : i32
        %parallel_loop3A_275 = vector.broadcast %parallel_loop3A_274 : i32 to vector<16xi32>
        %parallel_loop3A_276 = arith.addi %parallel_loop3A_129, %parallel_loop3A_275 : vector<16xi32>
        %parallel_loop3A_277 = tpu.vector_load_idx %arg8[%parallel_loop3A_276] : memref<16128xi32, #tpu.memory_space<vmem>>[vector<16xi32>], vector<16xi32>,
        %parallel_loop3A_278 = arith.constant 16 : i32
        %parallel_loop3A_279 = vector.broadcast %parallel_loop3A_278 : i32 to vector<16xi32>
        %parallel_loop3A_280 = arith.shli %parallel_loop3A_273, %parallel_loop3A_279 : vector<16xi32>
        %parallel_loop3A_281 = vector.bitcast %parallel_loop3A_280 : vector<16xi32> to vector<16xf32>
        %parallel_loop3A_282 = arith.constant -65536 : i32
        %parallel_loop3A_283 = vector.broadcast %parallel_loop3A_282 : i32 to vector<16xi32>
        %parallel_loop3A_284 = arith.andi %parallel_loop3A_273, %parallel_loop3A_283 : vector<16xi32>
        %parallel_loop3A_285 = vector.bitcast %parallel_loop3A_284 : vector<16xi32> to vector<16xf32>
        %parallel_loop3A_286 = arith.constant 16 : i32
        %parallel_loop3A_287 = vector.broadcast %parallel_loop3A_286 : i32 to vector<16xi32>
        %parallel_loop3A_288 = arith.shli %parallel_loop3A_277, %parallel_loop3A_287 : vector<16xi32>
        %parallel_loop3A_289 = vector.bitcast %parallel_loop3A_288 : vector<16xi32> to vector<16xf32>
        %parallel_loop3A_290 = arith.constant -65536 : i32
        %parallel_loop3A_291 = vector.broadcast %parallel_loop3A_290 : i32 to vector<16xi32>
        %parallel_loop3A_292 = arith.andi %parallel_loop3A_277, %parallel_loop3A_291 : vector<16xi32>
        %parallel_loop3A_293 = vector.bitcast %parallel_loop3A_292 : vector<16xi32> to vector<16xf32>
        %parallel_loop3A_294 = arith.mulf %parallel_loop3A_117, %parallel_loop3A_285 : vector<16xf32>
        %parallel_loop3A_295 = arith.addf %parallel_loop3A_281, %parallel_loop3A_294 : vector<16xf32>
        %parallel_loop3A_296 = arith.mulf %parallel_loop3A_123, %parallel_loop3A_293 : vector<16xf32>
        %parallel_loop3A_297 = arith.addf %parallel_loop3A_289, %parallel_loop3A_296 : vector<16xf32>
        %parallel_loop3A_298 = arith.mulf %parallel_loop3A_295, %parallel_loop3A_297 : vector<16xf32>
        %parallel_loop3A_299 = arith.constant 16 : i32
        %parallel_loop3A_300 = arith.muli %parallel_loop3A_105, %parallel_loop3A_299 : i32
        %parallel_loop3A_301 = arith.constant 4 : i32
        %parallel_loop3A_302 = arith.index_cast %parallel_loop3A_301 : i32 to index
        %parallel_loop3A_303 = arith.index_cast %parallel_loop3A_300 : i32 to index
        %parallel_loop3A_304 = tpu.vector_load %arg12[%parallel_loop3A_302, %parallel_loop3A_303] {strides = array<i32>} : memref<16x128xf32, #tpu.memory_space<vmem>>, vector<16xf32>,
        tpu.vector_store %arg12[%parallel_loop3A_302, %parallel_loop3A_303], %parallel_loop3A_298 {strides = array<i32>} : memref<16x128xf32, #tpu.memory_space<vmem>>, vector<16xf32>,
        %parallel_loop3A_305 = arith.constant 5040 : i32
        %parallel_loop3A_306 = vector.broadcast %parallel_loop3A_305 : i32 to vector<16xi32>
        %parallel_loop3A_307 = arith.addi %parallel_loop3A_126, %parallel_loop3A_306 : vector<16xi32>
        %parallel_loop3A_308 = tpu.vector_load_idx %arg7[%parallel_loop3A_307] : memref<16128xi32, #tpu.memory_space<vmem>>[vector<16xi32>], vector<16xi32>,
        %parallel_loop3A_309 = arith.constant 5040 : i32
        %parallel_loop3A_310 = vector.broadcast %parallel_loop3A_309 : i32 to vector<16xi32>
        %parallel_loop3A_311 = arith.addi %parallel_loop3A_129, %parallel_loop3A_310 : vector<16xi32>
        %parallel_loop3A_312 = tpu.vector_load_idx %arg8[%parallel_loop3A_311] : memref<16128xi32, #tpu.memory_space<vmem>>[vector<16xi32>], vector<16xi32>,
        %parallel_loop3A_313 = arith.constant 16 : i32
        %parallel_loop3A_314 = vector.broadcast %parallel_loop3A_313 : i32 to vector<16xi32>
        %parallel_loop3A_315 = arith.shli %parallel_loop3A_308, %parallel_loop3A_314 : vector<16xi32>
        %parallel_loop3A_316 = vector.bitcast %parallel_loop3A_315 : vector<16xi32> to vector<16xf32>
        %parallel_loop3A_317 = arith.constant -65536 : i32
        %parallel_loop3A_318 = vector.broadcast %parallel_loop3A_317 : i32 to vector<16xi32>
        %parallel_loop3A_319 = arith.andi %parallel_loop3A_308, %parallel_loop3A_318 : vector<16xi32>
        %parallel_loop3A_320 = vector.bitcast %parallel_loop3A_319 : vector<16xi32> to vector<16xf32>
        %parallel_loop3A_321 = arith.constant 16 : i32
        %parallel_loop3A_322 = vector.broadcast %parallel_loop3A_321 : i32 to vector<16xi32>
        %parallel_loop3A_323 = arith.shli %parallel_loop3A_312, %parallel_loop3A_322 : vector<16xi32>
        %parallel_loop3A_324 = vector.bitcast %parallel_loop3A_323 : vector<16xi32> to vector<16xf32>
        %parallel_loop3A_325 = arith.constant -65536 : i32
        %parallel_loop3A_326 = vector.broadcast %parallel_loop3A_325 : i32 to vector<16xi32>
        %parallel_loop3A_327 = arith.andi %parallel_loop3A_312, %parallel_loop3A_326 : vector<16xi32>
        %parallel_loop3A_328 = vector.bitcast %parallel_loop3A_327 : vector<16xi32> to vector<16xf32>
        %parallel_loop3A_329 = arith.mulf %parallel_loop3A_117, %parallel_loop3A_320 : vector<16xf32>
        %parallel_loop3A_330 = arith.addf %parallel_loop3A_316, %parallel_loop3A_329 : vector<16xf32>
        %parallel_loop3A_331 = arith.mulf %parallel_loop3A_123, %parallel_loop3A_328 : vector<16xf32>
        %parallel_loop3A_332 = arith.addf %parallel_loop3A_324, %parallel_loop3A_331 : vector<16xf32>
        %parallel_loop3A_333 = arith.mulf %parallel_loop3A_330, %parallel_loop3A_332 : vector<16xf32>
        %parallel_loop3A_334 = arith.constant 16 : i32
        %parallel_loop3A_335 = arith.muli %parallel_loop3A_105, %parallel_loop3A_334 : i32
        %parallel_loop3A_336 = arith.constant 5 : i32
        %parallel_loop3A_337 = arith.index_cast %parallel_loop3A_336 : i32 to index
        %parallel_loop3A_338 = arith.index_cast %parallel_loop3A_335 : i32 to index
        %parallel_loop3A_339 = tpu.vector_load %arg12[%parallel_loop3A_337, %parallel_loop3A_338] {strides = array<i32>} : memref<16x128xf32, #tpu.memory_space<vmem>>, vector<16xf32>,
        tpu.vector_store %arg12[%parallel_loop3A_337, %parallel_loop3A_338], %parallel_loop3A_333 {strides = array<i32>} : memref<16x128xf32, #tpu.memory_space<vmem>>, vector<16xf32>,
        %parallel_loop3A_340 = arith.constant 6048 : i32
        %parallel_loop3A_341 = vector.broadcast %parallel_loop3A_340 : i32 to vector<16xi32>
        %parallel_loop3A_342 = arith.addi %parallel_loop3A_126, %parallel_loop3A_341 : vector<16xi32>
        %parallel_loop3A_343 = tpu.vector_load_idx %arg7[%parallel_loop3A_342] : memref<16128xi32, #tpu.memory_space<vmem>>[vector<16xi32>], vector<16xi32>,
        %parallel_loop3A_344 = arith.constant 6048 : i32
        %parallel_loop3A_345 = vector.broadcast %parallel_loop3A_344 : i32 to vector<16xi32>
        %parallel_loop3A_346 = arith.addi %parallel_loop3A_129, %parallel_loop3A_345 : vector<16xi32>
        %parallel_loop3A_347 = tpu.vector_load_idx %arg8[%parallel_loop3A_346] : memref<16128xi32, #tpu.memory_space<vmem>>[vector<16xi32>], vector<16xi32>,
        %parallel_loop3A_348 = arith.constant 16 : i32
        %parallel_loop3A_349 = vector.broadcast %parallel_loop3A_348 : i32 to vector<16xi32>
        %parallel_loop3A_350 = arith.shli %parallel_loop3A_343, %parallel_loop3A_349 : vector<16xi32>
        %parallel_loop3A_351 = vector.bitcast %parallel_loop3A_350 : vector<16xi32> to vector<16xf32>
        %parallel_loop3A_352 = arith.constant -65536 : i32
        %parallel_loop3A_353 = vector.broadcast %parallel_loop3A_352 : i32 to vector<16xi32>
        %parallel_loop3A_354 = arith.andi %parallel_loop3A_343, %parallel_loop3A_353 : vector<16xi32>
        %parallel_loop3A_355 = vector.bitcast %parallel_loop3A_354 : vector<16xi32> to vector<16xf32>
        %parallel_loop3A_356 = arith.constant 16 : i32
        %parallel_loop3A_357 = vector.broadcast %parallel_loop3A_356 : i32 to vector<16xi32>
        %parallel_loop3A_358 = arith.shli %parallel_loop3A_347, %parallel_loop3A_357 : vector<16xi32>
        %parallel_loop3A_359 = vector.bitcast %parallel_loop3A_358 : vector<16xi32> to vector<16xf32>
        %parallel_loop3A_360 = arith.constant -65536 : i32
        %parallel_loop3A_361 = vector.broadcast %parallel_loop3A_360 : i32 to vector<16xi32>
        %parallel_loop3A_362 = arith.andi %parallel_loop3A_347, %parallel_loop3A_361 : vector<16xi32>
        %parallel_loop3A_363 = vector.bitcast %parallel_loop3A_362 : vector<16xi32> to vector<16xf32>
        %parallel_loop3A_364 = arith.mulf %parallel_loop3A_117, %parallel_loop3A_355 : vector<16xf32>
        %parallel_loop3A_365 = arith.addf %parallel_loop3A_351, %parallel_loop3A_364 : vector<16xf32>
        %parallel_loop3A_366 = arith.mulf %parallel_loop3A_123, %parallel_loop3A_363 : vector<16xf32>
        %parallel_loop3A_367 = arith.addf %parallel_loop3A_359, %parallel_loop3A_366 : vector<16xf32>
        %parallel_loop3A_368 = arith.mulf %parallel_loop3A_365, %parallel_loop3A_367 : vector<16xf32>
        %parallel_loop3A_369 = arith.constant 16 : i32
        %parallel_loop3A_370 = arith.muli %parallel_loop3A_105, %parallel_loop3A_369 : i32
        %parallel_loop3A_371 = arith.constant 6 : i32
        %parallel_loop3A_372 = arith.index_cast %parallel_loop3A_371 : i32 to index
        %parallel_loop3A_373 = arith.index_cast %parallel_loop3A_370 : i32 to index
        %parallel_loop3A_374 = tpu.vector_load %arg12[%parallel_loop3A_372, %parallel_loop3A_373] {strides = array<i32>} : memref<16x128xf32, #tpu.memory_space<vmem>>, vector<16xf32>,
        tpu.vector_store %arg12[%parallel_loop3A_372, %parallel_loop3A_373], %parallel_loop3A_368 {strides = array<i32>} : memref<16x128xf32, #tpu.memory_space<vmem>>, vector<16xf32>,
        %parallel_loop3A_375 = arith.constant 7056 : i32
        %parallel_loop3A_376 = vector.broadcast %parallel_loop3A_375 : i32 to vector<16xi32>
        %parallel_loop3A_377 = arith.addi %parallel_loop3A_126, %parallel_loop3A_376 : vector<16xi32>
        %parallel_loop3A_378 = tpu.vector_load_idx %arg7[%parallel_loop3A_377] : memref<16128xi32, #tpu.memory_space<vmem>>[vector<16xi32>], vector<16xi32>,
        %parallel_loop3A_379 = arith.constant 7056 : i32
        %parallel_loop3A_380 = vector.broadcast %parallel_loop3A_379 : i32 to vector<16xi32>
        %parallel_loop3A_381 = arith.addi %parallel_loop3A_129, %parallel_loop3A_380 : vector<16xi32>
        %parallel_loop3A_382 = tpu.vector_load_idx %arg8[%parallel_loop3A_381] : memref<16128xi32, #tpu.memory_space<vmem>>[vector<16xi32>], vector<16xi32>,
        %parallel_loop3A_383 = arith.constant 16 : i32
        %parallel_loop3A_384 = vector.broadcast %parallel_loop3A_383 : i32 to vector<16xi32>
        %parallel_loop3A_385 = arith.shli %parallel_loop3A_378, %parallel_loop3A_384 : vector<16xi32>
        %parallel_loop3A_386 = vector.bitcast %parallel_loop3A_385 : vector<16xi32> to vector<16xf32>
        %parallel_loop3A_387 = arith.constant -65536 : i32
        %parallel_loop3A_388 = vector.broadcast %parallel_loop3A_387 : i32 to vector<16xi32>
        %parallel_loop3A_389 = arith.andi %parallel_loop3A_378, %parallel_loop3A_388 : vector<16xi32>
        %parallel_loop3A_390 = vector.bitcast %parallel_loop3A_389 : vector<16xi32> to vector<16xf32>
        %parallel_loop3A_391 = arith.constant 16 : i32
        %parallel_loop3A_392 = vector.broadcast %parallel_loop3A_391 : i32 to vector<16xi32>
        %parallel_loop3A_393 = arith.shli %parallel_loop3A_382, %parallel_loop3A_392 : vector<16xi32>
        %parallel_loop3A_394 = vector.bitcast %parallel_loop3A_393 : vector<16xi32> to vector<16xf32>
        %parallel_loop3A_395 = arith.constant -65536 : i32
        %parallel_loop3A_396 = vector.broadcast %parallel_loop3A_395 : i32 to vector<16xi32>
        %parallel_loop3A_397 = arith.andi %parallel_loop3A_382, %parallel_loop3A_396 : vector<16xi32>
        %parallel_loop3A_398 = vector.bitcast %parallel_loop3A_397 : vector<16xi32> to vector<16xf32>
        %parallel_loop3A_399 = arith.mulf %parallel_loop3A_117, %parallel_loop3A_390 : vector<16xf32>
        %parallel_loop3A_400 = arith.addf %parallel_loop3A_386, %parallel_loop3A_399 : vector<16xf32>
        %parallel_loop3A_401 = arith.mulf %parallel_loop3A_123, %parallel_loop3A_398 : vector<16xf32>
        %parallel_loop3A_402 = arith.addf %parallel_loop3A_394, %parallel_loop3A_401 : vector<16xf32>
        %parallel_loop3A_403 = arith.mulf %parallel_loop3A_400, %parallel_loop3A_402 : vector<16xf32>
        %parallel_loop3A_404 = arith.constant 16 : i32
        %parallel_loop3A_405 = arith.muli %parallel_loop3A_105, %parallel_loop3A_404 : i32
        %parallel_loop3A_406 = arith.constant 7 : i32
        %parallel_loop3A_407 = arith.index_cast %parallel_loop3A_406 : i32 to index
        %parallel_loop3A_408 = arith.index_cast %parallel_loop3A_405 : i32 to index
        %parallel_loop3A_409 = tpu.vector_load %arg12[%parallel_loop3A_407, %parallel_loop3A_408] {strides = array<i32>} : memref<16x128xf32, #tpu.memory_space<vmem>>, vector<16xf32>,
        tpu.vector_store %arg12[%parallel_loop3A_407, %parallel_loop3A_408], %parallel_loop3A_403 {strides = array<i32>} : memref<16x128xf32, #tpu.memory_space<vmem>>, vector<16xf32>,
        %parallel_loop3A_410 = arith.constant 8064 : i32
        %parallel_loop3A_411 = vector.broadcast %parallel_loop3A_410 : i32 to vector<16xi32>
        %parallel_loop3A_412 = arith.addi %parallel_loop3A_126, %parallel_loop3A_411 : vector<16xi32>
        %parallel_loop3A_413 = tpu.vector_load_idx %arg7[%parallel_loop3A_412] : memref<16128xi32, #tpu.memory_space<vmem>>[vector<16xi32>], vector<16xi32>,
        %parallel_loop3A_414 = arith.constant 8064 : i32
        %parallel_loop3A_415 = vector.broadcast %parallel_loop3A_414 : i32 to vector<16xi32>
        %parallel_loop3A_416 = arith.addi %parallel_loop3A_129, %parallel_loop3A_415 : vector<16xi32>
        %parallel_loop3A_417 = tpu.vector_load_idx %arg8[%parallel_loop3A_416] : memref<16128xi32, #tpu.memory_space<vmem>>[vector<16xi32>], vector<16xi32>,
        %parallel_loop3A_418 = arith.constant 16 : i32
        %parallel_loop3A_419 = vector.broadcast %parallel_loop3A_418 : i32 to vector<16xi32>
        %parallel_loop3A_420 = arith.shli %parallel_loop3A_413, %parallel_loop3A_419 : vector<16xi32>
        %parallel_loop3A_421 = vector.bitcast %parallel_loop3A_420 : vector<16xi32> to vector<16xf32>
        %parallel_loop3A_422 = arith.constant -65536 : i32
        %parallel_loop3A_423 = vector.broadcast %parallel_loop3A_422 : i32 to vector<16xi32>
        %parallel_loop3A_424 = arith.andi %parallel_loop3A_413, %parallel_loop3A_423 : vector<16xi32>
        %parallel_loop3A_425 = vector.bitcast %parallel_loop3A_424 : vector<16xi32> to vector<16xf32>
        %parallel_loop3A_426 = arith.constant 16 : i32
        %parallel_loop3A_427 = vector.broadcast %parallel_loop3A_426 : i32 to vector<16xi32>
        %parallel_loop3A_428 = arith.shli %parallel_loop3A_417, %parallel_loop3A_427 : vector<16xi32>
        %parallel_loop3A_429 = vector.bitcast %parallel_loop3A_428 : vector<16xi32> to vector<16xf32>
        %parallel_loop3A_430 = arith.constant -65536 : i32
        %parallel_loop3A_431 = vector.broadcast %parallel_loop3A_430 : i32 to vector<16xi32>
        %parallel_loop3A_432 = arith.andi %parallel_loop3A_417, %parallel_loop3A_431 : vector<16xi32>
        %parallel_loop3A_433 = vector.bitcast %parallel_loop3A_432 : vector<16xi32> to vector<16xf32>
        %parallel_loop3A_434 = arith.mulf %parallel_loop3A_117, %parallel_loop3A_425 : vector<16xf32>
        %parallel_loop3A_435 = arith.addf %parallel_loop3A_421, %parallel_loop3A_434 : vector<16xf32>
        %parallel_loop3A_436 = arith.mulf %parallel_loop3A_123, %parallel_loop3A_433 : vector<16xf32>
        %parallel_loop3A_437 = arith.addf %parallel_loop3A_429, %parallel_loop3A_436 : vector<16xf32>
        %parallel_loop3A_438 = arith.mulf %parallel_loop3A_435, %parallel_loop3A_437 : vector<16xf32>
        %parallel_loop3A_439 = arith.constant 16 : i32
        %parallel_loop3A_440 = arith.muli %parallel_loop3A_105, %parallel_loop3A_439 : i32
        %parallel_loop3A_441 = arith.constant 8 : i32
        %parallel_loop3A_442 = arith.index_cast %parallel_loop3A_441 : i32 to index
        %parallel_loop3A_443 = arith.index_cast %parallel_loop3A_440 : i32 to index
        %parallel_loop3A_444 = tpu.vector_load %arg12[%parallel_loop3A_442, %parallel_loop3A_443] {strides = array<i32>} : memref<16x128xf32, #tpu.memory_space<vmem>>, vector<16xf32>,
        tpu.vector_store %arg12[%parallel_loop3A_442, %parallel_loop3A_443], %parallel_loop3A_438 {strides = array<i32>} : memref<16x128xf32, #tpu.memory_space<vmem>>, vector<16xf32>,
        %parallel_loop3A_445 = arith.constant 9072 : i32
        %parallel_loop3A_446 = vector.broadcast %parallel_loop3A_445 : i32 to vector<16xi32>
        %parallel_loop3A_447 = arith.addi %parallel_loop3A_126, %parallel_loop3A_446 : vector<16xi32>
        %parallel_loop3A_448 = tpu.vector_load_idx %arg7[%parallel_loop3A_447] : memref<16128xi32, #tpu.memory_space<vmem>>[vector<16xi32>], vector<16xi32>,
        %parallel_loop3A_449 = arith.constant 9072 : i32
        %parallel_loop3A_450 = vector.broadcast %parallel_loop3A_449 : i32 to vector<16xi32>
        %parallel_loop3A_451 = arith.addi %parallel_loop3A_129, %parallel_loop3A_450 : vector<16xi32>
        %parallel_loop3A_452 = tpu.vector_load_idx %arg8[%parallel_loop3A_451] : memref<16128xi32, #tpu.memory_space<vmem>>[vector<16xi32>], vector<16xi32>,
        %parallel_loop3A_453 = arith.constant 16 : i32
        %parallel_loop3A_454 = vector.broadcast %parallel_loop3A_453 : i32 to vector<16xi32>
        %parallel_loop3A_455 = arith.shli %parallel_loop3A_448, %parallel_loop3A_454 : vector<16xi32>
        %parallel_loop3A_456 = vector.bitcast %parallel_loop3A_455 : vector<16xi32> to vector<16xf32>
        %parallel_loop3A_457 = arith.constant -65536 : i32
        %parallel_loop3A_458 = vector.broadcast %parallel_loop3A_457 : i32 to vector<16xi32>
        %parallel_loop3A_459 = arith.andi %parallel_loop3A_448, %parallel_loop3A_458 : vector<16xi32>
        %parallel_loop3A_460 = vector.bitcast %parallel_loop3A_459 : vector<16xi32> to vector<16xf32>
        %parallel_loop3A_461 = arith.constant 16 : i32
        %parallel_loop3A_462 = vector.broadcast %parallel_loop3A_461 : i32 to vector<16xi32>
        %parallel_loop3A_463 = arith.shli %parallel_loop3A_452, %parallel_loop3A_462 : vector<16xi32>
        %parallel_loop3A_464 = vector.bitcast %parallel_loop3A_463 : vector<16xi32> to vector<16xf32>
        %parallel_loop3A_465 = arith.constant -65536 : i32
        %parallel_loop3A_466 = vector.broadcast %parallel_loop3A_465 : i32 to vector<16xi32>
        %parallel_loop3A_467 = arith.andi %parallel_loop3A_452, %parallel_loop3A_466 : vector<16xi32>
        %parallel_loop3A_468 = vector.bitcast %parallel_loop3A_467 : vector<16xi32> to vector<16xf32>
        %parallel_loop3A_469 = arith.mulf %parallel_loop3A_117, %parallel_loop3A_460 : vector<16xf32>
        %parallel_loop3A_470 = arith.addf %parallel_loop3A_456, %parallel_loop3A_469 : vector<16xf32>
        %parallel_loop3A_471 = arith.mulf %parallel_loop3A_123, %parallel_loop3A_468 : vector<16xf32>
        %parallel_loop3A_472 = arith.addf %parallel_loop3A_464, %parallel_loop3A_471 : vector<16xf32>
        %parallel_loop3A_473 = arith.mulf %parallel_loop3A_470, %parallel_loop3A_472 : vector<16xf32>
        %parallel_loop3A_474 = arith.constant 16 : i32
        %parallel_loop3A_475 = arith.muli %parallel_loop3A_105, %parallel_loop3A_474 : i32
        %parallel_loop3A_476 = arith.constant 9 : i32
        %parallel_loop3A_477 = arith.index_cast %parallel_loop3A_476 : i32 to index
        %parallel_loop3A_478 = arith.index_cast %parallel_loop3A_475 : i32 to index
        %parallel_loop3A_479 = tpu.vector_load %arg12[%parallel_loop3A_477, %parallel_loop3A_478] {strides = array<i32>} : memref<16x128xf32, #tpu.memory_space<vmem>>, vector<16xf32>,
        tpu.vector_store %arg12[%parallel_loop3A_477, %parallel_loop3A_478], %parallel_loop3A_473 {strides = array<i32>} : memref<16x128xf32, #tpu.memory_space<vmem>>, vector<16xf32>,
        %parallel_loop3A_480 = arith.constant 10080 : i32
        %parallel_loop3A_481 = vector.broadcast %parallel_loop3A_480 : i32 to vector<16xi32>
        %parallel_loop3A_482 = arith.addi %parallel_loop3A_126, %parallel_loop3A_481 : vector<16xi32>
        %parallel_loop3A_483 = tpu.vector_load_idx %arg7[%parallel_loop3A_482] : memref<16128xi32, #tpu.memory_space<vmem>>[vector<16xi32>], vector<16xi32>,
        %parallel_loop3A_484 = arith.constant 10080 : i32
        %parallel_loop3A_485 = vector.broadcast %parallel_loop3A_484 : i32 to vector<16xi32>
        %parallel_loop3A_486 = arith.addi %parallel_loop3A_129, %parallel_loop3A_485 : vector<16xi32>
        %parallel_loop3A_487 = tpu.vector_load_idx %arg8[%parallel_loop3A_486] : memref<16128xi32, #tpu.memory_space<vmem>>[vector<16xi32>], vector<16xi32>,
        %parallel_loop3A_488 = arith.constant 16 : i32
        %parallel_loop3A_489 = vector.broadcast %parallel_loop3A_488 : i32 to vector<16xi32>
        %parallel_loop3A_490 = arith.shli %parallel_loop3A_483, %parallel_loop3A_489 : vector<16xi32>
        %parallel_loop3A_491 = vector.bitcast %parallel_loop3A_490 : vector<16xi32> to vector<16xf32>
        %parallel_loop3A_492 = arith.constant -65536 : i32
        %parallel_loop3A_493 = vector.broadcast %parallel_loop3A_492 : i32 to vector<16xi32>
        %parallel_loop3A_494 = arith.andi %parallel_loop3A_483, %parallel_loop3A_493 : vector<16xi32>
        %parallel_loop3A_495 = vector.bitcast %parallel_loop3A_494 : vector<16xi32> to vector<16xf32>
        %parallel_loop3A_496 = arith.constant 16 : i32
        %parallel_loop3A_497 = vector.broadcast %parallel_loop3A_496 : i32 to vector<16xi32>
        %parallel_loop3A_498 = arith.shli %parallel_loop3A_487, %parallel_loop3A_497 : vector<16xi32>
        %parallel_loop3A_499 = vector.bitcast %parallel_loop3A_498 : vector<16xi32> to vector<16xf32>
        %parallel_loop3A_500 = arith.constant -65536 : i32
        %parallel_loop3A_501 = vector.broadcast %parallel_loop3A_500 : i32 to vector<16xi32>
        %parallel_loop3A_502 = arith.andi %parallel_loop3A_487, %parallel_loop3A_501 : vector<16xi32>
        %parallel_loop3A_503 = vector.bitcast %parallel_loop3A_502 : vector<16xi32> to vector<16xf32>
        %parallel_loop3A_504 = arith.mulf %parallel_loop3A_117, %parallel_loop3A_495 : vector<16xf32>
        %parallel_loop3A_505 = arith.addf %parallel_loop3A_491, %parallel_loop3A_504 : vector<16xf32>
        %parallel_loop3A_506 = arith.mulf %parallel_loop3A_123, %parallel_loop3A_503 : vector<16xf32>
        %parallel_loop3A_507 = arith.addf %parallel_loop3A_499, %parallel_loop3A_506 : vector<16xf32>
        %parallel_loop3A_508 = arith.mulf %parallel_loop3A_505, %parallel_loop3A_507 : vector<16xf32>
        %parallel_loop3A_509 = arith.constant 16 : i32
        %parallel_loop3A_510 = arith.muli %parallel_loop3A_105, %parallel_loop3A_509 : i32
        %parallel_loop3A_511 = arith.constant 10 : i32
        %parallel_loop3A_512 = arith.index_cast %parallel_loop3A_511 : i32 to index
        %parallel_loop3A_513 = arith.index_cast %parallel_loop3A_510 : i32 to index
        %parallel_loop3A_514 = tpu.vector_load %arg12[%parallel_loop3A_512, %parallel_loop3A_513] {strides = array<i32>} : memref<16x128xf32, #tpu.memory_space<vmem>>, vector<16xf32>,
        tpu.vector_store %arg12[%parallel_loop3A_512, %parallel_loop3A_513], %parallel_loop3A_508 {strides = array<i32>} : memref<16x128xf32, #tpu.memory_space<vmem>>, vector<16xf32>,
        %parallel_loop3A_515 = arith.constant 11088 : i32
        %parallel_loop3A_516 = vector.broadcast %parallel_loop3A_515 : i32 to vector<16xi32>
        %parallel_loop3A_517 = arith.addi %parallel_loop3A_126, %parallel_loop3A_516 : vector<16xi32>
        %parallel_loop3A_518 = tpu.vector_load_idx %arg7[%parallel_loop3A_517] : memref<16128xi32, #tpu.memory_space<vmem>>[vector<16xi32>], vector<16xi32>,
        %parallel_loop3A_519 = arith.constant 11088 : i32
        %parallel_loop3A_520 = vector.broadcast %parallel_loop3A_519 : i32 to vector<16xi32>
        %parallel_loop3A_521 = arith.addi %parallel_loop3A_129, %parallel_loop3A_520 : vector<16xi32>
        %parallel_loop3A_522 = tpu.vector_load_idx %arg8[%parallel_loop3A_521] : memref<16128xi32, #tpu.memory_space<vmem>>[vector<16xi32>], vector<16xi32>,
        %parallel_loop3A_523 = arith.constant 16 : i32
        %parallel_loop3A_524 = vector.broadcast %parallel_loop3A_523 : i32 to vector<16xi32>
        %parallel_loop3A_525 = arith.shli %parallel_loop3A_518, %parallel_loop3A_524 : vector<16xi32>
        %parallel_loop3A_526 = vector.bitcast %parallel_loop3A_525 : vector<16xi32> to vector<16xf32>
        %parallel_loop3A_527 = arith.constant -65536 : i32
        %parallel_loop3A_528 = vector.broadcast %parallel_loop3A_527 : i32 to vector<16xi32>
        %parallel_loop3A_529 = arith.andi %parallel_loop3A_518, %parallel_loop3A_528 : vector<16xi32>
        %parallel_loop3A_530 = vector.bitcast %parallel_loop3A_529 : vector<16xi32> to vector<16xf32>
        %parallel_loop3A_531 = arith.constant 16 : i32
        %parallel_loop3A_532 = vector.broadcast %parallel_loop3A_531 : i32 to vector<16xi32>
        %parallel_loop3A_533 = arith.shli %parallel_loop3A_522, %parallel_loop3A_532 : vector<16xi32>
        %parallel_loop3A_534 = vector.bitcast %parallel_loop3A_533 : vector<16xi32> to vector<16xf32>
        %parallel_loop3A_535 = arith.constant -65536 : i32
        %parallel_loop3A_536 = vector.broadcast %parallel_loop3A_535 : i32 to vector<16xi32>
        %parallel_loop3A_537 = arith.andi %parallel_loop3A_522, %parallel_loop3A_536 : vector<16xi32>
        %parallel_loop3A_538 = vector.bitcast %parallel_loop3A_537 : vector<16xi32> to vector<16xf32>
        %parallel_loop3A_539 = arith.mulf %parallel_loop3A_117, %parallel_loop3A_530 : vector<16xf32>
        %parallel_loop3A_540 = arith.addf %parallel_loop3A_526, %parallel_loop3A_539 : vector<16xf32>
        %parallel_loop3A_541 = arith.mulf %parallel_loop3A_123, %parallel_loop3A_538 : vector<16xf32>
        %parallel_loop3A_542 = arith.addf %parallel_loop3A_534, %parallel_loop3A_541 : vector<16xf32>
        %parallel_loop3A_543 = arith.mulf %parallel_loop3A_540, %parallel_loop3A_542 : vector<16xf32>
        %parallel_loop3A_544 = arith.constant 16 : i32
        %parallel_loop3A_545 = arith.muli %parallel_loop3A_105, %parallel_loop3A_544 : i32
        %parallel_loop3A_546 = arith.constant 11 : i32
        %parallel_loop3A_547 = arith.index_cast %parallel_loop3A_546 : i32 to index
        %parallel_loop3A_548 = arith.index_cast %parallel_loop3A_545 : i32 to index
        %parallel_loop3A_549 = tpu.vector_load %arg12[%parallel_loop3A_547, %parallel_loop3A_548] {strides = array<i32>} : memref<16x128xf32, #tpu.memory_space<vmem>>, vector<16xf32>,
        tpu.vector_store %arg12[%parallel_loop3A_547, %parallel_loop3A_548], %parallel_loop3A_543 {strides = array<i32>} : memref<16x128xf32, #tpu.memory_space<vmem>>, vector<16xf32>,
        %parallel_loop3A_550 = arith.constant 12096 : i32
        %parallel_loop3A_551 = vector.broadcast %parallel_loop3A_550 : i32 to vector<16xi32>
        %parallel_loop3A_552 = arith.addi %parallel_loop3A_126, %parallel_loop3A_551 : vector<16xi32>
        %parallel_loop3A_553 = tpu.vector_load_idx %arg7[%parallel_loop3A_552] : memref<16128xi32, #tpu.memory_space<vmem>>[vector<16xi32>], vector<16xi32>,
        %parallel_loop3A_554 = arith.constant 12096 : i32
        %parallel_loop3A_555 = vector.broadcast %parallel_loop3A_554 : i32 to vector<16xi32>
        %parallel_loop3A_556 = arith.addi %parallel_loop3A_129, %parallel_loop3A_555 : vector<16xi32>
        %parallel_loop3A_557 = tpu.vector_load_idx %arg8[%parallel_loop3A_556] : memref<16128xi32, #tpu.memory_space<vmem>>[vector<16xi32>], vector<16xi32>,
        %parallel_loop3A_558 = arith.constant 16 : i32
        %parallel_loop3A_559 = vector.broadcast %parallel_loop3A_558 : i32 to vector<16xi32>
        %parallel_loop3A_560 = arith.shli %parallel_loop3A_553, %parallel_loop3A_559 : vector<16xi32>
        %parallel_loop3A_561 = vector.bitcast %parallel_loop3A_560 : vector<16xi32> to vector<16xf32>
        %parallel_loop3A_562 = arith.constant -65536 : i32
        %parallel_loop3A_563 = vector.broadcast %parallel_loop3A_562 : i32 to vector<16xi32>
        %parallel_loop3A_564 = arith.andi %parallel_loop3A_553, %parallel_loop3A_563 : vector<16xi32>
        %parallel_loop3A_565 = vector.bitcast %parallel_loop3A_564 : vector<16xi32> to vector<16xf32>
        %parallel_loop3A_566 = arith.constant 16 : i32
        %parallel_loop3A_567 = vector.broadcast %parallel_loop3A_566 : i32 to vector<16xi32>
        %parallel_loop3A_568 = arith.shli %parallel_loop3A_557, %parallel_loop3A_567 : vector<16xi32>
        %parallel_loop3A_569 = vector.bitcast %parallel_loop3A_568 : vector<16xi32> to vector<16xf32>
        %parallel_loop3A_570 = arith.constant -65536 : i32
        %parallel_loop3A_571 = vector.broadcast %parallel_loop3A_570 : i32 to vector<16xi32>
        %parallel_loop3A_572 = arith.andi %parallel_loop3A_557, %parallel_loop3A_571 : vector<16xi32>
        %parallel_loop3A_573 = vector.bitcast %parallel_loop3A_572 : vector<16xi32> to vector<16xf32>
        %parallel_loop3A_574 = arith.mulf %parallel_loop3A_117, %parallel_loop3A_565 : vector<16xf32>
        %parallel_loop3A_575 = arith.addf %parallel_loop3A_561, %parallel_loop3A_574 : vector<16xf32>
        %parallel_loop3A_576 = arith.mulf %parallel_loop3A_123, %parallel_loop3A_573 : vector<16xf32>
        %parallel_loop3A_577 = arith.addf %parallel_loop3A_569, %parallel_loop3A_576 : vector<16xf32>
        %parallel_loop3A_578 = arith.mulf %parallel_loop3A_575, %parallel_loop3A_577 : vector<16xf32>
        %parallel_loop3A_579 = arith.constant 16 : i32
        %parallel_loop3A_580 = arith.muli %parallel_loop3A_105, %parallel_loop3A_579 : i32
        %parallel_loop3A_581 = arith.constant 12 : i32
        %parallel_loop3A_582 = arith.index_cast %parallel_loop3A_581 : i32 to index
        %parallel_loop3A_583 = arith.index_cast %parallel_loop3A_580 : i32 to index
        %parallel_loop3A_584 = tpu.vector_load %arg12[%parallel_loop3A_582, %parallel_loop3A_583] {strides = array<i32>} : memref<16x128xf32, #tpu.memory_space<vmem>>, vector<16xf32>,
        tpu.vector_store %arg12[%parallel_loop3A_582, %parallel_loop3A_583], %parallel_loop3A_578 {strides = array<i32>} : memref<16x128xf32, #tpu.memory_space<vmem>>, vector<16xf32>,
        %parallel_loop3A_585 = arith.constant 13104 : i32
        %parallel_loop3A_586 = vector.broadcast %parallel_loop3A_585 : i32 to vector<16xi32>
        %parallel_loop3A_587 = arith.addi %parallel_loop3A_126, %parallel_loop3A_586 : vector<16xi32>
        %parallel_loop3A_588 = tpu.vector_load_idx %arg7[%parallel_loop3A_587] : memref<16128xi32, #tpu.memory_space<vmem>>[vector<16xi32>], vector<16xi32>,
        %parallel_loop3A_589 = arith.constant 13104 : i32
        %parallel_loop3A_590 = vector.broadcast %parallel_loop3A_589 : i32 to vector<16xi32>
        %parallel_loop3A_591 = arith.addi %parallel_loop3A_129, %parallel_loop3A_590 : vector<16xi32>
        %parallel_loop3A_592 = tpu.vector_load_idx %arg8[%parallel_loop3A_591] : memref<16128xi32, #tpu.memory_space<vmem>>[vector<16xi32>], vector<16xi32>,
        %parallel_loop3A_593 = arith.constant 16 : i32
        %parallel_loop3A_594 = vector.broadcast %parallel_loop3A_593 : i32 to vector<16xi32>
        %parallel_loop3A_595 = arith.shli %parallel_loop3A_588, %parallel_loop3A_594 : vector<16xi32>
        %parallel_loop3A_596 = vector.bitcast %parallel_loop3A_595 : vector<16xi32> to vector<16xf32>
        %parallel_loop3A_597 = arith.constant -65536 : i32
        %parallel_loop3A_598 = vector.broadcast %parallel_loop3A_597 : i32 to vector<16xi32>
        %parallel_loop3A_599 = arith.andi %parallel_loop3A_588, %parallel_loop3A_598 : vector<16xi32>
        %parallel_loop3A_600 = vector.bitcast %parallel_loop3A_599 : vector<16xi32> to vector<16xf32>
        %parallel_loop3A_601 = arith.constant 16 : i32
        %parallel_loop3A_602 = vector.broadcast %parallel_loop3A_601 : i32 to vector<16xi32>
        %parallel_loop3A_603 = arith.shli %parallel_loop3A_592, %parallel_loop3A_602 : vector<16xi32>
        %parallel_loop3A_604 = vector.bitcast %parallel_loop3A_603 : vector<16xi32> to vector<16xf32>
        %parallel_loop3A_605 = arith.constant -65536 : i32
        %parallel_loop3A_606 = vector.broadcast %parallel_loop3A_605 : i32 to vector<16xi32>
        %parallel_loop3A_607 = arith.andi %parallel_loop3A_592, %parallel_loop3A_606 : vector<16xi32>
        %parallel_loop3A_608 = vector.bitcast %parallel_loop3A_607 : vector<16xi32> to vector<16xf32>
        %parallel_loop3A_609 = arith.mulf %parallel_loop3A_117, %parallel_loop3A_600 : vector<16xf32>
        %parallel_loop3A_610 = arith.addf %parallel_loop3A_596, %parallel_loop3A_609 : vector<16xf32>
        %parallel_loop3A_611 = arith.mulf %parallel_loop3A_123, %parallel_loop3A_608 : vector<16xf32>
        %parallel_loop3A_612 = arith.addf %parallel_loop3A_604, %parallel_loop3A_611 : vector<16xf32>
        %parallel_loop3A_613 = arith.mulf %parallel_loop3A_610, %parallel_loop3A_612 : vector<16xf32>
        %parallel_loop3A_614 = arith.constant 16 : i32
        %parallel_loop3A_615 = arith.muli %parallel_loop3A_105, %parallel_loop3A_614 : i32
        %parallel_loop3A_616 = arith.constant 13 : i32
        %parallel_loop3A_617 = arith.index_cast %parallel_loop3A_616 : i32 to index
        %parallel_loop3A_618 = arith.index_cast %parallel_loop3A_615 : i32 to index
        %parallel_loop3A_619 = tpu.vector_load %arg12[%parallel_loop3A_617, %parallel_loop3A_618] {strides = array<i32>} : memref<16x128xf32, #tpu.memory_space<vmem>>, vector<16xf32>,
        tpu.vector_store %arg12[%parallel_loop3A_617, %parallel_loop3A_618], %parallel_loop3A_613 {strides = array<i32>} : memref<16x128xf32, #tpu.memory_space<vmem>>, vector<16xf32>,
        %parallel_loop3A_620 = arith.constant 14112 : i32
        %parallel_loop3A_621 = vector.broadcast %parallel_loop3A_620 : i32 to vector<16xi32>
        %parallel_loop3A_622 = arith.addi %parallel_loop3A_126, %parallel_loop3A_621 : vector<16xi32>
        %parallel_loop3A_623 = tpu.vector_load_idx %arg7[%parallel_loop3A_622] : memref<16128xi32, #tpu.memory_space<vmem>>[vector<16xi32>], vector<16xi32>,
        %parallel_loop3A_624 = arith.constant 14112 : i32
        %parallel_loop3A_625 = vector.broadcast %parallel_loop3A_624 : i32 to vector<16xi32>
        %parallel_loop3A_626 = arith.addi %parallel_loop3A_129, %parallel_loop3A_625 : vector<16xi32>
        %parallel_loop3A_627 = tpu.vector_load_idx %arg8[%parallel_loop3A_626] : memref<16128xi32, #tpu.memory_space<vmem>>[vector<16xi32>], vector<16xi32>,
        %parallel_loop3A_628 = arith.constant 16 : i32
        %parallel_loop3A_629 = vector.broadcast %parallel_loop3A_628 : i32 to vector<16xi32>
        %parallel_loop3A_630 = arith.shli %parallel_loop3A_623, %parallel_loop3A_629 : vector<16xi32>
        %parallel_loop3A_631 = vector.bitcast %parallel_loop3A_630 : vector<16xi32> to vector<16xf32>
        %parallel_loop3A_632 = arith.constant -65536 : i32
        %parallel_loop3A_633 = vector.broadcast %parallel_loop3A_632 : i32 to vector<16xi32>
        %parallel_loop3A_634 = arith.andi %parallel_loop3A_623, %parallel_loop3A_633 : vector<16xi32>
        %parallel_loop3A_635 = vector.bitcast %parallel_loop3A_634 : vector<16xi32> to vector<16xf32>
        %parallel_loop3A_636 = arith.constant 16 : i32
        %parallel_loop3A_637 = vector.broadcast %parallel_loop3A_636 : i32 to vector<16xi32>
        %parallel_loop3A_638 = arith.shli %parallel_loop3A_627, %parallel_loop3A_637 : vector<16xi32>
        %parallel_loop3A_639 = vector.bitcast %parallel_loop3A_638 : vector<16xi32> to vector<16xf32>
        %parallel_loop3A_640 = arith.constant -65536 : i32
        %parallel_loop3A_641 = vector.broadcast %parallel_loop3A_640 : i32 to vector<16xi32>
        %parallel_loop3A_642 = arith.andi %parallel_loop3A_627, %parallel_loop3A_641 : vector<16xi32>
        %parallel_loop3A_643 = vector.bitcast %parallel_loop3A_642 : vector<16xi32> to vector<16xf32>
        %parallel_loop3A_644 = arith.mulf %parallel_loop3A_117, %parallel_loop3A_635 : vector<16xf32>
        %parallel_loop3A_645 = arith.addf %parallel_loop3A_631, %parallel_loop3A_644 : vector<16xf32>
        %parallel_loop3A_646 = arith.mulf %parallel_loop3A_123, %parallel_loop3A_643 : vector<16xf32>
        %parallel_loop3A_647 = arith.addf %parallel_loop3A_639, %parallel_loop3A_646 : vector<16xf32>
        %parallel_loop3A_648 = arith.mulf %parallel_loop3A_645, %parallel_loop3A_647 : vector<16xf32>
        %parallel_loop3A_649 = arith.constant 16 : i32
        %parallel_loop3A_650 = arith.muli %parallel_loop3A_105, %parallel_loop3A_649 : i32
        %parallel_loop3A_651 = arith.constant 14 : i32
        %parallel_loop3A_652 = arith.index_cast %parallel_loop3A_651 : i32 to index
        %parallel_loop3A_653 = arith.index_cast %parallel_loop3A_650 : i32 to index
        %parallel_loop3A_654 = tpu.vector_load %arg12[%parallel_loop3A_652, %parallel_loop3A_653] {strides = array<i32>} : memref<16x128xf32, #tpu.memory_space<vmem>>, vector<16xf32>,
        tpu.vector_store %arg12[%parallel_loop3A_652, %parallel_loop3A_653], %parallel_loop3A_648 {strides = array<i32>} : memref<16x128xf32, #tpu.memory_space<vmem>>, vector<16xf32>,
        %parallel_loop3A_655 = arith.constant 15120 : i32
        %parallel_loop3A_656 = vector.broadcast %parallel_loop3A_655 : i32 to vector<16xi32>
        %parallel_loop3A_657 = arith.addi %parallel_loop3A_126, %parallel_loop3A_656 : vector<16xi32>
        %parallel_loop3A_658 = tpu.vector_load_idx %arg7[%parallel_loop3A_657] : memref<16128xi32, #tpu.memory_space<vmem>>[vector<16xi32>], vector<16xi32>,
        %parallel_loop3A_659 = arith.constant 15120 : i32
        %parallel_loop3A_660 = vector.broadcast %parallel_loop3A_659 : i32 to vector<16xi32>
        %parallel_loop3A_661 = arith.addi %parallel_loop3A_129, %parallel_loop3A_660 : vector<16xi32>
        %parallel_loop3A_662 = tpu.vector_load_idx %arg8[%parallel_loop3A_661] : memref<16128xi32, #tpu.memory_space<vmem>>[vector<16xi32>], vector<16xi32>,
        %parallel_loop3A_663 = arith.constant 16 : i32
        %parallel_loop3A_664 = vector.broadcast %parallel_loop3A_663 : i32 to vector<16xi32>
        %parallel_loop3A_665 = arith.shli %parallel_loop3A_658, %parallel_loop3A_664 : vector<16xi32>
        %parallel_loop3A_666 = vector.bitcast %parallel_loop3A_665 : vector<16xi32> to vector<16xf32>
        %parallel_loop3A_667 = arith.constant -65536 : i32
        %parallel_loop3A_668 = vector.broadcast %parallel_loop3A_667 : i32 to vector<16xi32>
        %parallel_loop3A_669 = arith.andi %parallel_loop3A_658, %parallel_loop3A_668 : vector<16xi32>
        %parallel_loop3A_670 = vector.bitcast %parallel_loop3A_669 : vector<16xi32> to vector<16xf32>
        %parallel_loop3A_671 = arith.constant 16 : i32
        %parallel_loop3A_672 = vector.broadcast %parallel_loop3A_671 : i32 to vector<16xi32>
        %parallel_loop3A_673 = arith.shli %parallel_loop3A_662, %parallel_loop3A_672 : vector<16xi32>
        %parallel_loop3A_674 = vector.bitcast %parallel_loop3A_673 : vector<16xi32> to vector<16xf32>
        %parallel_loop3A_675 = arith.constant -65536 : i32
        %parallel_loop3A_676 = vector.broadcast %parallel_loop3A_675 : i32 to vector<16xi32>
        %parallel_loop3A_677 = arith.andi %parallel_loop3A_662, %parallel_loop3A_676 : vector<16xi32>
        %parallel_loop3A_678 = vector.bitcast %parallel_loop3A_677 : vector<16xi32> to vector<16xf32>
        %parallel_loop3A_679 = arith.mulf %parallel_loop3A_117, %parallel_loop3A_670 : vector<16xf32>
        %parallel_loop3A_680 = arith.addf %parallel_loop3A_666, %parallel_loop3A_679 : vector<16xf32>
        %parallel_loop3A_681 = arith.mulf %parallel_loop3A_123, %parallel_loop3A_678 : vector<16xf32>
        %parallel_loop3A_682 = arith.addf %parallel_loop3A_674, %parallel_loop3A_681 : vector<16xf32>
        %parallel_loop3A_683 = arith.mulf %parallel_loop3A_680, %parallel_loop3A_682 : vector<16xf32>
        %parallel_loop3A_684 = arith.constant 16 : i32
        %parallel_loop3A_685 = arith.muli %parallel_loop3A_105, %parallel_loop3A_684 : i32
        %parallel_loop3A_686 = arith.constant 15 : i32
        %parallel_loop3A_687 = arith.index_cast %parallel_loop3A_686 : i32 to index
        %parallel_loop3A_688 = arith.index_cast %parallel_loop3A_685 : i32 to index
        %parallel_loop3A_689 = tpu.vector_load %arg12[%parallel_loop3A_687, %parallel_loop3A_688] {strides = array<i32>} : memref<16x128xf32, #tpu.memory_space<vmem>>, vector<16xf32>,
        tpu.vector_store %arg12[%parallel_loop3A_687, %parallel_loop3A_688], %parallel_loop3A_683 {strides = array<i32>} : memref<16x128xf32, #tpu.memory_space<vmem>>, vector<16xf32>,
      } {sc.loop_unroll_factor = 2 : i64, sc.parallel_access}
      %dma_start3A_99 = arith.constant 0 : i32
      %dma_start3A_100 = tpu.memref_slice %arg6[%add3A_52, %dma_start3A_99, %add3A_88] : memref<2048x16x2048xf32, #tpu.memory_space<hbm>> -> memref<1x16x128xf32, #tpu.memory_space<hbm>>
      %dma_start3A_101 = tpu.memref_squeeze %dma_start3A_100 : memref<1x16x128xf32, #tpu.memory_space<hbm>> -> memref<16x128xf32, #tpu.memory_space<hbm>>
      %dma_start3A_102 = arith.constant 0 : i32
      %dma_start3A_103 = tpu.memref_slice %arg6[%add3A_52, %dma_start3A_102, %add3A_88] : memref<2048x16x2048xf32, #tpu.memory_space<hbm>> -> memref<1x16x128xf32, #tpu.memory_space<hbm>>
      %dma_start3A_104 = tpu.memref_squeeze %dma_start3A_103 : memref<1x16x128xf32, #tpu.memory_space<hbm>> -> memref<16x128xf32, #tpu.memory_space<hbm>>
      tpu.enqueue_dma source(%arg12 : memref<16x128xf32, #tpu.memory_space<vmem>>) target(%dma_start3A_104 : memref<16x128xf32, #tpu.memory_space<hbm>>) target_semaphore(%arg14 : memref<!tpu.dma_semaphore, #tpu.memory_space<semaphore_mem>>)
    }
    %scan3A_32 = arith.constant 512 : i32
    %dma_wait3A = arith.constant 0 : i32
    %dma_wait3A_33 = arith.constant 0 : i32
    %dma_wait3A_34 = arith.constant 0 : i32
    %dma_wait3A_35 = tpu.memref_slice %arg6[%dma_wait3A, %dma_wait3A_33, %dma_wait3A_34] : memref<2048x16x2048xf32, #tpu.memory_space<hbm>> -> memref<1x16x128xf32, #tpu.memory_space<hbm>>
    %dma_wait3A_36 = tpu.memref_squeeze %dma_wait3A_35 : memref<1x16x128xf32, #tpu.memory_space<hbm>> -> memref<16x128xf32, #tpu.memory_space<hbm>>
    %dma_wait3A_37 = arith.constant 0 : i32
    %dma_wait3A_38 = arith.constant 0 : i32
    %dma_wait3A_39 = tpu.memref_slice %arg6[%dma_wait3A, %dma_wait3A_37, %dma_wait3A_38] : memref<2048x16x2048xf32, #tpu.memory_space<hbm>> -> memref<1x16x128xf32, #tpu.memory_space<hbm>>
    %dma_wait3A_40 = tpu.memref_squeeze %dma_wait3A_39 : memref<1x16x128xf32, #tpu.memory_space<hbm>> -> memref<16x128xf32, #tpu.memory_space<hbm>>
    tpu.wait_dma2 semaphore(%arg13 : memref<!tpu.dma_semaphore, #tpu.memory_space<semaphore_mem>>) src(%arg11 : memref<16x128xf32, #tpu.memory_space<vmem>>) dst(%dma_wait3A_40 : memref<16x128xf32, #tpu.memory_space<hbm>>)
    %dma_wait3A_41 = arith.constant 0 : i32
    %dma_wait3A_42 = arith.constant 0 : i32
    %dma_wait3A_43 = arith.constant 0 : i32
    %dma_wait3A_44 = tpu.memref_slice %arg6[%dma_wait3A_41, %dma_wait3A_42, %dma_wait3A_43] : memref<2048x16x2048xf32, #tpu.memory_space<hbm>> -> memref<1x16x128xf32, #tpu.memory_space<hbm>>
    %dma_wait3A_45 = tpu.memref_squeeze %dma_wait3A_44 : memref<1x16x128xf32, #tpu.memory_space<hbm>> -> memref<16x128xf32, #tpu.memory_space<hbm>>
    %dma_wait3A_46 = arith.constant 0 : i32
    %dma_wait3A_47 = arith.constant 0 : i32
    %dma_wait3A_48 = tpu.memref_slice %arg6[%dma_wait3A_41, %dma_wait3A_46, %dma_wait3A_47] : memref<2048x16x2048xf32, #tpu.memory_space<hbm>> -> memref<1x16x128xf32, #tpu.memory_space<hbm>>
    %dma_wait3A_49 = tpu.memref_squeeze %dma_wait3A_48 : memref<1x16x128xf32, #tpu.memory_space<hbm>> -> memref<16x128xf32, #tpu.memory_space<hbm>>
    tpu.wait_dma2 semaphore(%arg14 : memref<!tpu.dma_semaphore, #tpu.memory_space<semaphore_mem>>) src(%arg12 : memref<16x128xf32, #tpu.memory_space<vmem>>) dst(%dma_wait3A_49 : memref<16x128xf32, #tpu.memory_space<hbm>>)
    return
  }
}

</mosaic_0001>

<sc_bundles>
// kernel: kernel.3.cloned.1.call-start
scs
__scs_entry_jumppad:
0x0: {  	(pc) =	sbr.rel $0x88, $3  }
0x1: {  	(tag) =	ssettag $0x0;
	lr =	simm.s32 $0x1  }
0x2: {  	[smem:$0x3F9E] =	sst lr;
	_ =	strace $0xD0000000  }
0x3: {  	_ = 	snop  }
0x4: {  	_ = 	snop  }
0x5: {  	_ = 	snop  }
0x6: {  	_ = 	snop  }
0x7: {  	_ = 	snop  }
__scs_overlays_trampoline_lowered:
0x8: {  	[smem:$0x3FAD] =	sst s0  }
0x9: {  	[smem:$0x3FAE] =	sst s1  }
0xa: {  	[smem:$0x3FAF] =	sst s2  }
0xb: {  	[smem:$0x3FB0] =	sst s3  }
0xc: {  	[smem:$0x3FB1] =	sst s4  }
0xd: {  	[smem:$0x3FB2] =	sst s5  }
0xe: {  	[smem:$0x3FB3] =	sst s6  }
0xf: {  	[smem:$0x3FB4] =	sst s7  }
0x10: {  	[smem:$0x3FB5] =	sst s8  }
0x11: {  	[smem:$0x3FB6] =	sst s9;
	s0 =	simm.s32 @!p0 $0x0  }
0x12: {  	s1 =	sld [smem:$0x3F9C];
	s0 =	simm.s32 @p0 $0x1  }
0x13: {  	[smem:$0x3FB7] =	sst s0;
	s0 =	simm.s32 @!p1 $0x0  }
0x14: {  	s2 =	sld [smem:$0x3F9B];
	s0 =	simm.s32 @p1 $0x1  }
0x15: {  	[smem:$0x3FB8] =	sst s0;
	s0 =	simm.s32 @!p2 $0x0  }
0x16: {  	s3 =	sld [smem:$0x3FDB];
	s0 =	simm.s32 @p2 $0x1  }
0x17: {  	s4 =	simm.s32 $0x1BF5;
	[smem:$0x3FBA] =	sst s0  }
0x18: {  	s0 =	sld [smem:$0x3F9D];
	_ =	swait.ge [sflag:s4], $0x0  }
0x19: {  	s7 =	sld [smem:$0x3F9E]  }
0x1a: {  	s8 =	sadd.s32 $0xFFFFE003, lr  }
0x1b: {  	s9 =	sadd.s32 $0xFFFFFEF7, lr;
	s5 =	simm.s32 $0xFFFFFFFF;
	p2 =	slt.u32 s8, $0xFFFFF086  }
0x1c: {  	p1 =	slt.u32 s9, $0xF7A;
	s5 =	simm.s32 @!p2 $0x0  }
0x1d: {  	s5 =	simm.s32 @p1 $0x1;
	p0 =	seq.s32 s7, s2  }
0x1e: {  	s7 =	smul.u32 @!p0 $0xF7A, s2;
	p2 =	seq.s32 @!p0 s5, $0x0  }
0x1f: {  	s9 =	smul.u32 $0xF7A, s1;
	s8 =	simm.s32 @!p0 $0x1BF5;
	p2 =	por !p2, p0  }
0x20: {  	[sflag:s8] =	ssyncset.s32 @!p0 $0xFFFFF086;
	s6 =	sadd.s32 @!p0 s3, s7;
	s7 =	simm.s32 @!p0 $0x108  }
0x21: {  	s3 =	sadd.s32 s3, s9;
	s6 =	sadd.s32 @!p0 $0x88, s6;
	s7 =	simm.s32 @p2 $0x1082  }
0x22: {  	[simem:s7], [sflag:s8] =	dma.local @!p0 [hbm:s6], $0xF7A  }
0x23: {  	s9 =	sor.u32 $0xD0000000, s2;
	s6 =	simm.s32 $0x108;
	_ =	swait.ge @!p0 [sflag:s8], $0x0  }
0x24: {  	s3 =	sadd.s32 $0x88, s3;
	s6 =	simm.s32 @!p1 $0x1082;
	[sflag:s4] =	ssyncset.s32 $0xFFFFF086  }
0x25: {  	[simem:s6], [sflag:s4] =	dma.local [hbm:s3], $0xF7A  }
0x26: {  	[smem:$0x3F9E] =	sst s1;
	(tag) =	ssettag s2;
	_ =	strace s9  }
0x27: {  	s1 =	sld [smem:$0x3FAE]  }
0x28: {  	s2 =	sld [smem:$0x3FAF]  }
0x29: {  	s4 =	sld [smem:$0x3FB1]  }
0x2a: {  	p0 =	seq.s32 s5, $0x0;
	s5 =	sld [smem:$0x3FB2]  }
0x2b: {  	s6 =	sld [smem:$0x3FB3]  }
0x2c: {  	s7 =	sld [smem:$0x3FB4]  }
0x2d: {  	s3 =	simm.s32 $0x108;
	s8 =	sld [smem:$0x3FB5]  }
0x2e: {  	s3 =	simm.s32 @!p0 $0x1082;
	s9 =	sld [smem:$0x3FB6]  }
0x2f: {  	lr =	sadd.s32 s0, s3;
	s0 =	sld [smem:$0x3FAD]  }
0x30: {  	s3 =	sld [smem:$0x3FB0]  }
0x31: {  	[smem:$0x3FB9] =	sst s10  }
0x32: {  	s10 =	sld [smem:$0x3FB7];
	_ =	sdelay $0x3  }
0x33: {  	p0 =	seq.s32 s10, $0x1;
	s10 =	sld [smem:$0x3FB9];
	_ =	sdelay $0x3  }
0x34: {  	[smem:$0x3FB9] =	sst s10  }
0x35: {  	s10 =	sld [smem:$0x3FB8];
	_ =	sdelay $0x3  }
0x36: {  	p1 =	seq.s32 s10, $0x1;
	s10 =	sld [smem:$0x3FB9];
	_ =	sdelay $0x3  }
0x37: {  	[smem:$0x3FB9] =	sst s10  }
0x38: {  	s10 =	sld [smem:$0x3FBA]  }
0x39: {  	_ = 	snop;
	(pc) =	sbr.ind lr, $3  }
0x3a: {  	_ = 	snop  }
0x3b: {  	_ = 	snop  }
0x3c: {  	p2 =	seq.s32 s10, $0x1;
	s10 =	sld [smem:$0x3FB9]  }
0x3d: {  	_ =	shalt  }
0x3e: {  	_ =	shalt  }
0x3f: {  	_ =	shalt  }
0x40: {  	_ =	shalt  }
0x41: {  	_ =	shalt  }
0x42: {  	_ =	shalt  }
0x43: {  	_ =	shalt  }
0x44: {  	_ =	shalt  }
0x45: {  	_ =	shalt  }
0x46: {  	_ =	shalt  }
0x47: {  	_ =	shalt  }
0x48: {  	_ =	shalt  }
0x49: {  	_ =	shalt  }
0x4a: {  	_ =	shalt  }
0x4b: {  	_ =	shalt  }
0x4c: {  	_ =	shalt  }
0x4d: {  	_ =	shalt  }
0x4e: {  	_ =	shalt  }
0x4f: {  	_ =	shalt  }
0x50: {  	_ =	shalt  }
0x51: {  	_ =	shalt  }
0x52: {  	_ =	shalt  }
0x53: {  	_ =	shalt  }
0x54: {  	_ =	shalt  }
0x55: {  	_ =	shalt  }
0x56: {  	_ =	shalt  }
0x57: {  	_ =	shalt  }
0x58: {  	_ =	shalt  }
0x59: {  	_ =	shalt  }
0x5a: {  	_ =	shalt  }
0x5b: {  	_ =	shalt  }
0x5c: {  	_ =	shalt  }
0x5d: {  	_ =	shalt  }
0x5e: {  	_ =	shalt  }
0x5f: {  	_ =	shalt  }
0x60: {  	_ =	shalt  }
0x61: {  	_ =	shalt  }
0x62: {  	_ =	shalt  }
0x63: {  	_ =	shalt  }
0x64: {  	_ =	shalt  }
0x65: {  	_ =	shalt  }
0x66: {  	_ =	shalt  }
0x67: {  	_ =	shalt  }
0x68: {  	_ =	shalt  }
0x69: {  	_ =	shalt  }
0x6a: {  	_ =	shalt  }
0x6b: {  	_ =	shalt  }
0x6c: {  	_ =	shalt  }
0x6d: {  	_ =	shalt  }
0x6e: {  	_ =	shalt  }
0x6f: {  	_ =	shalt  }
0x70: {  	_ =	shalt  }
0x71: {  	_ =	shalt  }
0x72: {  	_ =	shalt  }
0x73: {  	_ =	shalt  }
0x74: {  	_ =	shalt  }
0x75: {  	_ =	shalt  }
0x76: {  	_ =	shalt  }
0x77: {  	_ =	shalt  }
0x78: {  	_ =	shalt  }
0x79: {  	_ =	shalt  }
0x7a: {  	_ =	shalt  }
0x7b: {  	_ =	shalt  }
0x7c: {  	_ =	shalt  }
0x7d: {  	_ =	shalt  }
0x7e: {  	_ =	shalt  }
0x7f: {  	_ =	shalt  }
0x80: {  	_ =	shalt  }
0x81: {  	_ =	shalt  }
0x82: {  	_ =	shalt  }
0x83: {  	_ =	shalt  }
0x84: {  	_ =	shalt  }
0x85: {  	_ =	shalt  }
0x86: {  	_ =	shalt  }
0x87: {  	_ =	shalt  }
.Lfunc_end0:
.L_simem_size_0:
called_computation_lowered:
.L_overlay_start_0:
0x88: {  	s2 =	sld [smem:$0x3FD9]  }
0x89: {  	s3 =	sld [smem:$0x3FFE];
	_ =	sdelay $0x1  }
0x8a: {  	s1 =	srdreg.scid  }
0x8b: {  	s0 =	sand.u32 $0x1, s1  }
0x8c: {  	s17 =	sshll.u32 s0, $0xA;
	s2 =	sadd.s32 s3, s2  }
0x8d: {  	s2 =	sadd.s32 s2, s17  }
0x8e: {  	[smem:$0x3FC5] =	sst s2  }
0x8f: {  	_ = 	snop  }
0x90: {  	s2 =	sld [smem:$0x3FD0];
	(tm) =	ssettm $0x1  }
0x91: {  	s18 =	sld [smem:$0x3FFB];
	_ =	sdelay $0x3  }
0x92: {  	_ =	strace s18  }
0x93: {  	s3 =	sld [smem:$0x3FFC];
	_ =	sdelay $0x3  }
0x94: {  	_ =	strace s3  }
0x95: {  	s3 =	sld [smem:$0x3FFD];
	_ =	sdelay $0x3  }
0x96: {  	_ =	strace s3  }
0x97: {  	_ =	strace $0x8FFFFFFF  }
0x98: {  	s19 =	sld [smem:$0x3FDB];
	_ =	sdelay $0x1  }
0x99: {  	s4 =	simm.s32 $_scs_section_size  }
0x9a: {  	s5 =	simm.s32 $_size__tile_overlayer_lowered;
	s6 =	simm.s32 $_tile_overlayer_lowered  }
0x9b: {  	s22 =	simm.s32 $0x1BFF;
	s21 =	sshll.u32 s6, $0x1;
	s3 =	sadd.s32 s4, s19  }
0x9c: {  	s7 =	simm.s32 $0x0;
	s20 =	sshll.u32 s5, $0x1;
	s5 =	sadd.s32 s21, s3  }
0x9d: {  	[timem:s7], [sflag:s22] =	dma.local [hbm:s5], s20  }
0x9e: {  	_ =	swait.ge [sflag:s22], s20  }
0x9f: {  	s4 =	ssub.s32 $0x0, s20;
	[sflag:s22] =	ssyncset.done $0x0  }
0xa0: {  	[sflag:s22] =	ssyncadd.s32 s4;
	_ =	sdelay $0x1  }
0xa1: {  	s23 =	simm.s32 $0x1B8B  }
0xa2: {  	_ =	swait.ge [sflag:s23], $0x1  }
0xa3: {  	[sflag:s23] =	ssyncset.done $0x0  }
0xa4: {  	s25 =	simm.s32 $0x1B8E;
	s24 =	sld [smem:$0x3FFE];
	[sflag:s23] =	ssyncadd.s32 $0xFFFFFFFF  }
0xa5: {  	s26 =	simm.s32 $execute0_lowered;
	[smem:$0x3FD2] =	sst s25  }
0xa6: {  	s5 =	sshll.u32 s26, $0x1;
	_ =	strace $0x80000046;
	[dreg:$0x1] =	wrdreg $0xFFFFFFFF  }
0xa7: {  	s28 =	simm.s32 $_size_execute0_lowered;
	s3 =	sadd.s32 s3, s5;
	[dreg:$0x0] =	wrdreg $0x0  }
0xa8: {  	s5 =	sshll.u32 s28, $0x1;
	[dreg:$0x2] =	wrdreg s3  }
0xa9: {  	[dreg:$0x3] =	wrdreg s5  }
0xaa: {  	[dreg:$0x4] =	wrdreg $0xC0  }
0xab: {  	_ =	task [dreg:s7], $0x5FFFF  }
0xac: {  	[dreg:$0x1] =	wrdreg $0xFFFFFFFF  }
0xad: {  	[dreg:$0x0] =	wrdreg $0x60  }
0xae: {  	[dreg:$0x2] =	wrdreg s24  }
0xaf: {  	[dreg:$0x3] =	wrdreg s2  }
0xb0: {  	[dreg:$0x4] =	wrdreg $0x9  }
0xb1: {  	_ =	task.clear_ibuf [dreg:s7], $0x5FFFF;
	_ =	strace $0x90000046  }
0xb2: {  	s29 =	simm.s32 $0x9;
	_ =	strace $0x80000048  }
0xb3: {  	_ =	swait.ge [sflag:s29], $0x1  }
0xb4: {  	[sflag:s29] =	ssyncadd.s32 $0xFFFFFFFF  }
0xb5: {  	_ =	strace $0x90000048  }
0xb6: {  	_ =	sfence  }
0xb7: {  	s30 =	sld [smem:$0x0];
	_ =	sdelay $0x2  }
0xb8: {  	s31 =	sshll.u32 s1, $0xD;
	s1 =	sshrl.u32 s1, $0x2  }
0xb9: {  	s3 =	sand.u32 $0x4000, s31;
	s1 =	sadd.s32 s1, s30  }
0xba: {  	s0 =	sor.u32 s3, s0;
	s1 =	sshll.u32 s1, $0x11  }
0xbb: {  	s0 =	sor.u32 s1, s0  }
0xbc: {  	s0 =	sadd.s32 $0x8F2B, s0  }
0xbd: {  	[sflag:s0] =	ssyncadd.remote.s32 $0x1  }
0xbe: {  	_ =	sfence.sel $0xFFFF  }
0xbf: {  	[dreg:$0x0] =	wrdreg $0xFFFFFFFF;
	(pc) =	sbr.abs _section_cstart, $3  }
0xc0: {  	[dreg:$0x1] =	wrdreg $0xFFFFFFFF  }
0xc1: {  	_ =	task.clear_ibuf [dreg:s7], $0x2FFFF;
	_ =	strace $0x9FFFFFFF  }
0xc2: {  	(tm) =	ssettm $0x7FFFFFFF  }
0xc3: {  	_ =	shalt  }
tec
execute0_lowered:
.L_overlay_start_1:
0x0: {  	(tag) =	ssettag $0x1  }
0x1: {  	s0 =	rddreg [dreg:$0x0]  }
0x2: {  	s1 =	rddreg [dreg:$0x1]  }
0x3: {  	s2 =	simm.s32 $0x0;
	s3 =	srdreg.scid;
	s7 =	stileid.u32  }
0x4: {  	s12 =	simm.s32 $0x4;
	s13 =	simm.s32 $0x3F00;
	s14 =	simm.s32 $0x7E00  }
0x5: {  	s22 =	simm.s32 $0x8E00;
	s30 =	simm.s32 $0x3;
	[smem:$0x7FF] =	sst s2  }
0x6: {  	v0 =	vimm.f32 $1.000000050e-03;
	s31 =	simm.s32 $0x400;
	s16 =	simm.s32 $0xA600;
	_ =	strace $0x80000047  }
0x7: {  	s18 =	simm.s32 $0x1;
	s20 =	simm.s32 $0x2;
	s4 =	sadd.s32 $0x81600, s0;
	(erf) = vrcp.f32 v0  }
0x8: {  	s5 =	sadd.s32 $0x1600, s0;
	s3 =	sand.u32 $0x1, s3;
	s7 =	sshll.u32 s7, $0x7  }
0x9: {  	s8 =	sadd.s32 $0x600, s0;
	s6 =	ssub.s32 $0x2, s3;
	s3 =	sshll.u32 s3, $0x6  }
0xa: {  	s0 =	sadd.s32 $0xE00, s0;
	s23 =	sshrl.u32 s6, $0x1;
	s7 =	sor.u32 s3, s7  }
0xb: {  	[dreg:$0x3] =	wrdreg s8;
	s24 =	ssub.s32 s6, s23;
	s3 =	sshll.u32 s7, $0x8  }
0xc: {  	[dreg:$0x4] =	wrdreg s0;
	s9 =	sadd.s32 s4, s3;
	s0 =	smax.u32 s24, $0x1  }
0xd: {  	s10 =	sadd.s32 s5, s3;
	[dreg:$0x5] =	wrdreg s0;
	s25 =	sadd.s32 $0x80, s9  }
0xe: {  	s3 =	simm.s32 $0x9E00;
	s26 =	sadd.s32 $0x100, s9;
	[dreg:$0x6] =	wrdreg s25  }
0xf: {  	s24 =	simm.s32 $0x0;
	s28 =	sadd.s32 $0x180, s9;
	[dreg:$0x7] =	wrdreg s26  }
0x10: {  	s29 =	sadd.s32 $0x200, s9;
	s23 =	sadd.s32 $0x280, s9;
	[dreg:$0x8] =	wrdreg s28;
	v60 =	vpop (erf)  }
0x11: {  	v61 =	vlaneseq.u32;
	s0 =	simm.s32 $0x4000;
	[dreg:$0x9] =	wrdreg s29;
	s25 =	sadd.s32 $0x300, s9;
	[tilespmem:$0x1FFF0] =	vst v60  }
.LBB2_1:
0x12: {  	s6 =	rddreg [dreg:$0x3]  }
0x13: {  	[tilespmem:s2], [sflag:$0x4] =	stream.linear.gather [hbm4b:s6+s2], $0x3F00, $0x38;
	[tilespmem:$0xAE00] =	vst v63  }
0x14: {  	_ =	swait.ge [sflag:s12], $0x3F00  }
0x15: {  	[sflag:s12] =	ssyncset.done $0x0  }
0x16: {  	s8 =	rddreg [dreg:$0x4];
	[sflag:s12] =	ssyncadd.s32 $0xFFFFC100  }
0x17: {  	[tilespmem:s13], [sflag:$0x4] =	stream.linear.gather [hbm4b:s8+s2], $0x3F00, $0x38;
	[tilespmem:$0xAE00] =	vst v63  }
0x18: {  	_ =	swait.ge [sflag:s12], $0x3F00  }
0x19: {  	[sflag:s12] =	ssyncset.done $0x0  }
0x1a: {  	[sflag:s12] =	ssyncadd.s32 $0xFFFFC100  }
0x1b: {  	[tilespmem:s14], [sflag:$0x3] =	stream.linear.gather [hbm4b:s9+s2], $0x80, $0x38;
	[tilespmem:$0xAE00] =	vst v63  }
0x1c: {  	s8 =	simm.s32 $0x7F00;
	s11 =	rddreg [dreg:$0x6]  }
0x1d: {  	[tilespmem:s8], [sflag:$0x3] =	stream.linear.gather [hbm4b:s11+s2], $0x80, $0x38;
	[tilespmem:$0xAE00] =	vst v63  }
0x1e: {  	s17 =	simm.s32 $0x8000;
	s15 =	rddreg [dreg:$0x7]  }
0x1f: {  	[tilespmem:s17], [sflag:$0x3] =	stream.linear.gather [hbm4b:s15+s2], $0x80, $0x38;
	[tilespmem:$0xAE00] =	vst v63  }
0x20: {  	s21 =	simm.s32 $0x8100;
	s19 =	rddreg [dreg:$0x8]  }
0x21: {  	[tilespmem:s21], [sflag:$0x3] =	stream.linear.gather [hbm4b:s19+s2], $0x80, $0x38;
	[tilespmem:$0xAE00] =	vst v63  }
0x22: {  	s28 =	simm.s32 $0x8200;
	s26 =	rddreg [dreg:$0x9]  }
0x23: {  	[tilespmem:s28], [sflag:$0x3] =	stream.linear.gather [hbm4b:s26+s2], $0x80, $0x38;
	[tilespmem:$0xAE00] =	vst v63  }
0x24: {  	s29 =	simm.s32 $0x8300  }
0x25: {  	[tilespmem:s29], [sflag:$0x3] =	stream.linear.gather [hbm4b:s23+s2], $0x80, $0x38;
	[tilespmem:$0xAE00] =	vst v63  }
0x26: {  	s8 =	simm.s32 $0x8400  }
0x27: {  	[tilespmem:s8], [sflag:$0x3] =	stream.linear.gather [hbm4b:s25+s2], $0x80, $0x38;
	[tilespmem:$0xAE00] =	vst v63  }
0x28: {  	s11 =	sadd.s32 $0x380, s9;
	s15 =	simm.s32 $0x8500  }
0x29: {  	[tilespmem:s15], [sflag:$0x3] =	stream.linear.gather [hbm4b:s11+s2], $0x80, $0x38;
	[tilespmem:$0xAE00] =	vst v63  }
0x2a: {  	s17 =	sadd.s32 $0x400, s9;
	s19 =	simm.s32 $0x8600  }
0x2b: {  	[tilespmem:s19], [sflag:$0x3] =	stream.linear.gather [hbm4b:s17+s2], $0x80, $0x38;
	[tilespmem:$0xAE00] =	vst v63  }
0x2c: {  	s21 =	sadd.s32 $0x480, s9;
	s26 =	simm.s32 $0x8700  }
0x2d: {  	[tilespmem:s26], [sflag:$0x3] =	stream.linear.gather [hbm4b:s21+s2], $0x80, $0x38;
	[tilespmem:$0xAE00] =	vst v63  }
0x2e: {  	s28 =	sadd.s32 $0x500, s9;
	s29 =	simm.s32 $0x8800  }
0x2f: {  	[tilespmem:s29], [sflag:$0x3] =	stream.linear.gather [hbm4b:s28+s2], $0x80, $0x38;
	[tilespmem:$0xAE00] =	vst v63  }
0x30: {  	s11 =	sadd.s32 $0x580, s9;
	s15 =	simm.s32 $0x8900  }
0x31: {  	[tilespmem:s15], [sflag:$0x3] =	stream.linear.gather [hbm4b:s11+s2], $0x80, $0x38;
	[tilespmem:$0xAE00] =	vst v63  }
0x32: {  	s17 =	sadd.s32 $0x600, s9;
	s19 =	simm.s32 $0x8A00  }
0x33: {  	[tilespmem:s19], [sflag:$0x3] =	stream.linear.gather [hbm4b:s17+s2], $0x80, $0x38;
	[tilespmem:$0xAE00] =	vst v63  }
0x34: {  	s21 =	sadd.s32 $0x680, s9;
	s26 =	simm.s32 $0x8B00  }
0x35: {  	[tilespmem:s26], [sflag:$0x3] =	stream.linear.gather [hbm4b:s21+s2], $0x80, $0x38;
	[tilespmem:$0xAE00] =	vst v63  }
0x36: {  	s28 =	sadd.s32 $0x700, s9;
	s29 =	simm.s32 $0x8C00  }
0x37: {  	[tilespmem:s29], [sflag:$0x3] =	stream.linear.gather [hbm4b:s28+s2], $0x80, $0x38;
	[tilespmem:$0xAE00] =	vst v63  }
0x38: {  	s11 =	sadd.s32 $0x780, s9;
	s15 =	simm.s32 $0x8D00  }
0x39: {  	[tilespmem:s15], [sflag:$0x3] =	stream.linear.gather [hbm4b:s11+s2], $0x80, $0x38;
	[tilespmem:$0xAE00] =	vst v63  }
0x3a: {  	_ = 	snop  }
0x3b: {  	[tilespmem:s22], [sflag:$0x3] =	stream.linear.gather [hbm4b:s10+s2], $0x80, $0x38;
	[tilespmem:$0xAE00] =	vst v63  }
0x3c: {  	s17 =	sadd.s32 $0x80, s10;
	s19 =	simm.s32 $0x8F00  }
0x3d: {  	[tilespmem:s19], [sflag:$0x3] =	stream.linear.gather [hbm4b:s17+s2], $0x80, $0x38;
	[tilespmem:$0xAE00] =	vst v63  }
0x3e: {  	s21 =	sadd.s32 $0x100, s10;
	s26 =	simm.s32 $0x9000  }
0x3f: {  	[tilespmem:s26], [sflag:$0x3] =	stream.linear.gather [hbm4b:s21+s2], $0x80, $0x38;
	[tilespmem:$0xAE00] =	vst v63  }
0x40: {  	s28 =	sadd.s32 $0x180, s10;
	s29 =	simm.s32 $0x9100  }
0x41: {  	[tilespmem:s29], [sflag:$0x3] =	stream.linear.gather [hbm4b:s28+s2], $0x80, $0x38;
	[tilespmem:$0xAE00] =	vst v63  }
0x42: {  	s11 =	sadd.s32 $0x200, s10;
	s15 =	simm.s32 $0x9200  }
0x43: {  	[tilespmem:s15], [sflag:$0x3] =	stream.linear.gather [hbm4b:s11+s2], $0x80, $0x38;
	[tilespmem:$0xAE00] =	vst v63  }
0x44: {  	s17 =	sadd.s32 $0x280, s10;
	s19 =	simm.s32 $0x9300  }
0x45: {  	[tilespmem:s19], [sflag:$0x3] =	stream.linear.gather [hbm4b:s17+s2], $0x80, $0x38;
	[tilespmem:$0xAE00] =	vst v63  }
0x46: {  	s21 =	sadd.s32 $0x300, s10;
	s26 =	simm.s32 $0x9400  }
0x47: {  	[tilespmem:s26], [sflag:$0x3] =	stream.linear.gather [hbm4b:s21+s2], $0x80, $0x38;
	[tilespmem:$0xAE00] =	vst v63  }
0x48: {  	s28 =	sadd.s32 $0x380, s10;
	s29 =	simm.s32 $0x9500  }
0x49: {  	[tilespmem:s29], [sflag:$0x3] =	stream.linear.gather [hbm4b:s28+s2], $0x80, $0x38;
	[tilespmem:$0xAE00] =	vst v63  }
0x4a: {  	s11 =	sadd.s32 $0x400, s10;
	s15 =	simm.s32 $0x9600  }
0x4b: {  	[tilespmem:s15], [sflag:$0x3] =	stream.linear.gather [hbm4b:s11+s2], $0x80, $0x38;
	[tilespmem:$0xAE00] =	vst v63  }
0x4c: {  	s17 =	sadd.s32 $0x480, s10;
	s19 =	simm.s32 $0x9700  }
0x4d: {  	[tilespmem:s19], [sflag:$0x3] =	stream.linear.gather [hbm4b:s17+s2], $0x80, $0x38;
	[tilespmem:$0xAE00] =	vst v63  }
0x4e: {  	s21 =	sadd.s32 $0x500, s10;
	s26 =	simm.s32 $0x9800  }
0x4f: {  	[tilespmem:s26], [sflag:$0x3] =	stream.linear.gather [hbm4b:s21+s2], $0x80, $0x38;
	[tilespmem:$0xAE00] =	vst v63  }
0x50: {  	s28 =	sadd.s32 $0x580, s10;
	s29 =	simm.s32 $0x9900  }
0x51: {  	[tilespmem:s29], [sflag:$0x3] =	stream.linear.gather [hbm4b:s28+s2], $0x80, $0x38;
	[tilespmem:$0xAE00] =	vst v63  }
0x52: {  	s11 =	sadd.s32 $0x600, s10;
	s15 =	simm.s32 $0x9A00  }
0x53: {  	[tilespmem:s15], [sflag:$0x3] =	stream.linear.gather [hbm4b:s11+s2], $0x80, $0x38;
	[tilespmem:$0xAE00] =	vst v63  }
0x54: {  	s17 =	sadd.s32 $0x680, s10;
	s19 =	simm.s32 $0x9B00  }
0x55: {  	[tilespmem:s19], [sflag:$0x3] =	stream.linear.gather [hbm4b:s17+s2], $0x80, $0x38;
	[tilespmem:$0xAE00] =	vst v63  }
0x56: {  	s21 =	sadd.s32 $0x700, s10;
	s26 =	simm.s32 $0x9C00  }
0x57: {  	[tilespmem:s26], [sflag:$0x3] =	stream.linear.gather [hbm4b:s21+s2], $0x80, $0x38;
	[tilespmem:$0xAE00] =	vst v63  }
0x58: {  	s28 =	sadd.s32 $0x780, s10;
	s29 =	simm.s32 $0x9D00;
	s26 =	simm.s32 $0x0  }
0x59: {  	[tilespmem:s29], [sflag:$0x3] =	stream.linear.gather [hbm4b:s28+s2], $0x80, $0x38;
	[tilespmem:$0xAE00] =	vst v63  }
.LBB2_2:
0x5a: {  	s8 =	sand.u32 $0x7, s26  }
0x5b: {  	p0 =	seq.s32 s8, $0x0  }
.Ltmp0:
0x5c: {  	_ = 	snop;
	(pc) =	sbr.rel @p0 .LBB2_5-.Ltmp0, $3  }
0x5d: {  	_ =	sdelay $0x1  }
0x5e: {  	s6 =	sshrl.u32 s26, $0x3  }
0x5f: {  	s28 =	sor.u32 s7, s6;
	s29 =	sshll.u32 s8, $0x8  }
0x60: {  	p0 =	seq.s32 s26, $0x1FF  }
0x61: {  	p1 =	seq.s32 @!p0 s8, $0x7  }
0x62: {  	p0 =	por p0, !p1  }
.Ltmp1:
0x63: {  	_ = 	snop;
	(pc) =	sbr.rel @p0 .LBB2_4-.Ltmp1, $1  }
0x64: {  	_ =	sdelay $0x3  }
0x65: {  	s8 =	sadd.s32 $0x1, s28  }
0x66: {  	s11 =	sxor.u32 $0xFFFFFFFF, s6;
	s15 =	sshll.u32 s8, $0x8;
	s8 =	sshll.u32 s8, $0x4  }
0x67: {  	s11 =	sshll.u32 s11, $0x7;
	s15 =	sand.u32 $0xFFFF800, s15;
	s17 =	sand.u32 $0x70, s8  }
0x68: {  	s8 =	sand.u32 $0x80, s11;
	s11 =	sor.u32 s17, s15  }
0x69: {  	s19 =	sor.u32 $0x7E00, s8;
	s17 =	sadd.s32 s4, s11  }
0x6a: {  	[tilespmem:s19], [sflag:$0x3] =	stream.linear.gather [hbm4b:s17+s2], $0x80, $0x38;
	[tilespmem:$0xAE00] =	vst v63  }
0x6b: {  	s21 =	sadd.s32 $0x80, s17;
	s19 =	sor.u32 $0x7F00, s8  }
0x6c: {  	[tilespmem:s19], [sflag:$0x3] =	stream.linear.gather [hbm4b:s21+s2], $0x80, $0x38;
	[tilespmem:$0xAE00] =	vst v63  }
0x6d: {  	s19 =	sadd.s32 $0x100, s17;
	s21 =	sor.u32 $0x8000, s8  }
0x6e: {  	[tilespmem:s21], [sflag:$0x3] =	stream.linear.gather [hbm4b:s19+s2], $0x80, $0x38;
	[tilespmem:$0xAE00] =	vst v63  }
0x6f: {  	s19 =	sadd.s32 $0x180, s17;
	s21 =	sor.u32 $0x8100, s8  }
0x70: {  	[tilespmem:s21], [sflag:$0x3] =	stream.linear.gather [hbm4b:s19+s2], $0x80, $0x38;
	[tilespmem:$0xAE00] =	vst v63  }
0x71: {  	s19 =	sadd.s32 $0x200, s17;
	s21 =	sor.u32 $0x8200, s8  }
0x72: {  	[tilespmem:s21], [sflag:$0x3] =	stream.linear.gather [hbm4b:s19+s2], $0x80, $0x38;
	[tilespmem:$0xAE00] =	vst v63  }
0x73: {  	s19 =	sadd.s32 $0x280, s17;
	s21 =	sor.u32 $0x8300, s8  }
0x74: {  	[tilespmem:s21], [sflag:$0x3] =	stream.linear.gather [hbm4b:s19+s2], $0x80, $0x38;
	[tilespmem:$0xAE00] =	vst v63  }
0x75: {  	s19 =	sadd.s32 $0x300, s17;
	s21 =	sor.u32 $0x8400, s8  }
0x76: {  	[tilespmem:s21], [sflag:$0x3] =	stream.linear.gather [hbm4b:s19+s2], $0x80, $0x38;
	[tilespmem:$0xAE00] =	vst v63  }
0x77: {  	s19 =	sadd.s32 $0x380, s17;
	s21 =	sor.u32 $0x8500, s8  }
0x78: {  	[tilespmem:s21], [sflag:$0x3] =	stream.linear.gather [hbm4b:s19+s2], $0x80, $0x38;
	[tilespmem:$0xAE00] =	vst v63  }
0x79: {  	s19 =	sadd.s32 $0x400, s17;
	s21 =	sor.u32 $0x8600, s8  }
0x7a: {  	[tilespmem:s21], [sflag:$0x3] =	stream.linear.gather [hbm4b:s19+s2], $0x80, $0x38;
	[tilespmem:$0xAE00] =	vst v63  }
0x7b: {  	s19 =	sadd.s32 $0x480, s17;
	s21 =	sor.u32 $0x8700, s8  }
0x7c: {  	[tilespmem:s21], [sflag:$0x3] =	stream.linear.gather [hbm4b:s19+s2], $0x80, $0x38;
	[tilespmem:$0xAE00] =	vst v63  }
0x7d: {  	s19 =	sadd.s32 $0x500, s17;
	s21 =	sor.u32 $0x8800, s8  }
0x7e: {  	[tilespmem:s21], [sflag:$0x3] =	stream.linear.gather [hbm4b:s19+s2], $0x80, $0x38;
	[tilespmem:$0xAE00] =	vst v63  }
0x7f: {  	s19 =	sadd.s32 $0x580, s17;
	s21 =	sor.u32 $0x8900, s8  }
0x80: {  	[tilespmem:s21], [sflag:$0x3] =	stream.linear.gather [hbm4b:s19+s2], $0x80, $0x38;
	[tilespmem:$0xAE00] =	vst v63  }
0x81: {  	s19 =	sadd.s32 $0x600, s17;
	s21 =	sor.u32 $0x8A00, s8  }
0x82: {  	[tilespmem:s21], [sflag:$0x3] =	stream.linear.gather [hbm4b:s19+s2], $0x80, $0x38;
	[tilespmem:$0xAE00] =	vst v63  }
0x83: {  	s19 =	sadd.s32 $0x680, s17;
	s21 =	sor.u32 $0x8B00, s8  }
0x84: {  	[tilespmem:s21], [sflag:$0x3] =	stream.linear.gather [hbm4b:s19+s2], $0x80, $0x38;
	[tilespmem:$0xAE00] =	vst v63  }
0x85: {  	s19 =	sadd.s32 $0x700, s17;
	s21 =	sor.u32 $0x8C00, s8  }
0x86: {  	[tilespmem:s21], [sflag:$0x3] =	stream.linear.gather [hbm4b:s19+s2], $0x80, $0x38;
	[tilespmem:$0xAE00] =	vst v63  }
0x87: {  	s19 =	sadd.s32 $0x780, s17;
	s21 =	sor.u32 $0x8D00, s8  }
0x88: {  	[tilespmem:s21], [sflag:$0x3] =	stream.linear.gather [hbm4b:s19+s2], $0x80, $0x38;
	[tilespmem:$0xAE00] =	vst v63  }
0x89: {  	s11 =	sadd.s32 s5, s11;
	s17 =	sor.u32 $0x8E00, s8  }
0x8a: {  	[tilespmem:s17], [sflag:$0x3] =	stream.linear.gather [hbm4b:s11+s2], $0x80, $0x38;
	[tilespmem:$0xAE00] =	vst v63  }
0x8b: {  	s19 =	sadd.s32 $0x80, s11;
	s21 =	sor.u32 $0x8F00, s8  }
0x8c: {  	[tilespmem:s21], [sflag:$0x3] =	stream.linear.gather [hbm4b:s19+s2], $0x80, $0x38;
	[tilespmem:$0xAE00] =	vst v63  }
0x8d: {  	s19 =	sadd.s32 $0x100, s11;
	s21 =	sor.u32 $0x9000, s8  }
0x8e: {  	[tilespmem:s21], [sflag:$0x3] =	stream.linear.gather [hbm4b:s19+s2], $0x80, $0x38;
	[tilespmem:$0xAE00] =	vst v63  }
0x8f: {  	s19 =	sadd.s32 $0x180, s11;
	s21 =	sor.u32 $0x9100, s8  }
0x90: {  	[tilespmem:s21], [sflag:$0x3] =	stream.linear.gather [hbm4b:s19+s2], $0x80, $0x38;
	[tilespmem:$0xAE00] =	vst v63  }
0x91: {  	s19 =	sadd.s32 $0x200, s11;
	s21 =	sor.u32 $0x9200, s8  }
0x92: {  	[tilespmem:s21], [sflag:$0x3] =	stream.linear.gather [hbm4b:s19+s2], $0x80, $0x38;
	[tilespmem:$0xAE00] =	vst v63  }
0x93: {  	s19 =	sadd.s32 $0x280, s11;
	s21 =	sor.u32 $0x9300, s8  }
0x94: {  	[tilespmem:s21], [sflag:$0x3] =	stream.linear.gather [hbm4b:s19+s2], $0x80, $0x38;
	[tilespmem:$0xAE00] =	vst v63  }
0x95: {  	s19 =	sadd.s32 $0x300, s11;
	s21 =	sor.u32 $0x9400, s8  }
0x96: {  	[tilespmem:s21], [sflag:$0x3] =	stream.linear.gather [hbm4b:s19+s2], $0x80, $0x38;
	[tilespmem:$0xAE00] =	vst v63  }
0x97: {  	s19 =	sadd.s32 $0x380, s11;
	s21 =	sor.u32 $0x9500, s8  }
0x98: {  	[tilespmem:s21], [sflag:$0x3] =	stream.linear.gather [hbm4b:s19+s2], $0x80, $0x38;
	[tilespmem:$0xAE00] =	vst v63  }
0x99: {  	s19 =	sadd.s32 $0x400, s11;
	s21 =	sor.u32 $0x9600, s8  }
0x9a: {  	[tilespmem:s21], [sflag:$0x3] =	stream.linear.gather [hbm4b:s19+s2], $0x80, $0x38;
	[tilespmem:$0xAE00] =	vst v63  }
0x9b: {  	s19 =	sadd.s32 $0x480, s11;
	s21 =	sor.u32 $0x9700, s8  }
0x9c: {  	[tilespmem:s21], [sflag:$0x3] =	stream.linear.gather [hbm4b:s19+s2], $0x80, $0x38;
	[tilespmem:$0xAE00] =	vst v63  }
0x9d: {  	s19 =	sadd.s32 $0x500, s11;
	s21 =	sor.u32 $0x9800, s8  }
0x9e: {  	[tilespmem:s21], [sflag:$0x3] =	stream.linear.gather [hbm4b:s19+s2], $0x80, $0x38;
	[tilespmem:$0xAE00] =	vst v63  }
0x9f: {  	s19 =	sadd.s32 $0x580, s11;
	s21 =	sor.u32 $0x9900, s8  }
0xa0: {  	[tilespmem:s21], [sflag:$0x3] =	stream.linear.gather [hbm4b:s19+s2], $0x80, $0x38;
	[tilespmem:$0xAE00] =	vst v63  }
0xa1: {  	s19 =	sadd.s32 $0x600, s11;
	s21 =	sor.u32 $0x9A00, s8  }
0xa2: {  	[tilespmem:s21], [sflag:$0x3] =	stream.linear.gather [hbm4b:s19+s2], $0x80, $0x38;
	[tilespmem:$0xAE00] =	vst v63  }
0xa3: {  	s19 =	sadd.s32 $0x680, s11;
	s21 =	sor.u32 $0x9B00, s8  }
0xa4: {  	[tilespmem:s21], [sflag:$0x3] =	stream.linear.gather [hbm4b:s19+s2], $0x80, $0x38;
	[tilespmem:$0xAE00] =	vst v63  }
.Ltmp2:
0xa5: {  	_ = 	snop;
	(pc) =	sbr.rel .LBB2_8-.Ltmp2, $4  }
0xa6: {  	s19 =	sadd.s32 $0x700, s11;
	s21 =	sor.u32 $0x9C00, s8  }
0xa7: {  	[tilespmem:s21], [sflag:$0x3] =	stream.linear.gather [hbm4b:s19+s2], $0x80, $0x38;
	[tilespmem:$0xAE00] =	vst v63  }
0xa8: {  	s11 =	sadd.s32 $0x780, s11;
	s8 =	sor.u32 $0x9D00, s8  }
0xa9: {  	v3 =	vimm.s32 $0x700;
	[tilespmem:s8], [sflag:$0x3] =	stream.linear.gather [hbm4b:s11+s2], $0x80, $0x38;
	[tilespmem:$0xAE00] =	vst v63  }
.LBB2_5:
0xaa: {  	_ =	swait.ge [sflag:s30], $0x800;
	p0 =	seq.s32 s26, $0x0  }
.Ltmp3:
0xab: {  	[sflag:s30] =	ssyncset.done $0x0;
	(pc) =	sbr.rel @!p0 .LBB2_8-.Ltmp3, $4  }
0xac: {  	[sflag:s30] =	ssyncadd.s32 $0xFFFFF800  }
0xad: {  	_ =	swait.ge [sflag:s30], $0x800  }
0xae: {  	[sflag:s30] =	ssyncset.done $0x0  }
0xaf: {  	v3 =	vimm.s32 $0x0;
	[sflag:s30] =	ssyncadd.s32 $0xFFFFF800  }
.Ltmp4:
0xb0: {  	(pc) =	sbr.rel .LBB2_9-.Ltmp4, $2  }
0xb1: {  	_ =	sdelay $0x2  }
0xb2: {  	p0 =	por $0x1, $0x1  }
.LBB2_4:
0xb3: {  	v3 =	vmov s29  }
.LBB2_8:
0xb4: {  	_ =	swait.ge [sflag:s18], $0x800  }
0xb5: {  	[sflag:s18] =	ssyncset.done $0x0  }
0xb6: {  	p0 =	por $0x0, $0x0;
	[sflag:s18] =	ssyncadd.s32 $0xFFFFF800  }
.LBB2_9:
0xb7: {  	s8 =	simm.s32 $0x10  }
0xb8: {  	v1 =	vor.u32 s8, v3  }
0xb9: {  	s6 =	sand.u32 $0x1, s6;
	v1 =	vbroadcast v1, $0x0  }
0xba: {  	v2 =	vmov s6  }
0xbb: {  	v0 =	vshll.u32 v2, $0x7;
	v5 =	vor.u32 v61, v1;
	v1 =	vshll.u32 v1, $0x1  }
0xbc: {  	v2 =	vbroadcast v0, $0x0;
	v5 =	vand.u32 $0x7F, v5;
	v1 =	vand.u32 $0x7FFFFF00, v1  }
0xbd: {  	v1 =	vor.u32 v1, v5  }
0xbe: {  	v1 =	vor.u32 v2, v1;
	_ =	sdelay $0x3  }
0xbf: {  	s11 =	simm.s32 $0x0;
	v5 =	vshll.u32 v3, $0x1  }
0xc0: {  	v7 =	vor.u32 s11, v5;
	v6 =	vld.idx.msk [tilespmem:v1+s14+$0x0], $0xffff  }
0xc1: {  	v7 =	vor.u32 v0, v7;
	v1 =	vld.idx.msk [tilespmem:v1+s22+$0x0], $0xffff  }
0xc2: {  	v7 =	vbroadcast v7, $0x0;
	_ =	sdelay $0x1  }
0xc3: {  	v7 =	vor.u32 v61, v7  }
0xc4: {  	v6 =	vmul.f32 v6, v60  }
0xc5: {  	v1 =	vmul.f32 v1, v60  }
0xc6: {  	v8 =	vtrunc.f32 v6  }
0xc7: {  	v1 =	vtrunc.f32 v1;
	v8 =	vcvt.f32.s32 v8  }
0xc8: {  	v11 =	vld.idx.msk [tilespmem:v7+s14+$0x0], $0xffff;
	v1 =	vcvt.f32.s32 v1  }
0xc9: {  	v7 =	vld.idx.msk [tilespmem:v7+s22+$0x0], $0xffff;
	vm0 =	vlt.s32 v8, $0x3E8  }
0xca: {  	vm1 =	vlt.s32 v1, $0x3E8;
	v10 =	vnsel vm0, $0x3E8, v8  }
0xcb: {  	v9 =	vnsel vm1, $0x3E8, v1;
	_ =	sdelay $0x2  }
0xcc: {  	v13 =	vmul.f32 v11, v60;
	v7 =	vmul.f32 v7, v60  }
0xcd: {  	v14 =	vld.idx.msk [tilespmem:v10+s2+$0x0], $0xffff  }
0xce: {  	v11 =	vtrunc.f32 v13;
	v7 =	vtrunc.f32 v7;
	v15 =	vld.idx.msk [tilespmem:v9+s13+$0x0], $0xffff  }
0xcf: {  	v8 =	vcvt.s32.f32 v8;
	v1 =	vcvt.s32.f32 v1  }
0xd0: {  	v16 =	vcvt.f32.s32 v11;
	v17 =	vcvt.f32.s32 v7  }
0xd1: {  	v11 =	vsub.f32 v6, v8  }
0xd2: {  	v12 =	vsub.f32 v6, v1;
	vm6 =	vlt.s32 v16, $0x3E8;
	vm7 =	vlt.s32 v17, $0x3E8  }
0xd3: {  	v7 =	vnsel vm6, $0x3E8, v16;
	v1 =	vand.u32 $0xFFFF0000, v14;
	v8 =	vand.u32 $0xFFFF0000, v15  }
0xd4: {  	v6 =	vnsel vm7, $0x3E8, v17;
	v1 =	vmul.f32 v1, v11;
	v8 =	vmul.f32 v8, v12  }
0xd5: {  	v14 =	vshll.u32 v14, $0x10;
	v15 =	vshll.u32 v15, $0x10  }
0xd6: {  	v1 =	vadd.f32 v14, v1;
	v14 =	vadd.s32 $0x3F0, v10;
	v8 =	vadd.f32 v15, v8  }
0xd7: {  	v15 =	vadd.s32 $0x3F0, v9  }
0xd8: {  	v20 =	vld.idx.msk [tilespmem:v7+s2+$0x0], $0xffff;
	v1 =	vmul.f32 v8, v1  }
0xd9: {  	s8 =	simm.s32 $0xA200;
	v8 =	vld.idx.msk [tilespmem:v6+s13+$0x0], $0xffff  }
0xda: {  	v16 =	vcvt.s32.f32 v16;
	[tilespmem:s8+$0xFFFFFC10] =	vst v1  }
0xdb: {  	v1 =	vcvt.s32.f32 v17;
	v14 =	vld.idx.msk [tilespmem:v14+s2+$0x0], $0xffff  }
0xdc: {  	v18 =	vsub.f32 v13, v16;
	v15 =	vld.idx.msk [tilespmem:v15+s13+$0x0], $0xffff  }
0xdd: {  	v19 =	vsub.f32 v13, v1;
	v1 =	vand.u32 $0xFFFF0000, v20  }
0xde: {  	v13 =	vand.u32 $0xFFFF0000, v8;
	v1 =	vmul.f32 v1, v18  }
0xdf: {  	v16 =	vshll.u32 v20, $0x10;
	v13 =	vmul.f32 v13, v19  }
0xe0: {  	v17 =	vadd.s32 $0x3F0, v7;
	v8 =	vshll.u32 v8, $0x10;
	v1 =	vadd.f32 v16, v1  }
0xe1: {  	v8 =	vadd.f32 v8, v13;
	v13 =	vand.u32 $0xFFFF0000, v14;
	v16 =	vand.u32 $0xFFFF0000, v15  }
0xe2: {  	v20 =	vadd.s32 $0x3F0, v6;
	v13 =	vmul.f32 v13, v11;
	v16 =	vmul.f32 v16, v12  }
0xe3: {  	v1 =	vmul.f32 v8, v1;
	v8 =	vshll.u32 v14, $0x10;
	v14 =	vshll.u32 v15, $0x10  }
0xe4: {  	v8 =	vadd.f32 v8, v13;
	v13 =	vadd.s32 $0x7E0, v10;
	v14 =	vadd.f32 v14, v16  }
0xe5: {  	[tilespmem:s8+$0xFFFFFC00] =	vst v1;
	v1 =	vadd.s32 $0x7E0, v9  }
0xe6: {  	v15 =	vld.idx.msk [tilespmem:v17+s2+$0x0], $0xffff;
	v8 =	vmul.f32 v14, v8  }
0xe7: {  	v14 =	vld.idx.msk [tilespmem:v20+s13+$0x0], $0xffff  }
0xe8: {  	[tilespmem:s8+$0xFFFFFC90] =	vst v8  }
0xe9: {  	v8 =	vld.idx.msk [tilespmem:v13+s2+$0x0], $0xffff  }
0xea: {  	v1 =	vld.idx.msk [tilespmem:v1+s13+$0x0], $0xffff  }
0xeb: {  	v13 =	vand.u32 $0xFFFF0000, v15  }
0xec: {  	v16 =	vand.u32 $0xFFFF0000, v14;
	v13 =	vmul.f32 v13, v18  }
0xed: {  	v15 =	vshll.u32 v15, $0x10;
	v16 =	vmul.f32 v16, v19  }
0xee: {  	v17 =	vadd.s32 $0x7E0, v7;
	v14 =	vshll.u32 v14, $0x10;
	v13 =	vadd.f32 v15, v13  }
0xef: {  	v14 =	vadd.f32 v14, v16;
	v15 =	vand.u32 $0xFFFF0000, v8;
	v16 =	vand.u32 $0xFFFF0000, v1  }
0xf0: {  	v20 =	vadd.s32 $0x7E0, v6;
	v15 =	vmul.f32 v15, v11;
	v16 =	vmul.f32 v16, v12  }
0xf1: {  	v8 =	vshll.u32 v8, $0x10;
	v1 =	vshll.u32 v1, $0x10;
	v13 =	vmul.f32 v14, v13  }
0xf2: {  	v14 =	vadd.s32 $0xBD0, v10;
	v8 =	vadd.f32 v8, v15;
	v1 =	vadd.f32 v1, v16  }
0xf3: {  	[tilespmem:s8+$0xFFFFFC80] =	vst v13;
	v13 =	vadd.s32 $0xBD0, v9  }
0xf4: {  	v15 =	vld.idx.msk [tilespmem:v17+s2+$0x0], $0xffff;
	v1 =	vmul.f32 v1, v8  }
0xf5: {  	v8 =	vld.idx.msk [tilespmem:v20+s13+$0x0], $0xffff  }
0xf6: {  	[tilespmem:s8+$0xFFFFFD10] =	vst v1  }
0xf7: {  	v1 =	vld.idx.msk [tilespmem:v14+s2+$0x0], $0xffff  }
0xf8: {  	v13 =	vld.idx.msk [tilespmem:v13+s13+$0x0], $0xffff  }
0xf9: {  	v14 =	vand.u32 $0xFFFF0000, v15  }
0xfa: {  	v16 =	vand.u32 $0xFFFF0000, v8;
	v14 =	vmul.f32 v14, v18  }
0xfb: {  	v15 =	vshll.u32 v15, $0x10;
	v16 =	vmul.f32 v16, v19  }
0xfc: {  	v17 =	vadd.s32 $0xBD0, v7;
	v8 =	vshll.u32 v8, $0x10;
	v14 =	vadd.f32 v15, v14  }
0xfd: {  	v8 =	vadd.f32 v8, v16;
	v15 =	vand.u32 $0xFFFF0000, v1;
	v16 =	vand.u32 $0xFFFF0000, v13  }
0xfe: {  	v20 =	vadd.s32 $0xBD0, v6;
	v15 =	vmul.f32 v15, v11;
	v16 =	vmul.f32 v16, v12  }
0xff: {  	v1 =	vshll.u32 v1, $0x10;
	v13 =	vshll.u32 v13, $0x10;
	v8 =	vmul.f32 v8, v14  }
0x100: {  	v14 =	vadd.s32 $0xFC0, v10;
	v1 =	vadd.f32 v1, v15;
	v13 =	vadd.f32 v13, v16  }
0x101: {  	[tilespmem:s8+$0xFFFFFD00] =	vst v8;
	v8 =	vadd.s32 $0xFC0, v9  }
0x102: {  	v15 =	vld.idx.msk [tilespmem:v17+s2+$0x0], $0xffff;
	v1 =	vmul.f32 v13, v1  }
0x103: {  	v13 =	vld.idx.msk [tilespmem:v20+s13+$0x0], $0xffff  }
0x104: {  	[tilespmem:s8+$0xFFFFFD90] =	vst v1  }
0x105: {  	v1 =	vld.idx.msk [tilespmem:v14+s2+$0x0], $0xffff  }
0x106: {  	v8 =	vld.idx.msk [tilespmem:v8+s13+$0x0], $0xffff  }
0x107: {  	v14 =	vand.u32 $0xFFFF0000, v15  }
0x108: {  	v16 =	vand.u32 $0xFFFF0000, v13;
	v14 =	vmul.f32 v14, v18  }
0x109: {  	v15 =	vshll.u32 v15, $0x10;
	v16 =	vmul.f32 v16, v19  }
0x10a: {  	v20 =	vadd.s32 $0xFC0, v6;
	v13 =	vshll.u32 v13, $0x10;
	v14 =	vadd.f32 v15, v14  }
0x10b: {  	v13 =	vadd.f32 v13, v16;
	v15 =	vand.u32 $0xFFFF0000, v1;
	v16 =	vand.u32 $0xFFFF0000, v8  }
0x10c: {  	v17 =	vadd.s32 $0xFC0, v7;
	v15 =	vmul.f32 v15, v11;
	v16 =	vmul.f32 v16, v12  }
0x10d: {  	v1 =	vshll.u32 v1, $0x10;
	v8 =	vshll.u32 v8, $0x10;
	v13 =	vmul.f32 v13, v14  }
0x10e: {  	v14 =	vadd.s32 $0x13B0, v10;
	v1 =	vadd.f32 v1, v15;
	v8 =	vadd.f32 v8, v16  }
0x10f: {  	v15 =	vadd.s32 $0x13B0, v9;
	[tilespmem:s8+$0xFFFFFD80] =	vst v13  }
0x110: {  	v13 =	vld.idx.msk [tilespmem:v20+s13+$0x0], $0xffff;
	v1 =	vmul.f32 v8, v1  }
0x111: {  	v8 =	vld.idx.msk [tilespmem:v17+s2+$0x0], $0xffff  }
0x112: {  	[tilespmem:s8+$0xFFFFFE10] =	vst v1  }
0x113: {  	v1 =	vld.idx.msk [tilespmem:v14+s2+$0x0], $0xffff  }
0x114: {  	v14 =	vld.idx.msk [tilespmem:v15+s13+$0x0], $0xffff  }
0x115: {  	v17 =	vand.u32 $0xFFFF0000, v13  }
0x116: {  	v16 =	vshll.u32 v8, $0x10;
	v8 =	vand.u32 $0xFFFF0000, v8;
	v17 =	vmul.f32 v17, v19  }
0x117: {  	v13 =	vshll.u32 v13, $0x10;
	v8 =	vmul.f32 v8, v18  }
0x118: {  	v15 =	vadd.s32 $0x13B0, v7;
	v13 =	vadd.f32 v13, v17  }
0x119: {  	v20 =	vand.u32 $0xFFFF0000, v1;
	v21 =	vand.u32 $0xFFFF0000, v14;
	v8 =	vadd.f32 v16, v8  }
0x11a: {  	v17 =	vadd.s32 $0x13B0, v6;
	v16 =	vmul.f32 v20, v11;
	v20 =	vmul.f32 v21, v12  }
0x11b: {  	v1 =	vshll.u32 v1, $0x10;
	v14 =	vshll.u32 v14, $0x10;
	v8 =	vmul.f32 v13, v8  }
0x11c: {  	v1 =	vadd.f32 v1, v16;
	v16 =	vadd.s32 $0x17A0, v10;
	v14 =	vadd.f32 v14, v20  }
0x11d: {  	v13 =	vadd.s32 $0x17A0, v9  }
0x11e: {  	[tilespmem:s8+$0xFFFFFE00] =	vst v8;
	v1 =	vmul.f32 v14, v1  }
0x11f: {  	v8 =	vld.idx.msk [tilespmem:v15+s2+$0x0], $0xffff  }
0x120: {  	v14 =	vld.idx.msk [tilespmem:v17+s13+$0x0], $0xffff;
	[tilespmem:s8+$0xFFFFFE90] =	vst v1  }
0x121: {  	v1 =	vld.idx.msk [tilespmem:v16+s2+$0x0], $0xffff  }
0x122: {  	v13 =	vld.idx.msk [tilespmem:v13+s13+$0x0], $0xffff;
	_ =	sdelay $0x2  }
0x123: {  	v16 =	vshll.u32 v8, $0x10;
	v8 =	vand.u32 $0xFFFF0000, v8  }
0x124: {  	v21 =	vand.u32 $0xFFFF0000, v14;
	v14 =	vshll.u32 v14, $0x10;
	v8 =	vmul.f32 v8, v18  }
0x125: {  	v21 =	vmul.f32 v21, v19;
	v17 =	vand.u32 $0xFFFF0000, v1;
	v20 =	vand.u32 $0xFFFF0000, v13  }
0x126: {  	v1 =	vshll.u32 v1, $0x10;
	v17 =	vmul.f32 v17, v11;
	v20 =	vmul.f32 v20, v12  }
0x127: {  	v13 =	vshll.u32 v13, $0x10;
	v8 =	vadd.f32 v16, v8;
	v14 =	vadd.f32 v14, v21  }
0x128: {  	v1 =	vadd.f32 v1, v17;
	v17 =	vadd.s32 $0x1B90, v10;
	v13 =	vadd.f32 v13, v20  }
0x129: {  	v16 =	vadd.s32 $0x1B90, v9;
	v8 =	vmul.f32 v14, v8  }
0x12a: {  	s15 =	simm.s32 $0x30;
	v15 =	vadd.s32 $0x17A0, v7;
	v1 =	vmul.f32 v13, v1  }
0x12b: {  	s17 =	simm.s32 $0x20;
	v20 =	vadd.s32 $0x17A0, v6;
	[tilespmem:s8+$0xFFFFFE80] =	vst v8;
	v13 =	vor.u32 s15, v3  }
0x12c: {  	v8 =	vor.u32 s17, v5;
	v13 =	vbroadcast v13, $0x0;
	[tilespmem:s8+$0xFFFFFF10] =	vst v1  }
0x12d: {  	v8 =	vor.u32 v0, v8;
	v14 =	vld.idx.msk [tilespmem:v17+s2+$0x0], $0xffff  }
0x12e: {  	v8 =	vbroadcast v8, $0x0;
	v1 =	vor.u32 v61, v13;
	v13 =	vshll.u32 v13, $0x1;
	v16 =	vld.idx.msk [tilespmem:v16+s13+$0x0], $0xffff  }
0x12f: {  	v15 =	vld.idx.msk [tilespmem:v15+s2+$0x0], $0xffff;
	v1 =	vand.u32 $0x7F, v1;
	v13 =	vand.u32 $0x7FFFFF00, v13  }
0x130: {  	v1 =	vor.u32 v13, v1;
	v13 =	vld.idx.msk [tilespmem:v20+s13+$0x0], $0xffff;
	v20 =	vor.u32 v61, v8  }
0x131: {  	v34 =	vadd.s32 $0x1F80, v9;
	v17 =	vor.u32 v2, v1  }
0x132: {  	v27 =	vadd.s32 $0x1B90, v6;
	v32 =	vadd.s32 $0x1F80, v6;
	v31 =	vadd.s32 $0x2370, v7  }
0x133: {  	v26 =	vadd.s32 $0x2370, v6;
	v8 =	vand.u32 $0xFFFF0000, v14;
	v22 =	vand.u32 $0xFFFF0000, v16  }
0x134: {  	v25 =	vadd.s32 $0x2760, v7;
	v8 =	vmul.f32 v8, v11;
	v22 =	vmul.f32 v22, v12  }
0x135: {  	v23 =	vand.u32 $0xFFFF0000, v15;
	v14 =	vshll.u32 v14, $0x10;
	v16 =	vshll.u32 v16, $0x10;
	v35 =	vld.idx.msk [tilespmem:v20+s22+$0x0], $0xffff  }
0x136: {  	v28 =	vand.u32 $0xFFFF0000, v13;
	v30 =	vld.idx.msk [tilespmem:v17+s14+$0x0], $0xffff;
	v8 =	vadd.f32 v14, v8;
	v14 =	vadd.f32 v16, v22  }
0x137: {  	v33 =	vld.idx.msk [tilespmem:v17+s22+$0x0], $0xffff;
	v16 =	vadd.s32 $0x1F80, v10;
	v17 =	vmul.f32 v23, v18;
	v22 =	vmul.f32 v28, v19  }
0x138: {  	v24 =	vadd.s32 $0x2760, v6;
	v15 =	vshll.u32 v15, $0x10;
	v13 =	vshll.u32 v13, $0x10;
	v28 =	vld.idx.msk [tilespmem:v20+s14+$0x0], $0xffff  }
0x139: {  	v14 =	vmul.f32 v14, v8;
	v15 =	vadd.f32 v15, v17;
	v13 =	vadd.f32 v13, v22  }
0x13a: {  	v29 =	vadd.s32 $0x2F40, v7;
	v21 =	vadd.s32 $0x1B90, v7;
	v1 =	vadd.s32 $0x1F80, v7  }
0x13b: {  	v23 =	vadd.s32 $0x2B50, v7;
	v8 =	vadd.s32 $0x2B50, v6;
	[tilespmem:s8+$0xFFFFFF90] =	vst v14;
	v14 =	vmul.f32 v13, v15  }
0x13c: {  	v17 =	vadd.s32 $0x2F40, v6;
	v35 =	vmul.f32 v35, v60;
	v36 =	vmul.f32 v30, v60;
	v16 =	vld.idx.msk [tilespmem:v16+s2+$0x0], $0xffff  }
0x13d: {  	v13 =	vadd.s32 $0x3330, v7;
	v20 =	vmul.f32 v33, v60;
	v37 =	vmul.f32 v28, v60;
	v28 =	vld.idx.msk [tilespmem:v34+s13+$0x0], $0xffff  }
0x13e: {  	v15 =	vadd.s32 $0x3330, v6;
	v35 =	vtrunc.f32 v35;
	v22 =	vtrunc.f32 v36  }
0x13f: {  	v33 =	vadd.s32 $0x3B10, v6;
	[tilespmem:s8+$0xFFFFFF00] =	vst v14;
	v14 =	vtrunc.f32 v20;
	v30 =	vcvt.f32.s32 v22  }
0x140: {  	v20 =	vadd.s32 $0x3720, v6;
	v38 =	vld.idx.msk [tilespmem:v21+s2+$0x0], $0xffff;
	v21 =	vadd.s32 $0x3B10, v7;
	v14 =	vcvt.f32.s32 v14  }
0x141: {  	v22 =	vadd.s32 $0x3720, v7;
	v7 =	vtrunc.f32 v37;
	vm8 =	vlt.s32 v30, $0x3E8  }
0x142: {  	vm9 =	vlt.s32 v14, $0x3E8;
	v40 =	vand.u32 $0xFFFF0000, v16;
	v41 =	vand.u32 $0xFFFF0000, v28  }
0x143: {  	v34 =	vnsel vm8, $0x3E8, v30;
	v6 =	vmul.f32 v40, v11;
	v53 =	vmul.f32 v41, v12  }
0x144: {  	v39 =	vld.idx.msk [tilespmem:v27+s13+$0x0], $0xffff;
	v16 =	vshll.u32 v16, $0x10;
	v28 =	vshll.u32 v28, $0x10;
	v27 =	vnsel vm9, $0x3E8, v14  }
0x145: {  	v6 =	vadd.f32 v16, v6;
	v16 =	vadd.f32 v28, v53;
	v28 =	vadd.s32 $0x2370, v10  }
0x146: {  	v54 =	vadd.s32 $0x2370, v9;
	v35 =	vcvt.f32.s32 v35;
	v7 =	vcvt.f32.s32 v7  }
0x147: {  	v6 =	vmul.f32 v16, v6  }
0x148: {  	v63 =	vadd.s32 $0x2760, v9;
	vm11 =	vlt.s32 v35, $0x3E8;
	vm10 =	vlt.s32 v7, $0x3E8;
	v42 =	vld.idx.msk [tilespmem:v34+s2+$0x0], $0xffff  }
0x149: {  	v30 =	vcvt.s32.f32 v30;
	v41 =	vand.u32 $0xFFFF0000, v38;
	v43 =	vand.u32 $0xFFFF0000, v39;
	v44 =	vld.idx.msk [tilespmem:v27+s13+$0x0], $0xffff;
	[tilespmem:s8+$0x10] =	vst v6  }
0x14a: {  	v38 =	vshll.u32 v38, $0x10;
	v55 =	vadd.s32 $0x3F0, v34;
	v16 =	vnsel vm10, $0x3E8, v7;
	v45 =	vld.idx.msk [tilespmem:v28+s2+$0x0], $0xffff  }
0x14b: {  	v41 =	vmul.f32 v41, v18;
	v6 =	vcvt.s32.f32 v14;
	v14 =	vnsel vm11, $0x3E8, v35;
	v40 =	vld.idx.msk [tilespmem:v54+s13+$0x0], $0xffff  }
0x14c: {  	v51 =	vadd.s32 $0x3F0, v27;
	v4 =	vsub.f32 v36, v30;
	v7 =	vcvt.s32.f32 v7  }
0x14d: {  	v38 =	vadd.f32 v38, v41;
	v35 =	vcvt.s32.f32 v35;
	v28 =	vsub.f32 v36, v6  }
0x14e: {  	v6 =	vand.u32 $0xFFFF0000, v42;
	v46 =	vand.u32 $0xFFFF0000, v44;
	v42 =	vshll.u32 v42, $0x10  }
0x14f: {  	v49 =	vld.idx.msk [tilespmem:v16+s2+$0x0], $0xffff;
	v47 =	vmul.f32 v6, v4;
	v46 =	vmul.f32 v46, v28;
	v6 =	vsub.f32 v37, v7  }
0x150: {  	v7 =	vshll.u32 v44, $0x10;
	v44 =	vld.idx.msk [tilespmem:v14+s13+$0x0], $0xffff;
	v56 =	vand.u32 $0xFFFF0000, v45;
	v50 =	vand.u32 $0xFFFF0000, v40  }
0x151: {  	v45 =	vshll.u32 v45, $0x10;
	v42 =	vadd.f32 v42, v47;
	v7 =	vadd.f32 v7, v46  }
0x152: {  	v57 =	vshll.u32 v40, $0x10;
	v46 =	vmul.f32 v56, v11;
	v50 =	vmul.f32 v50, v12  }
0x153: {  	v40 =	vadd.s32 $0x2760, v10;
	v42 =	vmul.f32 v7, v42;
	v7 =	vsub.f32 v37, v35  }
0x154: {  	s11 =	simm.s32 $0xA220;
	v59 =	vand.u32 $0xFFFF0000, v49;
	v58 =	vadd.f32 v45, v46;
	v35 =	vadd.f32 v57, v50  }
0x155: {  	v30 =	vadd.s32 $0x3B10, v16;
	v45 =	vmul.f32 v59, v6;
	v62 =	vand.u32 $0xFFFF0000, v44;
	[tilespmem:s11+$0xFFFFFC10] =	vst v42  }
0x156: {  	v48 =	vadd.s32 $0x3F0, v14;
	v35 =	vmul.f32 v35, v58;
	v54 =	vmul.f32 v62, v7;
	v47 =	vld.idx.msk [tilespmem:v55+s2+$0x0], $0xffff  }
0x157: {  	v36 =	vadd.s32 $0x3F0, v16;
	v49 =	vshll.u32 v49, $0x10;
	v44 =	vshll.u32 v44, $0x10;
	v55 =	vld.idx.msk [tilespmem:v51+s13+$0x0], $0xffff  }
0x158: {  	v45 =	vadd.f32 v49, v45;
	v58 =	vmul.f32 v43, v19;
	[tilespmem:s8+$0x90] =	vst v35;
	v56 =	vadd.f32 v44, v54  }
0x159: {  	v50 =	vadd.s32 $0x7E0, v16;
	v57 =	vshll.u32 v39, $0x10;
	v49 =	vadd.s32 $0x7E0, v34;
	v40 =	vld.idx.msk [tilespmem:v40+s2+$0x0], $0xffff  }
0x15a: {  	v51 =	vadd.s32 $0x7E0, v14;
	v37 =	vadd.f32 v57, v58;
	v59 =	vld.idx.msk [tilespmem:v63+s13+$0x0], $0xffff;
	v35 =	vmul.f32 v56, v45  }
0x15b: {  	v44 =	vadd.s32 $0xBD0, v16;
	v54 =	vadd.s32 $0x7E0, v27;
	v57 =	vadd.s32 $0x2B50, v9  }
0x15c: {  	v37 =	vmul.f32 v37, v38;
	v62 =	vand.u32 $0xFFFF0000, v47;
	v63 =	vand.u32 $0xFFFF0000, v55;
	[tilespmem:s11+$0xFFFFFC00] =	vst v35  }
0x15d: {  	v45 =	vadd.s32 $0xBD0, v14;
	v43 =	vmul.f32 v62, v4;
	v39 =	vmul.f32 v63, v28;
	v36 =	vld.idx.msk [tilespmem:v36+s2+$0x0], $0xffff  }
0x15e: {  	v46 =	vshll.u32 v47, $0x10;
	v47 =	vshll.u32 v55, $0x10;
	[tilespmem:s8+$0xFFFFFF80] =	vst v37;
	v48 =	vld.idx.msk [tilespmem:v48+s13+$0x0], $0xffff;
	v52 =	vand.u32 $0xFFFF0000, v40  }
0x15f: {  	v1 =	vld.idx.msk [tilespmem:v1+s2+$0x0], $0xffff;
	v53 =	vand.u32 $0xFFFF0000, v59;
	v35 =	vadd.f32 v46, v43;
	v38 =	vadd.f32 v47, v39  }
0x160: {  	v55 =	vadd.s32 $0x2B50, v10;
	v32 =	vld.idx.msk [tilespmem:v32+s13+$0x0], $0xffff;
	v39 =	vmul.f32 v52, v11;
	v37 =	vmul.f32 v53, v12  }
0x161: {  	v40 =	vshll.u32 v40, $0x10;
	v41 =	vshll.u32 v59, $0x10;
	v38 =	vmul.f32 v38, v35  }
0x162: {  	v39 =	vadd.f32 v40, v39;
	v37 =	vadd.f32 v41, v37;
	v56 =	vand.u32 $0xFFFF0000, v36  }
0x163: {  	v58 =	vand.u32 $0xFFFF0000, v48;
	v36 =	vshll.u32 v36, $0x10;
	[tilespmem:s11+$0xFFFFFC90] =	vst v38;
	v41 =	vmul.f32 v56, v6  }
0x164: {  	v62 =	vand.u32 $0xFFFF0000, v1;
	v37 =	vmul.f32 v37, v39;
	v59 =	vmul.f32 v58, v7;
	v43 =	vld.idx.msk [tilespmem:v49+s2+$0x0], $0xffff  }
0x165: {  	v42 =	vshll.u32 v48, $0x10;
	v63 =	vand.u32 $0xFFFF0000, v32;
	v47 =	vmul.f32 v62, v18;
	v46 =	vld.idx.msk [tilespmem:v54+s13+$0x0], $0xffff  }
0x166: {  	v49 =	vmul.f32 v63, v19;
	v36 =	vadd.f32 v36, v41;
	[tilespmem:s8+$0x110] =	vst v37;
	v48 =	vadd.f32 v42, v59  }
0x167: {  	v35 =	vadd.s32 $0xFC0, v16;
	v1 =	vshll.u32 v1, $0x10;
	v32 =	vshll.u32 v32, $0x10;
	v40 =	vld.idx.msk [tilespmem:v55+s2+$0x0], $0xffff  }
0x168: {  	v1 =	vadd.f32 v1, v47;
	v38 =	vld.idx.msk [tilespmem:v57+s13+$0x0], $0xffff;
	v32 =	vadd.f32 v32, v49;
	v36 =	vmul.f32 v48, v36  }
0x169: {  	v58 =	vadd.s32 $0xBD0, v34;
	v62 =	vadd.s32 $0xBD0, v27;
	v47 =	vadd.s32 $0xFC0, v14  }
0x16a: {  	v1 =	vmul.f32 v32, v1;
	v52 =	vand.u32 $0xFFFF0000, v43;
	v53 =	vand.u32 $0xFFFF0000, v46;
	[tilespmem:s11+$0xFFFFFC80] =	vst v36  }
0x16b: {  	v49 =	vadd.s32 $0x2F40, v10;
	v37 =	vmul.f32 v52, v4;
	v39 =	vmul.f32 v53, v28;
	v55 =	vld.idx.msk [tilespmem:v50+s2+$0x0], $0xffff  }
0x16c: {  	v54 =	vshll.u32 v43, $0x10;
	v56 =	vshll.u32 v46, $0x10;
	v57 =	vld.idx.msk [tilespmem:v51+s13+$0x0], $0xffff;
	[tilespmem:s8+$0x0] =	vst v1;
	v59 =	vand.u32 $0xFFFF0000, v40  }
0x16d: {  	v1 =	vand.u32 $0xFFFF0000, v38;
	v31 =	vld.idx.msk [tilespmem:v31+s2+$0x0], $0xffff;
	v36 =	vadd.f32 v54, v37;
	v39 =	vadd.f32 v56, v39  }
0x16e: {  	v51 =	vadd.s32 $0x2F40, v9;
	v26 =	vld.idx.msk [tilespmem:v26+s13+$0x0], $0xffff;
	v41 =	vmul.f32 v59, v11;
	v63 =	vmul.f32 v1, v12  }
0x16f: {  	v48 =	vshll.u32 v40, $0x10;
	v38 =	vshll.u32 v38, $0x10;
	v36 =	vmul.f32 v39, v36  }
0x170: {  	v39 =	vadd.f32 v48, v41;
	v38 =	vadd.f32 v38, v63;
	v50 =	vand.u32 $0xFFFF0000, v55  }
0x171: {  	v52 =	vand.u32 $0xFFFF0000, v57;
	v32 =	vshll.u32 v55, $0x10;
	[tilespmem:s11+$0xFFFFFD10] =	vst v36;
	v41 =	vmul.f32 v50, v6  }
0x172: {  	v38 =	vmul.f32 v38, v39;
	v53 =	vmul.f32 v52, v7;
	v54 =	vand.u32 $0xFFFF0000, v31;
	v42 =	vld.idx.msk [tilespmem:v58+s2+$0x0], $0xffff  }
0x173: {  	v37 =	vshll.u32 v57, $0x10;
	v55 =	vand.u32 $0xFFFF0000, v26;
	v43 =	vld.idx.msk [tilespmem:v62+s13+$0x0], $0xffff;
	v46 =	vmul.f32 v54, v18  }
0x174: {  	v56 =	vmul.f32 v55, v19;
	v32 =	vadd.f32 v32, v41;
	[tilespmem:s8+$0x190] =	vst v38;
	v37 =	vadd.f32 v37, v53  }
0x175: {  	v1 =	vadd.s32 $0x13B0, v16;
	v31 =	vshll.u32 v31, $0x10;
	v26 =	vshll.u32 v26, $0x10;
	v57 =	vld.idx.msk [tilespmem:v49+s2+$0x0], $0xffff  }
0x176: {  	v31 =	vadd.f32 v31, v46;
	v36 =	vld.idx.msk [tilespmem:v51+s13+$0x0], $0xffff;
	v26 =	vadd.f32 v26, v56;
	v32 =	vmul.f32 v37, v32  }
0x177: {  	v53 =	vadd.s32 $0x3330, v10;
	v49 =	vadd.s32 $0xFC0, v34;
	v51 =	vadd.s32 $0xFC0, v27  }
0x178: {  	v26 =	vmul.f32 v26, v31;
	v58 =	vand.u32 $0xFFFF0000, v42;
	v59 =	vand.u32 $0xFFFF0000, v43;
	[tilespmem:s11+$0xFFFFFD00] =	vst v32  }
0x179: {  	v37 =	vadd.s32 $0x13B0, v14;
	v62 =	vmul.f32 v58, v4;
	v38 =	vmul.f32 v59, v28;
	v31 =	vld.idx.msk [tilespmem:v44+s2+$0x0], $0xffff  }
0x17a: {  	v63 =	vshll.u32 v42, $0x10;
	v46 =	vshll.u32 v43, $0x10;
	v48 =	vld.idx.msk [tilespmem:v45+s13+$0x0], $0xffff;
	[tilespmem:s8+$0x80] =	vst v26;
	v50 =	vand.u32 $0xFFFF0000, v57  }
0x17b: {  	v26 =	vand.u32 $0xFFFF0000, v36;
	v25 =	vld.idx.msk [tilespmem:v25+s2+$0x0], $0xffff;
	v32 =	vadd.f32 v63, v62;
	v38 =	vadd.f32 v46, v38  }
0x17c: {  	v43 =	vadd.s32 $0x17A0, v16;
	v24 =	vld.idx.msk [tilespmem:v24+s13+$0x0], $0xffff;
	v41 =	vmul.f32 v50, v11;
	v26 =	vmul.f32 v26, v12  }
0x17d: {  	v52 =	vshll.u32 v57, $0x10;
	v36 =	vshll.u32 v36, $0x10;
	v32 =	vmul.f32 v38, v32  }
0x17e: {  	v57 =	vadd.s32 $0x3330, v9;
	v38 =	vadd.f32 v52, v41;
	v26 =	vadd.f32 v36, v26  }
0x17f: {  	v54 =	vand.u32 $0xFFFF0000, v31;
	v31 =	vshll.u32 v31, $0x10;
	v55 =	vand.u32 $0xFFFF0000, v48;
	[tilespmem:s11+$0xFFFFFD90] =	vst v32  }
0x180: {  	v40 =	vshll.u32 v48, $0x10;
	v39 =	vmul.f32 v54, v6;
	v26 =	vmul.f32 v26, v38;
	v56 =	vld.idx.msk [tilespmem:v49+s2+$0x0], $0xffff  }
0x181: {  	v32 =	vmul.f32 v55, v7;
	v59 =	vand.u32 $0xFFFF0000, v25;
	v62 =	vand.u32 $0xFFFF0000, v24;
	v58 =	vld.idx.msk [tilespmem:v51+s13+$0x0], $0xffff  }
0x182: {  	v42 =	vmul.f32 v59, v18;
	v31 =	vadd.f32 v31, v39;
	v39 =	vmul.f32 v62, v19  }
0x183: {  	v25 =	vshll.u32 v25, $0x10;
	v24 =	vshll.u32 v24, $0x10;
	v32 =	vadd.f32 v40, v32  }
0x184: {  	v44 =	vadd.s32 $0x17A0, v14;
	[tilespmem:s8+$0x210] =	vst v26;
	v25 =	vadd.f32 v25, v42;
	v24 =	vadd.f32 v24, v39  }
0x185: {  	v41 =	vadd.s32 $0x1B90, v14;
	v36 =	vadd.s32 $0x1F80, v16;
	v63 =	vld.idx.msk [tilespmem:v53+s2+$0x0], $0xffff;
	v26 =	vmul.f32 v32, v31  }
0x186: {  	v31 =	vand.u32 $0xFFFF0000, v56;
	v52 =	vand.u32 $0xFFFF0000, v58;
	v24 =	vmul.f32 v24, v25  }
0x187: {  	v59 =	vadd.s32 $0x3720, v10;
	v53 =	vld.idx.msk [tilespmem:v57+s13+$0x0], $0xffff;
	[tilespmem:s11+$0xFFFFFD80] =	vst v26;
	v31 =	vmul.f32 v31, v4;
	v32 =	vmul.f32 v52, v28  }
0x188: {  	v10 =	vadd.s32 $0x3B10, v10;
	v25 =	vshll.u32 v56, $0x10;
	v54 =	vshll.u32 v58, $0x10;
	v55 =	vld.idx.msk [tilespmem:v35+s2+$0x0], $0xffff  }
0x189: {  	v26 =	vadd.s32 $0x13B0, v34;
	v57 =	vld.idx.msk [tilespmem:v47+s13+$0x0], $0xffff;
	[tilespmem:s8+$0x100] =	vst v24;
	v25 =	vadd.f32 v25, v31;
	v31 =	vadd.f32 v54, v32  }
0x18a: {  	v42 =	vadd.s32 $0x1B90, v16;
	v56 =	vadd.s32 $0x13B0, v27;
	v24 =	vand.u32 $0xFFFF0000, v63;
	v47 =	vld.idx.msk [tilespmem:v23+s2+$0x0], $0xffff  }
0x18b: {  	v35 =	vadd.s32 $0x1F80, v14;
	v24 =	vmul.f32 v24, v11;
	v25 =	vmul.f32 v31, v25  }
0x18c: {  	v40 =	vshll.u32 v63, $0x10;
	v63 =	vadd.s32 $0x3720, v9;
	v23 =	vand.u32 $0xFFFF0000, v53  }
0x18d: {  	v9 =	vadd.s32 $0x3B10, v9;
	v8 =	vld.idx.msk [tilespmem:v8+s13+$0x0], $0xffff;
	v58 =	vmul.f32 v23, v12;
	v24 =	vadd.f32 v40, v24;
	[tilespmem:s11+$0xFFFFFE10] =	vst v25  }
0x18e: {  	v62 =	vand.u32 $0xFFFF0000, v57;
	v46 =	vshll.u32 v57, $0x10;
	v25 =	vshll.u32 v53, $0x10;
	v39 =	vld.idx.msk [tilespmem:v26+s2+$0x0], $0xffff  }
0x18f: {  	v25 =	vadd.f32 v25, v58;
	v26 =	vand.u32 $0xFFFF0000, v55;
	v45 =	vld.idx.msk [tilespmem:v56+s13+$0x0], $0xffff;
	v57 =	vand.u32 $0xFFFF0000, v47  }
0x190: {  	v38 =	vshll.u32 v55, $0x10;
	v26 =	vmul.f32 v26, v6;
	v48 =	vmul.f32 v57, v18  }
0x191: {  	v53 =	vshll.u32 v47, $0x10;
	v24 =	vmul.f32 v25, v24;
	v25 =	vmul.f32 v62, v7  }
0x192: {  	v38 =	vadd.f32 v38, v26;
	v26 =	vand.u32 $0xFFFF0000, v8;
	v8 =	vshll.u32 v8, $0x10  }
0x193: {  	v25 =	vadd.f32 v46, v25;
	v58 =	vmul.f32 v26, v19;
	v54 =	vand.u32 $0xFFFF0000, v39  }
0x194: {  	v48 =	vadd.f32 v53, v48;
	[tilespmem:s8+$0x290] =	vst v24;
	v55 =	vand.u32 $0xFFFF0000, v45;
	v24 =	vmul.f32 v54, v4  }
0x195: {  	v57 =	vld.idx.msk [tilespmem:v59+s2+$0x0], $0xffff;
	v56 =	vmul.f32 v55, v28;
	v25 =	vmul.f32 v25, v38;
	v8 =	vadd.f32 v8, v58  }
0x196: {  	v59 =	vshll.u32 v39, $0x10;
	v62 =	vshll.u32 v45, $0x10;
	v45 =	vld.idx.msk [tilespmem:v63+s13+$0x0], $0xffff;
	v63 =	vadd.s32 $0x17A0, v34  }
0x197: {  	v24 =	vadd.f32 v59, v24;
	v52 =	vadd.f32 v62, v56;
	[tilespmem:s11+$0xFFFFFE00] =	vst v25;
	v8 =	vmul.f32 v8, v48  }
0x198: {  	v32 =	vadd.s32 $0x2370, v16;
	v23 =	vadd.s32 $0x2760, v16;
	v54 =	vadd.s32 $0x17A0, v27;
	v1 =	vld.idx.msk [tilespmem:v1+s2+$0x0], $0xffff  }
0x199: {  	v31 =	vadd.s32 $0x2370, v14;
	v40 =	vadd.s32 $0x2F40, v16;
	v55 =	vld.idx.msk [tilespmem:v37+s13+$0x0], $0xffff;
	v38 =	vmul.f32 v52, v24;
	[tilespmem:s8+$0x180] =	vst v8  }
0x19a: {  	v26 =	vadd.s32 $0x2760, v14;
	v39 =	vadd.s32 $0x2F40, v14;
	v58 =	vand.u32 $0xFFFF0000, v57;
	v29 =	vld.idx.msk [tilespmem:v29+s2+$0x0], $0xffff  }
0x19b: {  	v25 =	vadd.s32 $0x2B50, v16;
	v59 =	vand.u32 $0xFFFF0000, v45;
	v62 =	vmul.f32 v58, v11;
	v17 =	vld.idx.msk [tilespmem:v17+s13+$0x0], $0xffff;
	[tilespmem:s11+$0xFFFFFE90] =	vst v38  }
0x19c: {  	v37 =	vadd.s32 $0x3330, v14;
	v51 =	vshll.u32 v57, $0x10;
	v48 =	vmul.f32 v59, v12;
	v49 =	vld.idx.msk [tilespmem:v63+s2+$0x0], $0xffff  }
0x19d: {  	v24 =	vadd.s32 $0x2B50, v14;
	v45 =	vshll.u32 v45, $0x10;
	v47 =	vld.idx.msk [tilespmem:v54+s13+$0x0], $0xffff;
	v50 =	vadd.f32 v51, v62  }
0x19e: {  	v45 =	vadd.f32 v45, v48;
	v63 =	vshll.u32 v1, $0x10;
	v1 =	vand.u32 $0xFFFF0000, v1  }
0x19f: {  	v56 =	vand.u32 $0xFFFF0000, v55;
	v46 =	vshll.u32 v55, $0x10;
	v1 =	vmul.f32 v1, v6  }
0x1a0: {  	v45 =	vmul.f32 v45, v50;
	v58 =	vmul.f32 v56, v7;
	v53 =	vand.u32 $0xFFFF0000, v29  }
0x1a1: {  	v29 =	vshll.u32 v29, $0x10;
	v1 =	vadd.f32 v63, v1;
	v63 =	vand.u32 $0xFFFF0000, v17  }
0x1a2: {  	v56 =	vmul.f32 v53, v18;
	v59 =	vand.u32 $0xFFFF0000, v49;
	v52 =	vand.u32 $0xFFFF0000, v47  }
0x1a3: {  	v53 =	vadd.s32 $0x1B90, v27;
	v51 =	vmul.f32 v59, v4;
	v52 =	vmul.f32 v52, v28  }
0x1a4: {  	s19 =	simm.s32 $0x50;
	v62 =	vshll.u32 v49, $0x10;
	v47 =	vshll.u32 v47, $0x10;
	v49 =	vadd.s32 $0x1B90, v34  }
0x1a5: {  	[tilespmem:s8+$0x310] =	vst v45;
	v48 =	vadd.f32 v62, v51;
	v47 =	vadd.f32 v47, v52;
	v62 =	vor.u32 s19, v3  }
0x1a6: {  	v58 =	vadd.f32 v46, v58;
	v17 =	vshll.u32 v17, $0x10;
	v54 =	vld.idx.msk [tilespmem:v10+s2+$0x0], $0xffff;
	v10 =	vbroadcast v62, $0x0  }
0x1a7: {  	v63 =	vmul.f32 v63, v19;
	v55 =	vld.idx.msk [tilespmem:v9+s13+$0x0], $0xffff;
	v29 =	vadd.f32 v29, v56;
	v59 =	vmul.f32 v47, v48  }
0x1a8: {  	v1 =	vmul.f32 v58, v1;
	v56 =	vor.u32 v61, v10;
	v10 =	vshll.u32 v10, $0x1  }
0x1a9: {  	v9 =	vadd.f32 v17, v63;
	[tilespmem:s11+$0xFFFFFF10] =	vst v59;
	v45 =	vand.u32 $0x7F, v56;
	v62 =	vand.u32 $0x7FFFFF00, v10  }
0x1aa: {  	s21 =	simm.s32 $0x40;
	v57 =	vadd.s32 $0x3720, v16;
	v38 =	vadd.s32 $0x3330, v16;
	v17 =	vld.idx.msk [tilespmem:v49+s2+$0x0], $0xffff;
	[tilespmem:$0x1FFC0] =	vst v5;
	v45 =	vor.u32 v62, v45  }
0x1ab: {  	v58 =	vor.u32 s21, v5;
	v29 =	vmul.f32 v9, v29;
	v59 =	vld.idx.msk [tilespmem:v53+s13+$0x0], $0xffff;
	[tilespmem:s11+$0xFFFFFE80] =	vst v1;
	v45 =	vor.u32 v2, v45  }
0x1ac: {  	v63 =	vand.u32 $0xFFFF0000, v54;
	v47 =	vshll.u32 v55, $0x10;
	v1 =	vor.u32 v0, v58;
	[tilespmem:$0x1FFD0] =	vst v0  }
0x1ad: {  	v11 =	vmul.f32 v63, v11;
	v49 =	vand.u32 $0xFFFF0000, v55;
	v1 =	vbroadcast v1, $0x0;
	v43 =	vld.idx.msk [tilespmem:v43+s2+$0x0], $0xffff;
	[tilespmem:$0x1FFE0] =	vst v2  }
0x1ae: {  	v10 =	vadd.s32 $0x3720, v14;
	v56 =	vadd.s32 $0x1F80, v27;
	v12 =	vmul.f32 v49, v12;
	v16 =	vld.idx.msk [tilespmem:v44+s13+$0x0], $0xffff;
	[tilespmem:s8+$0x200] =	vst v29  }
0x1af: {  	v1 =	vor.u32 v61, v1;
	v29 =	vshll.u32 v54, $0x10;
	v13 =	vld.idx.msk [tilespmem:v13+s2+$0x0], $0xffff;
	v50 =	vand.u32 $0xFFFF0000, v17  }
0x1b0: {  	v11 =	vadd.f32 v29, v11;
	v51 =	vand.u32 $0xFFFF0000, v59;
	v44 =	vmul.f32 v50, v4;
	v29 =	vld.idx.msk [tilespmem:v45+s14+$0x0], $0xffff  }
0x1b1: {  	v53 =	vadd.s32 $0x1F80, v34;
	v17 =	vshll.u32 v17, $0x10;
	v45 =	vld.idx.msk [tilespmem:v45+s22+$0x0], $0xffff;
	v46 =	vmul.f32 v51, v28  }
0x1b2: {  	v12 =	vadd.f32 v47, v12;
	v15 =	vld.idx.msk [tilespmem:v15+s13+$0x0], $0xffff;
	v48 =	vshll.u32 v59, $0x10;
	v17 =	vadd.f32 v17, v44  }
0x1b3: {  	v54 =	vand.u32 $0xFFFF0000, v43;
	v43 =	vshll.u32 v43, $0x10;
	v52 =	vadd.f32 v48, v46  }
0x1b4: {  	v55 =	vld.idx.msk [tilespmem:v1+s14+$0x0], $0xffff;
	v58 =	vand.u32 $0xFFFF0000, v16;
	v47 =	vmul.f32 v54, v6;
	v16 =	vshll.u32 v16, $0x10  }
0x1b5: {  	v59 =	vmul.f32 v58, v7;
	v62 =	vand.u32 $0xFFFF0000, v13;
	v17 =	vmul.f32 v52, v17  }
0x1b6: {  	v1 =	vld.idx.msk [tilespmem:v1+s22+$0x0], $0xffff;
	v13 =	vshll.u32 v13, $0x10;
	v50 =	vmul.f32 v29, v60;
	v29 =	vmul.f32 v45, v60  }
0x1b7: {  	v43 =	vadd.f32 v43, v47;
	v63 =	vmul.f32 v62, v18;
	[tilespmem:s11+$0xFFFFFF90] =	vst v17;
	v17 =	vand.u32 $0xFFFF0000, v15  }
0x1b8: {  	v16 =	vadd.f32 v16, v59;
	v29 =	vtrunc.f32 v29;
	v46 =	vld.idx.msk [tilespmem:v53+s2+$0x0], $0xffff;
	v17 =	vmul.f32 v17, v19  }
0x1b9: {  	v62 =	vadd.s32 $0x2370, v34;
	v48 =	vmul.f32 v55, v60;
	v54 =	vld.idx.msk [tilespmem:v56+s13+$0x0], $0xffff;
	v55 =	vtrunc.f32 v50  }
0x1ba: {  	v15 =	vshll.u32 v15, $0x10;
	v51 =	vcvt.f32.s32 v29;
	v16 =	vmul.f32 v16, v43  }
0x1bb: {  	v29 =	vadd.f32 v13, v63;
	v1 =	vmul.f32 v1, v60;
	v49 =	vcvt.f32.s32 v55  }
0x1bc: {  	v17 =	vadd.f32 v15, v17;
	v56 =	vtrunc.f32 v48;
	vm13 =	vlt.s32 v51, $0x3E8  }
0x1bd: {  	v1 =	vtrunc.f32 v1;
	vm12 =	vlt.s32 v49, $0x3E8;
	v15 =	vnsel vm13, $0x3E8, v51  }
0x1be: {  	v13 =	vnsel vm12, $0x3E8, v49;
	v58 =	vand.u32 $0xFFFF0000, v46;
	v59 =	vand.u32 $0xFFFF0000, v54  }
0x1bf: {  	v63 =	vadd.s32 $0x2370, v27;
	v45 =	vmul.f32 v58, v4;
	v47 =	vmul.f32 v59, v28  }
0x1c0: {  	[tilespmem:s11+$0xFFFFFF00] =	vst v16;
	v43 =	vcvt.f32.s32 v56;
	v46 =	vshll.u32 v46, $0x10;
	v44 =	vshll.u32 v54, $0x10  }
0x1c1: {  	v42 =	vld.idx.msk [tilespmem:v42+s2+$0x0], $0xffff;
	v1 =	vcvt.f32.s32 v1;
	v45 =	vadd.f32 v46, v45;
	v44 =	vadd.f32 v44, v47  }
0x1c2: {  	v29 =	vmul.f32 v17, v29;
	v17 =	vcvt.s32.f32 v51;
	vm14 =	vlt.s32 v43, $0x3E8;
	v54 =	vld.idx.msk [tilespmem:v15+s13+$0x0], $0xffff  }
0x1c3: {  	vm15 =	vlt.s32 v1, $0x3E8;
	v58 =	vadd.s32 $0x3B10, v14;
	v59 =	vld.idx.msk [tilespmem:v13+s2+$0x0], $0xffff;
	v14 =	vmul.f32 v44, v45  }
0x1c4: {  	v46 =	vnsel vm15, $0x3E8, v1;
	v44 =	vmul.f32 v12, v11;
	v11 =	vcvt.s32.f32 v49  }
0x1c5: {  	v41 =	vld.idx.msk [tilespmem:v41+s13+$0x0], $0xffff;
	v1 =	vcvt.s32.f32 v1;
	v45 =	vnsel vm14, $0x3E8, v43;
	v12 =	vcvt.s32.f32 v43;
	[tilespmem:s11+$0x10] =	vst v14  }
0x1c6: {  	v55 =	vadd.s32 $0x3F0, v15;
	v17 =	vsub.f32 v50, v17;
	v14 =	vsub.f32 v50, v11;
	v43 =	vld.idx.msk [tilespmem:v62+s2+$0x0], $0xffff  }
0x1c7: {  	v11 =	vsub.f32 v48, v12;
	v12 =	vsub.f32 v48, v1;
	v49 =	vld.idx.msk [tilespmem:v63+s13+$0x0], $0xffff;
	v1 =	vand.u32 $0xFFFF0000, v54  }
0x1c8: {  	v47 =	vand.u32 $0xFFFF0000, v42;
	v62 =	vand.u32 $0xFFFF0000, v59;
	v1 =	vmul.f32 v1, v17  }
0x1c9: {  	v53 =	vld.idx.msk [tilespmem:v46+s13+$0x0], $0xffff;
	v56 =	vshll.u32 v59, $0x10;
	v59 =	vshll.u32 v54, $0x10;
	v63 =	vmul.f32 v62, v14  }
0x1ca: {  	v51 =	vadd.s32 $0x3F0, v13;
	v47 =	vmul.f32 v47, v6;
	v50 =	vld.idx.msk [tilespmem:v45+s2+$0x0], $0xffff;
	v1 =	vadd.f32 v59, v1  }
0x1cb: {  	v48 =	vadd.f32 v56, v63;
	v56 =	vand.u32 $0xFFFF0000, v41;
	v62 =	vand.u32 $0xFFFF0000, v43  }
0x1cc: {  	v63 =	vand.u32 $0xFFFF0000, v49;
	v43 =	vshll.u32 v43, $0x10;
	v59 =	vshll.u32 v49, $0x10  }
0x1cd: {  	v49 =	vadd.s32 $0x2760, v34;
	v54 =	vmul.f32 v62, v4;
	v52 =	vmul.f32 v63, v28  }
0x1ce: {  	v1 =	vmul.f32 v1, v48;
	v63 =	vand.u32 $0xFFFF0000, v53;
	v53 =	vshll.u32 v53, $0x10  }
0x1cf: {  	s15 =	simm.s32 $0xA240;
	v62 =	vand.u32 $0xFFFF0000, v50;
	v43 =	vadd.f32 v43, v54;
	v48 =	vadd.f32 v59, v52  }
0x1d0: {  	[tilespmem:s15+$0xFFFFFC10] =	vst v1;
	v1 =	vadd.s32 $0x2760, v27;
	v52 =	vmul.f32 v62, v11;
	v62 =	vmul.f32 v63, v12  }
0x1d1: {  	v50 =	vshll.u32 v50, $0x10;
	v54 =	vadd.s32 $0x3F0, v45;
	v51 =	vld.idx.msk [tilespmem:v51+s2+$0x0], $0xffff;
	v43 =	vmul.f32 v48, v43  }
0x1d2: {  	v59 =	vmul.f32 v56, v7;
	v55 =	vld.idx.msk [tilespmem:v55+s13+$0x0], $0xffff;
	v50 =	vadd.f32 v50, v52;
	v63 =	vadd.f32 v53, v62  }
0x1d3: {  	v42 =	vshll.u32 v42, $0x10;
	v41 =	vshll.u32 v41, $0x10;
	v48 =	vadd.s32 $0x3F0, v46;
	[tilespmem:s11+$0x90] =	vst v43  }
0x1d4: {  	v42 =	vadd.f32 v42, v47;
	v41 =	vadd.f32 v41, v59;
	v43 =	vmul.f32 v63, v50;
	v49 =	vld.idx.msk [tilespmem:v49+s2+$0x0], $0xffff  }
0x1d5: {  	v53 =	vadd.s32 $0x7E0, v45;
	v52 =	vadd.s32 $0xBD0, v45;
	v1 =	vld.idx.msk [tilespmem:v1+s13+$0x0], $0xffff  }
0x1d6: {  	v50 =	vadd.s32 $0x7E0, v46;
	v41 =	vmul.f32 v41, v42;
	v62 =	vand.u32 $0xFFFF0000, v51;
	[tilespmem:s15+$0xFFFFFC00] =	vst v43  }
0x1d7: {  	v59 =	vand.u32 $0xFFFF0000, v55;
	v51 =	vshll.u32 v51, $0x10;
	v63 =	vmul.f32 v62, v14;
	v42 =	vld.idx.msk [tilespmem:v54+s2+$0x0], $0xffff  }
0x1d8: {  	v47 =	vmul.f32 v59, v17;
	v48 =	vld.idx.msk [tilespmem:v48+s13+$0x0], $0xffff;
	v54 =	vshll.u32 v55, $0x10;
	v55 =	vadd.s32 $0x7E0, v15  }
0x1d9: {  	[tilespmem:s11+$0xFFFFFF80] =	vst v41;
	v43 =	vadd.f32 v51, v63;
	v51 =	vadd.s32 $0x7E0, v13;
	v62 =	vand.u32 $0xFFFF0000, v49  }
0x1da: {  	v36 =	vld.idx.msk [tilespmem:v36+s2+$0x0], $0xffff;
	v59 =	vadd.f32 v54, v47;
	v63 =	vand.u32 $0xFFFF0000, v1;
	v62 =	vmul.f32 v62, v4  }
0x1db: {  	v35 =	vld.idx.msk [tilespmem:v35+s13+$0x0], $0xffff;
	v47 =	vadd.s32 $0x2B50, v34;
	v49 =	vshll.u32 v49, $0x10;
	v63 =	vmul.f32 v63, v28  }
0x1dc: {  	v1 =	vshll.u32 v1, $0x10;
	v41 =	vmul.f32 v59, v43;
	v59 =	vadd.f32 v49, v62  }
0x1dd: {  	v1 =	vadd.f32 v1, v63;
	v62 =	vand.u32 $0xFFFF0000, v42;
	v63 =	vand.u32 $0xFFFF0000, v48  }
0x1de: {  	[tilespmem:s15+$0xFFFFFC90] =	vst v41;
	v41 =	vadd.s32 $0x2B50, v27;
	v42 =	vshll.u32 v42, $0x10;
	v49 =	vmul.f32 v62, v11  }
0x1df: {  	v54 =	vmul.f32 v63, v12;
	v51 =	vld.idx.msk [tilespmem:v51+s2+$0x0], $0xffff;
	v62 =	vand.u32 $0xFFFF0000, v36;
	v1 =	vmul.f32 v1, v59  }
0x1e0: {  	v63 =	vand.u32 $0xFFFF0000, v35;
	v36 =	vshll.u32 v36, $0x10;
	v59 =	vshll.u32 v48, $0x10;
	v48 =	vld.idx.msk [tilespmem:v55+s13+$0x0], $0xffff  }
0x1e1: {  	v55 =	vmul.f32 v62, v6;
	v49 =	vadd.f32 v42, v49;
	v43 =	vadd.f32 v59, v54;
	[tilespmem:s11+$0x110] =	vst v1  }
0x1e2: {  	v35 =	vshll.u32 v35, $0x10;
	v54 =	vadd.s32 $0xBD0, v46;
	v42 =	vadd.s32 $0xFC0, v45;
	v47 =	vld.idx.msk [tilespmem:v47+s2+$0x0], $0xffff  }
0x1e3: {  	v1 =	vmul.f32 v63, v7;
	v36 =	vadd.f32 v36, v55;
	v49 =	vmul.f32 v43, v49;
	v56 =	vld.idx.msk [tilespmem:v41+s13+$0x0], $0xffff  }
0x1e4: {  	v43 =	vadd.s32 $0xFC0, v46;
	v41 =	vadd.s32 $0x13B0, v45;
	v55 =	vand.u32 $0xFFFF0000, v51  }
0x1e5: {  	v1 =	vadd.f32 v35, v1;
	v51 =	vshll.u32 v51, $0x10;
	v35 =	vmul.f32 v55, v14  }
0x1e6: {  	[tilespmem:s15+$0xFFFFFC80] =	vst v49;
	v59 =	vand.u32 $0xFFFF0000, v48;
	v48 =	vshll.u32 v48, $0x10;
	v55 =	vadd.s32 $0x2F40, v34  }
0x1e7: {  	v1 =	vmul.f32 v1, v36;
	v36 =	vld.idx.msk [tilespmem:v53+s2+$0x0], $0xffff;
	v49 =	vmul.f32 v59, v17;
	v35 =	vadd.f32 v51, v35  }
0x1e8: {  	v50 =	vld.idx.msk [tilespmem:v50+s13+$0x0], $0xffff;
	v51 =	vadd.s32 $0xBD0, v13;
	v62 =	vand.u32 $0xFFFF0000, v47;
	v63 =	vand.u32 $0xFFFF0000, v56  }
0x1e9: {  	[tilespmem:s11+$0x0] =	vst v1;
	v1 =	vadd.f32 v48, v49;
	v48 =	vmul.f32 v62, v4;
	v49 =	vmul.f32 v63, v28  }
0x1ea: {  	v53 =	vadd.s32 $0xBD0, v15;
	v59 =	vshll.u32 v47, $0x10;
	v32 =	vld.idx.msk [tilespmem:v32+s2+$0x0], $0xffff;
	v62 =	vshll.u32 v56, $0x10  }
0x1eb: {  	v31 =	vld.idx.msk [tilespmem:v31+s13+$0x0], $0xffff;
	v1 =	vmul.f32 v1, v35;
	v35 =	vadd.f32 v59, v48;
	v47 =	vadd.f32 v62, v49  }
0x1ec: {  	v63 =	vand.u32 $0xFFFF0000, v36;
	v36 =	vshll.u32 v36, $0x10;
	v48 =	vadd.s32 $0x2F40, v27  }
0x1ed: {  	v59 =	vand.u32 $0xFFFF0000, v50;
	v50 =	vshll.u32 v50, $0x10;
	[tilespmem:s15+$0xFFFFFD10] =	vst v1;
	v1 =	vmul.f32 v63, v11  }
0x1ee: {  	v49 =	vadd.s32 $0x17A0, v45;
	v51 =	vld.idx.msk [tilespmem:v51+s2+$0x0], $0xffff;
	v35 =	vmul.f32 v47, v35;
	v47 =	vmul.f32 v59, v12  }
0x1ef: {  	v53 =	vld.idx.msk [tilespmem:v53+s13+$0x0], $0xffff;
	v62 =	vand.u32 $0xFFFF0000, v32;
	v36 =	vadd.f32 v36, v1;
	v1 =	vadd.s32 $0x13B0, v46  }
0x1f0: {  	v59 =	vand.u32 $0xFFFF0000, v31;
	v63 =	vmul.f32 v62, v6;
	[tilespmem:s11+$0x190] =	vst v35;
	v47 =	vadd.f32 v50, v47  }
0x1f1: {  	v32 =	vshll.u32 v32, $0x10;
	v31 =	vshll.u32 v31, $0x10;
	v35 =	vmul.f32 v59, v7;
	v55 =	vld.idx.msk [tilespmem:v55+s2+$0x0], $0xffff  }
0x1f2: {  	v50 =	vadd.s32 $0x17A0, v46;
	v48 =	vld.idx.msk [tilespmem:v48+s13+$0x0], $0xffff;
	v32 =	vadd.f32 v32, v63;
	v36 =	vmul.f32 v47, v36  }
0x1f3: {  	v31 =	vadd.f32 v31, v35;
	v35 =	vadd.s32 $0x1B90, v45;
	v62 =	vand.u32 $0xFFFF0000, v51  }
0x1f4: {  	v63 =	vand.u32 $0xFFFF0000, v53;
	v51 =	vshll.u32 v51, $0x10;
	[tilespmem:s15+$0xFFFFFD00] =	vst v36;
	v59 =	vmul.f32 v62, v14  }
0x1f5: {  	v56 =	vshll.u32 v53, $0x10;
	v62 =	vmul.f32 v63, v17;
	v31 =	vmul.f32 v31, v32;
	v63 =	vld.idx.msk [tilespmem:v52+s2+$0x0], $0xffff  }
0x1f6: {  	v36 =	vadd.s32 $0x1B90, v46;
	v53 =	vld.idx.msk [tilespmem:v54+s13+$0x0], $0xffff;
	v54 =	vadd.s32 $0xFC0, v13;
	v51 =	vadd.f32 v51, v59  }
0x1f7: {  	v47 =	vadd.f32 v56, v62;
	v59 =	vand.u32 $0xFFFF0000, v55;
	[tilespmem:s11+$0x80] =	vst v31;
	v31 =	vand.u32 $0xFFFF0000, v48  }
0x1f8: {  	v55 =	vshll.u32 v55, $0x10;
	v52 =	vmul.f32 v59, v4;
	v23 =	vld.idx.msk [tilespmem:v23+s2+$0x0], $0xffff;
	v31 =	vmul.f32 v31, v28  }
0x1f9: {  	v48 =	vshll.u32 v48, $0x10;
	v47 =	vmul.f32 v47, v51;
	v51 =	vadd.s32 $0xFC0, v15  }
0x1fa: {  	[tilespmem:s8+$0x280] =	vst v29;
	v26 =	vld.idx.msk [tilespmem:v26+s13+$0x0], $0xffff;
	v29 =	vadd.f32 v55, v52;
	v31 =	vadd.f32 v48, v31;
	v55 =	vadd.s32 $0x3330, v34  }
0x1fb: {  	v52 =	vld.idx.msk [tilespmem:v22+s2+$0x0], $0xffff;
	v62 =	vand.u32 $0xFFFF0000, v63;
	v22 =	vshll.u32 v63, $0x10;
	[tilespmem:s15+$0xFFFFFD90] =	vst v47;
	v47 =	vadd.s32 $0x3330, v27  }
0x1fc: {  	v59 =	vand.u32 $0xFFFF0000, v53;
	v53 =	vshll.u32 v53, $0x10;
	v63 =	vmul.f32 v62, v11  }
0x1fd: {  	v29 =	vmul.f32 v31, v29;
	v48 =	vmul.f32 v59, v12;
	v62 =	vand.u32 $0xFFFF0000, v23  }
0x1fe: {  	v31 =	vld.idx.msk [tilespmem:v54+s2+$0x0], $0xffff;
	v23 =	vshll.u32 v23, $0x10;
	v32 =	vadd.f32 v22, v63;
	v22 =	vadd.s32 $0x1F80, v45  }
0x1ff: {  	v51 =	vld.idx.msk [tilespmem:v51+s13+$0x0], $0xffff;
	v54 =	vmul.f32 v62, v6;
	[tilespmem:s11+$0x210] =	vst v29;
	v29 =	vand.u32 $0xFFFF0000, v26;
	v48 =	vadd.f32 v53, v48  }
0x200: {  	v26 =	vshll.u32 v26, $0x10;
	v63 =	vand.u32 $0xFFFF0000, v52;
	v29 =	vmul.f32 v29, v7  }
0x201: {  	v55 =	vld.idx.msk [tilespmem:v55+s2+$0x0], $0xffff;
	v56 =	vshll.u32 v52, $0x10;
	v52 =	vadd.s32 $0x13B0, v15;
	v54 =	vadd.f32 v23, v54  }
0x202: {  	v23 =	vadd.s32 $0x1F80, v46;
	v47 =	vld.idx.msk [tilespmem:v47+s13+$0x0], $0xffff;
	v32 =	vmul.f32 v48, v32;
	v26 =	vadd.f32 v26, v29  }
0x203: {  	v53 =	vmul.f32 v63, v18;
	v29 =	vand.u32 $0xFFFF0000, v31;
	v31 =	vshll.u32 v31, $0x10  }
0x204: {  	v29 =	vmul.f32 v29, v14;
	[tilespmem:s15+$0xFFFFFD80] =	vst v32;
	v59 =	vand.u32 $0xFFFF0000, v51;
	v26 =	vmul.f32 v26, v54  }
0x205: {  	v48 =	vadd.f32 v56, v53;
	v53 =	vadd.s32 $0x3720, v27;
	v42 =	vld.idx.msk [tilespmem:v42+s2+$0x0], $0xffff;
	v62 =	vmul.f32 v59, v17  }
0x206: {  	v51 =	vshll.u32 v51, $0x10;
	v29 =	vadd.f32 v31, v29;
	v31 =	vld.idx.msk [tilespmem:v43+s13+$0x0], $0xffff;
	[tilespmem:s11+$0x100] =	vst v26;
	v26 =	vand.u32 $0xFFFF0000, v55  }
0x207: {  	v20 =	vld.idx.msk [tilespmem:v20+s13+$0x0], $0xffff;
	v63 =	vand.u32 $0xFFFF0000, v47;
	v32 =	vadd.f32 v51, v62;
	v26 =	vmul.f32 v26, v4  }
0x208: {  	v43 =	vadd.s32 $0x13B0, v13;
	v59 =	vshll.u32 v55, $0x10;
	v25 =	vld.idx.msk [tilespmem:v25+s2+$0x0], $0xffff;
	v56 =	vmul.f32 v63, v28  }
0x209: {  	v47 =	vshll.u32 v47, $0x10;
	v24 =	vld.idx.msk [tilespmem:v24+s13+$0x0], $0xffff;
	v29 =	vmul.f32 v32, v29;
	v26 =	vadd.f32 v59, v26  }
0x20a: {  	v62 =	vadd.f32 v47, v56;
	v47 =	vadd.s32 $0x3720, v34;
	v63 =	vshll.u32 v42, $0x10  }
0x20b: {  	v42 =	vand.u32 $0xFFFF0000, v42;
	v34 =	vadd.s32 $0x3B10, v34;
	v59 =	vand.u32 $0xFFFF0000, v31  }
0x20c: {  	v42 =	vmul.f32 v42, v11;
	v31 =	vshll.u32 v31, $0x10;
	v26 =	vmul.f32 v62, v26  }
0x20d: {  	[tilespmem:s15+$0xFFFFFE10] =	vst v29;
	v29 =	vmul.f32 v59, v12;
	v59 =	vand.u32 $0xFFFF0000, v20;
	v20 =	vshll.u32 v20, $0x10  }
0x20e: {  	v62 =	vand.u32 $0xFFFF0000, v25;
	v43 =	vld.idx.msk [tilespmem:v43+s2+$0x0], $0xffff;
	v42 =	vadd.f32 v63, v42;
	v63 =	vand.u32 $0xFFFF0000, v24  }
0x20f: {  	v51 =	vld.idx.msk [tilespmem:v52+s13+$0x0], $0xffff;
	v25 =	vshll.u32 v25, $0x10;
	v54 =	vmul.f32 v59, v19;
	v32 =	vmul.f32 v62, v6  }
0x210: {  	v24 =	vshll.u32 v24, $0x10;
	v29 =	vadd.f32 v31, v29;
	v52 =	vmul.f32 v63, v7  }
0x211: {  	v31 =	vadd.s32 $0x2370, v45;
	[tilespmem:s11+$0x290] =	vst v26;
	v26 =	vadd.s32 $0x2760, v45;
	v25 =	vadd.f32 v25, v32  }
0x212: {  	v47 =	vld.idx.msk [tilespmem:v47+s2+$0x0], $0xffff;
	v32 =	vadd.s32 $0x2370, v46;
	v24 =	vadd.f32 v24, v52;
	v52 =	vadd.f32 v20, v54  }
0x213: {  	v20 =	vmul.f32 v29, v42;
	v42 =	vld.idx.msk [tilespmem:v53+s13+$0x0], $0xffff;
	v29 =	vadd.s32 $0x2760, v46;
	v62 =	vand.u32 $0xFFFF0000, v43  }
0x214: {  	v63 =	vand.u32 $0xFFFF0000, v51;
	v55 =	vmul.f32 v24, v25;
	v24 =	vadd.s32 $0x2B50, v45  }
0x215: {  	[tilespmem:s15+$0xFFFFFE00] =	vst v20;
	v20 =	vshll.u32 v43, $0x10;
	v59 =	vshll.u32 v51, $0x10;
	v25 =	vmul.f32 v62, v14  }
0x216: {  	v48 =	vmul.f32 v52, v48;
	v51 =	vadd.s32 $0x17A0, v13;
	v56 =	vmul.f32 v63, v17;
	v41 =	vld.idx.msk [tilespmem:v41+s2+$0x0], $0xffff  }
0x217: {  	v1 =	vld.idx.msk [tilespmem:v1+s13+$0x0], $0xffff;
	v63 =	vand.u32 $0xFFFF0000, v47;
	[tilespmem:s11+$0x180] =	vst v55;
	v47 =	vshll.u32 v47, $0x10;
	v62 =	vadd.f32 v20, v25  }
0x218: {  	v25 =	vadd.s32 $0x2B50, v46;
	v43 =	vadd.f32 v59, v56;
	v56 =	vand.u32 $0xFFFF0000, v42;
	v40 =	vld.idx.msk [tilespmem:v40+s2+$0x0], $0xffff  }
0x219: {  	[tilespmem:s8+$0x300] =	vst v48;
	v20 =	vadd.s32 $0x2F40, v45;
	v52 =	vmul.f32 v63, v4;
	v39 =	vld.idx.msk [tilespmem:v39+s13+$0x0], $0xffff;
	v53 =	vmul.f32 v56, v28  }
0x21a: {  	v59 =	vadd.s32 $0x17A0, v15;
	v42 =	vshll.u32 v42, $0x10;
	v54 =	vld.idx.msk [tilespmem:v21+s2+$0x0], $0xffff;
	v43 =	vmul.f32 v43, v62  }
0x21b: {  	v47 =	vadd.f32 v47, v52;
	v42 =	vadd.f32 v42, v53;
	v62 =	vand.u32 $0xFFFF0000, v41  }
0x21c: {  	v21 =	vshll.u32 v41, $0x10;
	v63 =	vand.u32 $0xFFFF0000, v1;
	v41 =	vld.idx.msk [tilespmem:v33+s13+$0x0], $0xffff;
	v33 =	vadd.s32 $0x3B10, v27  }
0x21d: {  	v1 =	vshll.u32 v1, $0x10;
	v48 =	vmul.f32 v62, v11;
	v27 =	vmul.f32 v63, v12  }
0x21e: {  	[tilespmem:s15+$0xFFFFFE90] =	vst v43;
	v42 =	vmul.f32 v42, v47;
	v55 =	vand.u32 $0xFFFF0000, v40;
	v40 =	vshll.u32 v40, $0x10  }
0x21f: {  	v51 =	vld.idx.msk [tilespmem:v51+s2+$0x0], $0xffff;
	v62 =	vand.u32 $0xFFFF0000, v54;
	v56 =	vadd.f32 v21, v48;
	v21 =	vand.u32 $0xFFFF0000, v39  }
0x220: {  	v53 =	vld.idx.msk [tilespmem:v59+s13+$0x0], $0xffff;
	v43 =	vmul.f32 v55, v6;
	v1 =	vadd.f32 v1, v27;
	v27 =	vadd.s32 $0x2F40, v46  }
0x221: {  	v39 =	vshll.u32 v39, $0x10;
	v59 =	vmul.f32 v21, v7;
	v21 =	vadd.s32 $0x3330, v45  }
0x222: {  	[tilespmem:s11+$0x310] =	vst v42;
	v40 =	vadd.f32 v40, v43;
	v1 =	vmul.f32 v1, v56;
	v48 =	vand.u32 $0xFFFF0000, v41  }
0x223: {  	v47 =	vld.idx.msk [tilespmem:v34+s2+$0x0], $0xffff;
	v43 =	vmul.f32 v62, v18;
	v34 =	vadd.s32 $0x3720, v45;
	v63 =	vadd.f32 v39, v59  }
0x224: {  	v42 =	vmul.f32 v48, v19;
	v39 =	vadd.s32 $0x3330, v46;
	v48 =	vld.idx.msk [tilespmem:v33+s13+$0x0], $0xffff;
	v33 =	vadd.s32 $0x3720, v46  }
0x225: {  	v18 =	vand.u32 $0xFFFF0000, v51;
	v55 =	vand.u32 $0xFFFF0000, v53;
	v56 =	vshll.u32 v51, $0x10  }
0x226: {  	[tilespmem:s15+$0xFFFFFE80] =	vst v1;
	v62 =	vshll.u32 v53, $0x10;
	v18 =	vmul.f32 v18, v14;
	v19 =	vmul.f32 v63, v40  }
0x227: {  	v51 =	vadd.s32 $0x1B90, v15;
	v59 =	vmul.f32 v55, v17;
	v55 =	vadd.s32 $0x3B10, v45;
	v1 =	vld.idx.msk [tilespmem:v49+s2+$0x0], $0xffff  }
0x228: {  	v49 =	vld.idx.msk [tilespmem:v50+s13+$0x0], $0xffff;
	v40 =	vshll.u32 v54, $0x10;
	v50 =	vadd.s32 $0x1B90, v13;
	v52 =	vadd.f32 v56, v18;
	[tilespmem:s11+$0x200] =	vst v19  }
0x229: {  	[tilespmem:s8+$0x390] =	vst v44;
	v19 =	vadd.s32 $0x3B10, v46;
	v63 =	vand.u32 $0xFFFF0000, v47;
	v45 =	vld.idx.msk [tilespmem:v38+s2+$0x0], $0xffff;
	v0 =	vand.u32 $0xFFFF0000, v48  }
0x22a: {  	s6 =	simm.s32 $0x4;
	s17 =	simm.s32 $0x60;
	v53 =	vadd.f32 v62, v59;
	v38 =	vmul.f32 v63, v4;
	v46 =	vld.idx.msk [tilespmem:v37+s13+$0x0], $0xffff;
	v44 =	vmul.f32 v0, v28  }
.LBB2_10:
0x22b: {  	v0 =	vmov v39  }
0x22c: {  	[tilespmem:$0x1FFB0] =	vst v0;
	v0 =	vld [tilespmem:$0x1FFC0];
	_ =	sdelay $0x4  }
0x22d: {  	v37 =	vmul.f32 v53, v52;
	v52 =	vor.u32 s17, v0;
	v0 =	vld [tilespmem:$0x1FFD0];
	_ =	sdelay $0x1  }
0x22e: {  	s19 =	sadd.s32 $0x10, s17;
	v47 =	vshll.u32 v47, $0x10;
	v48 =	vshll.u32 v48, $0x10  }
0x22f: {  	v28 =	vmovc v17;
	v17 =	vor.u32 s19, v3;
	v38 =	vadd.f32 v47, v38;
	v63 =	vadd.f32 v48, v44  }
0x230: {  	v17 =	vbroadcast v17, $0x0;
	v53 =	vand.u32 $0xFFFF0000, v1  }
0x231: {  	[tilespmem:$0x1FF90] =	vst v55;
	v55 =	vand.u32 $0xFFFF0000, v49;
	v38 =	vmul.f32 v63, v38;
	v54 =	vor.u32 v0, v52  }
0x232: {  	[tilespmem:s15+$0xFFFFFF10] =	vst v37;
	v1 =	vshll.u32 v1, $0x10;
	v56 =	vor.u32 v61, v17;
	v0 =	vld [tilespmem:$0x1FFE0];
	v37 =	vbroadcast v54, $0x0  }
0x233: {  	v17 =	vshll.u32 v17, $0x1;
	v47 =	vmul.f32 v53, v11;
	v59 =	vmul.f32 v55, v12  }
0x234: {  	v48 =	vld.idx.msk [tilespmem:v50+s2+$0x0], $0xffff;
	v39 =	vand.u32 $0x7F, v56;
	v37 =	vor.u32 v61, v37;
	v61 =	vshll.u32 v49, $0x10  }
0x235: {  	v50 =	vld.idx.msk [tilespmem:v51+s13+$0x0], $0xffff;
	v17 =	vand.u32 $0x7FFFFF00, v17;
	[tilespmem:s11+$0x390] =	vst v38;
	v1 =	vadd.f32 v1, v47;
	v38 =	vadd.f32 v61, v59  }
0x236: {  	v17 =	vor.u32 v17, v39  }
0x237: {  	v17 =	vor.u32 v0, v17;
	v1 =	vmul.f32 v38, v1  }
0x238: {  	v41 =	vshll.u32 v41, $0x10;
	v63 =	vand.u32 $0xFFFF0000, v46  }
0x239: {  	v62 =	vand.u32 $0xFFFF0000, v45;
	v44 =	vshll.u32 v45, $0x10;
	v45 =	vmul.f32 v63, v7;
	v49 =	vld.idx.msk [tilespmem:v37+s14+$0x0], $0xffff;
	[tilespmem:s15+$0xFFFFFF00] =	vst v1  }
0x23a: {  	v40 =	vadd.f32 v40, v43;
	v56 =	vshll.u32 v46, $0x10;
	v39 =	vmul.f32 v62, v6;
	v37 =	vld.idx.msk [tilespmem:v37+s22+$0x0], $0xffff  }
0x23b: {  	v53 =	vadd.f32 v56, v45;
	v55 =	vand.u32 $0xFFFF0000, v50;
	v54 =	vand.u32 $0xFFFF0000, v48;
	v35 =	vld.idx.msk [tilespmem:v35+s2+$0x0], $0xffff  }
0x23c: {  	v39 =	vadd.f32 v44, v39;
	v47 =	vmul.f32 v55, v28;
	v38 =	vmul.f32 v54, v14;
	v59 =	vld.idx.msk [tilespmem:v17+s14+$0x0], $0xffff  }
0x23d: {  	v55 =	vadd.f32 v41, v42;
	v61 =	vshll.u32 v50, $0x10;
	v1 =	vshll.u32 v48, $0x10;
	v17 =	vld.idx.msk [tilespmem:v17+s22+$0x0], $0xffff  }
0x23e: {  	v63 =	vadd.s32 $0x1F80, v13;
	v62 =	vadd.f32 v61, v47;
	v1 =	vadd.f32 v1, v38  }
0x23f: {  	v52 =	vadd.s32 $0x1F80, v15;
	v56 =	vmul.f32 v55, v40  }
0x240: {  	v54 =	vmul.f32 v53, v39;
	v38 =	vmul.f32 v62, v1;
	v1 =	vld.idx.msk [tilespmem:v36+s13+$0x0], $0xffff  }
0x241: {  	v44 =	vmul.f32 v49, v60;
	v37 =	vmul.f32 v37, v60  }
0x242: {  	[tilespmem:s15+$0xFFFFFF90] =	vst v38;
	v51 =	vand.u32 $0xFFFF0000, v35;
	v39 =	vmul.f32 v59, v60;
	v17 =	vmul.f32 v17, v60  }
0x243: {  	v38 =	vld.idx.msk [tilespmem:v63+s2+$0x0], $0xffff;
	v55 =	vshll.u32 v35, $0x10;
	v61 =	vtrunc.f32 v44;
	v51 =	vmul.f32 v51, v11  }
0x244: {  	v59 =	vld.idx.msk [tilespmem:v52+s13+$0x0], $0xffff;
	v52 =	vadd.s32 $0x2370, v13;
	v63 =	vcvt.f32.s32 v61;
	v46 =	vtrunc.f32 v37  }
0x245: {  	[tilespmem:s11+$0x280] =	vst v54;
	v54 =	vand.u32 $0xFFFF0000, v1;
	v62 =	vtrunc.f32 v39;
	v17 =	vtrunc.f32 v17  }
0x246: {  	[tilespmem:$0x1FF80] =	vst v30;
	v30 =	vmovc v34;
	v1 =	vshll.u32 v1, $0x10;
	v34 =	vcvt.f32.s32 v46;
	v36 =	vcvt.f32.s32 v62  }
0x247: {  	v51 =	vadd.f32 v55, v51;
	v17 =	vcvt.f32.s32 v17;
	vm14 =	vlt.s32 v63, $0x3E8  }
0x248: {  	v0 =	vmovc v33;
	v33 =	vcvt.s32.f32 v63;
	v47 =	vand.u32 $0xFFFF0000, v38;
	vm0 =	vlt.s32 v36, $0x3E8  }
0x249: {  	vm1 =	vlt.s32 v17, $0x3E8;
	v48 =	vand.u32 $0xFFFF0000, v59;
	v43 =	vnsel vm0, $0x3E8, v36  }
0x24a: {  	v35 =	vmul.f32 v47, v14;
	v42 =	vnsel vm1, $0x3E8, v17;
	v37 =	vmul.f32 v48, v28  }
0x24b: {  	v38 =	vshll.u32 v38, $0x10;
	vm15 =	vlt.s32 v34, $0x3E8;
	v40 =	vshll.u32 v59, $0x10  }
0x24c: {  	v48 =	vadd.s32 $0x2370, v15;
	v35 =	vadd.f32 v38, v35;
	v37 =	vadd.f32 v40, v37  }
0x24d: {  	v49 =	vld.idx.msk [tilespmem:v57+s2+$0x0], $0xffff;
	v41 =	vnsel vm14, $0x3E8, v63;
	v53 =	vcvt.s32.f32 v34;
	v46 =	vnsel vm15, $0x3E8, v34  }
0x24e: {  	v18 =	vmovc v58;
	v59 =	vadd.s32 $0x3F0, v41;
	v34 =	vadd.s32 $0x7E0, v41;
	v35 =	vmul.f32 v37, v35;
	v58 =	vld.idx.msk [tilespmem:v43+s2+$0x0], $0xffff  }
0x24f: {  	[tilespmem:$0x1FFA0] =	vst v0;
	v57 =	vadd.s32 $0xBD0, v41;
	v45 =	vadd.s32 $0x17A0, v41;
	v0 =	vadd.s32 $0x2370, v41;
	v60 =	vld.idx.msk [tilespmem:v42+s13+$0x0], $0xffff  }
0x250: {  	v38 =	vsub.f32 v44, v53;
	v40 =	vsub.f32 v44, v33;
	v44 =	vcvt.s32.f32 v36;
	[tilespmem:s15+$0x10] =	vst v35  }
0x251: {  	[tilespmem:s8+$0x380] =	vst v56;
	v62 =	vadd.s32 $0x3F0, v46;
	v56 =	vadd.s32 $0xBD0, v46;
	v17 =	vcvt.s32.f32 v17;
	v61 =	vld.idx.msk [tilespmem:v48+s13+$0x0], $0xffff  }
0x252: {  	v47 =	vadd.s32 $0x13B0, v46;
	v53 =	vadd.s32 $0xFC0, v46;
	v37 =	vsub.f32 v39, v44;
	v36 =	vld.idx.msk [tilespmem:v52+s2+$0x0], $0xffff  }
0x253: {  	v4 =	vadd.s32 $0x3F0, v42;
	v17 =	vsub.f32 v39, v17;
	v39 =	vand.u32 $0xFFFF0000, v58  }
0x254: {  	v33 =	vadd.s32 $0x7E0, v46;
	v2 =	vand.u32 $0xFFFF0000, v60;
	v39 =	vmul.f32 v39, v37  }
0x255: {  	v35 =	vld.idx.msk [tilespmem:v46+s13+$0x0], $0xffff;
	v58 =	vshll.u32 v58, $0x10;
	v60 =	vshll.u32 v60, $0x10;
	v2 =	vmul.f32 v2, v17  }
0x256: {  	v16 =	vmovc v3;
	v63 =	vld.idx.msk [tilespmem:v41+s2+$0x0], $0xffff;
	v3 =	vand.u32 $0xFFFF0000, v61;
	v39 =	vadd.f32 v58, v39;
	v58 =	vadd.s32 $0x3F0, v43  }
0x257: {  	v2 =	vadd.f32 v60, v2;
	v60 =	vand.u32 $0xFFFF0000, v36;
	v3 =	vmul.f32 v3, v28  }
0x258: {  	v44 =	vadd.s32 $0x17A0, v46;
	v61 =	vshll.u32 v61, $0x10;
	v60 =	vmul.f32 v60, v14  }
0x259: {  	v36 =	vshll.u32 v36, $0x10;
	v2 =	vmul.f32 v2, v39;
	v3 =	vadd.f32 v61, v3  }
0x25a: {  	s8 =	smov.u32 s11;
	s11 =	smov.u32 s15;
	s15 =	sadd.s32 $0x20, s15;
	v39 =	vadd.s32 $0x2760, v13;
	v61 =	vand.u32 $0xFFFF0000, v35;
	v36 =	vadd.f32 v36, v60  }
0x25b: {  	v60 =	vand.u32 $0xFFFF0000, v63;
	v61 =	vmul.f32 v61, v38;
	[tilespmem:s15+$0xFFFFFC10] =	vst v2;
	v2 =	vadd.s32 $0x2760, v15  }
0x25c: {  	v52 =	vadd.s32 $0xFC0, v41;
	v60 =	vmul.f32 v60, v40;
	v58 =	vld.idx.msk [tilespmem:v58+s2+$0x0], $0xffff;
	v3 =	vmul.f32 v3, v36  }
0x25d: {  	v48 =	vadd.s32 $0x13B0, v41;
	v5 =	vshll.u32 v35, $0x10;
	v63 =	vshll.u32 v63, $0x10;
	v4 =	vld.idx.msk [tilespmem:v4+s13+$0x0], $0xffff  }
0x25e: {  	v60 =	vadd.f32 v63, v60;
	[tilespmem:s11+$0x90] =	vst v3;
	v3 =	vadd.f32 v5, v61;
	v5 =	vmul.f32 v54, v12  }
0x25f: {  	v35 =	vadd.s32 $0x1B90, v41;
	v36 =	vadd.s32 $0x1B90, v46;
	v63 =	vadd.s32 $0x1F80, v46;
	v39 =	vld.idx.msk [tilespmem:v39+s2+$0x0], $0xffff  }
0x260: {  	v54 =	vadd.s32 $0x1F80, v41;
	v2 =	vld.idx.msk [tilespmem:v2+s13+$0x0], $0xffff;
	v3 =	vmul.f32 v3, v60;
	v1 =	vadd.f32 v1, v5  }
0x261: {  	v5 =	vadd.s32 $0x2370, v46;
	v60 =	vadd.s32 $0x2760, v41;
	v61 =	vand.u32 $0xFFFF0000, v58  }
0x262: {  	v50 =	vld.idx.msk [tilespmem:v10+s13+$0x0], $0xffff;
	v58 =	vshll.u32 v58, $0x10;
	[tilespmem:s15+$0xFFFFFC00] =	vst v3;
	v3 =	vand.u32 $0xFFFF0000, v4;
	v55 =	vmul.f32 v61, v37  }
0x263: {  	v1 =	vmul.f32 v1, v51;
	v61 =	vadd.s32 $0x2760, v46;
	v51 =	vld.idx.msk [tilespmem:v59+s2+$0x0], $0xffff;
	v3 =	vmul.f32 v3, v17  }
0x264: {  	v4 =	vshll.u32 v4, $0x10;
	v59 =	vld.idx.msk [tilespmem:v62+s13+$0x0], $0xffff;
	v55 =	vadd.f32 v58, v55;
	v58 =	vadd.s32 $0x7E0, v43  }
0x265: {  	[tilespmem:s11+$0xFFFFFF80] =	vst v1;
	v1 =	vadd.f32 v4, v3;
	v4 =	vand.u32 $0xFFFF0000, v39;
	v62 =	vand.u32 $0xFFFF0000, v2  }
0x266: {  	v3 =	vld.idx.msk [tilespmem:v22+s2+$0x0], $0xffff;
	v22 =	vmovc v54;
	v54 =	vadd.s32 $0x7E0, v42;
	v4 =	vmul.f32 v4, v14;
	v62 =	vmul.f32 v62, v28  }
0x267: {  	v8 =	vld.idx.msk [tilespmem:v23+s13+$0x0], $0xffff;
	v39 =	vshll.u32 v39, $0x10;
	v2 =	vshll.u32 v2, $0x10;
	v1 =	vmul.f32 v1, v55  }
0x268: {  	v4 =	vadd.f32 v39, v4;
	v2 =	vadd.f32 v2, v62;
	v39 =	vadd.s32 $0x2B50, v13  }
0x269: {  	v55 =	vshll.u32 v51, $0x10;
	v51 =	vand.u32 $0xFFFF0000, v51;
	v62 =	vand.u32 $0xFFFF0000, v59;
	[tilespmem:s15+$0xFFFFFC90] =	vst v1  }
0x26a: {  	v23 =	vmovc v63;
	v1 =	vadd.s32 $0x2B50, v15;
	v51 =	vmul.f32 v51, v40;
	v63 =	vld.idx.msk [tilespmem:v58+s2+$0x0], $0xffff;
	v2 =	vmul.f32 v2, v4  }
0x26b: {  	v4 =	vshll.u32 v59, $0x10;
	v58 =	vmul.f32 v62, v38;
	v62 =	vld.idx.msk [tilespmem:v54+s13+$0x0], $0xffff;
	v54 =	vand.u32 $0xFFFF0000, v3  }
0x26c: {  	v59 =	vand.u32 $0xFFFF0000, v8;
	v3 =	vshll.u32 v3, $0x10;
	v8 =	vshll.u32 v8, $0x10  }
0x26d: {  	v51 =	vadd.f32 v55, v51;
	v54 =	vmul.f32 v54, v11;
	[tilespmem:s11+$0x110] =	vst v2;
	v2 =	vadd.f32 v4, v58  }
0x26e: {  	v55 =	vadd.s32 $0x2F40, v41;
	v4 =	vmul.f32 v59, v12;
	v58 =	vadd.s32 $0x2B50, v41;
	v39 =	vld.idx.msk [tilespmem:v39+s2+$0x0], $0xffff  }
0x26f: {  	v59 =	vadd.s32 $0x2B50, v46;
	v3 =	vadd.f32 v3, v54;
	v1 =	vld.idx.msk [tilespmem:v1+s13+$0x0], $0xffff;
	v2 =	vmul.f32 v2, v51  }
0x270: {  	v54 =	vadd.s32 $0x2F40, v46;
	v4 =	vadd.f32 v8, v4;
	v8 =	vand.u32 $0xFFFF0000, v63  }
0x271: {  	v51 =	vadd.s32 $0x3330, v41;
	[tilespmem:s15+$0xFFFFFC80] =	vst v2;
	v2 =	vand.u32 $0xFFFF0000, v62;
	v8 =	vmul.f32 v8, v37  }
0x272: {  	v3 =	vmul.f32 v4, v3;
	v4 =	vld.idx.msk [tilespmem:v34+s2+$0x0], $0xffff;
	v34 =	vshll.u32 v63, $0x10;
	v2 =	vmul.f32 v2, v17  }
0x273: {  	v62 =	vshll.u32 v62, $0x10;
	v33 =	vld.idx.msk [tilespmem:v33+s13+$0x0], $0xffff;
	v8 =	vadd.f32 v34, v8;
	v34 =	vadd.s32 $0xBD0, v43  }
0x274: {  	[tilespmem:s11+$0x0] =	vst v3;
	v2 =	vadd.f32 v62, v2;
	v62 =	vand.u32 $0xFFFF0000, v39;
	v63 =	vand.u32 $0xFFFF0000, v1  }
0x275: {  	v3 =	vld.idx.msk [tilespmem:v31+s2+$0x0], $0xffff;
	v31 =	vmovc v0;
	v0 =	vadd.s32 $0xBD0, v42;
	v62 =	vmul.f32 v62, v14;
	v63 =	vmul.f32 v63, v28  }
0x276: {  	v9 =	vld.idx.msk [tilespmem:v32+s13+$0x0], $0xffff;
	v32 =	vmovc v5;
	v5 =	vshll.u32 v39, $0x10;
	v1 =	vshll.u32 v1, $0x10;
	v2 =	vmul.f32 v2, v8  }
0x277: {  	v8 =	vadd.s32 $0x2F40, v13;
	v5 =	vadd.f32 v5, v62;
	v1 =	vadd.f32 v1, v63  }
0x278: {  	v39 =	vshll.u32 v4, $0x10;
	v4 =	vand.u32 $0xFFFF0000, v4;
	v62 =	vand.u32 $0xFFFF0000, v33  }
0x279: {  	[tilespmem:s15+$0xFFFFFD10] =	vst v2;
	v2 =	vadd.s32 $0x2F40, v15;
	v4 =	vmul.f32 v4, v40;
	v1 =	vmul.f32 v1, v5  }
0x27a: {  	v63 =	vld.idx.msk [tilespmem:v34+s2+$0x0], $0xffff;
	v5 =	vshll.u32 v33, $0x10;
	v33 =	vmul.f32 v62, v38;
	v34 =	vand.u32 $0xFFFF0000, v3  }
0x27b: {  	v0 =	vld.idx.msk [tilespmem:v0+s13+$0x0], $0xffff;
	v62 =	vand.u32 $0xFFFF0000, v9;
	v3 =	vshll.u32 v3, $0x10;
	v9 =	vshll.u32 v9, $0x10  }
0x27c: {  	v4 =	vadd.f32 v39, v4;
	v34 =	vmul.f32 v34, v11;
	[tilespmem:s11+$0x190] =	vst v1;
	v1 =	vadd.f32 v5, v33  }
0x27d: {  	v39 =	vadd.s32 $0x3330, v46;
	v5 =	vmul.f32 v62, v12;
	v33 =	vadd.s32 $0x3720, v46;
	v8 =	vld.idx.msk [tilespmem:v8+s2+$0x0], $0xffff  }
0x27e: {  	v62 =	vand.u32 $0xFFFF0000, v50;
	v3 =	vadd.f32 v3, v34;
	v2 =	vld.idx.msk [tilespmem:v2+s13+$0x0], $0xffff;
	v1 =	vmul.f32 v1, v4  }
0x27f: {  	v34 =	vadd.s32 $0x3720, v41;
	v4 =	vadd.f32 v9, v5;
	v5 =	vand.u32 $0xFFFF0000, v63  }
0x280: {  	v9 =	vand.u32 $0xFFFF0000, v49;
	[tilespmem:s15+$0xFFFFFD00] =	vst v1;
	v1 =	vand.u32 $0xFFFF0000, v0;
	v5 =	vmul.f32 v5, v37  }
0x281: {  	v3 =	vmul.f32 v4, v3;
	v4 =	vld.idx.msk [tilespmem:v57+s2+$0x0], $0xffff;
	v57 =	vshll.u32 v63, $0x10;
	v1 =	vmul.f32 v1, v17  }
0x282: {  	v9 =	vmul.f32 v9, v6;
	v0 =	vshll.u32 v0, $0x10;
	v5 =	vadd.f32 v57, v5  }
0x283: {  	v56 =	vld.idx.msk [tilespmem:v56+s13+$0x0], $0xffff;
	[tilespmem:s11+$0x80] =	vst v3;
	v3 =	vand.u32 $0xFFFF0000, v8;
	v0 =	vadd.f32 v0, v1;
	v63 =	vand.u32 $0xFFFF0000, v2  }
0x284: {  	v57 =	vadd.s32 $0xFC0, v43;
	v3 =	vmul.f32 v3, v14;
	v63 =	vmul.f32 v63, v28  }
0x285: {  	v1 =	vld.idx.msk [tilespmem:v26+s2+$0x0], $0xffff;
	v2 =	vshll.u32 v2, $0x10;
	v0 =	vmul.f32 v0, v5;
	v5 =	vshll.u32 v8, $0x10  }
0x286: {  	v26 =	vmovc v60;
	v60 =	vadd.s32 $0xFC0, v42;
	v10 =	vld.idx.msk [tilespmem:v29+s13+$0x0], $0xffff;
	v3 =	vadd.f32 v5, v3;
	v2 =	vadd.f32 v2, v63  }
0x287: {  	v5 =	vadd.s32 $0x3330, v13;
	v8 =	vshll.u32 v4, $0x10;
	v4 =	vand.u32 $0xFFFF0000, v4  }
0x288: {  	v29 =	vmovc v61;
	v61 =	vand.u32 $0xFFFF0000, v56;
	[tilespmem:s15+$0xFFFFFD90] =	vst v0;
	v0 =	vadd.s32 $0x3330, v15;
	v4 =	vmul.f32 v4, v40  }
0x289: {  	v2 =	vmul.f32 v2, v3;
	v3 =	vshll.u32 v56, $0x10;
	v56 =	vmul.f32 v61, v38  }
0x28a: {  	v57 =	vld.idx.msk [tilespmem:v57+s2+$0x0], $0xffff;
	v61 =	vand.u32 $0xFFFF0000, v1;
	v1 =	vshll.u32 v1, $0x10;
	v4 =	vadd.f32 v8, v4  }
0x28b: {  	v60 =	vld.idx.msk [tilespmem:v60+s13+$0x0], $0xffff;
	v8 =	vand.u32 $0xFFFF0000, v10;
	v61 =	vmul.f32 v61, v11;
	[tilespmem:s11+$0x210] =	vst v2;
	v2 =	vadd.f32 v3, v56  }
0x28c: {  	v3 =	vmul.f32 v8, v12;
	v8 =	vshll.u32 v10, $0x10;
	v10 =	vshll.u32 v49, $0x10  }
0x28d: {  	v49 =	vshll.u32 v50, $0x10;
	v50 =	vadd.s32 $0x13B0, v43;
	v5 =	vld.idx.msk [tilespmem:v5+s2+$0x0], $0xffff;
	v1 =	vadd.f32 v1, v61  }
0x28e: {  	v9 =	vadd.f32 v10, v9;
	v0 =	vld.idx.msk [tilespmem:v0+s13+$0x0], $0xffff;
	v2 =	vmul.f32 v2, v4;
	v3 =	vadd.f32 v8, v3  }
0x28f: {  	v4 =	vmul.f32 v62, v7;
	v62 =	vadd.s32 $0x13B0, v42;
	v8 =	vand.u32 $0xFFFF0000, v57  }
0x290: {  	v56 =	vshll.u32 v57, $0x10;
	[tilespmem:s15+$0xFFFFFD80] =	vst v2;
	v2 =	vand.u32 $0xFFFF0000, v60;
	v8 =	vmul.f32 v8, v37  }
0x291: {  	v57 =	vshll.u32 v60, $0x10;
	v1 =	vmul.f32 v3, v1;
	v3 =	vld.idx.msk [tilespmem:v52+s2+$0x0], $0xffff;
	v2 =	vmul.f32 v2, v17  }
0x292: {  	v4 =	vadd.f32 v49, v4;
	v10 =	vld.idx.msk [tilespmem:v53+s13+$0x0], $0xffff;
	v8 =	vadd.f32 v56, v8;
	v52 =	vand.u32 $0xFFFF0000, v5  }
0x293: {  	[tilespmem:s11+$0x100] =	vst v1;
	v1 =	vadd.f32 v57, v2;
	v63 =	vand.u32 $0xFFFF0000, v0;
	v52 =	vmul.f32 v52, v14  }
0x294: {  	v5 =	vshll.u32 v5, $0x10;
	v2 =	vld.idx.msk [tilespmem:v24+s2+$0x0], $0xffff;
	v0 =	vshll.u32 v0, $0x10;
	v53 =	vmul.f32 v63, v28  }
0x295: {  	v57 =	vld.idx.msk [tilespmem:v25+s13+$0x0], $0xffff;
	v1 =	vmul.f32 v1, v8;
	v5 =	vadd.f32 v5, v52;
	v8 =	vadd.s32 $0x3720, v13  }
0x296: {  	v0 =	vadd.f32 v0, v53;
	v63 =	vshll.u32 v3, $0x10;
	v3 =	vand.u32 $0xFFFF0000, v3  }
0x297: {  	v25 =	vmovc v59;
	v59 =	vand.u32 $0xFFFF0000, v10;
	[tilespmem:s15+$0xFFFFFE10] =	vst v1;
	v1 =	vadd.s32 $0x3720, v15;
	v3 =	vmul.f32 v3, v40  }
0x298: {  	v50 =	vld.idx.msk [tilespmem:v50+s2+$0x0], $0xffff;
	v0 =	vmul.f32 v0, v5;
	v5 =	vshll.u32 v10, $0x10;
	v10 =	vmul.f32 v59, v38  }
0x299: {  	v4 =	vmul.f32 v4, v9;
	v53 =	vld.idx.msk [tilespmem:v62+s13+$0x0], $0xffff;
	v62 =	vand.u32 $0xFFFF0000, v2;
	v3 =	vadd.f32 v63, v3  }
0x29a: {  	v63 =	vand.u32 $0xFFFF0000, v57;
	v56 =	vmul.f32 v62, v11;
	[tilespmem:s11+$0x290] =	vst v0;
	v0 =	vadd.f32 v5, v10  }
0x29b: {  	v2 =	vshll.u32 v2, $0x10;
	v5 =	vmul.f32 v63, v12;
	v10 =	vshll.u32 v57, $0x10;
	v8 =	vld.idx.msk [tilespmem:v8+s2+$0x0], $0xffff  }
0x29c: {  	v63 =	vadd.s32 $0x17A0, v42;
	v2 =	vadd.f32 v2, v56;
	v1 =	vld.idx.msk [tilespmem:v1+s13+$0x0], $0xffff;
	v0 =	vmul.f32 v0, v3  }
0x29d: {  	v3 =	vadd.s32 $0x3B10, v41;
	v5 =	vadd.f32 v10, v5;
	v52 =	vand.u32 $0xFFFF0000, v50  }
0x29e: {  	v24 =	vmovc v58;
	v56 =	vshll.u32 v50, $0x10;
	[tilespmem:s15+$0xFFFFFE00] =	vst v0;
	v0 =	vand.u32 $0xFFFF0000, v53;
	v9 =	vmul.f32 v52, v37  }
0x29f: {  	v58 =	vshll.u32 v53, $0x10;
	v2 =	vmul.f32 v5, v2;
	v5 =	vld.idx.msk [tilespmem:v48+s2+$0x0], $0xffff;
	v0 =	vmul.f32 v0, v17;
	[tilespmem:s8+$0x300] =	vst v4  }
0x2a0: {  	v4 =	vld.idx.msk [tilespmem:v47+s13+$0x0], $0xffff;
	v9 =	vadd.f32 v56, v9;
	v47 =	vadd.s32 $0x17A0, v43;
	v59 =	vand.u32 $0xFFFF0000, v8  }
0x2a1: {  	[tilespmem:s11+$0x180] =	vst v2;
	v0 =	vadd.f32 v58, v0;
	v62 =	vand.u32 $0xFFFF0000, v1;
	v41 =	vmul.f32 v59, v14  }
0x2a2: {  	v10 =	vadd.s32 $0x3B10, v46;
	v8 =	vshll.u32 v8, $0x10;
	v2 =	vld.idx.msk [tilespmem:v20+s2+$0x0], $0xffff;
	v20 =	vmovc v55;
	v46 =	vmul.f32 v62, v28  }
0x2a3: {  	v49 =	vld.idx.msk [tilespmem:v27+s13+$0x0], $0xffff;
	v1 =	vshll.u32 v1, $0x10;
	v55 =	vmovc v3;
	v0 =	vmul.f32 v0, v9;
	v3 =	vadd.f32 v8, v41  }
0x2a4: {  	v27 =	vmovc v54;
	v9 =	vld [tilespmem:$0x1FF80];
	v1 =	vadd.f32 v1, v46;
	v54 =	vshll.u32 v5, $0x10;
	v5 =	vand.u32 $0xFFFF0000, v5  }
0x2a5: {  	v41 =	vld.idx.msk [tilespmem:v18+s13+$0x0], $0xffff;
	[tilespmem:s15+$0xFFFFFE90] =	vst v0;
	v56 =	vand.u32 $0xFFFF0000, v4;
	v5 =	vmul.f32 v5, v40  }
0x2a6: {  	v59 =	vld.idx.msk [tilespmem:v47+s2+$0x0], $0xffff;
	v1 =	vmul.f32 v1, v3;
	v3 =	vshll.u32 v4, $0x10;
	v4 =	vmul.f32 v56, v38  }
0x2a7: {  	v58 =	vmovc v19;
	v19 =	vmov v10;
	v8 =	vadd.s32 $0x3B10, v13;
	v0 =	vadd.s32 $0x3B10, v15  }
0x2a8: {  	v10 =	vld.idx.msk [tilespmem:v63+s13+$0x0], $0xffff;
	v63 =	vand.u32 $0xFFFF0000, v49;
	v5 =	vadd.f32 v54, v5;
	[tilespmem:s11+$0x310] =	vst v1;
	v1 =	vadd.f32 v3, v4  }
0x2a9: {  	v62 =	vand.u32 $0xFFFF0000, v2;
	v2 =	vshll.u32 v2, $0x10;
	v3 =	vmul.f32 v63, v12  }
0x2aa: {  	v15 =	vmovc v42;
	v42 =	vmul.f32 v62, v11;
	v4 =	vshll.u32 v49, $0x10;
	v1 =	vmul.f32 v1, v5  }
0x2ab: {  	v53 =	vld [tilespmem:$0x1FF90];
	v3 =	vadd.f32 v4, v3;
	v4 =	vand.u32 $0xFFFF0000, v41;
	v5 =	vand.u32 $0xFFFF0000, v59  }
0x2ac: {  	v2 =	vadd.f32 v2, v42;
	v9 =	vld.idx.msk [tilespmem:v9+s2+$0x0], $0xffff;
	v42 =	vmul.f32 v4, v7;
	v4 =	vmul.f32 v5, v37  }
0x2ad: {  	v47 =	vld.idx.msk [tilespmem:v8+s2+$0x0], $0xffff;
	v8 =	vshll.u32 v59, $0x10  }
0x2ae: {  	v52 =	vadd.f32 v8, v4;
	v4 =	vld [tilespmem:$0x1FFB0]  }
0x2af: {  	v48 =	vld.idx.msk [tilespmem:v0+s13+$0x0], $0xffff  }
0x2b0: {  	s6 =	sadd.s32 $0x2, s6  }
0x2b1: {  	p1 =	slt.u32 s6, $0x6;
	v60 =	vld [tilespmem:$0x1FFF0];
	[tilespmem:s15+$0xFFFFFE80] =	vst v1;
	v2 =	vmul.f32 v3, v2;
	v0 =	vand.u32 $0xFFFF0000, v9  }
.Ltmp5:
0x2b2: {  	v13 =	vmov v43;
	v1 =	vld.idx.msk [tilespmem:v45+s2+$0x0], $0xffff;
	v43 =	vmul.f32 v0, v6;
	v0 =	vand.u32 $0xFFFF0000, v10;
	(pc) =	sbr.rel @p1 .LBB2_10-.Ltmp5, $4  }
0x2b3: {  	v61 =	vlaneseq.u32;
	v57 =	vmovc v30;
	v30 =	vmovc v53;
	v50 =	vadd.s32 $0x1B90, v13;
	v49 =	vld.idx.msk [tilespmem:v44+s13+$0x0], $0xffff;
	[tilespmem:s11+$0x200] =	vst v2;
	v0 =	vmul.f32 v0, v17  }
0x2b4: {  	v7 =	vmovc v12;
	v5 =	vshll.u32 v10, $0x10;
	v45 =	vld.idx.msk [tilespmem:v21+s2+$0x0], $0xffff;
	v2 =	vand.u32 $0xFFFF0000, v48;
	v21 =	vmovc v51;
	v51 =	vadd.s32 $0x1B90, v15  }
0x2b5: {  	v12 =	vmovc v38;
	v3 =	vmovc v16;
	v44 =	vmul.f32 v2, v28;
	v10 =	vld [tilespmem:$0x1FFA0];
	v53 =	vadd.f32 v5, v0;
	v0 =	vand.u32 $0xFFFF0000, v47  }
0x2b6: {  	s17 =	sadd.s32 $0x20, s17;
	v6 =	vmovc v11;
	v11 =	vmovc v40;
	v40 =	vshll.u32 v9, $0x10;
	v38 =	vmul.f32 v0, v14;
	v14 =	vmov v37;
	v46 =	vld.idx.msk [tilespmem:v4+s13+$0x0], $0xffff  }
0x2b7: {  	_ = 	snop  }
0x2b8: {  	v0 =	vmul.f32 v53, v52;
	v2 =	vand.u32 $0xFFFF0000, v1;
	v3 =	vand.u32 $0xFFFF0000, v49  }
0x2b9: {  	v2 =	vmul.f32 v2, v11;
	v3 =	vmul.f32 v3, v12  }
0x2ba: {  	[tilespmem:s15+$0xFFFFFF10] =	vst v0;
	v0 =	vshll.u32 v1, $0x10;
	v1 =	vshll.u32 v49, $0x10  }
0x2bb: {  	v4 =	vld.idx.msk [tilespmem:v50+s2+$0x0], $0xffff;
	v0 =	vadd.f32 v0, v2;
	v1 =	vadd.f32 v1, v3  }
0x2bc: {  	v2 =	vld.idx.msk [tilespmem:v51+s13+$0x0], $0xffff  }
0x2bd: {  	v0 =	vmul.f32 v1, v0;
	_ =	sdelay $0x1  }
0x2be: {  	[tilespmem:s15+$0xFFFFFF00] =	vst v0  }
0x2bf: {  	v0 =	vld.idx.msk [tilespmem:v35+s2+$0x0], $0xffff  }
0x2c0: {  	v1 =	vand.u32 $0xFFFF0000, v4;
	v3 =	vand.u32 $0xFFFF0000, v2;
	v5 =	vld.idx.msk [tilespmem:v36+s13+$0x0], $0xffff  }
0x2c1: {  	v1 =	vmul.f32 v1, v14;
	v3 =	vmul.f32 v3, v17  }
0x2c2: {  	v4 =	vshll.u32 v4, $0x10;
	v2 =	vshll.u32 v2, $0x10  }
0x2c3: {  	v1 =	vadd.f32 v4, v1;
	v2 =	vadd.f32 v2, v3;
	v3 =	vadd.s32 $0x1F80, v13  }
0x2c4: {  	v4 =	vadd.s32 $0x1F80, v15  }
0x2c5: {  	v1 =	vmul.f32 v2, v1;
	v2 =	vand.u32 $0xFFFF0000, v0;
	v8 =	vand.u32 $0xFFFF0000, v5  }
0x2c6: {  	v2 =	vmul.f32 v2, v11;
	v8 =	vmul.f32 v8, v12  }
0x2c7: {  	v0 =	vshll.u32 v0, $0x10;
	[tilespmem:s15+$0xFFFFFF90] =	vst v1;
	v1 =	vshll.u32 v5, $0x10  }
0x2c8: {  	v3 =	vld.idx.msk [tilespmem:v3+s2+$0x0], $0xffff;
	v0 =	vadd.f32 v0, v2;
	v1 =	vadd.f32 v1, v8  }
0x2c9: {  	v2 =	vld.idx.msk [tilespmem:v4+s13+$0x0], $0xffff  }
0x2ca: {  	v0 =	vmul.f32 v1, v0;
	_ =	sdelay $0x1  }
0x2cb: {  	[tilespmem:s15+$0xFFFFFF80] =	vst v0  }
0x2cc: {  	v0 =	vld.idx.msk [tilespmem:v22+s2+$0x0], $0xffff  }
0x2cd: {  	v1 =	vand.u32 $0xFFFF0000, v3;
	v4 =	vand.u32 $0xFFFF0000, v2;
	v5 =	vld.idx.msk [tilespmem:v23+s13+$0x0], $0xffff  }
0x2ce: {  	v1 =	vmul.f32 v1, v14;
	v4 =	vmul.f32 v4, v17  }
0x2cf: {  	v3 =	vshll.u32 v3, $0x10;
	v2 =	vshll.u32 v2, $0x10  }
0x2d0: {  	v1 =	vadd.f32 v3, v1;
	v3 =	vadd.s32 $0x2370, v13;
	v2 =	vadd.f32 v2, v4  }
0x2d1: {  	v4 =	vadd.s32 $0x2370, v15  }
0x2d2: {  	v1 =	vmul.f32 v2, v1;
	v2 =	vand.u32 $0xFFFF0000, v0;
	v8 =	vand.u32 $0xFFFF0000, v5  }
0x2d3: {  	v2 =	vmul.f32 v2, v11;
	v8 =	vmul.f32 v8, v12  }
0x2d4: {  	v0 =	vshll.u32 v0, $0x10;
	[tilespmem:s15+$0x10] =	vst v1;
	v1 =	vshll.u32 v5, $0x10  }
0x2d5: {  	v3 =	vld.idx.msk [tilespmem:v3+s2+$0x0], $0xffff;
	v0 =	vadd.f32 v0, v2;
	v1 =	vadd.f32 v1, v8  }
0x2d6: {  	v2 =	vld.idx.msk [tilespmem:v4+s13+$0x0], $0xffff  }
0x2d7: {  	v0 =	vmul.f32 v1, v0;
	_ =	sdelay $0x1  }
0x2d8: {  	[tilespmem:s15+$0x0] =	vst v0  }
0x2d9: {  	v0 =	vld.idx.msk [tilespmem:v31+s2+$0x0], $0xffff  }
0x2da: {  	v1 =	vand.u32 $0xFFFF0000, v3;
	v4 =	vand.u32 $0xFFFF0000, v2;
	v5 =	vld.idx.msk [tilespmem:v32+s13+$0x0], $0xffff  }
0x2db: {  	v1 =	vmul.f32 v1, v14;
	v4 =	vmul.f32 v4, v17  }
0x2dc: {  	v3 =	vshll.u32 v3, $0x10;
	v2 =	vshll.u32 v2, $0x10  }
0x2dd: {  	v1 =	vadd.f32 v3, v1;
	v2 =	vadd.f32 v2, v4;
	v3 =	vadd.s32 $0x2760, v13  }
0x2de: {  	v4 =	vadd.s32 $0x2760, v15  }
0x2df: {  	v1 =	vmul.f32 v2, v1;
	v2 =	vand.u32 $0xFFFF0000, v0;
	v8 =	vand.u32 $0xFFFF0000, v5  }
0x2e0: {  	v2 =	vmul.f32 v2, v11;
	v8 =	vmul.f32 v8, v12  }
0x2e1: {  	v0 =	vshll.u32 v0, $0x10;
	[tilespmem:s15+$0x90] =	vst v1;
	v1 =	vshll.u32 v5, $0x10  }
0x2e2: {  	v3 =	vld.idx.msk [tilespmem:v3+s2+$0x0], $0xffff;
	v0 =	vadd.f32 v0, v2;
	v1 =	vadd.f32 v1, v8  }
0x2e3: {  	v2 =	vld.idx.msk [tilespmem:v4+s13+$0x0], $0xffff  }
0x2e4: {  	v0 =	vmul.f32 v1, v0;
	_ =	sdelay $0x1  }
0x2e5: {  	[tilespmem:s15+$0x80] =	vst v0  }
0x2e6: {  	v0 =	vld.idx.msk [tilespmem:v26+s2+$0x0], $0xffff  }
0x2e7: {  	v1 =	vand.u32 $0xFFFF0000, v3;
	v4 =	vand.u32 $0xFFFF0000, v2;
	v5 =	vld.idx.msk [tilespmem:v29+s13+$0x0], $0xffff  }
0x2e8: {  	v1 =	vmul.f32 v1, v14;
	v4 =	vmul.f32 v4, v17  }
0x2e9: {  	v3 =	vshll.u32 v3, $0x10;
	v2 =	vshll.u32 v2, $0x10  }
0x2ea: {  	v1 =	vadd.f32 v3, v1;
	v2 =	vadd.f32 v2, v4;
	v3 =	vadd.s32 $0x2B50, v13  }
0x2eb: {  	v4 =	vadd.s32 $0x2B50, v15  }
0x2ec: {  	v1 =	vmul.f32 v2, v1;
	v2 =	vand.u32 $0xFFFF0000, v0;
	v8 =	vand.u32 $0xFFFF0000, v5  }
0x2ed: {  	v2 =	vmul.f32 v2, v11;
	v8 =	vmul.f32 v8, v12  }
0x2ee: {  	v0 =	vshll.u32 v0, $0x10;
	[tilespmem:s15+$0x110] =	vst v1;
	v1 =	vshll.u32 v5, $0x10  }
0x2ef: {  	v3 =	vld.idx.msk [tilespmem:v3+s2+$0x0], $0xffff;
	v0 =	vadd.f32 v0, v2;
	v1 =	vadd.f32 v1, v8  }
0x2f0: {  	v2 =	vld.idx.msk [tilespmem:v4+s13+$0x0], $0xffff  }
0x2f1: {  	v0 =	vmul.f32 v1, v0;
	_ =	sdelay $0x1  }
0x2f2: {  	[tilespmem:s15+$0x100] =	vst v0  }
0x2f3: {  	v0 =	vld.idx.msk [tilespmem:v24+s2+$0x0], $0xffff  }
0x2f4: {  	v1 =	vand.u32 $0xFFFF0000, v3;
	v4 =	vand.u32 $0xFFFF0000, v2;
	v5 =	vld.idx.msk [tilespmem:v25+s13+$0x0], $0xffff  }
0x2f5: {  	v1 =	vmul.f32 v1, v14;
	v4 =	vmul.f32 v4, v17  }
0x2f6: {  	v3 =	vshll.u32 v3, $0x10;
	v2 =	vshll.u32 v2, $0x10  }
0x2f7: {  	v1 =	vadd.f32 v3, v1;
	v2 =	vadd.f32 v2, v4;
	v3 =	vadd.s32 $0x2F40, v13  }
0x2f8: {  	v4 =	vadd.s32 $0x2F40, v15  }
0x2f9: {  	v1 =	vmul.f32 v2, v1;
	v2 =	vand.u32 $0xFFFF0000, v0;
	v8 =	vand.u32 $0xFFFF0000, v5  }
0x2fa: {  	v2 =	vmul.f32 v2, v11;
	v8 =	vmul.f32 v8, v12  }
0x2fb: {  	v0 =	vshll.u32 v0, $0x10;
	[tilespmem:s15+$0x190] =	vst v1;
	v1 =	vshll.u32 v5, $0x10  }
0x2fc: {  	v3 =	vld.idx.msk [tilespmem:v3+s2+$0x0], $0xffff;
	v0 =	vadd.f32 v0, v2;
	v1 =	vadd.f32 v1, v8  }
0x2fd: {  	v2 =	vld.idx.msk [tilespmem:v4+s13+$0x0], $0xffff  }
0x2fe: {  	v0 =	vmul.f32 v1, v0;
	_ =	sdelay $0x1  }
0x2ff: {  	[tilespmem:s15+$0x180] =	vst v0  }
0x300: {  	v0 =	vld.idx.msk [tilespmem:v20+s2+$0x0], $0xffff  }
0x301: {  	v1 =	vand.u32 $0xFFFF0000, v3;
	v4 =	vand.u32 $0xFFFF0000, v2;
	v5 =	vld.idx.msk [tilespmem:v27+s13+$0x0], $0xffff  }
0x302: {  	v1 =	vmul.f32 v1, v14;
	v4 =	vmul.f32 v4, v17  }
0x303: {  	v3 =	vshll.u32 v3, $0x10;
	v2 =	vshll.u32 v2, $0x10  }
0x304: {  	v1 =	vadd.f32 v3, v1;
	v2 =	vadd.f32 v2, v4;
	v3 =	vadd.s32 $0x3330, v13  }
0x305: {  	v4 =	vadd.s32 $0x3330, v15  }
0x306: {  	v1 =	vmul.f32 v2, v1;
	v2 =	vand.u32 $0xFFFF0000, v0;
	v8 =	vand.u32 $0xFFFF0000, v5  }
0x307: {  	v2 =	vmul.f32 v2, v11;
	v8 =	vmul.f32 v8, v12  }
0x308: {  	v0 =	vshll.u32 v0, $0x10;
	[tilespmem:s15+$0x210] =	vst v1;
	v1 =	vshll.u32 v5, $0x10  }
0x309: {  	v3 =	vld.idx.msk [tilespmem:v3+s2+$0x0], $0xffff;
	v0 =	vadd.f32 v0, v2;
	v1 =	vadd.f32 v1, v8  }
0x30a: {  	v2 =	vld.idx.msk [tilespmem:v4+s13+$0x0], $0xffff  }
0x30b: {  	v4 =	vand.u32 $0xFFFF0000, v45;
	v0 =	vmul.f32 v1, v0  }
0x30c: {  	v4 =	vmul.f32 v4, v6;
	v1 =	vand.u32 $0xFFFF0000, v46  }
0x30d: {  	v5 =	vshll.u32 v45, $0x10;
	v1 =	vmul.f32 v1, v7;
	[tilespmem:s15+$0x200] =	vst v0  }
0x30e: {  	v4 =	vadd.f32 v5, v4;
	v0 =	vshll.u32 v46, $0x10;
	v5 =	vld.idx.msk [tilespmem:v21+s2+$0x0], $0xffff  }
0x30f: {  	v0 =	vadd.f32 v0, v1;
	v1 =	vand.u32 $0xFFFF0000, v3;
	v8 =	vand.u32 $0xFFFF0000, v2;
	v9 =	vld.idx.msk [tilespmem:v39+s13+$0x0], $0xffff  }
0x310: {  	v1 =	vmul.f32 v1, v14;
	v8 =	vmul.f32 v8, v17  }
0x311: {  	v3 =	vshll.u32 v3, $0x10;
	v2 =	vshll.u32 v2, $0x10;
	v0 =	vmul.f32 v0, v4  }
0x312: {  	v1 =	vadd.f32 v3, v1;
	v2 =	vadd.f32 v2, v8;
	v3 =	vadd.s32 $0x3720, v13  }
0x313: {  	v4 =	vadd.s32 $0x3720, v15  }
0x314: {  	[tilespmem:s11+$0x280] =	vst v0;
	v0 =	vmul.f32 v2, v1;
	v1 =	vand.u32 $0xFFFF0000, v5;
	v2 =	vand.u32 $0xFFFF0000, v9  }
0x315: {  	v8 =	vld.idx.msk [tilespmem:v57+s2+$0x0], $0xffff;
	v1 =	vmul.f32 v1, v11;
	v2 =	vmul.f32 v2, v12  }
0x316: {  	v10 =	vld.idx.msk [tilespmem:v10+s13+$0x0], $0xffff;
	[tilespmem:s15+$0x290] =	vst v0;
	v0 =	vshll.u32 v5, $0x10;
	v5 =	vshll.u32 v9, $0x10  }
0x317: {  	v3 =	vld.idx.msk [tilespmem:v3+s2+$0x0], $0xffff;
	v0 =	vadd.f32 v0, v1;
	v1 =	vadd.f32 v5, v2  }
0x318: {  	v2 =	vld.idx.msk [tilespmem:v4+s13+$0x0], $0xffff  }
0x319: {  	v0 =	vmul.f32 v1, v0;
	_ =	sdelay $0x1  }
0x31a: {  	v1 =	vand.u32 $0xFFFF0000, v8;
	v4 =	vand.u32 $0xFFFF0000, v10;
	[tilespmem:s15+$0x280] =	vst v0  }
0x31b: {  	v0 =	vmul.f32 v1, v6;
	v1 =	vmul.f32 v4, v7;
	v4 =	vshll.u32 v8, $0x10;
	v5 =	vld.idx.msk [tilespmem:v34+s2+$0x0], $0xffff  }
0x31c: {  	v8 =	vshll.u32 v10, $0x10;
	v9 =	vand.u32 $0xFFFF0000, v3;
	v10 =	vand.u32 $0xFFFF0000, v2;
	v20 =	vld.idx.msk [tilespmem:v33+s13+$0x0], $0xffff  }
0x31d: {  	v0 =	vadd.f32 v4, v0;
	v4 =	vmul.f32 v9, v14;
	v9 =	vmul.f32 v10, v17  }
0x31e: {  	v3 =	vshll.u32 v3, $0x10;
	v2 =	vshll.u32 v2, $0x10;
	v1 =	vadd.f32 v8, v1  }
0x31f: {  	v3 =	vadd.f32 v3, v4;
	v2 =	vadd.f32 v2, v9  }
0x320: {  	v0 =	vmul.f32 v1, v0;
	v1 =	vadd.s32 $0x3B10, v13;
	v4 =	vadd.s32 $0x3B10, v15  }
0x321: {  	v2 =	vmul.f32 v2, v3;
	v3 =	vand.u32 $0xFFFF0000, v5;
	v8 =	vand.u32 $0xFFFF0000, v20  }
0x322: {  	v3 =	vmul.f32 v3, v11;
	v8 =	vmul.f32 v8, v12  }
0x323: {  	[tilespmem:s11+$0x300] =	vst v0;
	v0 =	vshll.u32 v5, $0x10;
	v5 =	vshll.u32 v20, $0x10  }
0x324: {  	v9 =	vld.idx.msk [tilespmem:v30+s2+$0x0], $0xffff;
	[tilespmem:s15+$0x310] =	vst v2;
	v0 =	vadd.f32 v0, v3;
	v2 =	vadd.f32 v5, v8  }
0x325: {  	v1 =	vld.idx.msk [tilespmem:v1+s2+$0x0], $0xffff  }
0x326: {  	v3 =	vshll.u32 v47, $0x10;
	v5 =	vshll.u32 v48, $0x10;
	v4 =	vld.idx.msk [tilespmem:v4+s13+$0x0], $0xffff;
	v0 =	vmul.f32 v2, v0  }
0x327: {  	v8 =	vld.idx.msk [tilespmem:v58+s13+$0x0], $0xffff;
	v2 =	vadd.f32 v3, v38;
	v3 =	vadd.f32 v5, v44;
	v5 =	vshll.u32 v41, $0x10  }
0x328: {  	v10 =	vadd.f32 v40, v43;
	v5 =	vadd.f32 v5, v42;
	[tilespmem:s15+$0x300] =	vst v0  }
0x329: {  	v0 =	vld.idx.msk [tilespmem:v55+s2+$0x0], $0xffff  }
0x32a: {  	v2 =	vmul.f32 v3, v2;
	v3 =	vmul.f32 v5, v10;
	v5 =	vand.u32 $0xFFFF0000, v9;
	v10 =	vld.idx.msk [tilespmem:v19+s13+$0x0], $0xffff  }
0x32b: {  	v13 =	vand.u32 $0xFFFF0000, v4;
	v5 =	vmul.f32 v5, v6;
	v6 =	vand.u32 $0xFFFF0000, v1  }
0x32c: {  	v15 =	vand.u32 $0xFFFF0000, v8;
	v13 =	vmul.f32 v13, v17;
	v6 =	vmul.f32 v6, v14  }
0x32d: {  	v4 =	vshll.u32 v4, $0x10;
	v9 =	vshll.u32 v9, $0x10;
	v1 =	vshll.u32 v1, $0x10  }
0x32e: {  	v7 =	vmul.f32 v15, v7;
	v4 =	vadd.f32 v4, v13;
	v1 =	vadd.f32 v1, v6  }
0x32f: {  	v6 =	vshll.u32 v8, $0x10;
	v8 =	vand.u32 $0xFFFF0000, v0;
	v13 =	vand.u32 $0xFFFF0000, v10  }
0x330: {  	v5 =	vadd.f32 v9, v5;
	v8 =	vmul.f32 v8, v11;
	v9 =	vmul.f32 v13, v12  }
0x331: {  	v6 =	vadd.f32 v6, v7;
	v0 =	vshll.u32 v0, $0x10;
	v7 =	vshll.u32 v10, $0x10  }
0x332: {  	[tilespmem:s11+$0x390] =	vst v2;
	v1 =	vmul.f32 v4, v1;
	v0 =	vadd.f32 v0, v8;
	v2 =	vadd.f32 v7, v9  }
0x333: {  	[tilespmem:s8+$0x380] =	vst v3;
	v3 =	vmul.f32 v6, v5  }
0x334: {  	[tilespmem:s15+$0x390] =	vst v1;
	v0 =	vmul.f32 v2, v0  }
0x335: {  	[tilespmem:s11+$0x380] =	vst v3  }
0x336: {  	s6 =	sor.u32 $0x80, s29;
	s17 =	simm.s32 $0x10;
	[tilespmem:s15+$0x380] =	vst v0  }
0x337: {  	s17 =	sor.u32 s6, s17;
	v49 =	vld [tilespmem:$0x1FFE0]  }
0x338: {  	v4 =	vmov s17  }
0x339: {  	v1 =	vor.u32 s17, v61;
	v2 =	vshll.u32 v4, $0x1  }
0x33a: {  	s28 =	sshll.u32 s28, $0xC;
	s21 =	sadd.s32 s1, s29;
	v1 =	vand.u32 $0x7F, v1;
	v2 =	vand.u32 $0x7FFFFF00, v2  }
0x33b: {  	s8 =	sadd.s32 s28, s21;
	v0 =	vor.u32 v2, v1  }
0x33c: {  	[hbm4b:s8+s31] =	stream.strided.scatter [tilespmem:s3], [sflag:$0x1], $0x800, s0, s31, $0x38;
	v0 =	vor.u32 v49, v0;
	[tilespmem:$0xAE00] =	vst v63  }
0x33d: {  	s8 =	simm.s32 @!p0 $0x2  }
0x33e: {  	_ =	swait.ge @!p0 [sflag:s8], $0x800  }
0x33f: {  	[sflag:s8] =	ssyncset.done @!p0 $0x0  }
0x340: {  	v6 =	vld [tilespmem:$0x1FFD0];
	[sflag:s8] =	ssyncadd.s32 @!p0 $0xFFFFF800  }
0x341: {  	v1 =	vld.idx.msk [tilespmem:v0+s14+$0x0], $0xffff  }
0x342: {  	v0 =	vld.idx.msk [tilespmem:v0+s22+$0x0], $0xffff;
	_ =	sdelay $0x1  }
0x343: {  	v2 =	vmov s6  }
0x344: {  	s11 =	simm.s32 $0x0;
	v50 =	vshll.u32 v2, $0x1  }
0x345: {  	v2 =	vor.u32 s11, v50;
	v1 =	vmul.f32 v1, v60  }
0x346: {  	v2 =	vor.u32 v6, v2;
	v0 =	vmul.f32 v0, v60  }
0x347: {  	v2 =	vbroadcast v2, $0x0;
	v3 =	vtrunc.f32 v1  }
0x348: {  	v0 =	vtrunc.f32 v0;
	v3 =	vcvt.f32.s32 v3  }
0x349: {  	v2 =	vor.u32 v61, v2;
	v0 =	vcvt.f32.s32 v0  }
0x34a: {  	vm0 =	vlt.s32 v3, $0x3E8  }
0x34b: {  	vm6 =	vlt.s32 v0, $0x3E8;
	v15 =	vnsel vm0, $0x3E8, v3  }
0x34c: {  	v14 =	vnsel vm6, $0x3E8, v0;
	_ =	sdelay $0x1  }
0x34d: {  	v4 =	vld.idx.msk [tilespmem:v2+s14+$0x0], $0xffff  }
0x34e: {  	v2 =	vld.idx.msk [tilespmem:v2+s22+$0x0], $0xffff  }
0x34f: {  	v5 =	vld.idx.msk [tilespmem:v15+s2+$0x0], $0xffff  }
0x350: {  	v7 =	vld.idx.msk [tilespmem:v14+s13+$0x0], $0xffff;
	_ =	sdelay $0x1  }
0x351: {  	v3 =	vcvt.s32.f32 v3;
	v0 =	vcvt.s32.f32 v0  }
0x352: {  	v2 =	vmul.f32 v2, v60  }
0x353: {  	v13 =	vsub.f32 v1, v3;
	v12 =	vsub.f32 v1, v0  }
0x354: {  	v2 =	vtrunc.f32 v2;
	v1 =	vand.u32 $0xFFFF0000, v5;
	v3 =	vand.u32 $0xFFFF0000, v7  }
0x355: {  	v1 =	vmul.f32 v1, v13;
	v3 =	vmul.f32 v3, v12  }
0x356: {  	v0 =	vmul.f32 v4, v60;
	v4 =	vshll.u32 v5, $0x10;
	v5 =	vshll.u32 v7, $0x10  }
0x357: {  	v1 =	vadd.f32 v4, v1;
	v3 =	vadd.f32 v5, v3;
	v4 =	vadd.s32 $0x3F0, v15  }
0x358: {  	v2 =	vcvt.f32.s32 v2;
	v7 =	vadd.s32 $0x3F0, v14  }
0x359: {  	v5 =	vtrunc.f32 v0;
	v1 =	vmul.f32 v3, v1  }
0x35a: {  	s29 =	simm.s32 $0xAA00;
	v5 =	vcvt.f32.s32 v5  }
0x35b: {  	vm1 =	vlt.s32 v2, $0x3E8;
	[tilespmem:s29+$0xFFFFFC10] =	vst v1  }
0x35c: {  	v11 =	vnsel vm1, $0x3E8, v2;
	vm7 =	vlt.s32 v5, $0x3E8;
	v1 =	vld.idx.msk [tilespmem:v4+s2+$0x0], $0xffff  }
0x35d: {  	v21 =	vnsel vm7, $0x3E8, v5;
	v3 =	vld.idx.msk [tilespmem:v7+s13+$0x0], $0xffff;
	_ =	sdelay $0x3  }
0x35e: {  	v8 =	vld.idx.msk [tilespmem:v11+s13+$0x0], $0xffff  }
0x35f: {  	v4 =	vcvt.s32.f32 v5;
	v7 =	vld.idx.msk [tilespmem:v21+s2+$0x0], $0xffff;
	v5 =	vand.u32 $0xFFFF0000, v1;
	v9 =	vand.u32 $0xFFFF0000, v3  }
0x360: {  	v5 =	vmul.f32 v5, v13;
	v9 =	vmul.f32 v9, v12  }
0x361: {  	v2 =	vcvt.s32.f32 v2;
	v1 =	vshll.u32 v1, $0x10;
	v3 =	vshll.u32 v3, $0x10  }
0x362: {  	v1 =	vadd.f32 v1, v5;
	v3 =	vadd.f32 v3, v9;
	v9 =	vadd.s32 $0x7E0, v15  }
0x363: {  	v62 =	vsub.f32 v0, v2;
	v63 =	vsub.f32 v0, v4;
	v0 =	vadd.s32 $0x7E0, v14  }
0x364: {  	v10 =	vand.u32 $0xFFFF0000, v8;
	v2 =	vand.u32 $0xFFFF0000, v7;
	v1 =	vmul.f32 v3, v1  }
0x365: {  	v2 =	vmul.f32 v2, v63;
	v3 =	vmul.f32 v10, v62  }
0x366: {  	v8 =	vshll.u32 v8, $0x10;
	v7 =	vshll.u32 v7, $0x10;
	[tilespmem:s29+$0xFFFFFC90] =	vst v1  }
0x367: {  	v1 =	vadd.s32 $0x3F0, v21;
	v2 =	vadd.f32 v7, v2;
	v3 =	vadd.f32 v8, v3;
	v7 =	vld.idx.msk [tilespmem:v9+s2+$0x0], $0xffff  }
0x368: {  	v8 =	vadd.s32 $0x3F0, v11;
	v0 =	vld.idx.msk [tilespmem:v0+s13+$0x0], $0xffff  }
0x369: {  	v2 =	vmul.f32 v3, v2;
	_ =	sdelay $0x1  }
0x36a: {  	[tilespmem:s29+$0xFFFFFC00] =	vst v2  }
0x36b: {  	v1 =	vld.idx.msk [tilespmem:v1+s2+$0x0], $0xffff  }
0x36c: {  	v2 =	vld.idx.msk [tilespmem:v8+s13+$0x0], $0xffff;
	v3 =	vand.u32 $0xFFFF0000, v7;
	v8 =	vand.u32 $0xFFFF0000, v0  }
0x36d: {  	v3 =	vmul.f32 v3, v13;
	v8 =	vmul.f32 v8, v12  }
0x36e: {  	v7 =	vshll.u32 v7, $0x10;
	v0 =	vshll.u32 v0, $0x10  }
0x36f: {  	v3 =	vadd.f32 v7, v3;
	v0 =	vadd.f32 v0, v8;
	v7 =	vadd.s32 $0xBD0, v15  }
0x370: {  	v8 =	vadd.s32 $0xBD0, v14  }
0x371: {  	v9 =	vand.u32 $0xFFFF0000, v1;
	v10 =	vand.u32 $0xFFFF0000, v2;
	v0 =	vmul.f32 v0, v3  }
0x372: {  	v3 =	vmul.f32 v9, v63;
	v9 =	vmul.f32 v10, v62  }
0x373: {  	v1 =	vshll.u32 v1, $0x10;
	v2 =	vshll.u32 v2, $0x10;
	[tilespmem:s29+$0xFFFFFD10] =	vst v0  }
0x374: {  	v0 =	vadd.s32 $0x7E0, v21;
	v1 =	vadd.f32 v1, v3;
	v2 =	vadd.f32 v2, v9;
	v3 =	vld.idx.msk [tilespmem:v7+s2+$0x0], $0xffff  }
0x375: {  	v7 =	vadd.s32 $0x7E0, v11;
	v8 =	vld.idx.msk [tilespmem:v8+s13+$0x0], $0xffff  }
0x376: {  	v1 =	vmul.f32 v2, v1;
	_ =	sdelay $0x1  }
0x377: {  	[tilespmem:s29+$0xFFFFFC80] =	vst v1  }
0x378: {  	v0 =	vld.idx.msk [tilespmem:v0+s2+$0x0], $0xffff  }
0x379: {  	v1 =	vld.idx.msk [tilespmem:v7+s13+$0x0], $0xffff;
	v2 =	vand.u32 $0xFFFF0000, v3;
	v7 =	vand.u32 $0xFFFF0000, v8  }
0x37a: {  	v2 =	vmul.f32 v2, v13;
	v7 =	vmul.f32 v7, v12  }
0x37b: {  	v3 =	vshll.u32 v3, $0x10;
	v8 =	vshll.u32 v8, $0x10  }
0x37c: {  	v2 =	vadd.f32 v3, v2;
	v3 =	vadd.f32 v8, v7;
	v7 =	vadd.s32 $0xFC0, v15  }
0x37d: {  	v8 =	vadd.s32 $0xFC0, v14  }
0x37e: {  	v9 =	vand.u32 $0xFFFF0000, v0;
	v10 =	vand.u32 $0xFFFF0000, v1;
	v2 =	vmul.f32 v3, v2  }
0x37f: {  	v3 =	vmul.f32 v9, v63;
	v9 =	vmul.f32 v10, v62  }
0x380: {  	v0 =	vshll.u32 v0, $0x10;
	v1 =	vshll.u32 v1, $0x10;
	[tilespmem:s29+$0xFFFFFD90] =	vst v2  }
0x381: {  	v2 =	vadd.s32 $0xBD0, v21;
	v0 =	vadd.f32 v0, v3;
	v1 =	vadd.f32 v1, v9;
	v3 =	vld.idx.msk [tilespmem:v7+s2+$0x0], $0xffff  }
0x382: {  	v7 =	vadd.s32 $0xBD0, v11;
	v8 =	vld.idx.msk [tilespmem:v8+s13+$0x0], $0xffff  }
0x383: {  	v0 =	vmul.f32 v1, v0;
	_ =	sdelay $0x1  }
0x384: {  	[tilespmem:s29+$0xFFFFFD00] =	vst v0  }
0x385: {  	v0 =	vld.idx.msk [tilespmem:v2+s2+$0x0], $0xffff  }
0x386: {  	v1 =	vld.idx.msk [tilespmem:v7+s13+$0x0], $0xffff;
	v2 =	vand.u32 $0xFFFF0000, v3;
	v7 =	vand.u32 $0xFFFF0000, v8  }
0x387: {  	v2 =	vmul.f32 v2, v13;
	v7 =	vmul.f32 v7, v12  }
0x388: {  	v3 =	vshll.u32 v3, $0x10;
	v8 =	vshll.u32 v8, $0x10  }
0x389: {  	v2 =	vadd.f32 v3, v2;
	v3 =	vadd.f32 v8, v7;
	v7 =	vadd.s32 $0x13B0, v15  }
0x38a: {  	v8 =	vadd.s32 $0x13B0, v14  }
0x38b: {  	v9 =	vand.u32 $0xFFFF0000, v0;
	v10 =	vand.u32 $0xFFFF0000, v1;
	v2 =	vmul.f32 v3, v2  }
0x38c: {  	v3 =	vmul.f32 v9, v63;
	v9 =	vmul.f32 v10, v62  }
0x38d: {  	v0 =	vshll.u32 v0, $0x10;
	v1 =	vshll.u32 v1, $0x10;
	[tilespmem:s29+$0xFFFFFE10] =	vst v2  }
0x38e: {  	v2 =	vadd.s32 $0xFC0, v21;
	v0 =	vadd.f32 v0, v3;
	v1 =	vadd.f32 v1, v9;
	v3 =	vld.idx.msk [tilespmem:v7+s2+$0x0], $0xffff  }
0x38f: {  	v7 =	vadd.s32 $0xFC0, v11;
	v8 =	vld.idx.msk [tilespmem:v8+s13+$0x0], $0xffff  }
0x390: {  	v0 =	vmul.f32 v1, v0;
	_ =	sdelay $0x1  }
0x391: {  	[tilespmem:s29+$0xFFFFFD80] =	vst v0  }
0x392: {  	v0 =	vld.idx.msk [tilespmem:v2+s2+$0x0], $0xffff  }
0x393: {  	v1 =	vld.idx.msk [tilespmem:v7+s13+$0x0], $0xffff;
	v2 =	vand.u32 $0xFFFF0000, v3;
	v7 =	vand.u32 $0xFFFF0000, v8  }
0x394: {  	v2 =	vmul.f32 v2, v13;
	v7 =	vmul.f32 v7, v12  }
0x395: {  	v3 =	vshll.u32 v3, $0x10;
	v8 =	vshll.u32 v8, $0x10  }
0x396: {  	v2 =	vadd.f32 v3, v2;
	v3 =	vadd.f32 v8, v7;
	v7 =	vadd.s32 $0x17A0, v15  }
0x397: {  	v8 =	vadd.s32 $0x17A0, v14  }
0x398: {  	v9 =	vand.u32 $0xFFFF0000, v0;
	v10 =	vand.u32 $0xFFFF0000, v1;
	v2 =	vmul.f32 v3, v2  }
0x399: {  	v3 =	vmul.f32 v9, v63;
	v9 =	vmul.f32 v10, v62  }
0x39a: {  	v0 =	vshll.u32 v0, $0x10;
	v1 =	vshll.u32 v1, $0x10;
	[tilespmem:s29+$0xFFFFFE90] =	vst v2  }
0x39b: {  	v2 =	vadd.s32 $0x13B0, v21;
	v0 =	vadd.f32 v0, v3;
	v1 =	vadd.f32 v1, v9;
	v3 =	vld.idx.msk [tilespmem:v7+s2+$0x0], $0xffff  }
0x39c: {  	v7 =	vadd.s32 $0x13B0, v11;
	v8 =	vld.idx.msk [tilespmem:v8+s13+$0x0], $0xffff  }
0x39d: {  	v0 =	vmul.f32 v1, v0;
	_ =	sdelay $0x1  }
0x39e: {  	[tilespmem:s29+$0xFFFFFE00] =	vst v0  }
0x39f: {  	v0 =	vld.idx.msk [tilespmem:v2+s2+$0x0], $0xffff  }
0x3a0: {  	v1 =	vld.idx.msk [tilespmem:v7+s13+$0x0], $0xffff;
	v2 =	vand.u32 $0xFFFF0000, v3;
	v7 =	vand.u32 $0xFFFF0000, v8  }
0x3a1: {  	v2 =	vmul.f32 v2, v13;
	v7 =	vmul.f32 v7, v12  }
0x3a2: {  	v10 =	vadd.s32 $0x1B90, v14;
	v3 =	vshll.u32 v3, $0x10;
	v8 =	vshll.u32 v8, $0x10  }
0x3a3: {  	v2 =	vadd.f32 v3, v2;
	v3 =	vadd.f32 v8, v7;
	v7 =	vadd.s32 $0x1B90, v15  }
0x3a4: {  	s15 =	simm.s32 $0x30;
	v9 =	vadd.s32 $0x17A0, v21;
	v8 =	vshll.u32 v0, $0x10;
	v0 =	vand.u32 $0xFFFF0000, v0  }
0x3a5: {  	s8 =	sor.u32 s6, s15;
	v16 =	vand.u32 $0xFFFF0000, v1;
	v2 =	vmul.f32 v3, v2;
	v0 =	vmul.f32 v0, v63  }
0x3a6: {  	v1 =	vshll.u32 v1, $0x10;
	v3 =	vmul.f32 v16, v62;
	v16 =	vmov s8  }
0x3a7: {  	s17 =	simm.s32 $0x20;
	[tilespmem:s29+$0xFFFFFF10] =	vst v2;
	v2 =	vor.u32 s8, v61;
	v0 =	vadd.f32 v8, v0;
	v8 =	vshll.u32 v16, $0x1  }
0x3a8: {  	v16 =	vor.u32 s17, v50;
	v7 =	vld.idx.msk [tilespmem:v7+s2+$0x0], $0xffff;
	v2 =	vand.u32 $0x7F, v2;
	v8 =	vand.u32 $0x7FFFFF00, v8  }
0x3a9: {  	v1 =	vadd.f32 v1, v3;
	v10 =	vld.idx.msk [tilespmem:v10+s13+$0x0], $0xffff;
	v3 =	vor.u32 v6, v16;
	v2 =	vor.u32 v8, v2  }
0x3aa: {  	v3 =	vbroadcast v3, $0x0;
	v2 =	vor.u32 v49, v2  }
0x3ab: {  	v0 =	vmul.f32 v1, v0  }
0x3ac: {  	v56 =	vadd.s32 $0x2370, v15;
	v3 =	vor.u32 v61, v3  }
0x3ad: {  	v58 =	vadd.s32 $0x2370, v14;
	v35 =	vadd.s32 $0x1B90, v11;
	v31 =	vadd.s32 $0x1F80, v11;
	[tilespmem:s29+$0xFFFFFE80] =	vst v0  }
0x3ae: {  	v8 =	vadd.s32 $0x17A0, v11;
	v0 =	vld.idx.msk [tilespmem:v9+s2+$0x0], $0xffff;
	v9 =	vand.u32 $0xFFFF0000, v7;
	v16 =	vand.u32 $0xFFFF0000, v10  }
0x3af: {  	v30 =	vadd.s32 $0x2370, v11;
	v9 =	vmul.f32 v9, v13;
	v16 =	vmul.f32 v16, v12;
	v18 =	vld.idx.msk [tilespmem:v2+s14+$0x0], $0xffff  }
0x3b0: {  	v23 =	vadd.s32 $0x2760, v11;
	v7 =	vshll.u32 v7, $0x10;
	v10 =	vshll.u32 v10, $0x10;
	v2 =	vld.idx.msk [tilespmem:v2+s22+$0x0], $0xffff  }
0x3b1: {  	v7 =	vadd.f32 v7, v9;
	v9 =	vadd.f32 v10, v16;
	v10 =	vadd.s32 $0x1F80, v15;
	v19 =	vld.idx.msk [tilespmem:v3+s14+$0x0], $0xffff  }
0x3b2: {  	v20 =	vadd.s32 $0x2B50, v11;
	v34 =	vadd.s32 $0x1B90, v21;
	v16 =	vadd.s32 $0x1F80, v14  }
0x3b3: {  	v29 =	vadd.s32 $0x2370, v21;
	v25 =	vadd.s32 $0x2760, v21;
	v8 =	vld.idx.msk [tilespmem:v8+s13+$0x0], $0xffff;
	v7 =	vmul.f32 v9, v7  }
0x3b4: {  	v22 =	vadd.s32 $0x2B50, v21;
	v3 =	vld.idx.msk [tilespmem:v3+s22+$0x0], $0xffff;
	v9 =	vand.u32 $0xFFFF0000, v0;
	v48 =	vmul.f32 v18, v60  }
0x3b5: {  	v17 =	vadd.s32 $0x2F40, v21;
	v9 =	vmul.f32 v9, v63;
	[tilespmem:s29+$0xFFFFFF90] =	vst v7;
	v2 =	vmul.f32 v2, v60  }
0x3b6: {  	v24 =	vadd.s32 $0x3330, v21;
	v7 =	vld.idx.msk [tilespmem:v10+s2+$0x0], $0xffff;
	v37 =	vmul.f32 v19, v60;
	v10 =	vtrunc.f32 v48  }
0x3b7: {  	v0 =	vshll.u32 v0, $0x10;
	v16 =	vld.idx.msk [tilespmem:v16+s13+$0x0], $0xffff;
	v2 =	vtrunc.f32 v2;
	v10 =	vcvt.f32.s32 v10  }
0x3b8: {  	v0 =	vadd.f32 v0, v9;
	v19 =	vand.u32 $0xFFFF0000, v8;
	v2 =	vcvt.f32.s32 v2  }
0x3b9: {  	v3 =	vmul.f32 v3, v60;
	v26 =	vtrunc.f32 v37;
	vm8 =	vlt.s32 v10, $0x3E8  }
0x3ba: {  	v51 =	vcvt.f32.s32 v26;
	vm9 =	vlt.s32 v2, $0x3E8;
	v27 =	vnsel vm8, $0x3E8, v10  }
0x3bb: {  	v28 =	vmul.f32 v19, v62;
	v3 =	vtrunc.f32 v3;
	v26 =	vnsel vm9, $0x3E8, v2  }
0x3bc: {  	v52 =	vand.u32 $0xFFFF0000, v7;
	v53 =	vand.u32 $0xFFFF0000, v16;
	vm10 =	vlt.s32 v51, $0x3E8  }
0x3bd: {  	v32 =	vmul.f32 v52, v13;
	v33 =	vmul.f32 v53, v12;
	v19 =	vnsel vm10, $0x3E8, v51  }
0x3be: {  	v3 =	vcvt.f32.s32 v3;
	v7 =	vshll.u32 v7, $0x10;
	v16 =	vshll.u32 v16, $0x10  }
0x3bf: {  	v8 =	vshll.u32 v8, $0x10;
	v7 =	vadd.f32 v7, v32;
	v55 =	vadd.f32 v16, v33;
	v54 =	vld.idx.msk [tilespmem:v27+s2+$0x0], $0xffff  }
0x3c0: {  	v8 =	vadd.f32 v8, v28;
	v9 =	vcvt.s32.f32 v10;
	vm11 =	vlt.s32 v3, $0x3E8;
	v57 =	vld.idx.msk [tilespmem:v26+s13+$0x0], $0xffff  }
0x3c1: {  	v2 =	vcvt.s32.f32 v2;
	v16 =	vnsel vm11, $0x3E8, v3;
	v7 =	vmul.f32 v55, v7  }
0x3c2: {  	v4 =	vadd.s32 $0x3B10, v21;
	v5 =	vadd.s32 $0x3B10, v11;
	v0 =	vmul.f32 v8, v0;
	v59 =	vld.idx.msk [tilespmem:v19+s2+$0x0], $0xffff  }
0x3c3: {  	v9 =	vsub.f32 v48, v9;
	v10 =	vsub.f32 v48, v2;
	v2 =	vcvt.s32.f32 v3;
	[tilespmem:s29+$0x10] =	vst v7  }
0x3c4: {  	v7 =	vcvt.s32.f32 v51;
	v51 =	vadd.s32 $0x3F0, v27;
	v45 =	vld.idx.msk [tilespmem:v56+s2+$0x0], $0xffff;
	v56 =	vadd.s32 $0x2760, v15  }
0x3c5: {  	v3 =	vld.idx.msk [tilespmem:v58+s13+$0x0], $0xffff;
	v58 =	vadd.s32 $0x2760, v14;
	v8 =	vand.u32 $0xFFFF0000, v54;
	v46 =	vand.u32 $0xFFFF0000, v57  }
0x3c6: {  	v47 =	vld.idx.msk [tilespmem:v16+s13+$0x0], $0xffff;
	v7 =	vsub.f32 v37, v7;
	v8 =	vmul.f32 v8, v9;
	v36 =	vmul.f32 v46, v10  }
0x3c7: {  	v39 =	vshll.u32 v54, $0x10;
	v41 =	vshll.u32 v57, $0x10;
	v48 =	vand.u32 $0xFFFF0000, v59  }
0x3c8: {  	[tilespmem:s29+$0xFFFFFF00] =	vst v0;
	v57 =	vshll.u32 v59, $0x10;
	v39 =	vadd.f32 v39, v8;
	v36 =	vadd.f32 v41, v36  }
0x3c9: {  	v35 =	vld.idx.msk [tilespmem:v35+s13+$0x0], $0xffff;
	v0 =	vmul.f32 v48, v7;
	v8 =	vsub.f32 v37, v2;
	v2 =	vadd.s32 $0x3F0, v26  }
0x3ca: {  	v34 =	vld.idx.msk [tilespmem:v34+s2+$0x0], $0xffff;
	v52 =	vand.u32 $0xFFFF0000, v45;
	v53 =	vand.u32 $0xFFFF0000, v3;
	v36 =	vmul.f32 v36, v39  }
0x3cb: {  	s8 =	simm.s32 $0xAA20;
	v54 =	vand.u32 $0xFFFF0000, v47;
	v37 =	vmul.f32 v52, v13;
	v39 =	vmul.f32 v53, v12  }
0x3cc: {  	v55 =	vshll.u32 v45, $0x10;
	v3 =	vshll.u32 v3, $0x10;
	v42 =	vmul.f32 v54, v8;
	[tilespmem:s8+$0xFFFFFC10] =	vst v36  }
0x3cd: {  	v40 =	vshll.u32 v47, $0x10;
	v36 =	vadd.f32 v55, v37;
	v3 =	vadd.f32 v3, v39;
	v38 =	vld.idx.msk [tilespmem:v51+s2+$0x0], $0xffff  }
0x3ce: {  	v46 =	vand.u32 $0xFFFF0000, v35;
	v0 =	vadd.f32 v57, v0;
	v59 =	vadd.f32 v40, v42;
	v2 =	vld.idx.msk [tilespmem:v2+s13+$0x0], $0xffff  }
0x3cf: {  	v45 =	vand.u32 $0xFFFF0000, v34;
	v47 =	vadd.s32 $0x3F0, v19;
	v3 =	vmul.f32 v3, v36  }
0x3d0: {  	v48 =	vadd.s32 $0x3F0, v16;
	v51 =	vmul.f32 v46, v62;
	v0 =	vmul.f32 v59, v0  }
0x3d1: {  	v1 =	vadd.s32 $0x1F80, v21;
	v35 =	vshll.u32 v35, $0x10;
	v36 =	vmul.f32 v45, v63;
	[tilespmem:s29+$0x90] =	vst v3  }
0x3d2: {  	v33 =	vadd.s32 $0x3720, v21;
	v3 =	vshll.u32 v34, $0x10;
	[tilespmem:s8+$0xFFFFFC00] =	vst v0;
	v0 =	vadd.f32 v35, v51;
	v37 =	vld.idx.msk [tilespmem:v56+s2+$0x0], $0xffff  }
0x3d3: {  	v3 =	vadd.f32 v3, v36;
	v52 =	vld.idx.msk [tilespmem:v58+s13+$0x0], $0xffff;
	v53 =	vand.u32 $0xFFFF0000, v38;
	v54 =	vand.u32 $0xFFFF0000, v2  }
0x3d4: {  	v59 =	vadd.s32 $0x7E0, v26;
	v21 =	vld.idx.msk [tilespmem:v47+s2+$0x0], $0xffff;
	v55 =	vmul.f32 v53, v9;
	v56 =	vmul.f32 v54, v10  }
0x3d5: {  	v57 =	vld.idx.msk [tilespmem:v48+s13+$0x0], $0xffff;
	v38 =	vshll.u32 v38, $0x10;
	v2 =	vshll.u32 v2, $0x10;
	v0 =	vmul.f32 v0, v3  }
0x3d6: {  	[tilespmem:$0x1FF30] =	vst v5;
	v58 =	vadd.s32 $0x7E0, v27;
	v3 =	vadd.f32 v38, v55;
	v2 =	vadd.f32 v2, v56  }
0x3d7: {  	v45 =	vadd.s32 $0x7E0, v19;
	v48 =	vadd.s32 $0x2B50, v15;
	v53 =	vadd.s32 $0x2B50, v14;
	[tilespmem:s29+$0xFFFFFF80] =	vst v0  }
0x3d8: {  	v1 =	vld.idx.msk [tilespmem:v1+s2+$0x0], $0xffff;
	v0 =	vmul.f32 v2, v3;
	v2 =	vand.u32 $0xFFFF0000, v37;
	v3 =	vand.u32 $0xFFFF0000, v52  }
0x3d9: {  	v46 =	vand.u32 $0xFFFF0000, v21;
	v31 =	vld.idx.msk [tilespmem:v31+s13+$0x0], $0xffff;
	v2 =	vmul.f32 v2, v13;
	v3 =	vmul.f32 v3, v12  }
0x3da: {  	v39 =	vshll.u32 v52, $0x10;
	v47 =	vand.u32 $0xFFFF0000, v57;
	v37 =	vshll.u32 v37, $0x10;
	[tilespmem:s8+$0xFFFFFC90] =	vst v0  }
0x3db: {  	v51 =	vmul.f32 v46, v7;
	v0 =	vadd.f32 v37, v2;
	v2 =	vadd.f32 v39, v3;
	v3 =	vld.idx.msk [tilespmem:v58+s2+$0x0], $0xffff  }
0x3dc: {  	v21 =	vshll.u32 v21, $0x10;
	v40 =	vshll.u32 v57, $0x10;
	v52 =	vmul.f32 v47, v8;
	v35 =	vld.idx.msk [tilespmem:v59+s13+$0x0], $0xffff  }
0x3dd: {  	v0 =	vmul.f32 v2, v0;
	v2 =	vadd.f32 v21, v51;
	v21 =	vand.u32 $0xFFFF0000, v1  }
0x3de: {  	v54 =	vadd.f32 v40, v52;
	v55 =	vand.u32 $0xFFFF0000, v31;
	v21 =	vmul.f32 v21, v63  }
0x3df: {  	v56 =	vadd.s32 $0x7E0, v16;
	v1 =	vshll.u32 v1, $0x10;
	v39 =	vmul.f32 v55, v62  }
0x3e0: {  	[tilespmem:s29+$0x110] =	vst v0;
	v0 =	vmul.f32 v54, v2;
	v2 =	vshll.u32 v31, $0x10;
	v1 =	vadd.f32 v1, v21  }
0x3e1: {  	v21 =	vld.idx.msk [tilespmem:v48+s2+$0x0], $0xffff;
	v31 =	vand.u32 $0xFFFF0000, v3;
	v57 =	vand.u32 $0xFFFF0000, v35;
	v2 =	vadd.f32 v2, v39  }
0x3e2: {  	v18 =	vadd.s32 $0x2F40, v11;
	v58 =	vld.idx.msk [tilespmem:v53+s13+$0x0], $0xffff;
	v31 =	vmul.f32 v31, v9;
	v34 =	vmul.f32 v57, v10  }
0x3e3: {  	[tilespmem:s8+$0xFFFFFC80] =	vst v0;
	v0 =	vshll.u32 v3, $0x10;
	v3 =	vshll.u32 v35, $0x10;
	v1 =	vmul.f32 v2, v1  }
0x3e4: {  	v0 =	vadd.f32 v0, v31;
	v3 =	vadd.f32 v3, v34;
	v31 =	vadd.s32 $0xBD0, v27  }
0x3e5: {  	v28 =	vadd.s32 $0x3330, v11;
	v32 =	vadd.s32 $0x3720, v11;
	v48 =	vadd.s32 $0xBD0, v26;
	v2 =	vld.idx.msk [tilespmem:v45+s2+$0x0], $0xffff  }
0x3e6: {  	v43 =	vadd.s32 $0x17A0, v19;
	v52 =	vadd.s32 $0x2F40, v15;
	v59 =	vld.idx.msk [tilespmem:v56+s13+$0x0], $0xffff;
	[tilespmem:s29+$0x0] =	vst v1;
	v0 =	vmul.f32 v3, v0  }
0x3e7: {  	v37 =	vadd.s32 $0xBD0, v19;
	v3 =	vand.u32 $0xFFFF0000, v21;
	v29 =	vld.idx.msk [tilespmem:v29+s2+$0x0], $0xffff;
	v51 =	vand.u32 $0xFFFF0000, v58  }
0x3e8: {  	v54 =	vadd.s32 $0x2F40, v14;
	v30 =	vld.idx.msk [tilespmem:v30+s13+$0x0], $0xffff;
	v3 =	vmul.f32 v3, v13;
	v40 =	vmul.f32 v51, v12;
	[tilespmem:s8+$0xFFFFFD10] =	vst v0  }
0x3e9: {  	v34 =	vadd.s32 $0xBD0, v16;
	v39 =	vshll.u32 v58, $0x10;
	v0 =	vshll.u32 v21, $0x10;
	v31 =	vld.idx.msk [tilespmem:v31+s2+$0x0], $0xffff  }
0x3ea: {  	v21 =	vand.u32 $0xFFFF0000, v2;
	v0 =	vadd.f32 v0, v3;
	v3 =	vadd.f32 v39, v40;
	v38 =	vld.idx.msk [tilespmem:v48+s13+$0x0], $0xffff  }
0x3eb: {  	v53 =	vand.u32 $0xFFFF0000, v59;
	v2 =	vshll.u32 v2, $0x10;
	v21 =	vmul.f32 v21, v7  }
0x3ec: {  	v40 =	vmul.f32 v53, v8;
	v0 =	vmul.f32 v3, v0;
	v3 =	vshll.u32 v59, $0x10  }
0x3ed: {  	v2 =	vadd.f32 v2, v21;
	v21 =	vand.u32 $0xFFFF0000, v29;
	v55 =	vand.u32 $0xFFFF0000, v30  }
0x3ee: {  	v3 =	vadd.f32 v3, v40;
	v21 =	vmul.f32 v21, v63;
	[tilespmem:s29+$0x190] =	vst v0;
	v0 =	vshll.u32 v29, $0x10  }
0x3ef: {  	v29 =	vmul.f32 v55, v62;
	v56 =	vld.idx.msk [tilespmem:v52+s2+$0x0], $0xffff;
	v57 =	vand.u32 $0xFFFF0000, v31;
	v58 =	vand.u32 $0xFFFF0000, v38  }
0x3f0: {  	v48 =	vadd.s32 $0xFC0, v27;
	v59 =	vld.idx.msk [tilespmem:v54+s13+$0x0], $0xffff;
	v39 =	vmul.f32 v57, v9;
	v40 =	vmul.f32 v58, v10  }
0x3f1: {  	v2 =	vmul.f32 v3, v2;
	v3 =	vshll.u32 v31, $0x10;
	v31 =	vshll.u32 v38, $0x10  }
0x3f2: {  	v30 =	vshll.u32 v30, $0x10;
	v3 =	vadd.f32 v3, v39;
	v31 =	vadd.f32 v31, v40  }
0x3f3: {  	v0 =	vadd.f32 v0, v21;
	v21 =	vadd.f32 v30, v29;
	[tilespmem:s8+$0xFFFFFD00] =	vst v2;
	v2 =	vadd.s32 $0xFC0, v26  }
0x3f4: {  	v44 =	vadd.s32 $0x13B0, v16;
	v41 =	vadd.s32 $0xFC0, v19;
	v29 =	vld.idx.msk [tilespmem:v37+s2+$0x0], $0xffff;
	v3 =	vmul.f32 v31, v3  }
0x3f5: {  	v0 =	vmul.f32 v21, v0;
	v30 =	vld.idx.msk [tilespmem:v34+s13+$0x0], $0xffff;
	v31 =	vand.u32 $0xFFFF0000, v56;
	v51 =	vand.u32 $0xFFFF0000, v59  }
0x3f6: {  	v42 =	vadd.s32 $0xFC0, v16;
	v31 =	vmul.f32 v31, v13;
	v34 =	vmul.f32 v51, v12;
	[tilespmem:s8+$0xFFFFFD90] =	vst v3  }
0x3f7: {  	v36 =	vadd.s32 $0x17A0, v26;
	v52 =	vshll.u32 v59, $0x10;
	v3 =	vshll.u32 v56, $0x10;
	v53 =	vld.idx.msk [tilespmem:v48+s2+$0x0], $0xffff  }
0x3f8: {  	[tilespmem:s29+$0x80] =	vst v0;
	v0 =	vadd.f32 v3, v31;
	v3 =	vadd.f32 v52, v34;
	v31 =	vadd.s32 $0x3330, v15;
	v2 =	vld.idx.msk [tilespmem:v2+s13+$0x0], $0xffff  }
0x3f9: {  	v5 =	vadd.s32 $0x3720, v19;
	v55 =	vadd.s32 $0x3330, v14;
	v54 =	vld.idx.msk [tilespmem:v25+s2+$0x0], $0xffff;
	v25 =	vand.u32 $0xFFFF0000, v29  }
0x3fa: {  	v56 =	vand.u32 $0xFFFF0000, v30;
	v57 =	vmul.f32 v25, v7;
	v0 =	vmul.f32 v3, v0  }
0x3fb: {  	v35 =	vadd.s32 $0x1F80, v19;
	v3 =	vshll.u32 v29, $0x10;
	v29 =	vmul.f32 v56, v8  }
0x3fc: {  	v1 =	vadd.s32 $0x13B0, v19;
	v23 =	vld.idx.msk [tilespmem:v23+s13+$0x0], $0xffff;
	v30 =	vshll.u32 v30, $0x10;
	v3 =	vadd.f32 v3, v57;
	[tilespmem:s29+$0x210] =	vst v0  }
0x3fd: {  	v0 =	vadd.f32 v30, v29;
	v29 =	vld.idx.msk [tilespmem:v31+s2+$0x0], $0xffff;
	v30 =	vand.u32 $0xFFFF0000, v53;
	v31 =	vand.u32 $0xFFFF0000, v2  }
0x3fe: {  	v58 =	vand.u32 $0xFFFF0000, v54;
	v45 =	vld.idx.msk [tilespmem:v55+s13+$0x0], $0xffff;
	v30 =	vmul.f32 v30, v9;
	v31 =	vmul.f32 v31, v10  }
0x3ff: {  	v2 =	vshll.u32 v2, $0x10;
	v0 =	vmul.f32 v0, v3;
	v3 =	vshll.u32 v53, $0x10  }
0x400: {  	v3 =	vadd.f32 v3, v30;
	v2 =	vadd.f32 v2, v31;
	v30 =	vadd.s32 $0x13B0, v27  }
0x401: {  	v59 =	vmul.f32 v58, v63;
	v31 =	vand.u32 $0xFFFF0000, v23;
	[tilespmem:s8+$0xFFFFFD80] =	vst v0;
	v0 =	vadd.s32 $0x13B0, v26  }
0x402: {  	v34 =	vshll.u32 v54, $0x10;
	v31 =	vmul.f32 v31, v62;
	v41 =	vld.idx.msk [tilespmem:v41+s2+$0x0], $0xffff;
	v2 =	vmul.f32 v2, v3  }
0x403: {  	v3 =	vshll.u32 v23, $0x10;
	v23 =	vld.idx.msk [tilespmem:v42+s13+$0x0], $0xffff;
	v48 =	vand.u32 $0xFFFF0000, v29;
	v51 =	vand.u32 $0xFFFF0000, v45  }
0x404: {  	v34 =	vadd.f32 v34, v59;
	v52 =	vmul.f32 v48, v13;
	v53 =	vmul.f32 v51, v12;
	[tilespmem:s8+$0xFFFFFE10] =	vst v2  }
0x405: {  	v2 =	vadd.f32 v3, v31;
	v3 =	vshll.u32 v29, $0x10;
	v29 =	vshll.u32 v45, $0x10;
	v30 =	vld.idx.msk [tilespmem:v30+s2+$0x0], $0xffff  }
0x406: {  	v54 =	vadd.s32 $0x3720, v15;
	v3 =	vadd.f32 v3, v52;
	v29 =	vadd.f32 v29, v53;
	v0 =	vld.idx.msk [tilespmem:v0+s13+$0x0], $0xffff  }
0x407: {  	v55 =	vadd.s32 $0x3720, v14;
	v2 =	vmul.f32 v2, v34;
	v31 =	vand.u32 $0xFFFF0000, v41  }
0x408: {  	v56 =	vand.u32 $0xFFFF0000, v23;
	v57 =	vmul.f32 v31, v7;
	v3 =	vmul.f32 v29, v3  }
0x409: {  	v38 =	vadd.s32 $0x1F80, v16;
	[tilespmem:s29+$0x100] =	vst v2;
	v2 =	vshll.u32 v41, $0x10;
	v29 =	vmul.f32 v56, v8  }
0x40a: {  	v40 =	vadd.s32 $0x17A0, v16;
	v23 =	vshll.u32 v23, $0x10;
	v2 =	vadd.f32 v2, v57;
	[tilespmem:s29+$0x290] =	vst v3  }
0x40b: {  	v3 =	vadd.f32 v23, v29;
	v23 =	vld.idx.msk [tilespmem:v54+s2+$0x0], $0xffff;
	v29 =	vand.u32 $0xFFFF0000, v30;
	v58 =	vand.u32 $0xFFFF0000, v0  }
0x40c: {  	v21 =	vadd.s32 $0x1B90, v19;
	v45 =	vld.idx.msk [tilespmem:v55+s13+$0x0], $0xffff;
	v29 =	vmul.f32 v29, v9;
	v41 =	vmul.f32 v58, v10  }
0x40d: {  	v22 =	vld.idx.msk [tilespmem:v22+s2+$0x0], $0xffff;
	v0 =	vshll.u32 v0, $0x10;
	v2 =	vmul.f32 v3, v2;
	v3 =	vshll.u32 v30, $0x10  }
0x40e: {  	v59 =	vadd.s32 $0x17A0, v27;
	v3 =	vadd.f32 v3, v29;
	v0 =	vadd.f32 v0, v41  }
0x40f: {  	v39 =	vadd.s32 $0x1B90, v16;
	v37 =	vadd.s32 $0x2370, v16;
	v25 =	vadd.s32 $0x2370, v19;
	v20 =	vld.idx.msk [tilespmem:v20+s13+$0x0], $0xffff  }
0x410: {  	v15 =	vadd.s32 $0x3B10, v15;
	v14 =	vadd.s32 $0x3B10, v14;
	[tilespmem:s8+$0xFFFFFE00] =	vst v2;
	v0 =	vmul.f32 v0, v3  }
0x411: {  	v42 =	vadd.s32 $0x2F40, v16;
	v1 =	vld.idx.msk [tilespmem:v1+s2+$0x0], $0xffff;
	v3 =	vand.u32 $0xFFFF0000, v23;
	v53 =	vand.u32 $0xFFFF0000, v45  }
0x412: {  	v52 =	vand.u32 $0xFFFF0000, v22;
	v44 =	vld.idx.msk [tilespmem:v44+s13+$0x0], $0xffff;
	v3 =	vmul.f32 v3, v13;
	v48 =	vmul.f32 v53, v12;
	[tilespmem:s8+$0xFFFFFE90] =	vst v0  }
0x413: {  	v2 =	vmul.f32 v52, v63;
	v23 =	vshll.u32 v23, $0x10;
	v45 =	vshll.u32 v45, $0x10;
	v46 =	vld.idx.msk [tilespmem:v59+s2+$0x0], $0xffff  }
0x414: {  	v0 =	vand.u32 $0xFFFF0000, v20;
	v3 =	vadd.f32 v23, v3;
	v23 =	vadd.f32 v45, v48;
	v54 =	vld.idx.msk [tilespmem:v36+s13+$0x0], $0xffff  }
0x415: {  	v34 =	vadd.s32 $0x2760, v16;
	v22 =	vshll.u32 v22, $0x10;
	v0 =	vmul.f32 v0, v62  }
0x416: {  	v20 =	vshll.u32 v20, $0x10;
	v2 =	vadd.f32 v22, v2;
	v3 =	vmul.f32 v23, v3  }
0x417: {  	v0 =	vadd.f32 v20, v0;
	v20 =	vshll.u32 v1, $0x10;
	v1 =	vand.u32 $0xFFFF0000, v1  }
0x418: {  	v22 =	vand.u32 $0xFFFF0000, v44;
	v23 =	vshll.u32 v44, $0x10;
	v1 =	vmul.f32 v1, v7;
	[tilespmem:s29+$0x310] =	vst v3  }
0x419: {  	v3 =	vmul.f32 v22, v8;
	v22 =	vld.idx.msk [tilespmem:v15+s2+$0x0], $0xffff;
	v15 =	vand.u32 $0xFFFF0000, v46;
	v55 =	vand.u32 $0xFFFF0000, v54  }
0x41a: {  	v1 =	vadd.f32 v20, v1;
	v14 =	vld.idx.msk [tilespmem:v14+s13+$0x0], $0xffff;
	v15 =	vmul.f32 v15, v9;
	v20 =	vmul.f32 v55, v10  }
0x41b: {  	s19 =	simm.s32 $0x50;
	v56 =	vshll.u32 v54, $0x10;
	v3 =	vadd.f32 v23, v3;
	v23 =	vshll.u32 v46, $0x10  }
0x41c: {  	s11 =	sor.u32 s6, s19;
	v31 =	vadd.s32 $0x2760, v19;
	v23 =	vadd.f32 v23, v15;
	v20 =	vadd.f32 v56, v20  }
0x41d: {  	v57 =	vadd.s32 $0x1B90, v27;
	v58 =	vmov s11;
	v1 =	vmul.f32 v3, v1  }
0x41e: {  	s21 =	simm.s32 $0x40;
	v0 =	vmul.f32 v0, v2;
	v3 =	vadd.s32 $0x1B90, v26;
	v2 =	vmul.f32 v20, v23  }
0x41f: {  	v20 =	vand.u32 $0xFFFF0000, v22;
	[tilespmem:s8+$0xFFFFFE80] =	vst v1;
	v1 =	vand.u32 $0xFFFF0000, v14;
	v23 =	vor.u32 s21, v50  }
0x420: {  	[tilespmem:$0x1FF40] =	vst v50;
	v13 =	vmul.f32 v20, v13;
	v20 =	vshll.u32 v58, $0x1;
	v1 =	vmul.f32 v1, v12  }
0x421: {  	v59 =	vld.idx.msk [tilespmem:v43+s2+$0x0], $0xffff;
	[tilespmem:s8+$0xFFFFFF10] =	vst v2;
	v2 =	vor.u32 s11, v61;
	v12 =	vand.u32 $0x7FFFFF00, v20;
	v20 =	vor.u32 v6, v23  }
0x422: {  	v22 =	vshll.u32 v22, $0x10;
	v23 =	vld.idx.msk [tilespmem:v40+s13+$0x0], $0xffff;
	v2 =	vand.u32 $0x7F, v2;
	v48 =	vbroadcast v20, $0x0  }
0x423: {  	v44 =	vld.idx.msk [tilespmem:v57+s2+$0x0], $0xffff;
	v22 =	vadd.f32 v22, v13;
	v2 =	vor.u32 v12, v2;
	v12 =	vshll.u32 v14, $0x10  }
0x424: {  	v3 =	vld.idx.msk [tilespmem:v3+s13+$0x0], $0xffff;
	[tilespmem:$0x1FF50] =	vst v5;
	v5 =	vadd.s32 $0x3720, v16;
	v2 =	vor.u32 v49, v2;
	v1 =	vadd.f32 v12, v1  }
0x425: {  	v30 =	vadd.s32 $0x2B50, v19;
	v41 =	vadd.s32 $0x2F40, v19;
	v36 =	vadd.s32 $0x3330, v19;
	[tilespmem:$0x1FF60] =	vst v5  }
0x426: {  	v15 =	vadd.s32 $0x3B10, v19;
	[tilespmem:s29+$0x180] =	vst v0;
	v0 =	vor.u32 v61, v48;
	v43 =	vmul.f32 v1, v22  }
0x427: {  	v17 =	vld.idx.msk [tilespmem:v17+s2+$0x0], $0xffff;
	v1 =	vand.u32 $0xFFFF0000, v59;
	v50 =	vand.u32 $0xFFFF0000, v23;
	v46 =	vshll.u32 v59, $0x10  }
0x428: {  	v18 =	vld.idx.msk [tilespmem:v18+s13+$0x0], $0xffff;
	v23 =	vshll.u32 v23, $0x10;
	v1 =	vmul.f32 v1, v7;
	v19 =	vand.u32 $0xFFFF0000, v44  }
0x429: {  	v22 =	vand.u32 $0xFFFF0000, v3;
	v40 =	vmul.f32 v50, v8;
	v19 =	vmul.f32 v19, v9;
	v51 =	vld.idx.msk [tilespmem:v2+s14+$0x0], $0xffff  }
0x42a: {  	v44 =	vshll.u32 v44, $0x10;
	v22 =	vmul.f32 v22, v10;
	v2 =	vld.idx.msk [tilespmem:v2+s22+$0x0], $0xffff;
	v1 =	vadd.f32 v46, v1  }
0x42b: {  	v3 =	vshll.u32 v3, $0x10;
	v52 =	vld.idx.msk [tilespmem:v0+s14+$0x0], $0xffff;
	v23 =	vadd.f32 v23, v40;
	v19 =	vadd.f32 v44, v19  }
0x42c: {  	v0 =	vld.idx.msk [tilespmem:v0+s22+$0x0], $0xffff;
	v3 =	vadd.f32 v3, v22;
	v22 =	vadd.s32 $0x1F80, v27;
	v54 =	vand.u32 $0xFFFF0000, v17  }
0x42d: {  	v29 =	vadd.s32 $0x2B50, v16;
	v53 =	vadd.s32 $0x1F80, v26;
	v46 =	vmul.f32 v54, v63  }
0x42e: {  	v1 =	vmul.f32 v23, v1;
	v3 =	vmul.f32 v3, v19;
	v19 =	vand.u32 $0xFFFF0000, v18  }
0x42f: {  	v14 =	vadd.s32 $0x3330, v16;
	v19 =	vmul.f32 v19, v62;
	v49 =	vmul.f32 v51, v60  }
0x430: {  	v59 =	vadd.s32 $0x2370, v27;
	[tilespmem:s8+$0xFFFFFF90] =	vst v3;
	v2 =	vmul.f32 v2, v60;
	v40 =	vmul.f32 v52, v60  }
0x431: {  	v3 =	vshll.u32 v17, $0x10;
	v0 =	vmul.f32 v0, v60;
	v17 =	vld.idx.msk [tilespmem:v22+s2+$0x0], $0xffff;
	v22 =	vtrunc.f32 v49  }
0x432: {  	v55 =	vshll.u32 v18, $0x10;
	v56 =	vld.idx.msk [tilespmem:v53+s13+$0x0], $0xffff;
	v2 =	vtrunc.f32 v2;
	v22 =	vcvt.f32.s32 v22  }
0x433: {  	v3 =	vadd.f32 v3, v46;
	v45 =	vadd.f32 v55, v19;
	v2 =	vcvt.f32.s32 v2  }
0x434: {  	[tilespmem:s8+$0xFFFFFF00] =	vst v1;
	v18 =	vtrunc.f32 v40;
	v0 =	vtrunc.f32 v0;
	vm12 =	vlt.s32 v22, $0x3E8  }
0x435: {  	v51 =	vld.idx.msk [tilespmem:v21+s2+$0x0], $0xffff;
	v23 =	vcvt.f32.s32 v18;
	vm13 =	vlt.s32 v2, $0x3E8;
	v18 =	vnsel vm12, $0x3E8, v22  }
0x436: {  	v39 =	vld.idx.msk [tilespmem:v39+s13+$0x0], $0xffff;
	v0 =	vcvt.f32.s32 v0;
	v48 =	vmul.f32 v45, v3;
	v19 =	vnsel vm13, $0x3E8, v2  }
0x437: {  	vm14 =	vlt.s32 v23, $0x3E8;
	v1 =	vand.u32 $0xFFFF0000, v17;
	v57 =	vand.u32 $0xFFFF0000, v56  }
0x438: {  	v44 =	vnsel vm14, $0x3E8, v23;
	v1 =	vmul.f32 v1, v9;
	v21 =	vmul.f32 v57, v10  }
0x439: {  	vm15 =	vlt.s32 v0, $0x3E8;
	v17 =	vshll.u32 v17, $0x10;
	v58 =	vshll.u32 v56, $0x10  }
0x43a: {  	v53 =	vand.u32 $0xFFFF0000, v51;
	v1 =	vadd.f32 v17, v1;
	v17 =	vadd.f32 v58, v21;
	v47 =	vld.idx.msk [tilespmem:v18+s2+$0x0], $0xffff  }
0x43b: {  	v54 =	vand.u32 $0xFFFF0000, v39;
	v39 =	vshll.u32 v39, $0x10;
	v57 =	vadd.s32 $0x2370, v26;
	v3 =	vld.idx.msk [tilespmem:v19+s13+$0x0], $0xffff  }
0x43c: {  	v45 =	vnsel vm15, $0x3E8, v0;
	v2 =	vcvt.s32.f32 v2;
	v1 =	vmul.f32 v17, v1  }
0x43d: {  	v0 =	vcvt.s32.f32 v0;
	v17 =	vadd.s32 $0x3B10, v16;
	v52 =	vld.idx.msk [tilespmem:v44+s2+$0x0], $0xffff;
	v16 =	vcvt.s32.f32 v22  }
0x43e: {  	v55 =	vadd.s32 $0x3F0, v45;
	v20 =	vadd.s32 $0x1F80, v44;
	v21 =	vcvt.s32.f32 v23;
	[tilespmem:s8+$0x10] =	vst v1  }
0x43f: {  	v5 =	vadd.s32 $0x1F80, v45;
	v22 =	vsub.f32 v49, v2;
	v23 =	vsub.f32 v49, v16;
	v1 =	vld.idx.msk [tilespmem:v59+s2+$0x0], $0xffff  }
0x440: {  	v21 =	vsub.f32 v40, v21;
	v46 =	vld.idx.msk [tilespmem:v57+s13+$0x0], $0xffff;
	v16 =	vand.u32 $0xFFFF0000, v47;
	v58 =	vand.u32 $0xFFFF0000, v3  }
0x441: {  	v2 =	vadd.s32 $0x3F0, v44;
	v50 =	vld.idx.msk [tilespmem:v45+s13+$0x0], $0xffff;
	v16 =	vmul.f32 v16, v23;
	v49 =	vmul.f32 v58, v22  }
0x442: {  	v56 =	vand.u32 $0xFFFF0000, v52;
	v47 =	vshll.u32 v47, $0x10;
	v3 =	vshll.u32 v3, $0x10  }
0x443: {  	v47 =	vadd.f32 v47, v16;
	v3 =	vadd.f32 v3, v49;
	v49 =	vadd.s32 $0x3F0, v18  }
0x444: {  	v16 =	vsub.f32 v40, v0;
	v0 =	vmul.f32 v56, v21;
	v40 =	vadd.s32 $0x3F0, v19  }
0x445: {  	v56 =	vand.u32 $0xFFFF0000, v46;
	v3 =	vmul.f32 v3, v47;
	v47 =	vand.u32 $0xFFFF0000, v1  }
0x446: {  	s11 =	simm.s32 $0xAA40;
	v57 =	vand.u32 $0xFFFF0000, v50;
	v56 =	vmul.f32 v56, v10;
	v47 =	vmul.f32 v47, v9  }
0x447: {  	v57 =	vmul.f32 v57, v16;
	v1 =	vshll.u32 v1, $0x10;
	[tilespmem:s11+$0xFFFFFC10] =	vst v3;
	v3 =	vshll.u32 v46, $0x10  }
0x448: {  	v46 =	vld.idx.msk [tilespmem:v49+s2+$0x0], $0xffff;
	v1 =	vadd.f32 v1, v47;
	v3 =	vadd.f32 v3, v56;
	v47 =	vadd.s32 $0x2760, v27  }
0x449: {  	v50 =	vshll.u32 v50, $0x10;
	v49 =	vshll.u32 v52, $0x10;
	v52 =	vld.idx.msk [tilespmem:v40+s13+$0x0], $0xffff;
	v56 =	vadd.s32 $0x2760, v26  }
0x44a: {  	v0 =	vadd.f32 v49, v0;
	v49 =	vadd.f32 v50, v57;
	v3 =	vmul.f32 v3, v1  }
0x44b: {  	v58 =	vadd.s32 $0x7E0, v45;
	v40 =	vadd.s32 $0xFC0, v44;
	v57 =	vadd.s32 $0x7E0, v44  }
0x44c: {  	v50 =	vadd.s32 $0xBD0, v44;
	v0 =	vmul.f32 v49, v0;
	v49 =	vmul.f32 v53, v7;
	[tilespmem:s8+$0x90] =	vst v3  }
0x44d: {  	v1 =	vadd.s32 $0xBD0, v45;
	v3 =	vshll.u32 v51, $0x10;
	v51 =	vmul.f32 v54, v8;
	v47 =	vld.idx.msk [tilespmem:v47+s2+$0x0], $0xffff  }
0x44e: {  	v53 =	vld.idx.msk [tilespmem:v56+s13+$0x0], $0xffff;
	v54 =	vand.u32 $0xFFFF0000, v46;
	v56 =	vand.u32 $0xFFFF0000, v52;
	[tilespmem:s11+$0xFFFFFC00] =	vst v0;
	v0 =	vadd.f32 v3, v49  }
0x44f: {  	v3 =	vmul.f32 v54, v23;
	v59 =	vmul.f32 v56, v22;
	v39 =	vadd.f32 v39, v51  }
0x450: {  	v52 =	vshll.u32 v52, $0x10;
	v2 =	vld.idx.msk [tilespmem:v2+s2+$0x0], $0xffff;
	v56 =	vshll.u32 v46, $0x10;
	v46 =	vadd.s32 $0xFC0, v45  }
0x451: {  	v51 =	vld.idx.msk [tilespmem:v55+s13+$0x0], $0xffff;
	v3 =	vadd.f32 v56, v3;
	v49 =	vadd.f32 v52, v59;
	v0 =	vmul.f32 v39, v0  }
0x452: {  	v54 =	vadd.s32 $0x7E0, v19;
	v52 =	vadd.s32 $0x7E0, v18;
	v39 =	vadd.s32 $0x13B0, v44  }
0x453: {  	v3 =	vmul.f32 v49, v3;
	v49 =	vand.u32 $0xFFFF0000, v47;
	v59 =	vand.u32 $0xFFFF0000, v53;
	[tilespmem:s8+$0xFFFFFF80] =	vst v0  }
0x454: {  	v47 =	vshll.u32 v47, $0x10;
	v0 =	vmul.f32 v49, v9;
	v59 =	vmul.f32 v59, v10;
	v55 =	vld.idx.msk [tilespmem:v35+s2+$0x0], $0xffff  }
0x455: {  	v53 =	vshll.u32 v53, $0x10;
	v56 =	vand.u32 $0xFFFF0000, v2;
	v38 =	vld.idx.msk [tilespmem:v38+s13+$0x0], $0xffff;
	v49 =	vadd.s32 $0x2B50, v27  }
0x456: {  	[tilespmem:s11+$0xFFFFFC90] =	vst v3;
	v0 =	vadd.f32 v47, v0;
	v3 =	vadd.f32 v53, v59;
	v47 =	vand.u32 $0xFFFF0000, v51  }
0x457: {  	v52 =	vld.idx.msk [tilespmem:v52+s2+$0x0], $0xffff;
	v53 =	vmul.f32 v56, v21;
	v56 =	vadd.s32 $0x2B50, v26;
	v59 =	vmul.f32 v47, v16  }
0x458: {  	v2 =	vshll.u32 v2, $0x10;
	v54 =	vld.idx.msk [tilespmem:v54+s13+$0x0], $0xffff;
	v0 =	vmul.f32 v3, v0;
	v3 =	vshll.u32 v51, $0x10  }
0x459: {  	v2 =	vadd.f32 v2, v53;
	v3 =	vadd.f32 v3, v59;
	v51 =	vand.u32 $0xFFFF0000, v55  }
0x45a: {  	v59 =	vand.u32 $0xFFFF0000, v38;
	[tilespmem:s8+$0x110] =	vst v0;
	v0 =	vshll.u32 v55, $0x10;
	v51 =	vmul.f32 v51, v7  }
0x45b: {  	v55 =	vld.idx.msk [tilespmem:v49+s2+$0x0], $0xffff;
	v2 =	vmul.f32 v3, v2;
	v3 =	vshll.u32 v38, $0x10;
	v38 =	vmul.f32 v59, v8  }
0x45c: {  	v35 =	vadd.s32 $0x13B0, v45;
	v47 =	vadd.s32 $0x17A0, v44;
	v53 =	vld.idx.msk [tilespmem:v56+s13+$0x0], $0xffff;
	v59 =	vand.u32 $0xFFFF0000, v52  }
0x45d: {  	v56 =	vand.u32 $0xFFFF0000, v54;
	v0 =	vadd.f32 v0, v51;
	v3 =	vadd.f32 v3, v38  }
0x45e: {  	v51 =	vmul.f32 v56, v22;
	v38 =	vmul.f32 v59, v23;
	[tilespmem:s11+$0xFFFFFC80] =	vst v2;
	v2 =	vshll.u32 v52, $0x10  }
0x45f: {  	v59 =	vshll.u32 v54, $0x10;
	v52 =	vadd.s32 $0xBD0, v18;
	v54 =	vld.idx.msk [tilespmem:v57+s2+$0x0], $0xffff;
	v0 =	vmul.f32 v3, v0  }
0x460: {  	v2 =	vadd.f32 v2, v38;
	v3 =	vadd.f32 v59, v51;
	v51 =	vld.idx.msk [tilespmem:v58+s13+$0x0], $0xffff;
	v38 =	vand.u32 $0xFFFF0000, v55  }
0x461: {  	v57 =	vadd.s32 $0xBD0, v19;
	v56 =	vand.u32 $0xFFFF0000, v53;
	[tilespmem:s8+$0x0] =	vst v0;
	v0 =	vmul.f32 v38, v9  }
0x462: {  	v49 =	vadd.s32 $0x17A0, v45;
	v56 =	vmul.f32 v56, v10;
	v2 =	vmul.f32 v3, v2;
	v3 =	vld.idx.msk [tilespmem:v25+s2+$0x0], $0xffff  }
0x463: {  	v53 =	vshll.u32 v53, $0x10;
	v38 =	vadd.s32 $0x1B90, v44;
	v25 =	vshll.u32 v55, $0x10;
	v55 =	vld.idx.msk [tilespmem:v37+s13+$0x0], $0xffff  }
0x464: {  	v0 =	vadd.f32 v25, v0;
	v25 =	vadd.f32 v53, v56;
	v53 =	vand.u32 $0xFFFF0000, v54;
	[tilespmem:s11+$0xFFFFFD10] =	vst v2  }
0x465: {  	v2 =	vadd.s32 $0x2F40, v27;
	v52 =	vld.idx.msk [tilespmem:v52+s2+$0x0], $0xffff;
	v56 =	vand.u32 $0xFFFF0000, v51;
	v53 =	vmul.f32 v53, v21  }
0x466: {  	v54 =	vshll.u32 v54, $0x10;
	v57 =	vld.idx.msk [tilespmem:v57+s13+$0x0], $0xffff;
	v51 =	vshll.u32 v51, $0x10;
	v56 =	vmul.f32 v56, v16  }
0x467: {  	v0 =	vmul.f32 v25, v0;
	v25 =	vadd.s32 $0x2F40, v26;
	v53 =	vadd.f32 v54, v53  }
0x468: {  	[tilespmem:s29+$0x200] =	vst v48;
	v58 =	vand.u32 $0xFFFF0000, v3;
	v48 =	vadd.f32 v51, v56;
	v51 =	vand.u32 $0xFFFF0000, v55  }
0x469: {  	v56 =	vld.idx.msk [tilespmem:v24+s2+$0x0], $0xffff;
	[tilespmem:s8+$0x190] =	vst v0;
	v0 =	vshll.u32 v3, $0x10;
	v54 =	vmul.f32 v58, v7;
	v3 =	vmul.f32 v51, v8  }
0x46a: {  	v51 =	vshll.u32 v55, $0x10;
	v48 =	vmul.f32 v48, v53;
	v59 =	vand.u32 $0xFFFF0000, v52  }
0x46b: {  	v2 =	vld.idx.msk [tilespmem:v2+s2+$0x0], $0xffff;
	v58 =	vand.u32 $0xFFFF0000, v57;
	v0 =	vadd.f32 v0, v54;
	v3 =	vadd.f32 v51, v3  }
0x46c: {  	v37 =	vadd.s32 $0x1B90, v45;
	v53 =	vld.idx.msk [tilespmem:v25+s13+$0x0], $0xffff;
	[tilespmem:$0x1FF70] =	vst v5;
	v51 =	vmul.f32 v59, v23;
	v54 =	vmul.f32 v58, v22  }
0x46d: {  	v59 =	vshll.u32 v52, $0x10;
	v58 =	vshll.u32 v57, $0x10;
	[tilespmem:s11+$0xFFFFFD00] =	vst v48;
	v0 =	vmul.f32 v3, v0  }
0x46e: {  	v3 =	vand.u32 $0xFFFF0000, v56;
	v50 =	vld.idx.msk [tilespmem:v50+s2+$0x0], $0xffff;
	v48 =	vadd.f32 v59, v51;
	v59 =	vadd.f32 v58, v54  }
0x46f: {  	v52 =	vadd.s32 $0xFC0, v18;
	v1 =	vld.idx.msk [tilespmem:v1+s13+$0x0], $0xffff;
	v54 =	vadd.s32 $0xFC0, v19;
	v3 =	vmul.f32 v3, v63  }
0x470: {  	v57 =	vand.u32 $0xFFFF0000, v2;
	v2 =	vshll.u32 v2, $0x10;
	[tilespmem:s8+$0x80] =	vst v0;
	v0 =	vmul.f32 v59, v48  }
0x471: {  	v59 =	vshll.u32 v56, $0x10;
	v48 =	vmul.f32 v57, v9;
	v58 =	vand.u32 $0xFFFF0000, v53;
	v31 =	vld.idx.msk [tilespmem:v31+s2+$0x0], $0xffff  }
0x472: {  	v57 =	vadd.s32 $0x3330, v27;
	v53 =	vshll.u32 v53, $0x10;
	v51 =	vmul.f32 v58, v10  }
0x473: {  	v3 =	vadd.f32 v59, v3;
	v34 =	vld.idx.msk [tilespmem:v34+s13+$0x0], $0xffff;
	v59 =	vadd.s32 $0x3330, v26;
	[tilespmem:s11+$0xFFFFFD90] =	vst v0;
	v0 =	vadd.f32 v2, v48  }
0x474: {  	v56 =	vand.u32 $0xFFFF0000, v50;
	v58 =	vand.u32 $0xFFFF0000, v1;
	v54 =	vld.idx.msk [tilespmem:v54+s13+$0x0], $0xffff;
	v2 =	vadd.f32 v53, v51  }
0x475: {  	v50 =	vshll.u32 v50, $0x10;
	v1 =	vshll.u32 v1, $0x10;
	v51 =	vld.idx.msk [tilespmem:v52+s2+$0x0], $0xffff;
	v48 =	vmul.f32 v56, v21  }
0x476: {  	v0 =	vmul.f32 v2, v0;
	v2 =	vmul.f32 v58, v16;
	v56 =	vand.u32 $0xFFFF0000, v31  }
0x477: {  	v48 =	vadd.f32 v50, v48;
	v50 =	vld.idx.msk [tilespmem:v28+s13+$0x0], $0xffff;
	v28 =	vadd.s32 $0x2370, v44;
	v53 =	vmul.f32 v56, v7  }
0x478: {  	[tilespmem:s8+$0x210] =	vst v0;
	v0 =	vadd.f32 v1, v2;
	v1 =	vand.u32 $0xFFFF0000, v34;
	v2 =	vshll.u32 v31, $0x10  }
0x479: {  	v34 =	vshll.u32 v34, $0x10;
	v58 =	vand.u32 $0xFFFF0000, v54;
	v1 =	vmul.f32 v1, v8;
	v31 =	vld.idx.msk [tilespmem:v57+s2+$0x0], $0xffff  }
0x47a: {  	v2 =	vadd.f32 v2, v53;
	v52 =	vld.idx.msk [tilespmem:v59+s13+$0x0], $0xffff;
	v57 =	vand.u32 $0xFFFF0000, v51;
	v53 =	vmul.f32 v58, v22  }
0x47b: {  	v54 =	vshll.u32 v54, $0x10;
	v0 =	vmul.f32 v0, v48;
	v48 =	vmul.f32 v57, v23  }
0x47c: {  	v51 =	vshll.u32 v51, $0x10;
	v1 =	vadd.f32 v34, v1;
	v59 =	vand.u32 $0xFFFF0000, v50  }
0x47d: {  	v58 =	vadd.f32 v54, v53;
	v53 =	vadd.s32 $0x13B0, v19;
	[tilespmem:s11+$0xFFFFFD80] =	vst v0;
	v57 =	vadd.f32 v51, v48  }
0x47e: {  	v0 =	vmul.f32 v59, v62;
	v59 =	vadd.s32 $0x13B0, v18;
	v40 =	vld.idx.msk [tilespmem:v40+s2+$0x0], $0xffff;
	v1 =	vmul.f32 v1, v2  }
0x47f: {  	v2 =	vld.idx.msk [tilespmem:v46+s13+$0x0], $0xffff;
	v34 =	vmul.f32 v58, v57;
	v56 =	vand.u32 $0xFFFF0000, v31;
	v57 =	vand.u32 $0xFFFF0000, v52  }
0x480: {  	v50 =	vshll.u32 v50, $0x10;
	v46 =	vmul.f32 v56, v9;
	v48 =	vmul.f32 v57, v10  }
0x481: {  	v0 =	vadd.f32 v50, v0;
	[tilespmem:s8+$0x100] =	vst v1;
	v1 =	vshll.u32 v31, $0x10;
	v31 =	vshll.u32 v52, $0x10  }
0x482: {  	v58 =	vadd.s32 $0x3720, v27;
	[tilespmem:s11+$0xFFFFFE10] =	vst v34;
	v50 =	vld.idx.msk [tilespmem:v30+s2+$0x0], $0xffff;
	v1 =	vadd.f32 v1, v46;
	v30 =	vadd.f32 v31, v48  }
0x483: {  	v27 =	vadd.s32 $0x3B10, v27;
	v0 =	vmul.f32 v0, v3;
	v3 =	vld.idx.msk [tilespmem:v59+s2+$0x0], $0xffff;
	v59 =	vadd.s32 $0x3720, v26  }
0x484: {  	v31 =	vand.u32 $0xFFFF0000, v40;
	v56 =	vand.u32 $0xFFFF0000, v2;
	v1 =	vmul.f32 v30, v1  }
0x485: {  	v34 =	vadd.s32 $0x2370, v45;
	v51 =	vld.idx.msk [tilespmem:v53+s13+$0x0], $0xffff;
	v57 =	vmul.f32 v31, v21;
	v52 =	vmul.f32 v56, v16  }
0x486: {  	v54 =	vld.idx.msk [tilespmem:v29+s13+$0x0], $0xffff;
	v29 =	vadd.s32 $0x2B50, v44;
	v40 =	vshll.u32 v40, $0x10;
	v2 =	vshll.u32 v2, $0x10  }
0x487: {  	v26 =	vadd.s32 $0x3B10, v26;
	[tilespmem:s8+$0x290] =	vst v1;
	v1 =	vadd.f32 v40, v57;
	v2 =	vadd.f32 v2, v52  }
0x488: {  	v30 =	vadd.s32 $0x2760, v44;
	v31 =	vadd.s32 $0x2760, v45;
	v40 =	vld.idx.msk [tilespmem:v58+s2+$0x0], $0xffff;
	v58 =	vshll.u32 v50, $0x10  }
0x489: {  	v50 =	vand.u32 $0xFFFF0000, v50;
	v48 =	vld.idx.msk [tilespmem:v59+s13+$0x0], $0xffff;
	v59 =	vand.u32 $0xFFFF0000, v3;
	v1 =	vmul.f32 v2, v1  }
0x48a: {  	[tilespmem:s29+$0x280] =	vst v0;
	v2 =	vand.u32 $0xFFFF0000, v51;
	v52 =	vmul.f32 v59, v23;
	v50 =	vmul.f32 v50, v7  }
0x48b: {  	v33 =	vld.idx.msk [tilespmem:v33+s2+$0x0], $0xffff;
	v3 =	vshll.u32 v3, $0x10;
	v51 =	vshll.u32 v51, $0x10;
	v2 =	vmul.f32 v2, v22  }
0x48c: {  	[tilespmem:s11+$0xFFFFFE00] =	vst v1;
	v1 =	vadd.f32 v3, v52;
	v3 =	vand.u32 $0xFFFF0000, v54;
	v46 =	vadd.f32 v58, v50;
	v50 =	vld.idx.msk [tilespmem:v32+s13+$0x0], $0xffff  }
0x48d: {  	v59 =	vadd.s32 $0x17A0, v18;
	v32 =	vadd.s32 $0x17A0, v19;
	v0 =	vmul.f32 v3, v8;
	v3 =	vld.idx.msk [tilespmem:v39+s2+$0x0], $0xffff  }
0x48e: {  	v2 =	vadd.f32 v51, v2;
	v51 =	vld.idx.msk [tilespmem:v35+s13+$0x0], $0xffff;
	v35 =	vadd.s32 $0x2B50, v45;
	v56 =	vand.u32 $0xFFFF0000, v40  }
0x48f: {  	v57 =	vand.u32 $0xFFFF0000, v48;
	v58 =	vshll.u32 v40, $0x10;
	v39 =	vmul.f32 v56, v9  }
0x490: {  	v1 =	vmul.f32 v2, v1;
	v2 =	vmul.f32 v57, v10;
	v56 =	vshll.u32 v54, $0x10  }
0x491: {  	v48 =	vshll.u32 v48, $0x10;
	v0 =	vadd.f32 v56, v0;
	v39 =	vadd.f32 v58, v39  }
0x492: {  	v2 =	vadd.f32 v48, v2;
	v58 =	vand.u32 $0xFFFF0000, v33;
	v55 =	vand.u32 $0xFFFF0000, v50  }
0x493: {  	[tilespmem:s11+$0xFFFFFE90] =	vst v1;
	v33 =	vshll.u32 v33, $0x10;
	v57 =	vand.u32 $0xFFFF0000, v3;
	v1 =	vshll.u32 v3, $0x10  }
0x494: {  	v0 =	vmul.f32 v0, v46;
	v3 =	vand.u32 $0xFFFF0000, v51;
	v59 =	vld.idx.msk [tilespmem:v59+s2+$0x0], $0xffff;
	v40 =	vmul.f32 v55, v62  }
0x495: {  	v56 =	vld.idx.msk [tilespmem:v32+s13+$0x0], $0xffff;
	v32 =	vadd.s32 $0x2F40, v44;
	v2 =	vmul.f32 v2, v39;
	v48 =	vmul.f32 v57, v21  }
0x496: {  	v3 =	vmul.f32 v3, v16;
	v39 =	vmul.f32 v58, v63;
	v58 =	vshll.u32 v50, $0x10  }
0x497: {  	v57 =	vshll.u32 v51, $0x10;
	v40 =	vadd.f32 v58, v40;
	v1 =	vadd.f32 v1, v48  }
0x498: {  	v3 =	vadd.f32 v57, v3;
	[tilespmem:s8+$0x310] =	vst v2;
	v2 =	vadd.f32 v33, v39;
	v33 =	vadd.s32 $0x2F40, v45  }
0x499: {  	v39 =	vadd.s32 $0x3330, v44;
	v48 =	vadd.s32 $0x3B10, v44;
	v51 =	vld.idx.msk [tilespmem:v26+s13+$0x0], $0xffff;
	v26 =	vadd.s32 $0x3720, v44  }
0x49a: {  	[tilespmem:s8+$0x180] =	vst v0;
	v46 =	vld.idx.msk [tilespmem:v27+s2+$0x0], $0xffff;
	v1 =	vmul.f32 v3, v1;
	v3 =	vand.u32 $0xFFFF0000, v59;
	v0 =	vand.u32 $0xFFFF0000, v56  }
0x49b: {  	v52 =	vld.idx.msk [tilespmem:v41+s2+$0x0], $0xffff;
	v44 =	vadd.s32 $0x3B10, v45;
	v3 =	vmul.f32 v3, v23;
	v0 =	vmul.f32 v0, v22  }
0x49c: {  	v53 =	vld.idx.msk [tilespmem:v42+s13+$0x0], $0xffff;
	v2 =	vmul.f32 v40, v2;
	v27 =	vshll.u32 v59, $0x10;
	v59 =	vshll.u32 v56, $0x10;
	[tilespmem:s11+$0xFFFFFE80] =	vst v1  }
0x49d: {  	v40 =	vadd.s32 $0x3330, v45;
	v3 =	vadd.f32 v27, v3;
	v1 =	vld.idx.msk [tilespmem:v47+s2+$0x0], $0xffff;
	v0 =	vadd.f32 v59, v0  }
0x49e: {  	[tilespmem:s29+$0x300] =	vst v2;
	v27 =	vadd.s32 $0x3720, v45;
	v45 =	vld.idx.msk [tilespmem:v49+s13+$0x0], $0xffff;
	v49 =	vadd.s32 $0x1B90, v18;
	v47 =	vadd.s32 $0x1B90, v19  }
0x49f: {  	s15 =	simm.s32 $0x4;
	s17 =	simm.s32 $0x60;
	[tilespmem:s29+$0x390] =	vst v43;
	v41 =	vld.idx.msk [tilespmem:v4+s2+$0x0], $0xffff;
	v42 =	vand.u32 $0xFFFF0000, v46;
	v43 =	vand.u32 $0xFFFF0000, v51;
	v50 =	vmul.f32 v0, v3  }
.LBB2_12:
0x4a0: {  	v4 =	vld [tilespmem:$0x1FF30];
	_ =	sdelay $0x6  }
0x4a1: {  	v0 =	vld [tilespmem:$0x1FF40]  }
0x4a2: {  	v2 =	vmul.f32 v42, v9;
	v42 =	vld.idx.msk [tilespmem:v4+s13+$0x0], $0xffff  }
0x4a3: {  	v4 =	vld [tilespmem:$0x1FFD0];
	_ =	sdelay $0x2  }
0x4a4: {  	s21 =	sadd.s32 $0x10, s17;
	v3 =	vmul.f32 v43, v10;
	v11 =	vshll.u32 v46, $0x10;
	[tilespmem:s11+$0xFFFFFF10] =	vst v50  }
0x4a5: {  	v9 =	vmovc v23;
	v23 =	vshll.u32 v51, $0x10;
	v51 =	vand.u32 $0xFFFF0000, v53;
	s21 =	sor.u32 s6, s21;
	v58 =	vld.idx.msk [tilespmem:v49+s2+$0x0], $0xffff;
	v0 =	vor.u32 s17, v0  }
0x4a6: {  	v10 =	vmovc v22;
	v22 =	vmov s21;
	v2 =	vadd.f32 v11, v2;
	v59 =	vld.idx.msk [tilespmem:v47+s13+$0x0], $0xffff;
	v0 =	vor.u32 v4, v0;
	v4 =	vmovc v44  }
0x4a7: {  	v3 =	vadd.f32 v23, v3;
	v23 =	vor.u32 s21, v61;
	v22 =	vshll.u32 v22, $0x1;
	[tilespmem:$0x1FEE0] =	vst v4;
	v4 =	vld [tilespmem:$0x1FFE0]  }
0x4a8: {  	v23 =	vand.u32 $0x7F, v23;
	v22 =	vand.u32 $0x7FFFFF00, v22;
	v0 =	vbroadcast v0, $0x0  }
0x4a9: {  	v2 =	vmul.f32 v3, v2;
	v3 =	vor.u32 v22, v23;
	v22 =	vand.u32 $0xFFFF0000, v1  }
0x4aa: {  	v23 =	vand.u32 $0xFFFF0000, v45;
	v1 =	vshll.u32 v1, $0x10;
	v0 =	vor.u32 v61, v0  }
0x4ab: {  	v22 =	vmul.f32 v22, v21;
	[tilespmem:s8+$0x390] =	vst v2;
	v2 =	vshll.u32 v45, $0x10;
	v23 =	vmul.f32 v23, v16  }
0x4ac: {  	v54 =	vand.u32 $0xFFFF0000, v58;
	v47 =	vand.u32 $0xFFFF0000, v59;
	v3 =	vor.u32 v4, v3  }
0x4ad: {  	v57 =	vshll.u32 v59, $0x10;
	v1 =	vadd.f32 v1, v22;
	v2 =	vadd.f32 v2, v23  }
0x4ae: {  	v22 =	vand.u32 $0xFFFF0000, v52;
	v46 =	vmul.f32 v54, v9;
	v47 =	vmul.f32 v47, v10  }
0x4af: {  	v23 =	vmul.f32 v51, v8;
	v1 =	vmul.f32 v2, v1;
	v2 =	vshll.u32 v58, $0x10;
	v45 =	vld.idx.msk [tilespmem:v0+s14+$0x0], $0xffff  }
0x4b0: {  	v22 =	vmul.f32 v22, v7;
	v43 =	vadd.f32 v57, v47;
	v2 =	vadd.f32 v2, v46;
	v0 =	vld.idx.msk [tilespmem:v0+s22+$0x0], $0xffff  }
0x4b1: {  	v55 =	vshll.u32 v52, $0x10;
	v56 =	vshll.u32 v53, $0x10;
	v58 =	vadd.s32 $0x1F80, v18;
	v49 =	vld.idx.msk [tilespmem:v3+s14+$0x0], $0xffff  }
0x4b2: {  	v23 =	vadd.f32 v56, v23;
	v22 =	vadd.f32 v55, v22;
	v2 =	vmul.f32 v43, v2;
	v3 =	vld.idx.msk [tilespmem:v3+s22+$0x0], $0xffff  }
0x4b3: {  	v59 =	vadd.s32 $0x1F80, v19;
	[tilespmem:s11+$0xFFFFFF00] =	vst v1  }
0x4b4: {  	v22 =	vmul.f32 v23, v22;
	v61 =	vand.u32 $0xFFFF0000, v41;
	[tilespmem:s11+$0xFFFFFF90] =	vst v2;
	v2 =	vshll.u32 v42, $0x10  }
0x4b5: {  	v55 =	vld.idx.msk [tilespmem:v38+s2+$0x0], $0xffff;
	[tilespmem:$0x1FEF0] =	vst v2;
	v2 =	vmul.f32 v61, v63;
	v0 =	vmul.f32 v0, v60  }
0x4b6: {  	v23 =	vshll.u32 v41, $0x10;
	v1 =	vld.idx.msk [tilespmem:v37+s13+$0x0], $0xffff;
	v47 =	vmul.f32 v45, v60;
	v37 =	vmul.f32 v49, v60  }
0x4b7: {  	v52 =	vld.idx.msk [tilespmem:v58+s2+$0x0], $0xffff;
	v2 =	vadd.f32 v23, v2;
	v0 =	vtrunc.f32 v0;
	v3 =	vmul.f32 v3, v60  }
0x4b8: {  	v24 =	vmovc v8;
	v8 =	vmovc v7;
	v7 =	vmov v21;
	[tilespmem:s8+$0x200] =	vst v22;
	v22 =	vld.idx.msk [tilespmem:v59+s13+$0x0], $0xffff;
	v0 =	vcvt.f32.s32 v0;
	v21 =	vtrunc.f32 v37  }
0x4b9: {  	[tilespmem:$0x1FF00] =	vst v2;
	v3 =	vtrunc.f32 v3;
	v2 =	vcvt.f32.s32 v21  }
0x4ba: {  	v45 =	vtrunc.f32 v47;
	vm2 =	vlt.s32 v0, $0x3E8;
	v3 =	vcvt.f32.s32 v3  }
0x4bb: {  	v21 =	vcvt.f32.s32 v45;
	v44 =	vnsel vm2, $0x3E8, v0;
	vm0 =	vlt.s32 v2, $0x3E8  }
0x4bc: {  	v23 =	vand.u32 $0xFFFF0000, v52;
	vm15 =	vlt.s32 v3, $0x3E8;
	v45 =	vnsel vm0, $0x3E8, v2  }
0x4bd: {  	v53 =	vand.u32 $0xFFFF0000, v22;
	vm1 =	vlt.s32 v21, $0x3E8;
	v46 =	vnsel vm15, $0x3E8, v3  }
0x4be: {  	v6 =	vmovc v48;
	v0 =	vcvt.s32.f32 v0;
	v48 =	vnsel vm1, $0x3E8, v21;
	v21 =	vcvt.s32.f32 v21  }
0x4bf: {  	v54 =	vshll.u32 v52, $0x10;
	v23 =	vmul.f32 v23, v9;
	v38 =	vmul.f32 v53, v10  }
0x4c0: {  	v22 =	vshll.u32 v22, $0x10;
	v21 =	vsub.f32 v47, v21;
	v47 =	vsub.f32 v47, v0;
	v0 =	vld.idx.msk [tilespmem:v44+s13+$0x0], $0xffff  }
0x4c1: {  	v23 =	vadd.f32 v54, v23;
	v22 =	vadd.f32 v22, v38;
	v49 =	vld.idx.msk [tilespmem:v45+s2+$0x0], $0xffff  }
0x4c2: {  	v52 =	vadd.s32 $0x2370, v19;
	v50 =	vld.idx.msk [tilespmem:v46+s13+$0x0], $0xffff  }
0x4c3: {  	v38 =	vadd.s32 $0x2370, v18;
	v22 =	vmul.f32 v22, v23  }
0x4c4: {  	v2 =	vcvt.s32.f32 v2;
	v3 =	vcvt.s32.f32 v3  }
0x4c5: {  	[tilespmem:$0x1FF20] =	vst v6;
	v41 =	vmov v62;
	v59 =	vand.u32 $0xFFFF0000, v1  }
0x4c6: {  	v6 =	vadd.s32 $0x3F0, v44;
	v23 =	vsub.f32 v37, v2;
	v62 =	vld.idx.msk [tilespmem:v48+s2+$0x0], $0xffff;
	[tilespmem:s11+$0x10] =	vst v22;
	v22 =	vsub.f32 v37, v3  }
0x4c7: {  	v2 =	vld.idx.msk [tilespmem:v52+s13+$0x0], $0xffff;
	v11 =	vand.u32 $0xFFFF0000, v0;
	v3 =	vand.u32 $0xFFFF0000, v49;
	v37 =	vand.u32 $0xFFFF0000, v50  }
0x4c8: {  	v38 =	vld.idx.msk [tilespmem:v38+s2+$0x0], $0xffff;
	v0 =	vshll.u32 v0, $0x10;
	v3 =	vmul.f32 v3, v23;
	v37 =	vmul.f32 v37, v22  }
0x4c9: {  	v11 =	vmul.f32 v11, v47;
	v49 =	vshll.u32 v49, $0x10;
	v50 =	vshll.u32 v50, $0x10  }
0x4ca: {  	v4 =	vmovc v39;
	v3 =	vadd.f32 v49, v3;
	v37 =	vadd.f32 v50, v37;
	v49 =	vadd.s32 $0x3F0, v45  }
0x4cb: {  	[tilespmem:$0x1FF10] =	vst v4;
	v4 =	vand.u32 $0xFFFF0000, v62;
	v62 =	vshll.u32 v62, $0x10;
	v50 =	vadd.s32 $0x3F0, v46  }
0x4cc: {  	v4 =	vmul.f32 v4, v21;
	v12 =	vand.u32 $0xFFFF0000, v2;
	v3 =	vmul.f32 v37, v3  }
0x4cd: {  	s19 =	smov.u32 s11;
	s11 =	sadd.s32 $0x20, s11;
	v0 =	vadd.f32 v0, v11;
	v12 =	vmul.f32 v12, v10;
	v37 =	vand.u32 $0xFFFF0000, v38  }
0x4ce: {  	v5 =	vmovc v17;
	v17 =	vld [tilespmem:$0x1FF70];
	v2 =	vshll.u32 v2, $0x10;
	v4 =	vadd.f32 v62, v4;
	v37 =	vmul.f32 v37, v9;
	[tilespmem:s11+$0xFFFFFC10] =	vst v3  }
0x4cf: {  	v63 =	vadd.s32 $0x3F0, v48;
	v2 =	vadd.f32 v2, v12;
	v3 =	vshll.u32 v38, $0x10;
	v13 =	vld.idx.msk [tilespmem:v49+s2+$0x0], $0xffff  }
0x4d0: {  	v12 =	vadd.s32 $0x2760, v18;
	v0 =	vmul.f32 v0, v4;
	v3 =	vadd.f32 v3, v37;
	v11 =	vld.idx.msk [tilespmem:v50+s13+$0x0], $0xffff  }
0x4d1: {  	v56 =	vld.idx.msk [tilespmem:v14+s13+$0x0], $0xffff;
	v59 =	vmul.f32 v59, v16;
	v62 =	vadd.s32 $0x2760, v19  }
0x4d2: {  	v58 =	vld.idx.msk [tilespmem:v36+s2+$0x0], $0xffff;
	v57 =	vand.u32 $0xFFFF0000, v55;
	v1 =	vshll.u32 v1, $0x10;
	[tilespmem:s11+$0xFFFFFC00] =	vst v0;
	v2 =	vmul.f32 v2, v3  }
0x4d3: {  	v43 =	vand.u32 $0xFFFF0000, v42;
	v1 =	vadd.f32 v1, v59;
	v4 =	vmul.f32 v57, v7;
	v6 =	vld.idx.msk [tilespmem:v6+s13+$0x0], $0xffff  }
0x4d4: {  	v42 =	vmovc v40;
	v39 =	vadd.s32 $0x7E0, v44;
	v40 =	vadd.s32 $0x7E0, v48;
	v3 =	vshll.u32 v55, $0x10;
	v55 =	vld.idx.msk [tilespmem:v63+s2+$0x0], $0xffff;
	[tilespmem:s19+$0x90] =	vst v2  }
0x4d5: {  	v3 =	vadd.f32 v3, v4;
	v12 =	vld.idx.msk [tilespmem:v12+s2+$0x0], $0xffff;
	v57 =	vand.u32 $0xFFFF0000, v13;
	v36 =	vand.u32 $0xFFFF0000, v11  }
0x4d6: {  	v0 =	vadd.s32 $0x1F80, v48;
	v4 =	vld.idx.msk [tilespmem:v62+s13+$0x0], $0xffff;
	v57 =	vmul.f32 v57, v23;
	v59 =	vmul.f32 v36, v22  }
0x4d7: {  	v13 =	vshll.u32 v13, $0x10;
	v11 =	vshll.u32 v11, $0x10;
	v3 =	vmul.f32 v1, v3  }
0x4d8: {  	v13 =	vadd.f32 v13, v57;
	v11 =	vadd.f32 v11, v59;
	v57 =	vadd.s32 $0x7E0, v45  }
0x4d9: {  	v25 =	vmovc v0;
	v2 =	vadd.s32 $0x1F80, v44;
	v62 =	vadd.s32 $0x7E0, v46;
	v0 =	vand.u32 $0xFFFF0000, v55  }
0x4da: {  	[tilespmem:s19+$0xFFFFFF80] =	vst v3;
	v55 =	vshll.u32 v55, $0x10;
	v0 =	vmul.f32 v0, v21;
	v3 =	vmul.f32 v11, v13  }
0x4db: {  	v36 =	vmovc v15;
	v11 =	vld.idx.msk [tilespmem:v20+s2+$0x0], $0xffff;
	v13 =	vand.u32 $0xFFFF0000, v12;
	v15 =	vand.u32 $0xFFFF0000, v4;
	v20 =	vmovc v2;
	v2 =	vand.u32 $0xFFFF0000, v6  }
0x4dc: {  	v17 =	vld.idx.msk [tilespmem:v17+s13+$0x0], $0xffff;
	v4 =	vshll.u32 v4, $0x10;
	v13 =	vmul.f32 v13, v9;
	v15 =	vmul.f32 v15, v10;
	[tilespmem:s11+$0xFFFFFC90] =	vst v3  }
0x4dd: {  	v6 =	vshll.u32 v6, $0x10;
	v2 =	vmul.f32 v2, v47;
	v3 =	vshll.u32 v12, $0x10;
	v12 =	vld.idx.msk [tilespmem:v57+s2+$0x0], $0xffff  }
0x4de: {  	v3 =	vadd.f32 v3, v13;
	v4 =	vadd.f32 v4, v15;
	v13 =	vadd.s32 $0x2B50, v18;
	v15 =	vld.idx.msk [tilespmem:v62+s13+$0x0], $0xffff  }
0x4df: {  	v0 =	vadd.f32 v55, v0;
	[tilespmem:$0x1FF70] =	vst v20;
	v20 =	vadd.s32 $0x2B50, v19;
	v2 =	vadd.f32 v6, v2  }
0x4e0: {  	v3 =	vmul.f32 v4, v3;
	v4 =	vand.u32 $0xFFFF0000, v11;
	v6 =	vshll.u32 v11, $0x10  }
0x4e1: {  	v11 =	vand.u32 $0xFFFF0000, v17;
	v0 =	vmul.f32 v2, v0;
	v4 =	vmul.f32 v4, v7  }
0x4e2: {  	v61 =	vadd.s32 $0xBD0, v44;
	v2 =	vshll.u32 v17, $0x10;
	[tilespmem:s19+$0x110] =	vst v3;
	v3 =	vmul.f32 v11, v16  }
0x4e3: {  	[tilespmem:s11+$0xFFFFFC80] =	vst v0;
	v11 =	vld.idx.msk [tilespmem:v13+s2+$0x0], $0xffff;
	v4 =	vadd.f32 v6, v4;
	v0 =	vand.u32 $0xFFFF0000, v12;
	v13 =	vand.u32 $0xFFFF0000, v15  }
0x4e4: {  	v6 =	vld.idx.msk [tilespmem:v20+s13+$0x0], $0xffff;
	v2 =	vadd.f32 v2, v3;
	v0 =	vmul.f32 v0, v23;
	v13 =	vmul.f32 v13, v22  }
0x4e5: {  	[tilespmem:$0x1FF30] =	vst v5;
	v5 =	vadd.s32 $0x2370, v44;
	v12 =	vshll.u32 v12, $0x10;
	v15 =	vshll.u32 v15, $0x10;
	v3 =	vld.idx.msk [tilespmem:v40+s2+$0x0], $0xffff  }
0x4e6: {  	v2 =	vmul.f32 v2, v4;
	v0 =	vadd.f32 v12, v0;
	v4 =	vadd.f32 v15, v13  }
0x4e7: {  	v60 =	vadd.s32 $0xBD0, v48;
	v14 =	vadd.s32 $0x2370, v48;
	v17 =	vld.idx.msk [tilespmem:v39+s13+$0x0], $0xffff;
	v12 =	vadd.s32 $0xBD0, v45  }
0x4e8: {  	v13 =	vadd.s32 $0xBD0, v46;
	[tilespmem:s19+$0x0] =	vst v2;
	v0 =	vmul.f32 v4, v0;
	v4 =	vand.u32 $0xFFFF0000, v11  }
0x4e9: {  	v54 =	vadd.s32 $0xFC0, v48;
	v15 =	vand.u32 $0xFFFF0000, v6;
	v2 =	vld.idx.msk [tilespmem:v28+s2+$0x0], $0xffff;
	v28 =	vmovc v14;
	v4 =	vmul.f32 v4, v9  }
0x4ea: {  	v14 =	vld.idx.msk [tilespmem:v34+s13+$0x0], $0xffff;
	v15 =	vmul.f32 v15, v10;
	v34 =	vmovc v5;
	v5 =	vand.u32 $0xFFFF0000, v3;
	[tilespmem:s11+$0xFFFFFD10] =	vst v0;
	v0 =	vshll.u32 v11, $0x10  }
0x4eb: {  	v6 =	vshll.u32 v6, $0x10;
	v5 =	vmul.f32 v5, v21;
	v0 =	vadd.f32 v0, v4  }
0x4ec: {  	v11 =	vld.idx.msk [tilespmem:v12+s2+$0x0], $0xffff;
	v4 =	vadd.f32 v6, v15;
	v6 =	vadd.s32 $0x2F40, v18;
	v12 =	vand.u32 $0xFFFF0000, v17  }
0x4ed: {  	v3 =	vshll.u32 v3, $0x10;
	v13 =	vld.idx.msk [tilespmem:v13+s13+$0x0], $0xffff;
	v15 =	vadd.s32 $0x2F40, v19;
	v12 =	vmul.f32 v12, v47  }
0x4ee: {  	v3 =	vadd.f32 v3, v5;
	v0 =	vmul.f32 v4, v0;
	v4 =	vshll.u32 v17, $0x10  }
0x4ef: {  	v5 =	vand.u32 $0xFFFF0000, v2;
	v4 =	vadd.f32 v4, v12;
	v12 =	vand.u32 $0xFFFF0000, v14  }
0x4f0: {  	v5 =	vmul.f32 v5, v7;
	[tilespmem:s19+$0x190] =	vst v0;
	v0 =	vshll.u32 v2, $0x10;
	v12 =	vmul.f32 v12, v16  }
0x4f1: {  	v2 =	vshll.u32 v14, $0x10;
	v6 =	vld.idx.msk [tilespmem:v6+s2+$0x0], $0xffff;
	v3 =	vmul.f32 v4, v3;
	v14 =	vand.u32 $0xFFFF0000, v11  }
0x4f2: {  	v4 =	vld.idx.msk [tilespmem:v15+s13+$0x0], $0xffff;
	v15 =	vand.u32 $0xFFFF0000, v13;
	v0 =	vadd.f32 v0, v5;
	v2 =	vadd.f32 v2, v12  }
0x4f3: {  	v20 =	vand.u32 $0xFFFF0000, v58;
	v12 =	vmul.f32 v15, v22;
	[tilespmem:s11+$0xFFFFFD00] =	vst v3;
	v3 =	vmul.f32 v14, v23  }
0x4f4: {  	v11 =	vshll.u32 v11, $0x10;
	v13 =	vshll.u32 v13, $0x10;
	v0 =	vmul.f32 v2, v0  }
0x4f5: {  	v15 =	vld.idx.msk [tilespmem:v60+s2+$0x0], $0xffff;
	v3 =	vadd.f32 v11, v3;
	v11 =	vadd.f32 v13, v12;
	v12 =	vadd.s32 $0xFC0, v45  }
0x4f6: {  	v1 =	vadd.s32 $0x2760, v44;
	v2 =	vld.idx.msk [tilespmem:v61+s13+$0x0], $0xffff;
	v13 =	vadd.s32 $0xFC0, v46;
	[tilespmem:s19+$0x80] =	vst v0;
	v0 =	vmul.f32 v20, v8  }
0x4f7: {  	v17 =	vand.u32 $0xFFFF0000, v6;
	v20 =	vand.u32 $0xFFFF0000, v4;
	v3 =	vmul.f32 v11, v3  }
0x4f8: {  	v5 =	vand.u32 $0xFFFF0000, v56;
	v17 =	vmul.f32 v17, v9;
	v20 =	vmul.f32 v20, v10  }
0x4f9: {  	v14 =	vshll.u32 v58, $0x10;
	v58 =	vld.idx.msk [tilespmem:v31+s13+$0x0], $0xffff;
	v31 =	vmovc v1;
	v1 =	vshll.u32 v6, $0x10;
	[tilespmem:s11+$0xFFFFFD90] =	vst v3;
	v3 =	vshll.u32 v4, $0x10  }
0x4fa: {  	v1 =	vadd.f32 v1, v17;
	v4 =	vld.idx.msk [tilespmem:v12+s2+$0x0], $0xffff;
	v3 =	vadd.f32 v3, v20;
	v12 =	vand.u32 $0xFFFF0000, v15  }
0x4fb: {  	v0 =	vadd.f32 v14, v0;
	v14 =	vand.u32 $0xFFFF0000, v2;
	v13 =	vld.idx.msk [tilespmem:v13+s13+$0x0], $0xffff;
	v12 =	vmul.f32 v12, v21  }
0x4fc: {  	v56 =	vshll.u32 v56, $0x10;
	v1 =	vmul.f32 v3, v1;
	v3 =	vmul.f32 v14, v47  }
0x4fd: {  	v5 =	vmul.f32 v5, v24;
	v2 =	vshll.u32 v2, $0x10;
	v15 =	vshll.u32 v15, $0x10  }
0x4fe: {  	v12 =	vadd.f32 v15, v12;
	v15 =	vand.u32 $0xFFFF0000, v58;
	[tilespmem:s19+$0x210] =	vst v1;
	v1 =	vadd.f32 v2, v3  }
0x4ff: {  	v53 =	vadd.s32 $0xFC0, v44;
	v5 =	vadd.f32 v56, v5;
	v11 =	vld.idx.msk [tilespmem:v30+s2+$0x0], $0xffff;
	v3 =	vmul.f32 v15, v16  }
0x500: {  	v15 =	vand.u32 $0xFFFF0000, v13;
	v1 =	vmul.f32 v1, v12;
	v12 =	vand.u32 $0xFFFF0000, v4  }
0x501: {  	v6 =	vadd.s32 $0x3330, v18;
	v15 =	vmul.f32 v15, v22;
	v12 =	vmul.f32 v12, v23  }
0x502: {  	v17 =	vadd.s32 $0x3330, v19;
	[tilespmem:s11+$0xFFFFFD80] =	vst v1;
	v1 =	vshll.u32 v4, $0x10;
	v4 =	vshll.u32 v13, $0x10  }
0x503: {  	v0 =	vmul.f32 v5, v0;
	v5 =	vld.idx.msk [tilespmem:v54+s2+$0x0], $0xffff;
	v1 =	vadd.f32 v1, v12;
	v4 =	vadd.f32 v4, v15  }
0x504: {  	v14 =	vand.u32 $0xFFFF0000, v11;
	v12 =	vld.idx.msk [tilespmem:v53+s13+$0x0], $0xffff  }
0x505: {  	v14 =	vmul.f32 v14, v7;
	[tilespmem:s8+$0x280] =	vst v0;
	v0 =	vmul.f32 v4, v1;
	v4 =	vld [tilespmem:$0x1FF50]  }
0x506: {  	v2 =	vshll.u32 v11, $0x10;
	v11 =	vshll.u32 v58, $0x10;
	v6 =	vld.idx.msk [tilespmem:v6+s2+$0x0], $0xffff  }
0x507: {  	v2 =	vadd.f32 v2, v14;
	v14 =	vld.idx.msk [tilespmem:v17+s13+$0x0], $0xffff;
	v3 =	vadd.f32 v11, v3;
	v11 =	vadd.s32 $0x13B0, v45;
	_ =	sdelay $0x1  }
0x508: {  	v63 =	vadd.s32 $0x2760, v48  }
0x509: {  	v51 =	vadd.s32 $0x13B0, v48;
	v52 =	vadd.s32 $0x13B0, v44  }
0x50a: {  	v30 =	vmovc v63;
	v2 =	vmul.f32 v3, v2;
	v15 =	vadd.s32 $0x13B0, v46;
	v1 =	vand.u32 $0xFFFF0000, v6;
	[tilespmem:s11+$0xFFFFFE10] =	vst v0  }
0x50b: {  	v63 =	vmovc v8;
	v8 =	vmovc v26;
	v13 =	vadd.s32 $0x3720, v48;
	v3 =	vand.u32 $0xFFFF0000, v14;
	v1 =	vmul.f32 v1, v9;
	v11 =	vld.idx.msk [tilespmem:v11+s2+$0x0], $0xffff  }
0x50c: {  	v26 =	vmovc v13;
	v13 =	vadd.s32 $0x3720, v44;
	v6 =	vshll.u32 v6, $0x10;
	v4 =	vld.idx.msk [tilespmem:v4+s2+$0x0], $0xffff;
	[tilespmem:s19+$0x100] =	vst v2;
	v2 =	vmul.f32 v3, v10  }
0x50d: {  	v14 =	vshll.u32 v14, $0x10;
	[tilespmem:$0x1FF50] =	vst v8;
	v1 =	vadd.f32 v6, v1;
	v6 =	vadd.s32 $0x3720, v18;
	v3 =	vld [tilespmem:$0x1FF60]  }
0x50e: {  	v8 =	vmovc v27;
	v27 =	vmovc v13;
	v13 =	vshll.u32 v5, $0x10;
	v5 =	vand.u32 $0xFFFF0000, v5;
	v0 =	vld.idx.msk [tilespmem:v29+s2+$0x0], $0xffff;
	v2 =	vadd.f32 v14, v2  }
0x50f: {  	v17 =	vand.u32 $0xFFFF0000, v12;
	v5 =	vmul.f32 v5, v21;
	v14 =	vld.idx.msk [tilespmem:v15+s13+$0x0], $0xffff;
	v15 =	vadd.s32 $0x3720, v19  }
0x510: {  	v1 =	vmul.f32 v2, v1;
	v2 =	vshll.u32 v12, $0x10;
	v12 =	vmul.f32 v17, v47  }
0x511: {  	v59 =	vadd.s32 $0x2B50, v48;
	v62 =	vadd.s32 $0x2B50, v44;
	v58 =	vadd.s32 $0x17A0, v46  }
0x512: {  	v5 =	vadd.f32 v13, v5;
	v20 =	vld.idx.msk [tilespmem:v35+s13+$0x0], $0xffff;
	v17 =	vand.u32 $0xFFFF0000, v4;
	v2 =	vadd.f32 v2, v12  }
0x513: {  	v29 =	vmovc v59;
	v59 =	vadd.s32 $0x3B10, v19;
	[tilespmem:s19+$0x290] =	vst v1;
	v13 =	vmul.f32 v17, v63;
	v12 =	vshll.u32 v0, $0x10  }
0x514: {  	v6 =	vld.idx.msk [tilespmem:v6+s2+$0x0], $0xffff;
	v17 =	vand.u32 $0xFFFF0000, v14;
	v2 =	vmul.f32 v2, v5;
	v5 =	vand.u32 $0xFFFF0000, v11  }
0x515: {  	v0 =	vand.u32 $0xFFFF0000, v0;
	v15 =	vld.idx.msk [tilespmem:v15+s13+$0x0], $0xffff;
	v17 =	vmul.f32 v17, v22;
	v5 =	vmul.f32 v5, v23  }
0x516: {  	v0 =	vmul.f32 v0, v7;
	v3 =	vld.idx.msk [tilespmem:v3+s13+$0x0], $0xffff;
	[tilespmem:s11+$0xFFFFFE00] =	vst v2;
	v2 =	vshll.u32 v11, $0x10;
	v11 =	vshll.u32 v14, $0x10  }
0x517: {  	v56 =	vand.u32 $0xFFFF0000, v20;
	v2 =	vadd.f32 v2, v5;
	v5 =	vadd.f32 v11, v17  }
0x518: {  	v20 =	vshll.u32 v20, $0x10;
	v0 =	vadd.f32 v12, v0;
	v14 =	vmul.f32 v56, v16;
	v51 =	vld.idx.msk [tilespmem:v51+s2+$0x0], $0xffff  }
0x519: {  	v11 =	vadd.s32 $0x17A0, v45;
	v17 =	vld.idx.msk [tilespmem:v52+s13+$0x0], $0xffff;
	v2 =	vmul.f32 v5, v2;
	v5 =	vand.u32 $0xFFFF0000, v6  }
0x51a: {  	v12 =	vand.u32 $0xFFFF0000, v15;
	v14 =	vadd.f32 v20, v14;
	v5 =	vmul.f32 v5, v9  }
0x51b: {  	v1 =	vand.u32 $0xFFFF0000, v3;
	v12 =	vmul.f32 v12, v10;
	[tilespmem:s11+$0xFFFFFE90] =	vst v2;
	v2 =	vshll.u32 v6, $0x10  }
0x51c: {  	v0 =	vmul.f32 v14, v0;
	v6 =	vshll.u32 v15, $0x10;
	v2 =	vadd.f32 v2, v5  }
0x51d: {  	v5 =	vadd.f32 v6, v12;
	v6 =	vadd.s32 $0x3B10, v18;
	v15 =	vand.u32 $0xFFFF0000, v51  }
0x51e: {  	v35 =	vmovc v62;
	v11 =	vld.idx.msk [tilespmem:v11+s2+$0x0], $0xffff;
	v12 =	vshll.u32 v51, $0x10;
	v62 =	vand.u32 $0xFFFF0000, v17;
	v15 =	vmul.f32 v15, v21  }
0x51f: {  	v2 =	vmul.f32 v5, v2;
	v5 =	vshll.u32 v17, $0x10;
	v17 =	vmul.f32 v62, v47  }
0x520: {  	v4 =	vshll.u32 v4, $0x10;
	v1 =	vmul.f32 v1, v24;
	v20 =	vld.idx.msk [tilespmem:v58+s13+$0x0], $0xffff;
	[tilespmem:s19+$0x180] =	vst v0;
	v12 =	vadd.f32 v12, v15  }
0x521: {  	v52 =	vld.idx.msk [tilespmem:v32+s2+$0x0], $0xffff;
	[tilespmem:s19+$0x310] =	vst v2;
	v2 =	vadd.f32 v4, v13;
	v4 =	vadd.f32 v5, v17  }
0x522: {  	v50 =	vadd.s32 $0x17A0, v48;
	v49 =	vadd.s32 $0x17A0, v44;
	v19 =	vmovc v46;
	v3 =	vshll.u32 v3, $0x10;
	v46 =	vld.idx.msk [tilespmem:v6+s2+$0x0], $0xffff  }
0x523: {  	v0 =	vadd.f32 v3, v1;
	v6 =	vld [tilespmem:$0x1FEF0];
	v3 =	vmul.f32 v4, v12;
	v4 =	vand.u32 $0xFFFF0000, v11  }
0x524: {  	v53 =	vld.idx.msk [tilespmem:v33+s13+$0x0], $0xffff;
	v4 =	vmul.f32 v4, v23  }
0x525: {  	v51 =	vld.idx.msk [tilespmem:v59+s13+$0x0], $0xffff;
	[tilespmem:s11+$0xFFFFFE80] =	vst v3;
	v3 =	vshll.u32 v11, $0x10  }
0x526: {  	v1 =	vmul.f32 v43, v41;
	v0 =	vmul.f32 v0, v2;
	v2 =	vadd.f32 v3, v4;
	v4 =	vld [tilespmem:$0x1FF00]  }
0x527: {  	v38 =	vadd.s32 $0x1B90, v48;
	v18 =	vmov v45;
	v45 =	vld.idx.msk [tilespmem:v49+s13+$0x0], $0xffff  }
0x528: {  	s15 =	sadd.s32 $0x2, s15;
	v37 =	vadd.s32 $0x1B90, v44;
	v55 =	vadd.s32 $0x2F40, v44;
	v6 =	vadd.f32 v6, v1;
	v1 =	vld.idx.msk [tilespmem:v50+s2+$0x0], $0xffff  }
0x529: {  	p0 =	slt.u32 s15, $0x6;
	v57 =	vadd.s32 $0x2F40, v48;
	v39 =	vadd.s32 $0x3330, v48;
	v5 =	vand.u32 $0xFFFF0000, v20;
	[tilespmem:s8+$0x300] =	vst v0;
	v0 =	vld [tilespmem:$0x1FF20]  }
.Ltmp6:
0x52a: {  	v40 =	vadd.s32 $0x3330, v44;
	v61 =	vlaneseq.u32;
	v5 =	vmul.f32 v5, v22;
	(pc) =	sbr.rel @p0 .LBB2_12-.Ltmp6, $4  }
0x52b: {  	v60 =	vld [tilespmem:$0x1FFF0];
	v48 =	vadd.s32 $0x3B10, v48;
	v44 =	vadd.s32 $0x3B10, v44;
	[tilespmem:$0x1FF60] =	vst v8;
	v11 =	vshll.u32 v20, $0x10  }
0x52c: {  	v8 =	vmovc v16;
	v16 =	vmovc v47;
	v14 =	vmov v42;
	v17 =	vld [tilespmem:$0x1FEE0];
	v3 =	vadd.f32 v11, v5;
	v4 =	vmul.f32 v6, v4  }
0x52d: {  	v32 =	vmovc v57;
	v33 =	vmovc v55;
	v47 =	vadd.s32 $0x1B90, v19;
	v62 =	vmov v24;
	v49 =	vadd.s32 $0x1B90, v18;
	v41 =	vld.idx.msk [tilespmem:v36+s2+$0x0], $0xffff  }
0x52e: {  	s17 =	sadd.s32 $0x20, s17;
	v20 =	vmovc v25;
	v42 =	vand.u32 $0xFFFF0000, v46;
	v43 =	vand.u32 $0xFFFF0000, v51;
	v50 =	vmul.f32 v3, v2;
	v36 =	vld [tilespmem:$0x1FF10];
	v15 =	vmovc v0;
	[tilespmem:s29+$0x380] =	vst v4;
	s29 =	smov.u32 s8;
	s8 =	smov.u32 s19  }
0x52f: {  	_ = 	snop  }
0x530: {  	v0 =	vand.u32 $0xFFFF0000, v1;
	v2 =	vand.u32 $0xFFFF0000, v45  }
0x531: {  	v0 =	vmul.f32 v0, v21;
	v2 =	vmul.f32 v2, v16  }
0x532: {  	v55 =	vshll.u32 v1, $0x10;
	v4 =	vshll.u32 v45, $0x10;
	[tilespmem:s11+$0xFFFFFF10] =	vst v50  }
0x533: {  	v3 =	vld.idx.msk [tilespmem:v49+s2+$0x0], $0xffff;
	v0 =	vadd.f32 v55, v0;
	v2 =	vadd.f32 v4, v2  }
0x534: {  	v56 =	vld.idx.msk [tilespmem:v47+s13+$0x0], $0xffff  }
0x535: {  	v0 =	vmul.f32 v2, v0;
	_ =	sdelay $0x1  }
0x536: {  	[tilespmem:s11+$0xFFFFFF00] =	vst v0  }
0x537: {  	v59 =	vld.idx.msk [tilespmem:v38+s2+$0x0], $0xffff  }
0x538: {  	v57 =	vand.u32 $0xFFFF0000, v3;
	v58 =	vand.u32 $0xFFFF0000, v56;
	v5 =	vld.idx.msk [tilespmem:v37+s13+$0x0], $0xffff  }
0x539: {  	v0 =	vmul.f32 v57, v23;
	v2 =	vmul.f32 v58, v22  }
0x53a: {  	v3 =	vshll.u32 v3, $0x10;
	v1 =	vshll.u32 v56, $0x10  }
0x53b: {  	v0 =	vadd.f32 v3, v0;
	v1 =	vadd.f32 v1, v2;
	_ =	sdelay $0x1  }
0x53c: {  	v0 =	vmul.f32 v1, v0;
	v13 =	vand.u32 $0xFFFF0000, v59;
	v6 =	vand.u32 $0xFFFF0000, v5  }
0x53d: {  	v24 =	vmul.f32 v13, v21;
	v25 =	vmul.f32 v6, v16  }
0x53e: {  	v11 =	vadd.s32 $0x1F80, v18;
	v4 =	vshll.u32 v59, $0x10;
	v5 =	vshll.u32 v5, $0x10  }
0x53f: {  	[tilespmem:s11+$0xFFFFFF90] =	vst v0;
	v0 =	vadd.f32 v4, v24;
	v1 =	vadd.f32 v5, v25  }
0x540: {  	v12 =	vadd.s32 $0x1F80, v19  }
0x541: {  	v0 =	vmul.f32 v1, v0;
	_ =	sdelay $0x1  }
0x542: {  	v2 =	vld.idx.msk [tilespmem:v11+s2+$0x0], $0xffff;
	[tilespmem:s11+$0xFFFFFF80] =	vst v0  }
0x543: {  	v47 =	vld [tilespmem:$0x1FF70]  }
0x544: {  	v3 =	vld.idx.msk [tilespmem:v12+s13+$0x0], $0xffff;
	_ =	sdelay $0x4  }
0x545: {  	v37 =	vand.u32 $0xFFFF0000, v2;
	v38 =	vand.u32 $0xFFFF0000, v3  }
0x546: {  	v45 =	vld.idx.msk [tilespmem:v20+s2+$0x0], $0xffff;
	v0 =	vmul.f32 v37, v23;
	v1 =	vmul.f32 v38, v22  }
0x547: {  	v2 =	vshll.u32 v2, $0x10;
	v3 =	vshll.u32 v3, $0x10;
	v5 =	vld.idx.msk [tilespmem:v47+s13+$0x0], $0xffff  }
0x548: {  	v49 =	vadd.s32 $0x2370, v18;
	v0 =	vadd.f32 v2, v0;
	v1 =	vadd.f32 v3, v1  }
0x549: {  	v50 =	vadd.s32 $0x2370, v19  }
0x54a: {  	v0 =	vmul.f32 v1, v0;
	_ =	sdelay $0x1  }
0x54b: {  	v54 =	vand.u32 $0xFFFF0000, v45;
	[tilespmem:s11+$0x10] =	vst v0;
	v55 =	vand.u32 $0xFFFF0000, v5  }
0x54c: {  	v56 =	vmul.f32 v54, v21;
	v2 =	vld.idx.msk [tilespmem:v49+s2+$0x0], $0xffff;
	v57 =	vmul.f32 v55, v16  }
0x54d: {  	v4 =	vshll.u32 v45, $0x10;
	v3 =	vld.idx.msk [tilespmem:v50+s13+$0x0], $0xffff;
	v5 =	vshll.u32 v5, $0x10  }
0x54e: {  	v0 =	vadd.f32 v4, v56;
	v1 =	vadd.f32 v5, v57;
	_ =	sdelay $0x1  }
0x54f: {  	v0 =	vmul.f32 v1, v0;
	_ =	sdelay $0x1  }
0x550: {  	v58 =	vand.u32 $0xFFFF0000, v2;
	v59 =	vand.u32 $0xFFFF0000, v3;
	[tilespmem:s11+$0x0] =	vst v0  }
0x551: {  	v1 =	vmul.f32 v59, v22;
	v0 =	vmul.f32 v58, v23;
	v11 =	vld.idx.msk [tilespmem:v28+s2+$0x0], $0xffff  }
0x552: {  	v2 =	vshll.u32 v2, $0x10;
	v3 =	vshll.u32 v3, $0x10;
	v12 =	vld.idx.msk [tilespmem:v34+s13+$0x0], $0xffff  }
0x553: {  	v13 =	vadd.s32 $0x2760, v18;
	v1 =	vadd.f32 v3, v1;
	v0 =	vadd.f32 v2, v0  }
0x554: {  	v20 =	vadd.s32 $0x2760, v19  }
0x555: {  	v0 =	vmul.f32 v1, v0;
	_ =	sdelay $0x1  }
0x556: {  	v24 =	vand.u32 $0xFFFF0000, v11;
	v25 =	vand.u32 $0xFFFF0000, v12;
	[tilespmem:s11+$0x90] =	vst v0  }
0x557: {  	v28 =	vmul.f32 v24, v21;
	v34 =	vmul.f32 v25, v16;
	v2 =	vld.idx.msk [tilespmem:v13+s2+$0x0], $0xffff  }
0x558: {  	v4 =	vshll.u32 v11, $0x10;
	v5 =	vshll.u32 v12, $0x10;
	v3 =	vld.idx.msk [tilespmem:v20+s13+$0x0], $0xffff  }
0x559: {  	v0 =	vadd.f32 v4, v28;
	v1 =	vadd.f32 v5, v34;
	_ =	sdelay $0x1  }
0x55a: {  	v0 =	vmul.f32 v1, v0;
	_ =	sdelay $0x1  }
0x55b: {  	v37 =	vand.u32 $0xFFFF0000, v2;
	v38 =	vand.u32 $0xFFFF0000, v3;
	[tilespmem:s11+$0x80] =	vst v0  }
0x55c: {  	v0 =	vmul.f32 v37, v23;
	v1 =	vmul.f32 v38, v22;
	v45 =	vld.idx.msk [tilespmem:v30+s2+$0x0], $0xffff  }
0x55d: {  	v2 =	vshll.u32 v2, $0x10;
	v3 =	vshll.u32 v3, $0x10;
	v47 =	vld.idx.msk [tilespmem:v31+s13+$0x0], $0xffff  }
0x55e: {  	v49 =	vadd.s32 $0x2B50, v18;
	v0 =	vadd.f32 v2, v0;
	v1 =	vadd.f32 v3, v1  }
0x55f: {  	v50 =	vadd.s32 $0x2B50, v19  }
0x560: {  	v0 =	vmul.f32 v1, v0;
	_ =	sdelay $0x1  }
0x561: {  	v54 =	vand.u32 $0xFFFF0000, v45;
	v55 =	vand.u32 $0xFFFF0000, v47;
	[tilespmem:s11+$0x110] =	vst v0  }
0x562: {  	v56 =	vmul.f32 v54, v21;
	v57 =	vmul.f32 v55, v16;
	v2 =	vld.idx.msk [tilespmem:v49+s2+$0x0], $0xffff  }
0x563: {  	v4 =	vshll.u32 v45, $0x10;
	v5 =	vshll.u32 v47, $0x10;
	v3 =	vld.idx.msk [tilespmem:v50+s13+$0x0], $0xffff  }
0x564: {  	v0 =	vadd.f32 v4, v56;
	v1 =	vadd.f32 v5, v57;
	_ =	sdelay $0x1  }
0x565: {  	v0 =	vmul.f32 v1, v0;
	_ =	sdelay $0x1  }
0x566: {  	v58 =	vand.u32 $0xFFFF0000, v2;
	v59 =	vand.u32 $0xFFFF0000, v3;
	[tilespmem:s11+$0x100] =	vst v0  }
0x567: {  	v0 =	vmul.f32 v58, v23;
	v1 =	vmul.f32 v59, v22;
	v11 =	vld.idx.msk [tilespmem:v29+s2+$0x0], $0xffff  }
0x568: {  	v2 =	vshll.u32 v2, $0x10;
	v3 =	vshll.u32 v3, $0x10;
	v12 =	vld.idx.msk [tilespmem:v35+s13+$0x0], $0xffff  }
0x569: {  	v13 =	vadd.s32 $0x2F40, v18;
	v0 =	vadd.f32 v2, v0;
	v1 =	vadd.f32 v3, v1  }
0x56a: {  	v20 =	vadd.s32 $0x2F40, v19  }
0x56b: {  	v0 =	vmul.f32 v1, v0;
	_ =	sdelay $0x1  }
0x56c: {  	v24 =	vand.u32 $0xFFFF0000, v11;
	v25 =	vand.u32 $0xFFFF0000, v12;
	[tilespmem:s11+$0x190] =	vst v0  }
0x56d: {  	v28 =	vmul.f32 v24, v21;
	v29 =	vmul.f32 v25, v16;
	v2 =	vld.idx.msk [tilespmem:v13+s2+$0x0], $0xffff  }
0x56e: {  	v4 =	vshll.u32 v11, $0x10;
	v5 =	vshll.u32 v12, $0x10;
	v3 =	vld.idx.msk [tilespmem:v20+s13+$0x0], $0xffff  }
0x56f: {  	v31 =	vand.u32 $0xFFFF0000, v53;
	v0 =	vadd.f32 v4, v28;
	v1 =	vadd.f32 v5, v29  }
0x570: {  	v34 =	vmul.f32 v31, v8  }
0x571: {  	v37 =	vshll.u32 v53, $0x10;
	v30 =	vand.u32 $0xFFFF0000, v52;
	v0 =	vmul.f32 v1, v0  }
0x572: {  	v38 =	vadd.f32 v37, v34;
	v4 =	vmul.f32 v30, v7  }
0x573: {  	v35 =	vshll.u32 v52, $0x10;
	v45 =	vand.u32 $0xFFFF0000, v2;
	v47 =	vand.u32 $0xFFFF0000, v3;
	[tilespmem:s11+$0x180] =	vst v0  }
0x574: {  	v4 =	vadd.f32 v35, v4;
	v1 =	vmul.f32 v45, v23;
	v5 =	vmul.f32 v47, v22;
	v49 =	vld.idx.msk [tilespmem:v32+s2+$0x0], $0xffff  }
0x575: {  	v52 =	vadd.s32 $0x3330, v18;
	v2 =	vshll.u32 v2, $0x10;
	v3 =	vshll.u32 v3, $0x10;
	v11 =	vld.idx.msk [tilespmem:v33+s13+$0x0], $0xffff  }
0x576: {  	v0 =	vmul.f32 v38, v4;
	v1 =	vadd.f32 v2, v1;
	v50 =	vadd.f32 v3, v5  }
0x577: {  	v53 =	vadd.s32 $0x3330, v19  }
0x578: {  	[tilespmem:s8+$0x200] =	vst v0;
	v54 =	vmul.f32 v50, v1  }
0x579: {  	v55 =	vld.idx.msk [tilespmem:v36+s2+$0x0], $0xffff  }
0x57a: {  	v12 =	vld.idx.msk [tilespmem:v14+s13+$0x0], $0xffff;
	v56 =	vand.u32 $0xFFFF0000, v49;
	v57 =	vand.u32 $0xFFFF0000, v11;
	[tilespmem:s11+$0x210] =	vst v54  }
0x57b: {  	v58 =	vmul.f32 v56, v21;
	v59 =	vmul.f32 v57, v16;
	v3 =	vld.idx.msk [tilespmem:v52+s2+$0x0], $0xffff  }
0x57c: {  	v13 =	vshll.u32 v49, $0x10;
	v14 =	vshll.u32 v11, $0x10;
	v4 =	vld.idx.msk [tilespmem:v53+s13+$0x0], $0xffff  }
0x57d: {  	v0 =	vadd.f32 v13, v58;
	v2 =	vadd.f32 v14, v59;
	_ =	sdelay $0x1  }
0x57e: {  	v0 =	vmul.f32 v2, v0  }
0x57f: {  	v31 =	vadd.s32 $0x3720, v18  }
0x580: {  	v20 =	vand.u32 $0xFFFF0000, v55;
	v28 =	vand.u32 $0xFFFF0000, v3;
	v29 =	vand.u32 $0xFFFF0000, v4;
	[tilespmem:s11+$0x200] =	vst v0  }
0x581: {  	v24 =	vand.u32 $0xFFFF0000, v12;
	v5 =	vmul.f32 v28, v23;
	v6 =	vmul.f32 v29, v22;
	v30 =	vld.idx.msk [tilespmem:v39+s2+$0x0], $0xffff  }
0x582: {  	v25 =	vmul.f32 v24, v8;
	v3 =	vshll.u32 v3, $0x10;
	v4 =	vshll.u32 v4, $0x10;
	v13 =	vld.idx.msk [tilespmem:v40+s13+$0x0], $0xffff  }
0x583: {  	v2 =	vmul.f32 v20, v7;
	v3 =	vadd.f32 v3, v5;
	v4 =	vadd.f32 v4, v6  }
0x584: {  	v32 =	vadd.s32 $0x3720, v19;
	v1 =	vshll.u32 v55, $0x10;
	v12 =	vshll.u32 v12, $0x10  }
0x585: {  	v1 =	vadd.f32 v1, v2;
	v0 =	vadd.f32 v12, v25;
	v3 =	vmul.f32 v4, v3;
	_ =	sdelay $0x1  }
0x586: {  	v0 =	vmul.f32 v0, v1;
	v33 =	vand.u32 $0xFFFF0000, v30;
	v34 =	vand.u32 $0xFFFF0000, v13;
	[tilespmem:s11+$0x290] =	vst v3  }
0x587: {  	v1 =	vmul.f32 v33, v21;
	v35 =	vmul.f32 v34, v16;
	v36 =	vld.idx.msk [tilespmem:v31+s2+$0x0], $0xffff  }
0x588: {  	[tilespmem:s8+$0x280] =	vst v0;
	v37 =	vshll.u32 v30, $0x10;
	v38 =	vshll.u32 v13, $0x10;
	v39 =	vld.idx.msk [tilespmem:v32+s13+$0x0], $0xffff  }
0x589: {  	v45 =	vld [tilespmem:$0x1FF50];
	v1 =	vadd.f32 v37, v1;
	v40 =	vadd.f32 v38, v35  }
0x58a: {  	v47 =	vld [tilespmem:$0x1FF60]  }
0x58b: {  	v1 =	vmul.f32 v40, v1;
	_ =	sdelay $0x1  }
0x58c: {  	[tilespmem:s11+$0x280] =	vst v1  }
0x58d: {  	v52 =	vld.idx.msk [tilespmem:v26+s2+$0x0], $0xffff  }
0x58e: {  	v49 =	vand.u32 $0xFFFF0000, v36;
	v50 =	vand.u32 $0xFFFF0000, v39;
	v54 =	vld.idx.msk [tilespmem:v27+s13+$0x0], $0xffff  }
0x58f: {  	v1 =	vmul.f32 v49, v23;
	v2 =	vmul.f32 v50, v22;
	v24 =	vld [tilespmem:$0x1FF30]  }
0x590: {  	v4 =	vshll.u32 v36, $0x10;
	v0 =	vshll.u32 v39, $0x10;
	v3 =	vld.idx.msk [tilespmem:v45+s2+$0x0], $0xffff  }
0x591: {  	v5 =	vld.idx.msk [tilespmem:v47+s13+$0x0], $0xffff;
	v1 =	vadd.f32 v4, v1;
	v0 =	vadd.f32 v0, v2;
	_ =	sdelay $0x1  }
0x592: {  	v58 =	vadd.s32 $0x3B10, v18;
	v59 =	vadd.s32 $0x3B10, v19;
	v0 =	vmul.f32 v0, v1  }
0x593: {  	v19 =	vand.u32 $0xFFFF0000, v52;
	v20 =	vand.u32 $0xFFFF0000, v54;
	v26 =	vshll.u32 v52, $0x10  }
0x594: {  	v53 =	vand.u32 $0xFFFF0000, v3;
	v2 =	vmul.f32 v19, v21;
	v25 =	vmul.f32 v20, v16  }
0x595: {  	[tilespmem:s11+$0x310] =	vst v0;
	v27 =	vshll.u32 v54, $0x10;
	v55 =	vand.u32 $0xFFFF0000, v5;
	v11 =	vmul.f32 v53, v7  }
0x596: {  	v57 =	vmul.f32 v55, v8;
	v14 =	vld.idx.msk [tilespmem:v24+s13+$0x0], $0xffff;
	v0 =	vadd.f32 v26, v2;
	v28 =	vadd.f32 v27, v25  }
0x597: {  	v56 =	vshll.u32 v3, $0x10;
	v5 =	vshll.u32 v5, $0x10  }
0x598: {  	v4 =	vld.idx.msk [tilespmem:v58+s2+$0x0], $0xffff;
	v18 =	vadd.f32 v56, v11;
	v3 =	vadd.f32 v5, v57;
	v0 =	vmul.f32 v28, v0  }
0x599: {  	v29 =	vmul.f32 v42, v9;
	v30 =	vmul.f32 v43, v10;
	v31 =	vshll.u32 v46, $0x10;
	v32 =	vld.idx.msk [tilespmem:v59+s13+$0x0], $0xffff  }
0x59a: {  	v33 =	vshll.u32 v51, $0x10;
	v34 =	vand.u32 $0xFFFF0000, v41;
	v1 =	vmul.f32 v3, v18;
	[tilespmem:s11+$0x300] =	vst v0  }
0x59b: {  	v35 =	vadd.f32 v31, v29;
	v37 =	vmul.f32 v34, v63;
	v36 =	vand.u32 $0xFFFF0000, v14;
	v43 =	vld.idx.msk [tilespmem:v48+s2+$0x0], $0xffff  }
0x59c: {  	v39 =	vshll.u32 v41, $0x10;
	v5 =	vadd.f32 v33, v30;
	[tilespmem:s8+$0x300] =	vst v1;
	v46 =	vld.idx.msk [tilespmem:v44+s13+$0x0], $0xffff;
	v2 =	vmul.f32 v36, v62  }
0x59d: {  	v3 =	vadd.f32 v39, v37;
	v42 =	vand.u32 $0xFFFF0000, v4;
	v41 =	vshll.u32 v14, $0x10;
	v38 =	vld.idx.msk [tilespmem:v15+s2+$0x0], $0xffff  }
0x59e: {  	v45 =	vand.u32 $0xFFFF0000, v32;
	v10 =	vmul.f32 v42, v23;
	v40 =	vld.idx.msk [tilespmem:v17+s13+$0x0], $0xffff;
	v0 =	vadd.f32 v41, v2  }
0x59f: {  	v4 =	vshll.u32 v4, $0x10;
	v47 =	vshll.u32 v32, $0x10;
	v2 =	vmul.f32 v45, v22  }
0x5a0: {  	v1 =	vmul.f32 v5, v35;
	v4 =	vadd.f32 v4, v10;
	v0 =	vmul.f32 v0, v3  }
0x5a1: {  	v2 =	vadd.f32 v47, v2;
	v51 =	vand.u32 $0xFFFF0000, v43;
	v52 =	vand.u32 $0xFFFF0000, v46  }
0x5a2: {  	v55 =	vshll.u32 v43, $0x10;
	v56 =	vshll.u32 v46, $0x10;
	v48 =	vand.u32 $0xFFFF0000, v38  }
0x5a3: {  	v49 =	vand.u32 $0xFFFF0000, v40;
	v53 =	vmul.f32 v51, v21;
	v54 =	vmul.f32 v52, v16  }
0x5a4: {  	v6 =	vshll.u32 v38, $0x10;
	v3 =	vmul.f32 v48, v7;
	v5 =	vmul.f32 v49, v8  }
0x5a5: {  	s26 =	sadd.s32 $0x1, s26;
	v50 =	vshll.u32 v40, $0x10;
	v58 =	vadd.f32 v55, v53;
	v59 =	vadd.f32 v56, v54  }
0x5a6: {  	p0 =	sne.s32 s26, $0x200;
	[tilespmem:s8+$0x390] =	vst v1;
	v57 =	vmul.f32 v2, v4;
	v3 =	vadd.f32 v6, v3;
	v5 =	vadd.f32 v50, v5  }
.Ltmp7:
0x5a7: {  	[tilespmem:s29+$0x380] =	vst v0;
	v63 =	vmul.f32 v59, v58;
	(pc) =	sbr.rel @p0 .LBB2_2-.Ltmp7, $4  }
0x5a8: {  	[tilespmem:s11+$0x390] =	vst v57;
	v62 =	vmul.f32 v5, v3  }
0x5a9: {  	s6 =	sadd.s32 s1, s6;
	[tilespmem:s11+$0x380] =	vst v63  }
0x5aa: {  	s6 =	sadd.s32 s28, s6;
	[tilespmem:s8+$0x380] =	vst v62  }
0x5ab: {  	[hbm4b:s6+s31] =	stream.strided.scatter [tilespmem:s16], [sflag:$0x2], $0x800, s0, s31, $0x38;
	[tilespmem:$0xAE00] =	vst v63  }
0x5ac: {  	_ =	swait.ge [sflag:s18], $0x800  }
0x5ad: {  	[sflag:s18] =	ssyncset.done $0x0  }
0x5ae: {  	[sflag:s18] =	ssyncadd.s32 $0xFFFFF800  }
0x5af: {  	_ =	swait.ge [sflag:s20], $0x800  }
0x5b0: {  	s24 =	sadd.s32 $0x1, s24;
	s6 =	rddreg [dreg:$0x5]  }
0x5b1: {  	p0 =	sne.s32 s24, s6  }
.Ltmp8:
0x5b2: {  	_ = 	snop;
	(pc) =	sbr.rel @p0 .LBB2_1-.Ltmp8, $3  }
0x5b3: {  	_ =	sdelay $0x1  }
0x5b4: {  	[sflag:s20] =	ssyncset.done $0x0  }
0x5b5: {  	[sflag:s20] =	ssyncadd.s32 $0xFFFFF800  }
0x5b6: {  	_ =	sfence.sel $0x180000  }
0x5b7: {  	[bflag:$0x0] =	sbarrier.arrive $0xFFFF  }
0x5b8: {  	_ =	strace $0x90000047  }
0x5b9: {  	s0 =	stileid.u32;
	[bflag:$0x2] =	sbarrier.arrive $0xFFFF  }
0x5ba: {  	p0 =	sne.s32 s0, $0x0;
	s0 =	rddreg [dreg:$0x2]  }
0x5bb: {  	s0 =	sadd.s32 @!p0 $0x100000, s0  }
0x5bc: {  	[sflag:s0] =	ssyncadd.tile.s32 @!p0 $0x1;
	_ =	shalt  }
.Lfunc_end2:
_tile_overlayer_lowered:
.L_overlay_start_2:
0x5bd: {  	(tag) =	ssettag $0x2  }
0x5be: {  	s0 =	rddreg [dreg:$0x0];
	s2 =	stileid.u32  }
0x5bf: {  	s1 =	rddreg [dreg:$0x1];
	p0 =	sne.s32 s2, $0x0  }
0x5c0: {  	s3 =	rddreg [dreg:$0x2];
	[bflag:$0x3] =	sbarrier.arrive $0xFFFF;
	s2 =	simm.s32 @!p0 $0x1C04  }
0x5c1: {  	[timem:s3], [sflag:s2] =	dma.local @!p0 [hbm:s0], s1  }
0x5c2: {  	s0 =	simm.s32 @!p0 $0x4  }
0x5c3: {  	_ =	swait.ge @!p0 [sflag:s0], s1  }
0x5c4: {  	s1 =	ssub.s32 @!p0 $0x0, s1;
	[sflag:s0] =	ssyncset.done @!p0 $0x0  }
0x5c5: {  	[sflag:s0] =	ssyncadd.s32 @!p0 s1  }
0x5c6: {  	[bflag:$0x3] =	sbarrier.arrive $0xFFFF  }
0x5c7: {  	_ =	shalt  }

</sc_bundles>
